<compile_context>
chip_gen: v7x
topology: tpu7x:2x2x1
jax: 0.10.2.dev20260603
libtpu: 0.0.44.dev20260713+nightly
codegen_flags: <defaults>
</compile_context>

<pallas_src>
import functools
import random

import numpy as np
import jax
import jax.numpy as jnp
from jax import lax
from jax.experimental import pallas as pl
from jax.experimental.pallas import tpu as pltpu
from jax.experimental.pallas import tpu_sc as plsc


def _perm_indices(size: int) -> np.ndarray:
    h = int(np.sqrt(size))
    pad = h // 7

    def valid(idx):
        i, j = idx // h, idx % h
        return not (j < pad or i >= h - pad or j >= h - pad)

    cands = [idx for idx in range(size) if valid(idx)]
    rng = random.Random(0)
    return np.array(rng.sample(cands, len(cands)), dtype=np.int32)


_NW = 32
_L = 128


def kernel(x):
    B, S, D = x.shape
    perm = _perm_indices(S)
    K = perm.shape[0]
    ST = S // _L

    sts = sorted(set(int(p) // _L for p in perm))
    nst = len(sts)
    assert sts == list(range(sts[0], sts[0] + nst))
    groups = {st: np.flatnonzero(perm // _L == st) for st in sts}
    gsz = len(groups[sts[0]])
    assert all(len(g) == gsz for g in groups.values()) and gsz % 16 == 0
    nvec = gsz // 16
    obr = gsz + 8

    ntasks = nst * D
    assert ntasks % _NW == 0 and B == _L
    tpw = ntasks // _NW
    tpp = (tpw + 3) // 4 * 4

    ktab = np.zeros((nst, _L), dtype=np.int32)
    kmap = np.zeros((nst, _L), dtype=np.int32)
    for si, st in enumerate(sts):
        ks = groups[st]
        ktab[si, :gsz] = ks
        junk = 0
        for c in range(_L):
            hits = np.flatnonzero(perm[ks] % _L == c)
            if hits.size:
                kmap[si, c] = hits[0]
            else:
                kmap[si, c] = gsz + junk % (obr - gsz)
                junk += 1
    ktab_j = jnp.asarray(ktab)
    kmap_j = jnp.asarray(kmap)

    mesh = plsc.VectorSubcoreMesh(core_axis_name="c", subcore_axis_name="s")

    @functools.partial(
        pl.kernel,
        mesh=mesh,
        out_type=jax.ShapeDtypeStruct((K * D, B), jnp.float32),
        scratch_types=[
            pltpu.VMEM((nst, _L), jnp.int32),
            pltpu.VMEM((nst, _L), jnp.int32),
            pltpu.VMEM((2, _L, _L), jnp.float32),
            pltpu.VMEM((2, obr, _L), jnp.float32),
            pltpu.SemaphoreType.DMA,
            pltpu.SemaphoreType.DMA,
        ],
        compiler_params=pltpu.CompilerParams(needs_layout_passes=False),
    )
    def gather_t(x_hbm, ktab_hbm, kmap_hbm, out_hbm,
                 ktab_v, kmap_v, stage, obuf, gsem, ssem):
        w = lax.axis_index("s") * 2 + lax.axis_index("c")
        pltpu.sync_copy(ktab_hbm, ktab_v)
        pltpu.sync_copy(kmap_hbm, kmap_v)

        iota = lax.iota(jnp.int32, 16)
        diag = [(iota + t) % 16 for t in range(16)]
        row_step = D * ST

        def task_params(j):
            j = jnp.where(j >= tpw, j - tpw, j)
            g = w * tpw + j
            return g // D, g % D

        def start_gather(j, bf):
            si, d = task_params(j)
            pltpu.async_copy(
                x_hbm.at[:, d, pl.ds((si + sts[0]) * _L, _L)],
                stage.at[bf], gsem)

        def transpose(j, bf, bf2):
            si, _ = task_params(j)

            def cb_body(cb, carry):
                cols = cb * 16 + iota
                kmv = kmap_v[si, pl.ds(cb * 16, 16)]

                def rb_body(rb, carry2):
                    r0 = rb * 16
                    for t in range(16):
                        rows = r0 + diag[t]
                        v = plsc.load_gather(stage.at[bf], [rows, cols])
                        plsc.store_scatter(obuf.at[bf2], [kmv, rows], v)
                    return carry2

                return lax.fori_loop(0, 8, rb_body, carry)

            lax.fori_loop(0, 8, cb_body, 0)

        def start_scatter(j, bf2):
            si, d = task_params(j)
            for i in range(nvec):
                rows = ktab_v[si, pl.ds(16 * i, 16)] * D + d
                pltpu.async_copy(
                    obuf.at[bf2, pl.ds(16 * i, 16)], out_hbm.at[rows], ssem)

        def wait_gather(bf):
            pltpu.make_async_copy(
                x_hbm.at[:, 0, pl.ds(0, _L)], stage.at[bf], gsem).wait()

        def wait_scatters(bf):
            pltpu.make_async_copy(
                out_hbm.at[pl.ds(0, gsz)],
                obuf.at[bf, pl.ds(0, gsz)], ssem).wait()

        def step(j, m, wait_s):
            wait_gather(m)
            if wait_s:
                wait_scatters(m)
            transpose(j, m, m)
            start_scatter(j, m)
            start_gather(j + 2, m)

        start_gather(0, 0)
        start_gather(1, 1)
        step(0, 0, wait_s=False)
        step(1, 1, wait_s=False)

        def pair_body(p, carry):
            step(2 * p, 0, wait_s=True)
            step(2 * p + 1, 1, wait_s=True)
            return carry

        lax.fori_loop(1, tpw // 2, pair_body, 0)
        wait_gather(0)
        wait_gather(1)
        wait_scatters(0)
        wait_scatters(1)

    xv = jnp.transpose(x, (0, 2, 1))
    o_view = gather_t(xv, ktab_j, kmap_j)
    return o_view.reshape(K, D, B).transpose(2, 0, 1)

# --- scband reference (transcript-rebuilt; emitter-appended) ---
"""Pipeline reference for scband-random-select-66915590471806 (READ-ONLY COPY).

The authoritative reference and input builder live on the scoring server;
editing this copy changes nothing except your own understanding.
"""

import jax, jax.numpy as jnp
import numpy as np
import random


def valid_idx(idx, h):
    i = idx // h
    j = idx % h
    pad = h // 7
    if j < pad or i >= h - pad or j >= h - pad:
        return False
    return True


def setup_inputs(seed: int = 0) -> dict:
    key = jax.random.key(seed)
    x = jax.random.normal(key, (128, 1024, 192), dtype=jnp.float32)
    return {"x": x}


def reference(x):
    # Faithful translation of RandomSelect.forward in eval mode:
    # k = max_k, so all valid candidates are selected (random.sample with
    # k == len(candidates) yields a permutation). We use a fixed-seed
    # permutation for determinism.
    size = x.shape[1]
    h = int(np.sqrt(size))
    candidates = [idx for idx in range(size) if valid_idx(idx, h)]
    rng = random.Random(0)
    candidates = rng.sample(candidates, len(candidates))
    idx = jnp.asarray(np.array(candidates, dtype=np.int32))
    # x[:, candidates] -> gather along token axis
    return jnp.take(x, idx, axis=1)

if __name__ == "__main__":
    import jax
    _d = setup_inputs()
    print(jax.jit(kernel)(*tuple(_d.values())))

</pallas_src>

<mosaic_0001>
#map = affine_map<(d0, d1) -> (0, 0, 0)>
#map1 = affine_map<(d0, d1) -> (0, 0)>
module attributes {stable_mosaic.version = 14 : i64} {
  func.func @gather_t(%arg0: i32, %arg1: i32, %arg2: memref<128x192x1024xf32, #tpu.memory_space<hbm>>, %arg3: memref<7x128xi32, #tpu.memory_space<hbm>>, %arg4: memref<7x128xi32, #tpu.memory_space<hbm>>, %arg5: memref<129024x128xf32, #tpu.memory_space<hbm>>, %arg6: memref<7x128xi32, #tpu.memory_space<vmem>>, %arg7: memref<7x128xi32, #tpu.memory_space<vmem>>, %arg8: memref<2x128x128xf32, #tpu.memory_space<vmem>>, %arg9: memref<2x104x128xf32, #tpu.memory_space<vmem>>, %arg10: memref<!tpu.dma_semaphore, #tpu.memory_space<semaphore_mem>>, %arg11: memref<!tpu.dma_semaphore, #tpu.memory_space<semaphore_mem>>) attributes {dimension_semantics = [#tpu.dimension_semantics<core_parallel>, #tpu.dimension_semantics<subcore_parallel>], iteration_bounds = array<i64: 2, 16>, scalar_prefetch = 0 : i64, scratch_operands = 6 : i64, tpu.core_type = #tpu.core_type<sc_vector_subcore>, window_params = [{transform_indices = #map}, {transform_indices = #map1}, {transform_indices = #map1}, {transform_indices = #map1}]} {
    %mul3A = arith.constant 2 : i32
    %mul3A_0 = arith.muli %arg1, %mul3A : i32
    %add3A = arith.addi %mul3A_0, %arg0 : i32
    "tpu.region"() ({
      %run_scoped3A = tpu.sem_alloc : memref<!tpu.dma_semaphore, #tpu.memory_space<semaphore_mem>>
      tpu.enqueue_dma source(%arg3 : memref<7x128xi32, #tpu.memory_space<hbm>>) target(%arg6 : memref<7x128xi32, #tpu.memory_space<vmem>>) target_semaphore(%run_scoped3A : memref<!tpu.dma_semaphore, #tpu.memory_space<semaphore_mem>>)
      tpu.wait_dma2 semaphore(%run_scoped3A : memref<!tpu.dma_semaphore, #tpu.memory_space<semaphore_mem>>) src(%arg3 : memref<7x128xi32, #tpu.memory_space<hbm>>) dst(%arg6 : memref<7x128xi32, #tpu.memory_space<vmem>>)
      tpu.yield
    }) : () -> ()
    "tpu.region"() ({
      %run_scoped3A = tpu.sem_alloc : memref<!tpu.dma_semaphore, #tpu.memory_space<semaphore_mem>>
      tpu.enqueue_dma source(%arg4 : memref<7x128xi32, #tpu.memory_space<hbm>>) target(%arg7 : memref<7x128xi32, #tpu.memory_space<vmem>>) target_semaphore(%run_scoped3A : memref<!tpu.dma_semaphore, #tpu.memory_space<semaphore_mem>>)
      tpu.wait_dma2 semaphore(%run_scoped3A : memref<!tpu.dma_semaphore, #tpu.memory_space<semaphore_mem>>) src(%arg4 : memref<7x128xi32, #tpu.memory_space<hbm>>) dst(%arg7 : memref<7x128xi32, #tpu.memory_space<vmem>>)
      tpu.yield
    }) : () -> ()
    %iota3A = tpu.iota {dimensions = array<i32: 0>} : vector<16xi32>
    %add3A_1 = arith.constant 0 : i32
    %add3A_2 = vector.broadcast %add3A_1 : i32 to vector<16xi32>
    %add3A_3 = arith.addi %iota3A, %add3A_2 : vector<16xi32>
    %jit3A = arith.constant 16 : i32
    %eq3A = arith.constant 0 : i32
    %eq3A_4 = arith.cmpi eq, %jit3A, %eq3A : i32
    %jit3A_5 = arith.constant 1 : i32
    %select_n3A = arith.select %eq3A_4, %jit3A_5, %jit3A : i32
    %rem3A = vector.broadcast %select_n3A : i32 to vector<16xi32>
    %rem3A_6 = arith.remsi %add3A_3, %rem3A : vector<16xi32>
    %ne3A = arith.constant 0 : i32
    %ne3A_7 = vector.broadcast %ne3A : i32 to vector<16xi32>
    %ne3A_8 = arith.cmpi ne, %rem3A_6, %ne3A_7 : vector<16xi32>
    %lt3A = arith.constant 0 : i32
    %lt3A_9 = vector.broadcast %lt3A : i32 to vector<16xi32>
    %lt3A_10 = arith.cmpi slt, %rem3A_6, %lt3A_9 : vector<16xi32>
    %lt3A_11 = arith.constant 0 : i32
    %lt3A_12 = arith.cmpi slt, %select_n3A, %lt3A_11 : i32
    %ne3A_13 = vector.broadcast %lt3A_12 : i1 to vector<16xi1>
    %ne3A_14 = vector.broadcast %ne3A_13 : vector<16xi1> to vector<16xi1>
    %ne3A_15 = arith.xori %lt3A_10, %ne3A_14 : vector<16xi1>
    %and3A = arith.andi %ne3A_15, %ne3A_8 : vector<16xi1>
    %add3A_16 = vector.broadcast %select_n3A : i32 to vector<16xi32>
    %add3A_17 = arith.addi %rem3A_6, %add3A_16 : vector<16xi32>
    %select_n3A_18 = arith.select %and3A, %add3A_17, %rem3A_6 : vector<16xi1>, vector<16xi32>
    %add3A_19 = arith.constant 1 : i32
    %add3A_20 = vector.broadcast %add3A_19 : i32 to vector<16xi32>
    %add3A_21 = arith.addi %iota3A, %add3A_20 : vector<16xi32>
    %jit3A_22 = arith.constant 16 : i32
    %eq3A_23 = arith.constant 0 : i32
    %eq3A_24 = arith.cmpi eq, %jit3A_22, %eq3A_23 : i32
    %jit3A_25 = arith.constant 1 : i32
    %select_n3A_26 = arith.select %eq3A_24, %jit3A_25, %jit3A_22 : i32
    %rem3A_27 = vector.broadcast %select_n3A_26 : i32 to vector<16xi32>
    %rem3A_28 = arith.remsi %add3A_21, %rem3A_27 : vector<16xi32>
    %ne3A_29 = arith.constant 0 : i32
    %ne3A_30 = vector.broadcast %ne3A_29 : i32 to vector<16xi32>
    %ne3A_31 = arith.cmpi ne, %rem3A_28, %ne3A_30 : vector<16xi32>
    %lt3A_32 = arith.constant 0 : i32
    %lt3A_33 = vector.broadcast %lt3A_32 : i32 to vector<16xi32>
    %lt3A_34 = arith.cmpi slt, %rem3A_28, %lt3A_33 : vector<16xi32>
    %lt3A_35 = arith.constant 0 : i32
    %lt3A_36 = arith.cmpi slt, %select_n3A_26, %lt3A_35 : i32
    %ne3A_37 = vector.broadcast %lt3A_36 : i1 to vector<16xi1>
    %ne3A_38 = vector.broadcast %ne3A_37 : vector<16xi1> to vector<16xi1>
    %ne3A_39 = arith.xori %lt3A_34, %ne3A_38 : vector<16xi1>
    %and3A_40 = arith.andi %ne3A_39, %ne3A_31 : vector<16xi1>
    %add3A_41 = vector.broadcast %select_n3A_26 : i32 to vector<16xi32>
    %add3A_42 = arith.addi %rem3A_28, %add3A_41 : vector<16xi32>
    %select_n3A_43 = arith.select %and3A_40, %add3A_42, %rem3A_28 : vector<16xi1>, vector<16xi32>
    %add3A_44 = arith.constant 2 : i32
    %add3A_45 = vector.broadcast %add3A_44 : i32 to vector<16xi32>
    %add3A_46 = arith.addi %iota3A, %add3A_45 : vector<16xi32>
    %jit3A_47 = arith.constant 16 : i32
    %eq3A_48 = arith.constant 0 : i32
    %eq3A_49 = arith.cmpi eq, %jit3A_47, %eq3A_48 : i32
    %jit3A_50 = arith.constant 1 : i32
    %select_n3A_51 = arith.select %eq3A_49, %jit3A_50, %jit3A_47 : i32
    %rem3A_52 = vector.broadcast %select_n3A_51 : i32 to vector<16xi32>
    %rem3A_53 = arith.remsi %add3A_46, %rem3A_52 : vector<16xi32>
    %ne3A_54 = arith.constant 0 : i32
    %ne3A_55 = vector.broadcast %ne3A_54 : i32 to vector<16xi32>
    %ne3A_56 = arith.cmpi ne, %rem3A_53, %ne3A_55 : vector<16xi32>
    %lt3A_57 = arith.constant 0 : i32
    %lt3A_58 = vector.broadcast %lt3A_57 : i32 to vector<16xi32>
    %lt3A_59 = arith.cmpi slt, %rem3A_53, %lt3A_58 : vector<16xi32>
    %lt3A_60 = arith.constant 0 : i32
    %lt3A_61 = arith.cmpi slt, %select_n3A_51, %lt3A_60 : i32
    %ne3A_62 = vector.broadcast %lt3A_61 : i1 to vector<16xi1>
    %ne3A_63 = vector.broadcast %ne3A_62 : vector<16xi1> to vector<16xi1>
    %ne3A_64 = arith.xori %lt3A_59, %ne3A_63 : vector<16xi1>
    %and3A_65 = arith.andi %ne3A_64, %ne3A_56 : vector<16xi1>
    %add3A_66 = vector.broadcast %select_n3A_51 : i32 to vector<16xi32>
    %add3A_67 = arith.addi %rem3A_53, %add3A_66 : vector<16xi32>
    %select_n3A_68 = arith.select %and3A_65, %add3A_67, %rem3A_53 : vector<16xi1>, vector<16xi32>
    %add3A_69 = arith.constant 3 : i32
    %add3A_70 = vector.broadcast %add3A_69 : i32 to vector<16xi32>
    %add3A_71 = arith.addi %iota3A, %add3A_70 : vector<16xi32>
    %jit3A_72 = arith.constant 16 : i32
    %eq3A_73 = arith.constant 0 : i32
    %eq3A_74 = arith.cmpi eq, %jit3A_72, %eq3A_73 : i32
    %jit3A_75 = arith.constant 1 : i32
    %select_n3A_76 = arith.select %eq3A_74, %jit3A_75, %jit3A_72 : i32
    %rem3A_77 = vector.broadcast %select_n3A_76 : i32 to vector<16xi32>
    %rem3A_78 = arith.remsi %add3A_71, %rem3A_77 : vector<16xi32>
    %ne3A_79 = arith.constant 0 : i32
    %ne3A_80 = vector.broadcast %ne3A_79 : i32 to vector<16xi32>
    %ne3A_81 = arith.cmpi ne, %rem3A_78, %ne3A_80 : vector<16xi32>
    %lt3A_82 = arith.constant 0 : i32
    %lt3A_83 = vector.broadcast %lt3A_82 : i32 to vector<16xi32>
    %lt3A_84 = arith.cmpi slt, %rem3A_78, %lt3A_83 : vector<16xi32>
    %lt3A_85 = arith.constant 0 : i32
    %lt3A_86 = arith.cmpi slt, %select_n3A_76, %lt3A_85 : i32
    %ne3A_87 = vector.broadcast %lt3A_86 : i1 to vector<16xi1>
    %ne3A_88 = vector.broadcast %ne3A_87 : vector<16xi1> to vector<16xi1>
    %ne3A_89 = arith.xori %lt3A_84, %ne3A_88 : vector<16xi1>
    %and3A_90 = arith.andi %ne3A_89, %ne3A_81 : vector<16xi1>
    %add3A_91 = vector.broadcast %select_n3A_76 : i32 to vector<16xi32>
    %add3A_92 = arith.addi %rem3A_78, %add3A_91 : vector<16xi32>
    %select_n3A_93 = arith.select %and3A_90, %add3A_92, %rem3A_78 : vector<16xi1>, vector<16xi32>
    %add3A_94 = arith.constant 4 : i32
    %add3A_95 = vector.broadcast %add3A_94 : i32 to vector<16xi32>
    %add3A_96 = arith.addi %iota3A, %add3A_95 : vector<16xi32>
    %jit3A_97 = arith.constant 16 : i32
    %eq3A_98 = arith.constant 0 : i32
    %eq3A_99 = arith.cmpi eq, %jit3A_97, %eq3A_98 : i32
    %jit3A_100 = arith.constant 1 : i32
    %select_n3A_101 = arith.select %eq3A_99, %jit3A_100, %jit3A_97 : i32
    %rem3A_102 = vector.broadcast %select_n3A_101 : i32 to vector<16xi32>
    %rem3A_103 = arith.remsi %add3A_96, %rem3A_102 : vector<16xi32>
    %ne3A_104 = arith.constant 0 : i32
    %ne3A_105 = vector.broadcast %ne3A_104 : i32 to vector<16xi32>
    %ne3A_106 = arith.cmpi ne, %rem3A_103, %ne3A_105 : vector<16xi32>
    %lt3A_107 = arith.constant 0 : i32
    %lt3A_108 = vector.broadcast %lt3A_107 : i32 to vector<16xi32>
    %lt3A_109 = arith.cmpi slt, %rem3A_103, %lt3A_108 : vector<16xi32>
    %lt3A_110 = arith.constant 0 : i32
    %lt3A_111 = arith.cmpi slt, %select_n3A_101, %lt3A_110 : i32
    %ne3A_112 = vector.broadcast %lt3A_111 : i1 to vector<16xi1>
    %ne3A_113 = vector.broadcast %ne3A_112 : vector<16xi1> to vector<16xi1>
    %ne3A_114 = arith.xori %lt3A_109, %ne3A_113 : vector<16xi1>
    %and3A_115 = arith.andi %ne3A_114, %ne3A_106 : vector<16xi1>
    %add3A_116 = vector.broadcast %select_n3A_101 : i32 to vector<16xi32>
    %add3A_117 = arith.addi %rem3A_103, %add3A_116 : vector<16xi32>
    %select_n3A_118 = arith.select %and3A_115, %add3A_117, %rem3A_103 : vector<16xi1>, vector<16xi32>
    %add3A_119 = arith.constant 5 : i32
    %add3A_120 = vector.broadcast %add3A_119 : i32 to vector<16xi32>
    %add3A_121 = arith.addi %iota3A, %add3A_120 : vector<16xi32>
    %jit3A_122 = arith.constant 16 : i32
    %eq3A_123 = arith.constant 0 : i32
    %eq3A_124 = arith.cmpi eq, %jit3A_122, %eq3A_123 : i32
    %jit3A_125 = arith.constant 1 : i32
    %select_n3A_126 = arith.select %eq3A_124, %jit3A_125, %jit3A_122 : i32
    %rem3A_127 = vector.broadcast %select_n3A_126 : i32 to vector<16xi32>
    %rem3A_128 = arith.remsi %add3A_121, %rem3A_127 : vector<16xi32>
    %ne3A_129 = arith.constant 0 : i32
    %ne3A_130 = vector.broadcast %ne3A_129 : i32 to vector<16xi32>
    %ne3A_131 = arith.cmpi ne, %rem3A_128, %ne3A_130 : vector<16xi32>
    %lt3A_132 = arith.constant 0 : i32
    %lt3A_133 = vector.broadcast %lt3A_132 : i32 to vector<16xi32>
    %lt3A_134 = arith.cmpi slt, %rem3A_128, %lt3A_133 : vector<16xi32>
    %lt3A_135 = arith.constant 0 : i32
    %lt3A_136 = arith.cmpi slt, %select_n3A_126, %lt3A_135 : i32
    %ne3A_137 = vector.broadcast %lt3A_136 : i1 to vector<16xi1>
    %ne3A_138 = vector.broadcast %ne3A_137 : vector<16xi1> to vector<16xi1>
    %ne3A_139 = arith.xori %lt3A_134, %ne3A_138 : vector<16xi1>
    %and3A_140 = arith.andi %ne3A_139, %ne3A_131 : vector<16xi1>
    %add3A_141 = vector.broadcast %select_n3A_126 : i32 to vector<16xi32>
    %add3A_142 = arith.addi %rem3A_128, %add3A_141 : vector<16xi32>
    %select_n3A_143 = arith.select %and3A_140, %add3A_142, %rem3A_128 : vector<16xi1>, vector<16xi32>
    %add3A_144 = arith.constant 6 : i32
    %add3A_145 = vector.broadcast %add3A_144 : i32 to vector<16xi32>
    %add3A_146 = arith.addi %iota3A, %add3A_145 : vector<16xi32>
    %jit3A_147 = arith.constant 16 : i32
    %eq3A_148 = arith.constant 0 : i32
    %eq3A_149 = arith.cmpi eq, %jit3A_147, %eq3A_148 : i32
    %jit3A_150 = arith.constant 1 : i32
    %select_n3A_151 = arith.select %eq3A_149, %jit3A_150, %jit3A_147 : i32
    %rem3A_152 = vector.broadcast %select_n3A_151 : i32 to vector<16xi32>
    %rem3A_153 = arith.remsi %add3A_146, %rem3A_152 : vector<16xi32>
    %ne3A_154 = arith.constant 0 : i32
    %ne3A_155 = vector.broadcast %ne3A_154 : i32 to vector<16xi32>
    %ne3A_156 = arith.cmpi ne, %rem3A_153, %ne3A_155 : vector<16xi32>
    %lt3A_157 = arith.constant 0 : i32
    %lt3A_158 = vector.broadcast %lt3A_157 : i32 to vector<16xi32>
    %lt3A_159 = arith.cmpi slt, %rem3A_153, %lt3A_158 : vector<16xi32>
    %lt3A_160 = arith.constant 0 : i32
    %lt3A_161 = arith.cmpi slt, %select_n3A_151, %lt3A_160 : i32
    %ne3A_162 = vector.broadcast %lt3A_161 : i1 to vector<16xi1>
    %ne3A_163 = vector.broadcast %ne3A_162 : vector<16xi1> to vector<16xi1>
    %ne3A_164 = arith.xori %lt3A_159, %ne3A_163 : vector<16xi1>
    %and3A_165 = arith.andi %ne3A_164, %ne3A_156 : vector<16xi1>
    %add3A_166 = vector.broadcast %select_n3A_151 : i32 to vector<16xi32>
    %add3A_167 = arith.addi %rem3A_153, %add3A_166 : vector<16xi32>
    %select_n3A_168 = arith.select %and3A_165, %add3A_167, %rem3A_153 : vector<16xi1>, vector<16xi32>
    %add3A_169 = arith.constant 7 : i32
    %add3A_170 = vector.broadcast %add3A_169 : i32 to vector<16xi32>
    %add3A_171 = arith.addi %iota3A, %add3A_170 : vector<16xi32>
    %jit3A_172 = arith.constant 16 : i32
    %eq3A_173 = arith.constant 0 : i32
    %eq3A_174 = arith.cmpi eq, %jit3A_172, %eq3A_173 : i32
    %jit3A_175 = arith.constant 1 : i32
    %select_n3A_176 = arith.select %eq3A_174, %jit3A_175, %jit3A_172 : i32
    %rem3A_177 = vector.broadcast %select_n3A_176 : i32 to vector<16xi32>
    %rem3A_178 = arith.remsi %add3A_171, %rem3A_177 : vector<16xi32>
    %ne3A_179 = arith.constant 0 : i32
    %ne3A_180 = vector.broadcast %ne3A_179 : i32 to vector<16xi32>
    %ne3A_181 = arith.cmpi ne, %rem3A_178, %ne3A_180 : vector<16xi32>
    %lt3A_182 = arith.constant 0 : i32
    %lt3A_183 = vector.broadcast %lt3A_182 : i32 to vector<16xi32>
    %lt3A_184 = arith.cmpi slt, %rem3A_178, %lt3A_183 : vector<16xi32>
    %lt3A_185 = arith.constant 0 : i32
    %lt3A_186 = arith.cmpi slt, %select_n3A_176, %lt3A_185 : i32
    %ne3A_187 = vector.broadcast %lt3A_186 : i1 to vector<16xi1>
    %ne3A_188 = vector.broadcast %ne3A_187 : vector<16xi1> to vector<16xi1>
    %ne3A_189 = arith.xori %lt3A_184, %ne3A_188 : vector<16xi1>
    %and3A_190 = arith.andi %ne3A_189, %ne3A_181 : vector<16xi1>
    %add3A_191 = vector.broadcast %select_n3A_176 : i32 to vector<16xi32>
    %add3A_192 = arith.addi %rem3A_178, %add3A_191 : vector<16xi32>
    %select_n3A_193 = arith.select %and3A_190, %add3A_192, %rem3A_178 : vector<16xi1>, vector<16xi32>
    %add3A_194 = arith.constant 8 : i32
    %add3A_195 = vector.broadcast %add3A_194 : i32 to vector<16xi32>
    %add3A_196 = arith.addi %iota3A, %add3A_195 : vector<16xi32>
    %jit3A_197 = arith.constant 16 : i32
    %eq3A_198 = arith.constant 0 : i32
    %eq3A_199 = arith.cmpi eq, %jit3A_197, %eq3A_198 : i32
    %jit3A_200 = arith.constant 1 : i32
    %select_n3A_201 = arith.select %eq3A_199, %jit3A_200, %jit3A_197 : i32
    %rem3A_202 = vector.broadcast %select_n3A_201 : i32 to vector<16xi32>
    %rem3A_203 = arith.remsi %add3A_196, %rem3A_202 : vector<16xi32>
    %ne3A_204 = arith.constant 0 : i32
    %ne3A_205 = vector.broadcast %ne3A_204 : i32 to vector<16xi32>
    %ne3A_206 = arith.cmpi ne, %rem3A_203, %ne3A_205 : vector<16xi32>
    %lt3A_207 = arith.constant 0 : i32
    %lt3A_208 = vector.broadcast %lt3A_207 : i32 to vector<16xi32>
    %lt3A_209 = arith.cmpi slt, %rem3A_203, %lt3A_208 : vector<16xi32>
    %lt3A_210 = arith.constant 0 : i32
    %lt3A_211 = arith.cmpi slt, %select_n3A_201, %lt3A_210 : i32
    %ne3A_212 = vector.broadcast %lt3A_211 : i1 to vector<16xi1>
    %ne3A_213 = vector.broadcast %ne3A_212 : vector<16xi1> to vector<16xi1>
    %ne3A_214 = arith.xori %lt3A_209, %ne3A_213 : vector<16xi1>
    %and3A_215 = arith.andi %ne3A_214, %ne3A_206 : vector<16xi1>
    %add3A_216 = vector.broadcast %select_n3A_201 : i32 to vector<16xi32>
    %add3A_217 = arith.addi %rem3A_203, %add3A_216 : vector<16xi32>
    %select_n3A_218 = arith.select %and3A_215, %add3A_217, %rem3A_203 : vector<16xi1>, vector<16xi32>
    %add3A_219 = arith.constant 9 : i32
    %add3A_220 = vector.broadcast %add3A_219 : i32 to vector<16xi32>
    %add3A_221 = arith.addi %iota3A, %add3A_220 : vector<16xi32>
    %jit3A_222 = arith.constant 16 : i32
    %eq3A_223 = arith.constant 0 : i32
    %eq3A_224 = arith.cmpi eq, %jit3A_222, %eq3A_223 : i32
    %jit3A_225 = arith.constant 1 : i32
    %select_n3A_226 = arith.select %eq3A_224, %jit3A_225, %jit3A_222 : i32
    %rem3A_227 = vector.broadcast %select_n3A_226 : i32 to vector<16xi32>
    %rem3A_228 = arith.remsi %add3A_221, %rem3A_227 : vector<16xi32>
    %ne3A_229 = arith.constant 0 : i32
    %ne3A_230 = vector.broadcast %ne3A_229 : i32 to vector<16xi32>
    %ne3A_231 = arith.cmpi ne, %rem3A_228, %ne3A_230 : vector<16xi32>
    %lt3A_232 = arith.constant 0 : i32
    %lt3A_233 = vector.broadcast %lt3A_232 : i32 to vector<16xi32>
    %lt3A_234 = arith.cmpi slt, %rem3A_228, %lt3A_233 : vector<16xi32>
    %lt3A_235 = arith.constant 0 : i32
    %lt3A_236 = arith.cmpi slt, %select_n3A_226, %lt3A_235 : i32
    %ne3A_237 = vector.broadcast %lt3A_236 : i1 to vector<16xi1>
    %ne3A_238 = vector.broadcast %ne3A_237 : vector<16xi1> to vector<16xi1>
    %ne3A_239 = arith.xori %lt3A_234, %ne3A_238 : vector<16xi1>
    %and3A_240 = arith.andi %ne3A_239, %ne3A_231 : vector<16xi1>
    %add3A_241 = vector.broadcast %select_n3A_226 : i32 to vector<16xi32>
    %add3A_242 = arith.addi %rem3A_228, %add3A_241 : vector<16xi32>
    %select_n3A_243 = arith.select %and3A_240, %add3A_242, %rem3A_228 : vector<16xi1>, vector<16xi32>
    %add3A_244 = arith.constant 10 : i32
    %add3A_245 = vector.broadcast %add3A_244 : i32 to vector<16xi32>
    %add3A_246 = arith.addi %iota3A, %add3A_245 : vector<16xi32>
    %jit3A_247 = arith.constant 16 : i32
    %eq3A_248 = arith.constant 0 : i32
    %eq3A_249 = arith.cmpi eq, %jit3A_247, %eq3A_248 : i32
    %jit3A_250 = arith.constant 1 : i32
    %select_n3A_251 = arith.select %eq3A_249, %jit3A_250, %jit3A_247 : i32
    %rem3A_252 = vector.broadcast %select_n3A_251 : i32 to vector<16xi32>
    %rem3A_253 = arith.remsi %add3A_246, %rem3A_252 : vector<16xi32>
    %ne3A_254 = arith.constant 0 : i32
    %ne3A_255 = vector.broadcast %ne3A_254 : i32 to vector<16xi32>
    %ne3A_256 = arith.cmpi ne, %rem3A_253, %ne3A_255 : vector<16xi32>
    %lt3A_257 = arith.constant 0 : i32
    %lt3A_258 = vector.broadcast %lt3A_257 : i32 to vector<16xi32>
    %lt3A_259 = arith.cmpi slt, %rem3A_253, %lt3A_258 : vector<16xi32>
    %lt3A_260 = arith.constant 0 : i32
    %lt3A_261 = arith.cmpi slt, %select_n3A_251, %lt3A_260 : i32
    %ne3A_262 = vector.broadcast %lt3A_261 : i1 to vector<16xi1>
    %ne3A_263 = vector.broadcast %ne3A_262 : vector<16xi1> to vector<16xi1>
    %ne3A_264 = arith.xori %lt3A_259, %ne3A_263 : vector<16xi1>
    %and3A_265 = arith.andi %ne3A_264, %ne3A_256 : vector<16xi1>
    %add3A_266 = vector.broadcast %select_n3A_251 : i32 to vector<16xi32>
    %add3A_267 = arith.addi %rem3A_253, %add3A_266 : vector<16xi32>
    %select_n3A_268 = arith.select %and3A_265, %add3A_267, %rem3A_253 : vector<16xi1>, vector<16xi32>
    %add3A_269 = arith.constant 11 : i32
    %add3A_270 = vector.broadcast %add3A_269 : i32 to vector<16xi32>
    %add3A_271 = arith.addi %iota3A, %add3A_270 : vector<16xi32>
    %jit3A_272 = arith.constant 16 : i32
    %eq3A_273 = arith.constant 0 : i32
    %eq3A_274 = arith.cmpi eq, %jit3A_272, %eq3A_273 : i32
    %jit3A_275 = arith.constant 1 : i32
    %select_n3A_276 = arith.select %eq3A_274, %jit3A_275, %jit3A_272 : i32
    %rem3A_277 = vector.broadcast %select_n3A_276 : i32 to vector<16xi32>
    %rem3A_278 = arith.remsi %add3A_271, %rem3A_277 : vector<16xi32>
    %ne3A_279 = arith.constant 0 : i32
    %ne3A_280 = vector.broadcast %ne3A_279 : i32 to vector<16xi32>
    %ne3A_281 = arith.cmpi ne, %rem3A_278, %ne3A_280 : vector<16xi32>
    %lt3A_282 = arith.constant 0 : i32
    %lt3A_283 = vector.broadcast %lt3A_282 : i32 to vector<16xi32>
    %lt3A_284 = arith.cmpi slt, %rem3A_278, %lt3A_283 : vector<16xi32>
    %lt3A_285 = arith.constant 0 : i32
    %lt3A_286 = arith.cmpi slt, %select_n3A_276, %lt3A_285 : i32
    %ne3A_287 = vector.broadcast %lt3A_286 : i1 to vector<16xi1>
    %ne3A_288 = vector.broadcast %ne3A_287 : vector<16xi1> to vector<16xi1>
    %ne3A_289 = arith.xori %lt3A_284, %ne3A_288 : vector<16xi1>
    %and3A_290 = arith.andi %ne3A_289, %ne3A_281 : vector<16xi1>
    %add3A_291 = vector.broadcast %select_n3A_276 : i32 to vector<16xi32>
    %add3A_292 = arith.addi %rem3A_278, %add3A_291 : vector<16xi32>
    %select_n3A_293 = arith.select %and3A_290, %add3A_292, %rem3A_278 : vector<16xi1>, vector<16xi32>
    %add3A_294 = arith.constant 12 : i32
    %add3A_295 = vector.broadcast %add3A_294 : i32 to vector<16xi32>
    %add3A_296 = arith.addi %iota3A, %add3A_295 : vector<16xi32>
    %jit3A_297 = arith.constant 16 : i32
    %eq3A_298 = arith.constant 0 : i32
    %eq3A_299 = arith.cmpi eq, %jit3A_297, %eq3A_298 : i32
    %jit3A_300 = arith.constant 1 : i32
    %select_n3A_301 = arith.select %eq3A_299, %jit3A_300, %jit3A_297 : i32
    %rem3A_302 = vector.broadcast %select_n3A_301 : i32 to vector<16xi32>
    %rem3A_303 = arith.remsi %add3A_296, %rem3A_302 : vector<16xi32>
    %ne3A_304 = arith.constant 0 : i32
    %ne3A_305 = vector.broadcast %ne3A_304 : i32 to vector<16xi32>
    %ne3A_306 = arith.cmpi ne, %rem3A_303, %ne3A_305 : vector<16xi32>
    %lt3A_307 = arith.constant 0 : i32
    %lt3A_308 = vector.broadcast %lt3A_307 : i32 to vector<16xi32>
    %lt3A_309 = arith.cmpi slt, %rem3A_303, %lt3A_308 : vector<16xi32>
    %lt3A_310 = arith.constant 0 : i32
    %lt3A_311 = arith.cmpi slt, %select_n3A_301, %lt3A_310 : i32
    %ne3A_312 = vector.broadcast %lt3A_311 : i1 to vector<16xi1>
    %ne3A_313 = vector.broadcast %ne3A_312 : vector<16xi1> to vector<16xi1>
    %ne3A_314 = arith.xori %lt3A_309, %ne3A_313 : vector<16xi1>
    %and3A_315 = arith.andi %ne3A_314, %ne3A_306 : vector<16xi1>
    %add3A_316 = vector.broadcast %select_n3A_301 : i32 to vector<16xi32>
    %add3A_317 = arith.addi %rem3A_303, %add3A_316 : vector<16xi32>
    %select_n3A_318 = arith.select %and3A_315, %add3A_317, %rem3A_303 : vector<16xi1>, vector<16xi32>
    %add3A_319 = arith.constant 13 : i32
    %add3A_320 = vector.broadcast %add3A_319 : i32 to vector<16xi32>
    %add3A_321 = arith.addi %iota3A, %add3A_320 : vector<16xi32>
    %jit3A_322 = arith.constant 16 : i32
    %eq3A_323 = arith.constant 0 : i32
    %eq3A_324 = arith.cmpi eq, %jit3A_322, %eq3A_323 : i32
    %jit3A_325 = arith.constant 1 : i32
    %select_n3A_326 = arith.select %eq3A_324, %jit3A_325, %jit3A_322 : i32
    %rem3A_327 = vector.broadcast %select_n3A_326 : i32 to vector<16xi32>
    %rem3A_328 = arith.remsi %add3A_321, %rem3A_327 : vector<16xi32>
    %ne3A_329 = arith.constant 0 : i32
    %ne3A_330 = vector.broadcast %ne3A_329 : i32 to vector<16xi32>
    %ne3A_331 = arith.cmpi ne, %rem3A_328, %ne3A_330 : vector<16xi32>
    %lt3A_332 = arith.constant 0 : i32
    %lt3A_333 = vector.broadcast %lt3A_332 : i32 to vector<16xi32>
    %lt3A_334 = arith.cmpi slt, %rem3A_328, %lt3A_333 : vector<16xi32>
    %lt3A_335 = arith.constant 0 : i32
    %lt3A_336 = arith.cmpi slt, %select_n3A_326, %lt3A_335 : i32
    %ne3A_337 = vector.broadcast %lt3A_336 : i1 to vector<16xi1>
    %ne3A_338 = vector.broadcast %ne3A_337 : vector<16xi1> to vector<16xi1>
    %ne3A_339 = arith.xori %lt3A_334, %ne3A_338 : vector<16xi1>
    %and3A_340 = arith.andi %ne3A_339, %ne3A_331 : vector<16xi1>
    %add3A_341 = vector.broadcast %select_n3A_326 : i32 to vector<16xi32>
    %add3A_342 = arith.addi %rem3A_328, %add3A_341 : vector<16xi32>
    %select_n3A_343 = arith.select %and3A_340, %add3A_342, %rem3A_328 : vector<16xi1>, vector<16xi32>
    %add3A_344 = arith.constant 14 : i32
    %add3A_345 = vector.broadcast %add3A_344 : i32 to vector<16xi32>
    %add3A_346 = arith.addi %iota3A, %add3A_345 : vector<16xi32>
    %jit3A_347 = arith.constant 16 : i32
    %eq3A_348 = arith.constant 0 : i32
    %eq3A_349 = arith.cmpi eq, %jit3A_347, %eq3A_348 : i32
    %jit3A_350 = arith.constant 1 : i32
    %select_n3A_351 = arith.select %eq3A_349, %jit3A_350, %jit3A_347 : i32
    %rem3A_352 = vector.broadcast %select_n3A_351 : i32 to vector<16xi32>
    %rem3A_353 = arith.remsi %add3A_346, %rem3A_352 : vector<16xi32>
    %ne3A_354 = arith.constant 0 : i32
    %ne3A_355 = vector.broadcast %ne3A_354 : i32 to vector<16xi32>
    %ne3A_356 = arith.cmpi ne, %rem3A_353, %ne3A_355 : vector<16xi32>
    %lt3A_357 = arith.constant 0 : i32
    %lt3A_358 = vector.broadcast %lt3A_357 : i32 to vector<16xi32>
    %lt3A_359 = arith.cmpi slt, %rem3A_353, %lt3A_358 : vector<16xi32>
    %lt3A_360 = arith.constant 0 : i32
    %lt3A_361 = arith.cmpi slt, %select_n3A_351, %lt3A_360 : i32
    %ne3A_362 = vector.broadcast %lt3A_361 : i1 to vector<16xi1>
    %ne3A_363 = vector.broadcast %ne3A_362 : vector<16xi1> to vector<16xi1>
    %ne3A_364 = arith.xori %lt3A_359, %ne3A_363 : vector<16xi1>
    %and3A_365 = arith.andi %ne3A_364, %ne3A_356 : vector<16xi1>
    %add3A_366 = vector.broadcast %select_n3A_351 : i32 to vector<16xi32>
    %add3A_367 = arith.addi %rem3A_353, %add3A_366 : vector<16xi32>
    %select_n3A_368 = arith.select %and3A_365, %add3A_367, %rem3A_353 : vector<16xi1>, vector<16xi32>
    %add3A_369 = arith.constant 15 : i32
    %add3A_370 = vector.broadcast %add3A_369 : i32 to vector<16xi32>
    %add3A_371 = arith.addi %iota3A, %add3A_370 : vector<16xi32>
    %jit3A_372 = arith.constant 16 : i32
    %eq3A_373 = arith.constant 0 : i32
    %eq3A_374 = arith.cmpi eq, %jit3A_372, %eq3A_373 : i32
    %jit3A_375 = arith.constant 1 : i32
    %select_n3A_376 = arith.select %eq3A_374, %jit3A_375, %jit3A_372 : i32
    %rem3A_377 = vector.broadcast %select_n3A_376 : i32 to vector<16xi32>
    %rem3A_378 = arith.remsi %add3A_371, %rem3A_377 : vector<16xi32>
    %ne3A_379 = arith.constant 0 : i32
    %ne3A_380 = vector.broadcast %ne3A_379 : i32 to vector<16xi32>
    %ne3A_381 = arith.cmpi ne, %rem3A_378, %ne3A_380 : vector<16xi32>
    %lt3A_382 = arith.constant 0 : i32
    %lt3A_383 = vector.broadcast %lt3A_382 : i32 to vector<16xi32>
    %lt3A_384 = arith.cmpi slt, %rem3A_378, %lt3A_383 : vector<16xi32>
    %lt3A_385 = arith.constant 0 : i32
    %lt3A_386 = arith.cmpi slt, %select_n3A_376, %lt3A_385 : i32
    %ne3A_387 = vector.broadcast %lt3A_386 : i1 to vector<16xi1>
    %ne3A_388 = vector.broadcast %ne3A_387 : vector<16xi1> to vector<16xi1>
    %ne3A_389 = arith.xori %lt3A_384, %ne3A_388 : vector<16xi1>
    %and3A_390 = arith.andi %ne3A_389, %ne3A_381 : vector<16xi1>
    %add3A_391 = vector.broadcast %select_n3A_376 : i32 to vector<16xi32>
    %add3A_392 = arith.addi %rem3A_378, %add3A_391 : vector<16xi32>
    %select_n3A_393 = arith.select %and3A_390, %add3A_392, %rem3A_378 : vector<16xi1>, vector<16xi32>
    %jit3A_394 = arith.constant false
    %jit3A_395 = arith.constant -42 : i32
    %jit3A_396 = arith.constant 0 : i32
    %select_n3A_397 = arith.select %jit3A_394, %jit3A_395, %jit3A_396 : i32
    %mul3A_398 = arith.constant 42 : i32
    %mul3A_399 = arith.muli %add3A, %mul3A_398 : i32
    %add3A_400 = arith.addi %mul3A_399, %select_n3A_397 : i32
    %jit3A_401 = arith.constant 192 : i32
    %div3A = arith.divsi %add3A_400, %jit3A_401 : i32
    %sign3A = arith.constant 0 : i32
    %sign3A_402 = arith.cmpi sgt, %add3A_400, %sign3A : i32
    %sign3A_403 = arith.extui %sign3A_402 : i1 to i32
    %sign3A_404 = arith.constant 0 : i32
    %sign3A_405 = arith.cmpi slt, %add3A_400, %sign3A_404 : i32
    %sign3A_406 = arith.extui %sign3A_405 : i1 to i32
    %sign3A_407 = arith.subi %sign3A_403, %sign3A_406 : i32
    %sign3A_408 = arith.constant 0 : i32
    %sign3A_409 = arith.cmpi sgt, %jit3A_401, %sign3A_408 : i32
    %sign3A_410 = arith.extui %sign3A_409 : i1 to i32
    %sign3A_411 = arith.constant 0 : i32
    %sign3A_412 = arith.cmpi slt, %jit3A_401, %sign3A_411 : i32
    %sign3A_413 = arith.extui %sign3A_412 : i1 to i32
    %sign3A_414 = arith.subi %sign3A_410, %sign3A_413 : i32
    %ne3A_415 = arith.cmpi ne, %sign3A_407, %sign3A_414 : i32
    %rem3A_416 = arith.remsi %add3A_400, %jit3A_401 : i32
    %ne3A_417 = arith.constant 0 : i32
    %ne3A_418 = arith.cmpi ne, %rem3A_416, %ne3A_417 : i32
    %and3A_419 = arith.andi %ne3A_415, %ne3A_418 : i1
    %sub3A = arith.constant 1 : i32
    %sub3A_420 = arith.subi %div3A, %sub3A : i32
    %select_n3A_421 = arith.select %and3A_419, %sub3A_420, %div3A : i32
    %jit3A_422 = arith.constant 192 : i32
    %eq3A_423 = arith.constant 0 : i32
    %eq3A_424 = arith.cmpi eq, %jit3A_422, %eq3A_423 : i32
    %jit3A_425 = arith.constant 1 : i32
    %select_n3A_426 = arith.select %eq3A_424, %jit3A_425, %jit3A_422 : i32
    %rem3A_427 = arith.remsi %add3A_400, %select_n3A_426 : i32
    %ne3A_428 = arith.constant 0 : i32
    %ne3A_429 = arith.cmpi ne, %rem3A_427, %ne3A_428 : i32
    %lt3A_430 = arith.constant 0 : i32
    %lt3A_431 = arith.cmpi slt, %rem3A_427, %lt3A_430 : i32
    %lt3A_432 = arith.constant 0 : i32
    %lt3A_433 = arith.cmpi slt, %select_n3A_426, %lt3A_432 : i32
    %ne3A_434 = arith.xori %lt3A_431, %lt3A_433 : i1
    %and3A_435 = arith.andi %ne3A_434, %ne3A_429 : i1
    %add3A_436 = arith.addi %rem3A_427, %select_n3A_426 : i32
    %select_n3A_437 = arith.select %and3A_435, %add3A_436, %rem3A_427 : i32
    %add3A_438 = arith.constant 0 : i32
    %add3A_439 = arith.addi %select_n3A_421, %add3A_438 : i32
    %mul3A_440 = arith.constant 128 : i32
    %mul3A_441 = arith.muli %add3A_439, %mul3A_440 : i32
    %dma_start3A = arith.constant 0 : i32
    %dma_start3A_442 = arith.constant 0 : i32
    %dma_start3A_443 = arith.constant 0 : i32
    %dma_start3A_444 = tpu.memref_slice %arg8[%dma_start3A, %dma_start3A_442, %dma_start3A_443] : memref<2x128x128xf32, #tpu.memory_space<vmem>> -> memref<1x128x128xf32, #tpu.memory_space<vmem>>
    %dma_start3A_445 = tpu.memref_squeeze %dma_start3A_444 : memref<1x128x128xf32, #tpu.memory_space<vmem>> -> memref<128x128xf32, #tpu.memory_space<vmem>>
    %dma_start3A_446 = arith.constant 0 : i32
    %dma_start3A_447 = tpu.memref_slice %arg2[%dma_start3A_446, %select_n3A_437, %mul3A_441] : memref<128x192x1024xf32, #tpu.memory_space<hbm>> -> memref<128x1x128xf32, #tpu.memory_space<hbm>>
    %dma_start3A_448 = tpu.memref_squeeze %dma_start3A_447 : memref<128x1x128xf32, #tpu.memory_space<hbm>> -> memref<128x128xf32, #tpu.memory_space<hbm>>
    %dma_start3A_449 = arith.constant 0 : i32
    %dma_start3A_450 = arith.constant 0 : i32
    %dma_start3A_451 = tpu.memref_slice %arg8[%dma_start3A, %dma_start3A_449, %dma_start3A_450] : memref<2x128x128xf32, #tpu.memory_space<vmem>> -> memref<1x128x128xf32, #tpu.memory_space<vmem>>
    %dma_start3A_452 = tpu.memref_squeeze %dma_start3A_451 : memref<1x128x128xf32, #tpu.memory_space<vmem>> -> memref<128x128xf32, #tpu.memory_space<vmem>>
    %dma_start3A_453 = arith.constant 0 : i32
    %dma_start3A_454 = tpu.memref_slice %arg2[%dma_start3A_453, %select_n3A_437, %mul3A_441] : memref<128x192x1024xf32, #tpu.memory_space<hbm>> -> memref<128x1x128xf32, #tpu.memory_space<hbm>>
    %dma_start3A_455 = tpu.memref_squeeze %dma_start3A_454 : memref<128x1x128xf32, #tpu.memory_space<hbm>> -> memref<128x128xf32, #tpu.memory_space<hbm>>
    tpu.enqueue_dma source(%dma_start3A_455 : memref<128x128xf32, #tpu.memory_space<hbm>>) target(%dma_start3A_452 : memref<128x128xf32, #tpu.memory_space<vmem>>) target_semaphore(%arg10 : memref<!tpu.dma_semaphore, #tpu.memory_space<semaphore_mem>>)
    %jit3A_456 = arith.constant false
    %jit3A_457 = arith.constant -41 : i32
    %jit3A_458 = arith.constant 1 : i32
    %select_n3A_459 = arith.select %jit3A_456, %jit3A_457, %jit3A_458 : i32
    %mul3A_460 = arith.constant 42 : i32
    %mul3A_461 = arith.muli %add3A, %mul3A_460 : i32
    %add3A_462 = arith.addi %mul3A_461, %select_n3A_459 : i32
    %jit3A_463 = arith.constant 192 : i32
    %div3A_464 = arith.divsi %add3A_462, %jit3A_463 : i32
    %sign3A_465 = arith.constant 0 : i32
    %sign3A_466 = arith.cmpi sgt, %add3A_462, %sign3A_465 : i32
    %sign3A_467 = arith.extui %sign3A_466 : i1 to i32
    %sign3A_468 = arith.constant 0 : i32
    %sign3A_469 = arith.cmpi slt, %add3A_462, %sign3A_468 : i32
    %sign3A_470 = arith.extui %sign3A_469 : i1 to i32
    %sign3A_471 = arith.subi %sign3A_467, %sign3A_470 : i32
    %sign3A_472 = arith.constant 0 : i32
    %sign3A_473 = arith.cmpi sgt, %jit3A_463, %sign3A_472 : i32
    %sign3A_474 = arith.extui %sign3A_473 : i1 to i32
    %sign3A_475 = arith.constant 0 : i32
    %sign3A_476 = arith.cmpi slt, %jit3A_463, %sign3A_475 : i32
    %sign3A_477 = arith.extui %sign3A_476 : i1 to i32
    %sign3A_478 = arith.subi %sign3A_474, %sign3A_477 : i32
    %ne3A_479 = arith.cmpi ne, %sign3A_471, %sign3A_478 : i32
    %rem3A_480 = arith.remsi %add3A_462, %jit3A_463 : i32
    %ne3A_481 = arith.constant 0 : i32
    %ne3A_482 = arith.cmpi ne, %rem3A_480, %ne3A_481 : i32
    %and3A_483 = arith.andi %ne3A_479, %ne3A_482 : i1
    %sub3A_484 = arith.constant 1 : i32
    %sub3A_485 = arith.subi %div3A_464, %sub3A_484 : i32
    %select_n3A_486 = arith.select %and3A_483, %sub3A_485, %div3A_464 : i32
    %jit3A_487 = arith.constant 192 : i32
    %eq3A_488 = arith.constant 0 : i32
    %eq3A_489 = arith.cmpi eq, %jit3A_487, %eq3A_488 : i32
    %jit3A_490 = arith.constant 1 : i32
    %select_n3A_491 = arith.select %eq3A_489, %jit3A_490, %jit3A_487 : i32
    %rem3A_492 = arith.remsi %add3A_462, %select_n3A_491 : i32
    %ne3A_493 = arith.constant 0 : i32
    %ne3A_494 = arith.cmpi ne, %rem3A_492, %ne3A_493 : i32
    %lt3A_495 = arith.constant 0 : i32
    %lt3A_496 = arith.cmpi slt, %rem3A_492, %lt3A_495 : i32
    %lt3A_497 = arith.constant 0 : i32
    %lt3A_498 = arith.cmpi slt, %select_n3A_491, %lt3A_497 : i32
    %ne3A_499 = arith.xori %lt3A_496, %lt3A_498 : i1
    %and3A_500 = arith.andi %ne3A_499, %ne3A_494 : i1
    %add3A_501 = arith.addi %rem3A_492, %select_n3A_491 : i32
    %select_n3A_502 = arith.select %and3A_500, %add3A_501, %rem3A_492 : i32
    %add3A_503 = arith.constant 0 : i32
    %add3A_504 = arith.addi %select_n3A_486, %add3A_503 : i32
    %mul3A_505 = arith.constant 128 : i32
    %mul3A_506 = arith.muli %add3A_504, %mul3A_505 : i32
    %dma_start3A_507 = arith.constant 1 : i32
    %dma_start3A_508 = arith.constant 0 : i32
    %dma_start3A_509 = arith.constant 0 : i32
    %dma_start3A_510 = tpu.memref_slice %arg8[%dma_start3A_507, %dma_start3A_508, %dma_start3A_509] : memref<2x128x128xf32, #tpu.memory_space<vmem>> -> memref<1x128x128xf32, #tpu.memory_space<vmem>>
    %dma_start3A_511 = tpu.memref_squeeze %dma_start3A_510 : memref<1x128x128xf32, #tpu.memory_space<vmem>> -> memref<128x128xf32, #tpu.memory_space<vmem>>
    %dma_start3A_512 = arith.constant 0 : i32
    %dma_start3A_513 = tpu.memref_slice %arg2[%dma_start3A_512, %select_n3A_502, %mul3A_506] : memref<128x192x1024xf32, #tpu.memory_space<hbm>> -> memref<128x1x128xf32, #tpu.memory_space<hbm>>
    %dma_start3A_514 = tpu.memref_squeeze %dma_start3A_513 : memref<128x1x128xf32, #tpu.memory_space<hbm>> -> memref<128x128xf32, #tpu.memory_space<hbm>>
    %dma_start3A_515 = arith.constant 0 : i32
    %dma_start3A_516 = arith.constant 0 : i32
    %dma_start3A_517 = tpu.memref_slice %arg8[%dma_start3A_507, %dma_start3A_515, %dma_start3A_516] : memref<2x128x128xf32, #tpu.memory_space<vmem>> -> memref<1x128x128xf32, #tpu.memory_space<vmem>>
    %dma_start3A_518 = tpu.memref_squeeze %dma_start3A_517 : memref<1x128x128xf32, #tpu.memory_space<vmem>> -> memref<128x128xf32, #tpu.memory_space<vmem>>
    %dma_start3A_519 = arith.constant 0 : i32
    %dma_start3A_520 = tpu.memref_slice %arg2[%dma_start3A_519, %select_n3A_502, %mul3A_506] : memref<128x192x1024xf32, #tpu.memory_space<hbm>> -> memref<128x1x128xf32, #tpu.memory_space<hbm>>
    %dma_start3A_521 = tpu.memref_squeeze %dma_start3A_520 : memref<128x1x128xf32, #tpu.memory_space<hbm>> -> memref<128x128xf32, #tpu.memory_space<hbm>>
    tpu.enqueue_dma source(%dma_start3A_521 : memref<128x128xf32, #tpu.memory_space<hbm>>) target(%dma_start3A_518 : memref<128x128xf32, #tpu.memory_space<vmem>>) target_semaphore(%arg10 : memref<!tpu.dma_semaphore, #tpu.memory_space<semaphore_mem>>)
    %dma_wait3A = arith.constant 0 : i32
    %dma_wait3A_522 = arith.constant 0 : i32
    %dma_wait3A_523 = arith.constant 0 : i32
    %dma_wait3A_524 = arith.constant 0 : i32
    %dma_wait3A_525 = tpu.memref_slice %arg8[%dma_wait3A_522, %dma_wait3A_523, %dma_wait3A_524] : memref<2x128x128xf32, #tpu.memory_space<vmem>> -> memref<1x128x128xf32, #tpu.memory_space<vmem>>
    %dma_wait3A_526 = tpu.memref_squeeze %dma_wait3A_525 : memref<1x128x128xf32, #tpu.memory_space<vmem>> -> memref<128x128xf32, #tpu.memory_space<vmem>>
    %dma_wait3A_527 = arith.constant 0 : i32
    %dma_wait3A_528 = arith.constant 0 : i32
    %dma_wait3A_529 = tpu.memref_slice %arg2[%dma_wait3A_527, %dma_wait3A, %dma_wait3A_528] : memref<128x192x1024xf32, #tpu.memory_space<hbm>> -> memref<128x1x128xf32, #tpu.memory_space<hbm>>
    %dma_wait3A_530 = tpu.memref_squeeze %dma_wait3A_529 : memref<128x1x128xf32, #tpu.memory_space<hbm>> -> memref<128x128xf32, #tpu.memory_space<hbm>>
    %dma_wait3A_531 = arith.constant 0 : i32
    %dma_wait3A_532 = arith.constant 0 : i32
    %dma_wait3A_533 = tpu.memref_slice %arg8[%dma_wait3A_522, %dma_wait3A_531, %dma_wait3A_532] : memref<2x128x128xf32, #tpu.memory_space<vmem>> -> memref<1x128x128xf32, #tpu.memory_space<vmem>>
    %dma_wait3A_534 = tpu.memref_squeeze %dma_wait3A_533 : memref<1x128x128xf32, #tpu.memory_space<vmem>> -> memref<128x128xf32, #tpu.memory_space<vmem>>
    %dma_wait3A_535 = arith.constant 0 : i32
    %dma_wait3A_536 = arith.constant 0 : i32
    %dma_wait3A_537 = tpu.memref_slice %arg2[%dma_wait3A_535, %dma_wait3A, %dma_wait3A_536] : memref<128x192x1024xf32, #tpu.memory_space<hbm>> -> memref<128x1x128xf32, #tpu.memory_space<hbm>>
    %dma_wait3A_538 = tpu.memref_squeeze %dma_wait3A_537 : memref<128x1x128xf32, #tpu.memory_space<hbm>> -> memref<128x128xf32, #tpu.memory_space<hbm>>
    tpu.wait_dma2 semaphore(%arg10 : memref<!tpu.dma_semaphore, #tpu.memory_space<semaphore_mem>>) src(%dma_wait3A_538 : memref<128x128xf32, #tpu.memory_space<hbm>>) dst(%dma_wait3A_534 : memref<128x128xf32, #tpu.memory_space<vmem>>)
    %jit3A_539 = arith.constant false
    %jit3A_540 = arith.constant -42 : i32
    %jit3A_541 = arith.constant 0 : i32
    %select_n3A_542 = arith.select %jit3A_539, %jit3A_540, %jit3A_541 : i32
    %mul3A_543 = arith.constant 42 : i32
    %mul3A_544 = arith.muli %add3A, %mul3A_543 : i32
    %add3A_545 = arith.addi %mul3A_544, %select_n3A_542 : i32
    %jit3A_546 = arith.constant 192 : i32
    %div3A_547 = arith.divsi %add3A_545, %jit3A_546 : i32
    %sign3A_548 = arith.constant 0 : i32
    %sign3A_549 = arith.cmpi sgt, %add3A_545, %sign3A_548 : i32
    %sign3A_550 = arith.extui %sign3A_549 : i1 to i32
    %sign3A_551 = arith.constant 0 : i32
    %sign3A_552 = arith.cmpi slt, %add3A_545, %sign3A_551 : i32
    %sign3A_553 = arith.extui %sign3A_552 : i1 to i32
    %sign3A_554 = arith.subi %sign3A_550, %sign3A_553 : i32
    %sign3A_555 = arith.constant 0 : i32
    %sign3A_556 = arith.cmpi sgt, %jit3A_546, %sign3A_555 : i32
    %sign3A_557 = arith.extui %sign3A_556 : i1 to i32
    %sign3A_558 = arith.constant 0 : i32
    %sign3A_559 = arith.cmpi slt, %jit3A_546, %sign3A_558 : i32
    %sign3A_560 = arith.extui %sign3A_559 : i1 to i32
    %sign3A_561 = arith.subi %sign3A_557, %sign3A_560 : i32
    %ne3A_562 = arith.cmpi ne, %sign3A_554, %sign3A_561 : i32
    %rem3A_563 = arith.remsi %add3A_545, %jit3A_546 : i32
    %ne3A_564 = arith.constant 0 : i32
    %ne3A_565 = arith.cmpi ne, %rem3A_563, %ne3A_564 : i32
    %and3A_566 = arith.andi %ne3A_562, %ne3A_565 : i1
    %sub3A_567 = arith.constant 1 : i32
    %sub3A_568 = arith.subi %div3A_547, %sub3A_567 : i32
    %select_n3A_569 = arith.select %and3A_566, %sub3A_568, %div3A_547 : i32
    %jit3A_570 = arith.constant 192 : i32
    %eq3A_571 = arith.constant 0 : i32
    %eq3A_572 = arith.cmpi eq, %jit3A_570, %eq3A_571 : i32
    %jit3A_573 = arith.constant 1 : i32
    %select_n3A_574 = arith.select %eq3A_572, %jit3A_573, %jit3A_570 : i32
    %rem3A_575 = arith.remsi %add3A_545, %select_n3A_574 : i32
    %ne3A_576 = arith.constant 0 : i32
    %ne3A_577 = arith.cmpi ne, %rem3A_575, %ne3A_576 : i32
    %lt3A_578 = arith.constant 0 : i32
    %lt3A_579 = arith.cmpi slt, %rem3A_575, %lt3A_578 : i32
    %lt3A_580 = arith.constant 0 : i32
    %lt3A_581 = arith.cmpi slt, %select_n3A_574, %lt3A_580 : i32
    %ne3A_582 = arith.xori %lt3A_579, %lt3A_581 : i1
    %and3A_583 = arith.andi %ne3A_582, %ne3A_577 : i1
    %add3A_584 = arith.addi %rem3A_575, %select_n3A_574 : i32
    %select_n3A_585 = arith.select %and3A_583, %add3A_584, %rem3A_575 : i32
    %scan3A = arith.constant 0 : i32
    %scan3A_586 = arith.constant 0 : i32
    %scan3A_587 = arith.constant 8 : i32
    %scan3A_588 = arith.addi %scan3A_586, %scan3A_587 : i32
    %scan3A_589 = arith.constant 1 : i32
    scf.for %scan3A_1151 = %scan3A_586 to %scan3A_588 step %scan3A_589  : i32 {
      %mul3A_1152 = arith.constant 16 : i32
      %mul3A_1153 = arith.muli %scan3A_1151, %mul3A_1152 : i32
      %add3A_1154 = vector.broadcast %mul3A_1153 : i32 to vector<16xi32>
      %add3A_1155 = arith.addi %add3A_1154, %iota3A : vector<16xi32>
      %mul3A_1156 = arith.constant 16 : i32
      %mul3A_1157 = arith.muli %scan3A_1151, %mul3A_1156 : i32
      %get3A_1158 = arith.index_cast %select_n3A_569 : i32 to index
      %get3A_1159 = arith.index_cast %mul3A_1157 : i32 to index
      %get3A_1160 = tpu.vector_load %arg7[%get3A_1158, %get3A_1159] {strides = array<i32>} : memref<7x128xi32, #tpu.memory_space<vmem>>, vector<16xi32>,
      %scan3A_1161 = arith.constant 0 : i32
      %scan3A_1162 = arith.constant 8 : i32
      %scan3A_1163 = arith.addi %scan3A_1161, %scan3A_1162 : i32
      %scan3A_1164 = arith.constant 1 : i32
      scf.for %scan3A_1166 = %scan3A_1161 to %scan3A_1163 step %scan3A_1164  : i32 {
        %mul3A_1167 = arith.constant 16 : i32
        %mul3A_1168 = arith.muli %scan3A_1166, %mul3A_1167 : i32
        %add3A_1169 = vector.broadcast %mul3A_1168 : i32 to vector<16xi32>
        %add3A_1170 = arith.addi %add3A_1169, %select_n3A_18 : vector<16xi32>
        %gather3A = arith.constant 0 : i32
        %gather3A_1171 = arith.constant 0 : i32
        %gather3A_1172 = arith.constant 0 : i32
        %gather3A_1173 = tpu.memref_slice %arg8[%gather3A, %gather3A_1171, %gather3A_1172] : memref<2x128x128xf32, #tpu.memory_space<vmem>> -> memref<1x128x128xf32, #tpu.memory_space<vmem>>
        %gather3A_1174 = tpu.memref_squeeze %gather3A_1173 : memref<1x128x128xf32, #tpu.memory_space<vmem>> -> memref<128x128xf32, #tpu.memory_space<vmem>>
        %gather3A_1175 = tpu.vector_load_idx %gather3A_1174[%add3A_1170, %add3A_1155] : memref<128x128xf32, #tpu.memory_space<vmem>>[vector<16xi32>, vector<16xi32>], vector<16xf32>,
        %scatter3A = arith.constant 0 : i32
        %scatter3A_1176 = arith.constant 0 : i32
        %scatter3A_1177 = arith.constant 0 : i32
        %scatter3A_1178 = tpu.memref_slice %arg9[%scatter3A, %scatter3A_1176, %scatter3A_1177] : memref<2x104x128xf32, #tpu.memory_space<vmem>> -> memref<1x104x128xf32, #tpu.memory_space<vmem>>
        %scatter3A_1179 = tpu.memref_squeeze %scatter3A_1178 : memref<1x104x128xf32, #tpu.memory_space<vmem>> -> memref<104x128xf32, #tpu.memory_space<vmem>>
        tpu.vector_store_idx %scatter3A_1179[%get3A_1160, %add3A_1170], %gather3A_1175 : memref<104x128xf32, #tpu.memory_space<vmem>>[vector<16xi32>, vector<16xi32>], vector<16xf32>,
        %add3A_1180 = vector.broadcast %mul3A_1168 : i32 to vector<16xi32>
        %add3A_1181 = arith.addi %add3A_1180, %select_n3A_43 : vector<16xi32>
        %gather3A_1182 = arith.constant 0 : i32
        %gather3A_1183 = arith.constant 0 : i32
        %gather3A_1184 = arith.constant 0 : i32
        %gather3A_1185 = tpu.memref_slice %arg8[%gather3A_1182, %gather3A_1183, %gather3A_1184] : memref<2x128x128xf32, #tpu.memory_space<vmem>> -> memref<1x128x128xf32, #tpu.memory_space<vmem>>
        %gather3A_1186 = tpu.memref_squeeze %gather3A_1185 : memref<1x128x128xf32, #tpu.memory_space<vmem>> -> memref<128x128xf32, #tpu.memory_space<vmem>>
        %gather3A_1187 = tpu.vector_load_idx %gather3A_1186[%add3A_1181, %add3A_1155] : memref<128x128xf32, #tpu.memory_space<vmem>>[vector<16xi32>, vector<16xi32>], vector<16xf32>,
        %scatter3A_1188 = arith.constant 0 : i32
        %scatter3A_1189 = arith.constant 0 : i32
        %scatter3A_1190 = arith.constant 0 : i32
        %scatter3A_1191 = tpu.memref_slice %arg9[%scatter3A_1188, %scatter3A_1189, %scatter3A_1190] : memref<2x104x128xf32, #tpu.memory_space<vmem>> -> memref<1x104x128xf32, #tpu.memory_space<vmem>>
        %scatter3A_1192 = tpu.memref_squeeze %scatter3A_1191 : memref<1x104x128xf32, #tpu.memory_space<vmem>> -> memref<104x128xf32, #tpu.memory_space<vmem>>
        tpu.vector_store_idx %scatter3A_1192[%get3A_1160, %add3A_1181], %gather3A_1187 : memref<104x128xf32, #tpu.memory_space<vmem>>[vector<16xi32>, vector<16xi32>], vector<16xf32>,
        %add3A_1193 = vector.broadcast %mul3A_1168 : i32 to vector<16xi32>
        %add3A_1194 = arith.addi %add3A_1193, %select_n3A_68 : vector<16xi32>
        %gather3A_1195 = arith.constant 0 : i32
        %gather3A_1196 = arith.constant 0 : i32
        %gather3A_1197 = arith.constant 0 : i32
        %gather3A_1198 = tpu.memref_slice %arg8[%gather3A_1195, %gather3A_1196, %gather3A_1197] : memref<2x128x128xf32, #tpu.memory_space<vmem>> -> memref<1x128x128xf32, #tpu.memory_space<vmem>>
        %gather3A_1199 = tpu.memref_squeeze %gather3A_1198 : memref<1x128x128xf32, #tpu.memory_space<vmem>> -> memref<128x128xf32, #tpu.memory_space<vmem>>
        %gather3A_1200 = tpu.vector_load_idx %gather3A_1199[%add3A_1194, %add3A_1155] : memref<128x128xf32, #tpu.memory_space<vmem>>[vector<16xi32>, vector<16xi32>], vector<16xf32>,
        %scatter3A_1201 = arith.constant 0 : i32
        %scatter3A_1202 = arith.constant 0 : i32
        %scatter3A_1203 = arith.constant 0 : i32
        %scatter3A_1204 = tpu.memref_slice %arg9[%scatter3A_1201, %scatter3A_1202, %scatter3A_1203] : memref<2x104x128xf32, #tpu.memory_space<vmem>> -> memref<1x104x128xf32, #tpu.memory_space<vmem>>
        %scatter3A_1205 = tpu.memref_squeeze %scatter3A_1204 : memref<1x104x128xf32, #tpu.memory_space<vmem>> -> memref<104x128xf32, #tpu.memory_space<vmem>>
        tpu.vector_store_idx %scatter3A_1205[%get3A_1160, %add3A_1194], %gather3A_1200 : memref<104x128xf32, #tpu.memory_space<vmem>>[vector<16xi32>, vector<16xi32>], vector<16xf32>,
        %add3A_1206 = vector.broadcast %mul3A_1168 : i32 to vector<16xi32>
        %add3A_1207 = arith.addi %add3A_1206, %select_n3A_93 : vector<16xi32>
        %gather3A_1208 = arith.constant 0 : i32
        %gather3A_1209 = arith.constant 0 : i32
        %gather3A_1210 = arith.constant 0 : i32
        %gather3A_1211 = tpu.memref_slice %arg8[%gather3A_1208, %gather3A_1209, %gather3A_1210] : memref<2x128x128xf32, #tpu.memory_space<vmem>> -> memref<1x128x128xf32, #tpu.memory_space<vmem>>
        %gather3A_1212 = tpu.memref_squeeze %gather3A_1211 : memref<1x128x128xf32, #tpu.memory_space<vmem>> -> memref<128x128xf32, #tpu.memory_space<vmem>>
        %gather3A_1213 = tpu.vector_load_idx %gather3A_1212[%add3A_1207, %add3A_1155] : memref<128x128xf32, #tpu.memory_space<vmem>>[vector<16xi32>, vector<16xi32>], vector<16xf32>,
        %scatter3A_1214 = arith.constant 0 : i32
        %scatter3A_1215 = arith.constant 0 : i32
        %scatter3A_1216 = arith.constant 0 : i32
        %scatter3A_1217 = tpu.memref_slice %arg9[%scatter3A_1214, %scatter3A_1215, %scatter3A_1216] : memref<2x104x128xf32, #tpu.memory_space<vmem>> -> memref<1x104x128xf32, #tpu.memory_space<vmem>>
        %scatter3A_1218 = tpu.memref_squeeze %scatter3A_1217 : memref<1x104x128xf32, #tpu.memory_space<vmem>> -> memref<104x128xf32, #tpu.memory_space<vmem>>
        tpu.vector_store_idx %scatter3A_1218[%get3A_1160, %add3A_1207], %gather3A_1213 : memref<104x128xf32, #tpu.memory_space<vmem>>[vector<16xi32>, vector<16xi32>], vector<16xf32>,
        %add3A_1219 = vector.broadcast %mul3A_1168 : i32 to vector<16xi32>
        %add3A_1220 = arith.addi %add3A_1219, %select_n3A_118 : vector<16xi32>
        %gather3A_1221 = arith.constant 0 : i32
        %gather3A_1222 = arith.constant 0 : i32
        %gather3A_1223 = arith.constant 0 : i32
        %gather3A_1224 = tpu.memref_slice %arg8[%gather3A_1221, %gather3A_1222, %gather3A_1223] : memref<2x128x128xf32, #tpu.memory_space<vmem>> -> memref<1x128x128xf32, #tpu.memory_space<vmem>>
        %gather3A_1225 = tpu.memref_squeeze %gather3A_1224 : memref<1x128x128xf32, #tpu.memory_space<vmem>> -> memref<128x128xf32, #tpu.memory_space<vmem>>
        %gather3A_1226 = tpu.vector_load_idx %gather3A_1225[%add3A_1220, %add3A_1155] : memref<128x128xf32, #tpu.memory_space<vmem>>[vector<16xi32>, vector<16xi32>], vector<16xf32>,
        %scatter3A_1227 = arith.constant 0 : i32
        %scatter3A_1228 = arith.constant 0 : i32
        %scatter3A_1229 = arith.constant 0 : i32
        %scatter3A_1230 = tpu.memref_slice %arg9[%scatter3A_1227, %scatter3A_1228, %scatter3A_1229] : memref<2x104x128xf32, #tpu.memory_space<vmem>> -> memref<1x104x128xf32, #tpu.memory_space<vmem>>
        %scatter3A_1231 = tpu.memref_squeeze %scatter3A_1230 : memref<1x104x128xf32, #tpu.memory_space<vmem>> -> memref<104x128xf32, #tpu.memory_space<vmem>>
        tpu.vector_store_idx %scatter3A_1231[%get3A_1160, %add3A_1220], %gather3A_1226 : memref<104x128xf32, #tpu.memory_space<vmem>>[vector<16xi32>, vector<16xi32>], vector<16xf32>,
        %add3A_1232 = vector.broadcast %mul3A_1168 : i32 to vector<16xi32>
        %add3A_1233 = arith.addi %add3A_1232, %select_n3A_143 : vector<16xi32>
        %gather3A_1234 = arith.constant 0 : i32
        %gather3A_1235 = arith.constant 0 : i32
        %gather3A_1236 = arith.constant 0 : i32
        %gather3A_1237 = tpu.memref_slice %arg8[%gather3A_1234, %gather3A_1235, %gather3A_1236] : memref<2x128x128xf32, #tpu.memory_space<vmem>> -> memref<1x128x128xf32, #tpu.memory_space<vmem>>
        %gather3A_1238 = tpu.memref_squeeze %gather3A_1237 : memref<1x128x128xf32, #tpu.memory_space<vmem>> -> memref<128x128xf32, #tpu.memory_space<vmem>>
        %gather3A_1239 = tpu.vector_load_idx %gather3A_1238[%add3A_1233, %add3A_1155] : memref<128x128xf32, #tpu.memory_space<vmem>>[vector<16xi32>, vector<16xi32>], vector<16xf32>,
        %scatter3A_1240 = arith.constant 0 : i32
        %scatter3A_1241 = arith.constant 0 : i32
        %scatter3A_1242 = arith.constant 0 : i32
        %scatter3A_1243 = tpu.memref_slice %arg9[%scatter3A_1240, %scatter3A_1241, %scatter3A_1242] : memref<2x104x128xf32, #tpu.memory_space<vmem>> -> memref<1x104x128xf32, #tpu.memory_space<vmem>>
        %scatter3A_1244 = tpu.memref_squeeze %scatter3A_1243 : memref<1x104x128xf32, #tpu.memory_space<vmem>> -> memref<104x128xf32, #tpu.memory_space<vmem>>
        tpu.vector_store_idx %scatter3A_1244[%get3A_1160, %add3A_1233], %gather3A_1239 : memref<104x128xf32, #tpu.memory_space<vmem>>[vector<16xi32>, vector<16xi32>], vector<16xf32>,
        %add3A_1245 = vector.broadcast %mul3A_1168 : i32 to vector<16xi32>
        %add3A_1246 = arith.addi %add3A_1245, %select_n3A_168 : vector<16xi32>
        %gather3A_1247 = arith.constant 0 : i32
        %gather3A_1248 = arith.constant 0 : i32
        %gather3A_1249 = arith.constant 0 : i32
        %gather3A_1250 = tpu.memref_slice %arg8[%gather3A_1247, %gather3A_1248, %gather3A_1249] : memref<2x128x128xf32, #tpu.memory_space<vmem>> -> memref<1x128x128xf32, #tpu.memory_space<vmem>>
        %gather3A_1251 = tpu.memref_squeeze %gather3A_1250 : memref<1x128x128xf32, #tpu.memory_space<vmem>> -> memref<128x128xf32, #tpu.memory_space<vmem>>
        %gather3A_1252 = tpu.vector_load_idx %gather3A_1251[%add3A_1246, %add3A_1155] : memref<128x128xf32, #tpu.memory_space<vmem>>[vector<16xi32>, vector<16xi32>], vector<16xf32>,
        %scatter3A_1253 = arith.constant 0 : i32
        %scatter3A_1254 = arith.constant 0 : i32
        %scatter3A_1255 = arith.constant 0 : i32
        %scatter3A_1256 = tpu.memref_slice %arg9[%scatter3A_1253, %scatter3A_1254, %scatter3A_1255] : memref<2x104x128xf32, #tpu.memory_space<vmem>> -> memref<1x104x128xf32, #tpu.memory_space<vmem>>
        %scatter3A_1257 = tpu.memref_squeeze %scatter3A_1256 : memref<1x104x128xf32, #tpu.memory_space<vmem>> -> memref<104x128xf32, #tpu.memory_space<vmem>>
        tpu.vector_store_idx %scatter3A_1257[%get3A_1160, %add3A_1246], %gather3A_1252 : memref<104x128xf32, #tpu.memory_space<vmem>>[vector<16xi32>, vector<16xi32>], vector<16xf32>,
        %add3A_1258 = vector.broadcast %mul3A_1168 : i32 to vector<16xi32>
        %add3A_1259 = arith.addi %add3A_1258, %select_n3A_193 : vector<16xi32>
        %gather3A_1260 = arith.constant 0 : i32
        %gather3A_1261 = arith.constant 0 : i32
        %gather3A_1262 = arith.constant 0 : i32
        %gather3A_1263 = tpu.memref_slice %arg8[%gather3A_1260, %gather3A_1261, %gather3A_1262] : memref<2x128x128xf32, #tpu.memory_space<vmem>> -> memref<1x128x128xf32, #tpu.memory_space<vmem>>
        %gather3A_1264 = tpu.memref_squeeze %gather3A_1263 : memref<1x128x128xf32, #tpu.memory_space<vmem>> -> memref<128x128xf32, #tpu.memory_space<vmem>>
        %gather3A_1265 = tpu.vector_load_idx %gather3A_1264[%add3A_1259, %add3A_1155] : memref<128x128xf32, #tpu.memory_space<vmem>>[vector<16xi32>, vector<16xi32>], vector<16xf32>,
        %scatter3A_1266 = arith.constant 0 : i32
        %scatter3A_1267 = arith.constant 0 : i32
        %scatter3A_1268 = arith.constant 0 : i32
        %scatter3A_1269 = tpu.memref_slice %arg9[%scatter3A_1266, %scatter3A_1267, %scatter3A_1268] : memref<2x104x128xf32, #tpu.memory_space<vmem>> -> memref<1x104x128xf32, #tpu.memory_space<vmem>>
        %scatter3A_1270 = tpu.memref_squeeze %scatter3A_1269 : memref<1x104x128xf32, #tpu.memory_space<vmem>> -> memref<104x128xf32, #tpu.memory_space<vmem>>
        tpu.vector_store_idx %scatter3A_1270[%get3A_1160, %add3A_1259], %gather3A_1265 : memref<104x128xf32, #tpu.memory_space<vmem>>[vector<16xi32>, vector<16xi32>], vector<16xf32>,
        %add3A_1271 = vector.broadcast %mul3A_1168 : i32 to vector<16xi32>
        %add3A_1272 = arith.addi %add3A_1271, %select_n3A_218 : vector<16xi32>
        %gather3A_1273 = arith.constant 0 : i32
        %gather3A_1274 = arith.constant 0 : i32
        %gather3A_1275 = arith.constant 0 : i32
        %gather3A_1276 = tpu.memref_slice %arg8[%gather3A_1273, %gather3A_1274, %gather3A_1275] : memref<2x128x128xf32, #tpu.memory_space<vmem>> -> memref<1x128x128xf32, #tpu.memory_space<vmem>>
        %gather3A_1277 = tpu.memref_squeeze %gather3A_1276 : memref<1x128x128xf32, #tpu.memory_space<vmem>> -> memref<128x128xf32, #tpu.memory_space<vmem>>
        %gather3A_1278 = tpu.vector_load_idx %gather3A_1277[%add3A_1272, %add3A_1155] : memref<128x128xf32, #tpu.memory_space<vmem>>[vector<16xi32>, vector<16xi32>], vector<16xf32>,
        %scatter3A_1279 = arith.constant 0 : i32
        %scatter3A_1280 = arith.constant 0 : i32
        %scatter3A_1281 = arith.constant 0 : i32
        %scatter3A_1282 = tpu.memref_slice %arg9[%scatter3A_1279, %scatter3A_1280, %scatter3A_1281] : memref<2x104x128xf32, #tpu.memory_space<vmem>> -> memref<1x104x128xf32, #tpu.memory_space<vmem>>
        %scatter3A_1283 = tpu.memref_squeeze %scatter3A_1282 : memref<1x104x128xf32, #tpu.memory_space<vmem>> -> memref<104x128xf32, #tpu.memory_space<vmem>>
        tpu.vector_store_idx %scatter3A_1283[%get3A_1160, %add3A_1272], %gather3A_1278 : memref<104x128xf32, #tpu.memory_space<vmem>>[vector<16xi32>, vector<16xi32>], vector<16xf32>,
        %add3A_1284 = vector.broadcast %mul3A_1168 : i32 to vector<16xi32>
        %add3A_1285 = arith.addi %add3A_1284, %select_n3A_243 : vector<16xi32>
        %gather3A_1286 = arith.constant 0 : i32
        %gather3A_1287 = arith.constant 0 : i32
        %gather3A_1288 = arith.constant 0 : i32
        %gather3A_1289 = tpu.memref_slice %arg8[%gather3A_1286, %gather3A_1287, %gather3A_1288] : memref<2x128x128xf32, #tpu.memory_space<vmem>> -> memref<1x128x128xf32, #tpu.memory_space<vmem>>
        %gather3A_1290 = tpu.memref_squeeze %gather3A_1289 : memref<1x128x128xf32, #tpu.memory_space<vmem>> -> memref<128x128xf32, #tpu.memory_space<vmem>>
        %gather3A_1291 = tpu.vector_load_idx %gather3A_1290[%add3A_1285, %add3A_1155] : memref<128x128xf32, #tpu.memory_space<vmem>>[vector<16xi32>, vector<16xi32>], vector<16xf32>,
        %scatter3A_1292 = arith.constant 0 : i32
        %scatter3A_1293 = arith.constant 0 : i32
        %scatter3A_1294 = arith.constant 0 : i32
        %scatter3A_1295 = tpu.memref_slice %arg9[%scatter3A_1292, %scatter3A_1293, %scatter3A_1294] : memref<2x104x128xf32, #tpu.memory_space<vmem>> -> memref<1x104x128xf32, #tpu.memory_space<vmem>>
        %scatter3A_1296 = tpu.memref_squeeze %scatter3A_1295 : memref<1x104x128xf32, #tpu.memory_space<vmem>> -> memref<104x128xf32, #tpu.memory_space<vmem>>
        tpu.vector_store_idx %scatter3A_1296[%get3A_1160, %add3A_1285], %gather3A_1291 : memref<104x128xf32, #tpu.memory_space<vmem>>[vector<16xi32>, vector<16xi32>], vector<16xf32>,
        %add3A_1297 = vector.broadcast %mul3A_1168 : i32 to vector<16xi32>
        %add3A_1298 = arith.addi %add3A_1297, %select_n3A_268 : vector<16xi32>
        %gather3A_1299 = arith.constant 0 : i32
        %gather3A_1300 = arith.constant 0 : i32
        %gather3A_1301 = arith.constant 0 : i32
        %gather3A_1302 = tpu.memref_slice %arg8[%gather3A_1299, %gather3A_1300, %gather3A_1301] : memref<2x128x128xf32, #tpu.memory_space<vmem>> -> memref<1x128x128xf32, #tpu.memory_space<vmem>>
        %gather3A_1303 = tpu.memref_squeeze %gather3A_1302 : memref<1x128x128xf32, #tpu.memory_space<vmem>> -> memref<128x128xf32, #tpu.memory_space<vmem>>
        %gather3A_1304 = tpu.vector_load_idx %gather3A_1303[%add3A_1298, %add3A_1155] : memref<128x128xf32, #tpu.memory_space<vmem>>[vector<16xi32>, vector<16xi32>], vector<16xf32>,
        %scatter3A_1305 = arith.constant 0 : i32
        %scatter3A_1306 = arith.constant 0 : i32
        %scatter3A_1307 = arith.constant 0 : i32
        %scatter3A_1308 = tpu.memref_slice %arg9[%scatter3A_1305, %scatter3A_1306, %scatter3A_1307] : memref<2x104x128xf32, #tpu.memory_space<vmem>> -> memref<1x104x128xf32, #tpu.memory_space<vmem>>
        %scatter3A_1309 = tpu.memref_squeeze %scatter3A_1308 : memref<1x104x128xf32, #tpu.memory_space<vmem>> -> memref<104x128xf32, #tpu.memory_space<vmem>>
        tpu.vector_store_idx %scatter3A_1309[%get3A_1160, %add3A_1298], %gather3A_1304 : memref<104x128xf32, #tpu.memory_space<vmem>>[vector<16xi32>, vector<16xi32>], vector<16xf32>,
        %add3A_1310 = vector.broadcast %mul3A_1168 : i32 to vector<16xi32>
        %add3A_1311 = arith.addi %add3A_1310, %select_n3A_293 : vector<16xi32>
        %gather3A_1312 = arith.constant 0 : i32
        %gather3A_1313 = arith.constant 0 : i32
        %gather3A_1314 = arith.constant 0 : i32
        %gather3A_1315 = tpu.memref_slice %arg8[%gather3A_1312, %gather3A_1313, %gather3A_1314] : memref<2x128x128xf32, #tpu.memory_space<vmem>> -> memref<1x128x128xf32, #tpu.memory_space<vmem>>
        %gather3A_1316 = tpu.memref_squeeze %gather3A_1315 : memref<1x128x128xf32, #tpu.memory_space<vmem>> -> memref<128x128xf32, #tpu.memory_space<vmem>>
        %gather3A_1317 = tpu.vector_load_idx %gather3A_1316[%add3A_1311, %add3A_1155] : memref<128x128xf32, #tpu.memory_space<vmem>>[vector<16xi32>, vector<16xi32>], vector<16xf32>,
        %scatter3A_1318 = arith.constant 0 : i32
        %scatter3A_1319 = arith.constant 0 : i32
        %scatter3A_1320 = arith.constant 0 : i32
        %scatter3A_1321 = tpu.memref_slice %arg9[%scatter3A_1318, %scatter3A_1319, %scatter3A_1320] : memref<2x104x128xf32, #tpu.memory_space<vmem>> -> memref<1x104x128xf32, #tpu.memory_space<vmem>>
        %scatter3A_1322 = tpu.memref_squeeze %scatter3A_1321 : memref<1x104x128xf32, #tpu.memory_space<vmem>> -> memref<104x128xf32, #tpu.memory_space<vmem>>
        tpu.vector_store_idx %scatter3A_1322[%get3A_1160, %add3A_1311], %gather3A_1317 : memref<104x128xf32, #tpu.memory_space<vmem>>[vector<16xi32>, vector<16xi32>], vector<16xf32>,
        %add3A_1323 = vector.broadcast %mul3A_1168 : i32 to vector<16xi32>
        %add3A_1324 = arith.addi %add3A_1323, %select_n3A_318 : vector<16xi32>
        %gather3A_1325 = arith.constant 0 : i32
        %gather3A_1326 = arith.constant 0 : i32
        %gather3A_1327 = arith.constant 0 : i32
        %gather3A_1328 = tpu.memref_slice %arg8[%gather3A_1325, %gather3A_1326, %gather3A_1327] : memref<2x128x128xf32, #tpu.memory_space<vmem>> -> memref<1x128x128xf32, #tpu.memory_space<vmem>>
        %gather3A_1329 = tpu.memref_squeeze %gather3A_1328 : memref<1x128x128xf32, #tpu.memory_space<vmem>> -> memref<128x128xf32, #tpu.memory_space<vmem>>
        %gather3A_1330 = tpu.vector_load_idx %gather3A_1329[%add3A_1324, %add3A_1155] : memref<128x128xf32, #tpu.memory_space<vmem>>[vector<16xi32>, vector<16xi32>], vector<16xf32>,
        %scatter3A_1331 = arith.constant 0 : i32
        %scatter3A_1332 = arith.constant 0 : i32
        %scatter3A_1333 = arith.constant 0 : i32
        %scatter3A_1334 = tpu.memref_slice %arg9[%scatter3A_1331, %scatter3A_1332, %scatter3A_1333] : memref<2x104x128xf32, #tpu.memory_space<vmem>> -> memref<1x104x128xf32, #tpu.memory_space<vmem>>
        %scatter3A_1335 = tpu.memref_squeeze %scatter3A_1334 : memref<1x104x128xf32, #tpu.memory_space<vmem>> -> memref<104x128xf32, #tpu.memory_space<vmem>>
        tpu.vector_store_idx %scatter3A_1335[%get3A_1160, %add3A_1324], %gather3A_1330 : memref<104x128xf32, #tpu.memory_space<vmem>>[vector<16xi32>, vector<16xi32>], vector<16xf32>,
        %add3A_1336 = vector.broadcast %mul3A_1168 : i32 to vector<16xi32>
        %add3A_1337 = arith.addi %add3A_1336, %select_n3A_343 : vector<16xi32>
        %gather3A_1338 = arith.constant 0 : i32
        %gather3A_1339 = arith.constant 0 : i32
        %gather3A_1340 = arith.constant 0 : i32
        %gather3A_1341 = tpu.memref_slice %arg8[%gather3A_1338, %gather3A_1339, %gather3A_1340] : memref<2x128x128xf32, #tpu.memory_space<vmem>> -> memref<1x128x128xf32, #tpu.memory_space<vmem>>
        %gather3A_1342 = tpu.memref_squeeze %gather3A_1341 : memref<1x128x128xf32, #tpu.memory_space<vmem>> -> memref<128x128xf32, #tpu.memory_space<vmem>>
        %gather3A_1343 = tpu.vector_load_idx %gather3A_1342[%add3A_1337, %add3A_1155] : memref<128x128xf32, #tpu.memory_space<vmem>>[vector<16xi32>, vector<16xi32>], vector<16xf32>,
        %scatter3A_1344 = arith.constant 0 : i32
        %scatter3A_1345 = arith.constant 0 : i32
        %scatter3A_1346 = arith.constant 0 : i32
        %scatter3A_1347 = tpu.memref_slice %arg9[%scatter3A_1344, %scatter3A_1345, %scatter3A_1346] : memref<2x104x128xf32, #tpu.memory_space<vmem>> -> memref<1x104x128xf32, #tpu.memory_space<vmem>>
        %scatter3A_1348 = tpu.memref_squeeze %scatter3A_1347 : memref<1x104x128xf32, #tpu.memory_space<vmem>> -> memref<104x128xf32, #tpu.memory_space<vmem>>
        tpu.vector_store_idx %scatter3A_1348[%get3A_1160, %add3A_1337], %gather3A_1343 : memref<104x128xf32, #tpu.memory_space<vmem>>[vector<16xi32>, vector<16xi32>], vector<16xf32>,
        %add3A_1349 = vector.broadcast %mul3A_1168 : i32 to vector<16xi32>
        %add3A_1350 = arith.addi %add3A_1349, %select_n3A_368 : vector<16xi32>
        %gather3A_1351 = arith.constant 0 : i32
        %gather3A_1352 = arith.constant 0 : i32
        %gather3A_1353 = arith.constant 0 : i32
        %gather3A_1354 = tpu.memref_slice %arg8[%gather3A_1351, %gather3A_1352, %gather3A_1353] : memref<2x128x128xf32, #tpu.memory_space<vmem>> -> memref<1x128x128xf32, #tpu.memory_space<vmem>>
        %gather3A_1355 = tpu.memref_squeeze %gather3A_1354 : memref<1x128x128xf32, #tpu.memory_space<vmem>> -> memref<128x128xf32, #tpu.memory_space<vmem>>
        %gather3A_1356 = tpu.vector_load_idx %gather3A_1355[%add3A_1350, %add3A_1155] : memref<128x128xf32, #tpu.memory_space<vmem>>[vector<16xi32>, vector<16xi32>], vector<16xf32>,
        %scatter3A_1357 = arith.constant 0 : i32
        %scatter3A_1358 = arith.constant 0 : i32
        %scatter3A_1359 = arith.constant 0 : i32
        %scatter3A_1360 = tpu.memref_slice %arg9[%scatter3A_1357, %scatter3A_1358, %scatter3A_1359] : memref<2x104x128xf32, #tpu.memory_space<vmem>> -> memref<1x104x128xf32, #tpu.memory_space<vmem>>
        %scatter3A_1361 = tpu.memref_squeeze %scatter3A_1360 : memref<1x104x128xf32, #tpu.memory_space<vmem>> -> memref<104x128xf32, #tpu.memory_space<vmem>>
        tpu.vector_store_idx %scatter3A_1361[%get3A_1160, %add3A_1350], %gather3A_1356 : memref<104x128xf32, #tpu.memory_space<vmem>>[vector<16xi32>, vector<16xi32>], vector<16xf32>,
        %add3A_1362 = vector.broadcast %mul3A_1168 : i32 to vector<16xi32>
        %add3A_1363 = arith.addi %add3A_1362, %select_n3A_393 : vector<16xi32>
        %gather3A_1364 = arith.constant 0 : i32
        %gather3A_1365 = arith.constant 0 : i32
        %gather3A_1366 = arith.constant 0 : i32
        %gather3A_1367 = tpu.memref_slice %arg8[%gather3A_1364, %gather3A_1365, %gather3A_1366] : memref<2x128x128xf32, #tpu.memory_space<vmem>> -> memref<1x128x128xf32, #tpu.memory_space<vmem>>
        %gather3A_1368 = tpu.memref_squeeze %gather3A_1367 : memref<1x128x128xf32, #tpu.memory_space<vmem>> -> memref<128x128xf32, #tpu.memory_space<vmem>>
        %gather3A_1369 = tpu.vector_load_idx %gather3A_1368[%add3A_1363, %add3A_1155] : memref<128x128xf32, #tpu.memory_space<vmem>>[vector<16xi32>, vector<16xi32>], vector<16xf32>,
        %scatter3A_1370 = arith.constant 0 : i32
        %scatter3A_1371 = arith.constant 0 : i32
        %scatter3A_1372 = arith.constant 0 : i32
        %scatter3A_1373 = tpu.memref_slice %arg9[%scatter3A_1370, %scatter3A_1371, %scatter3A_1372] : memref<2x104x128xf32, #tpu.memory_space<vmem>> -> memref<1x104x128xf32, #tpu.memory_space<vmem>>
        %scatter3A_1374 = tpu.memref_squeeze %scatter3A_1373 : memref<1x104x128xf32, #tpu.memory_space<vmem>> -> memref<104x128xf32, #tpu.memory_space<vmem>>
        tpu.vector_store_idx %scatter3A_1374[%get3A_1160, %add3A_1363], %gather3A_1369 : memref<104x128xf32, #tpu.memory_space<vmem>>[vector<16xi32>, vector<16xi32>], vector<16xf32>,
      }
      %scan3A_1165 = arith.constant 8 : i32
    }
    %scan3A_590 = arith.constant 8 : i32
    %jit3A_591 = arith.constant false
    %jit3A_592 = arith.constant -42 : i32
    %jit3A_593 = arith.constant 0 : i32
    %select_n3A_594 = arith.select %jit3A_591, %jit3A_592, %jit3A_593 : i32
    %mul3A_595 = arith.constant 42 : i32
    %mul3A_596 = arith.muli %add3A, %mul3A_595 : i32
    %add3A_597 = arith.addi %mul3A_596, %select_n3A_594 : i32
    %jit3A_598 = arith.constant 192 : i32
    %div3A_599 = arith.divsi %add3A_597, %jit3A_598 : i32
    %sign3A_600 = arith.constant 0 : i32
    %sign3A_601 = arith.cmpi sgt, %add3A_597, %sign3A_600 : i32
    %sign3A_602 = arith.extui %sign3A_601 : i1 to i32
    %sign3A_603 = arith.constant 0 : i32
    %sign3A_604 = arith.cmpi slt, %add3A_597, %sign3A_603 : i32
    %sign3A_605 = arith.extui %sign3A_604 : i1 to i32
    %sign3A_606 = arith.subi %sign3A_602, %sign3A_605 : i32
    %sign3A_607 = arith.constant 0 : i32
    %sign3A_608 = arith.cmpi sgt, %jit3A_598, %sign3A_607 : i32
    %sign3A_609 = arith.extui %sign3A_608 : i1 to i32
    %sign3A_610 = arith.constant 0 : i32
    %sign3A_611 = arith.cmpi slt, %jit3A_598, %sign3A_610 : i32
    %sign3A_612 = arith.extui %sign3A_611 : i1 to i32
    %sign3A_613 = arith.subi %sign3A_609, %sign3A_612 : i32
    %ne3A_614 = arith.cmpi ne, %sign3A_606, %sign3A_613 : i32
    %rem3A_615 = arith.remsi %add3A_597, %jit3A_598 : i32
    %ne3A_616 = arith.constant 0 : i32
    %ne3A_617 = arith.cmpi ne, %rem3A_615, %ne3A_616 : i32
    %and3A_618 = arith.andi %ne3A_614, %ne3A_617 : i1
    %sub3A_619 = arith.constant 1 : i32
    %sub3A_620 = arith.subi %div3A_599, %sub3A_619 : i32
    %select_n3A_621 = arith.select %and3A_618, %sub3A_620, %div3A_599 : i32
    %jit3A_622 = arith.constant 192 : i32
    %eq3A_623 = arith.constant 0 : i32
    %eq3A_624 = arith.cmpi eq, %jit3A_622, %eq3A_623 : i32
    %jit3A_625 = arith.constant 1 : i32
    %select_n3A_626 = arith.select %eq3A_624, %jit3A_625, %jit3A_622 : i32
    %rem3A_627 = arith.remsi %add3A_597, %select_n3A_626 : i32
    %ne3A_628 = arith.constant 0 : i32
    %ne3A_629 = arith.cmpi ne, %rem3A_627, %ne3A_628 : i32
    %lt3A_630 = arith.constant 0 : i32
    %lt3A_631 = arith.cmpi slt, %rem3A_627, %lt3A_630 : i32
    %lt3A_632 = arith.constant 0 : i32
    %lt3A_633 = arith.cmpi slt, %select_n3A_626, %lt3A_632 : i32
    %ne3A_634 = arith.xori %lt3A_631, %lt3A_633 : i1
    %and3A_635 = arith.andi %ne3A_634, %ne3A_629 : i1
    %add3A_636 = arith.addi %rem3A_627, %select_n3A_626 : i32
    %select_n3A_637 = arith.select %and3A_635, %add3A_636, %rem3A_627 : i32
    %get3A = arith.index_cast %select_n3A_621 : i32 to index
    %get3A_638 = arith.constant 0 : index
    %get3A_639 = tpu.vector_load %arg6[%get3A, %get3A_638] {strides = array<i32>} : memref<7x128xi32, #tpu.memory_space<vmem>>, vector<16xi32>,
    %mul3A_640 = arith.constant 192 : i32
    %mul3A_641 = vector.broadcast %mul3A_640 : i32 to vector<16xi32>
    %mul3A_642 = arith.muli %get3A_639, %mul3A_641 : vector<16xi32>
    %add3A_643 = vector.broadcast %select_n3A_637 : i32 to vector<16xi32>
    %add3A_644 = arith.addi %mul3A_642, %add3A_643 : vector<16xi32>
    %dma_start3A_645 = arith.constant 0 : i32
    %dma_start3A_646 = arith.constant 0 : i32
    %dma_start3A_647 = arith.constant 0 : i32
    %dma_start3A_648 = tpu.memref_slice %arg9[%dma_start3A_645, %dma_start3A_646, %dma_start3A_647] : memref<2x104x128xf32, #tpu.memory_space<vmem>> -> memref<1x16x128xf32, #tpu.memory_space<vmem>>
    %dma_start3A_649 = tpu.memref_squeeze %dma_start3A_648 : memref<1x16x128xf32, #tpu.memory_space<vmem>> -> memref<16x128xf32, #tpu.memory_space<vmem>>
    %dma_start3A_650 = arith.constant 0 : i32
    %dma_start3A_651 = arith.constant 0 : i32
    %dma_start3A_652 = tpu.memref_slice %arg5[%dma_start3A_650, %dma_start3A_651] : memref<129024x128xf32, #tpu.memory_space<hbm>> -> memref<129024x128xf32, #tpu.memory_space<hbm>>
    tpu.enqueue_indirect_dma source(%dma_start3A_649 : memref<16x128xf32, #tpu.memory_space<vmem>>) target(%dma_start3A_652 : memref<129024x128xf32, #tpu.memory_space<hbm>>) offsets(%add3A_644 : vector<16xi32>) semaphore(%arg11 : memref<!tpu.dma_semaphore, #tpu.memory_space<semaphore_mem>>)
    %get3A_653 = arith.index_cast %select_n3A_621 : i32 to index
    %get3A_654 = arith.constant 16 : index
    %get3A_655 = tpu.vector_load %arg6[%get3A_653, %get3A_654] {strides = array<i32>} : memref<7x128xi32, #tpu.memory_space<vmem>>, vector<16xi32>,
    %mul3A_656 = arith.constant 192 : i32
    %mul3A_657 = vector.broadcast %mul3A_656 : i32 to vector<16xi32>
    %mul3A_658 = arith.muli %get3A_655, %mul3A_657 : vector<16xi32>
    %add3A_659 = vector.broadcast %select_n3A_637 : i32 to vector<16xi32>
    %add3A_660 = arith.addi %mul3A_658, %add3A_659 : vector<16xi32>
    %dma_start3A_661 = arith.constant 0 : i32
    %dma_start3A_662 = arith.constant 16 : i32
    %dma_start3A_663 = arith.constant 0 : i32
    %dma_start3A_664 = tpu.memref_slice %arg9[%dma_start3A_661, %dma_start3A_662, %dma_start3A_663] : memref<2x104x128xf32, #tpu.memory_space<vmem>> -> memref<1x16x128xf32, #tpu.memory_space<vmem>>
    %dma_start3A_665 = tpu.memref_squeeze %dma_start3A_664 : memref<1x16x128xf32, #tpu.memory_space<vmem>> -> memref<16x128xf32, #tpu.memory_space<vmem>>
    %dma_start3A_666 = arith.constant 0 : i32
    %dma_start3A_667 = arith.constant 0 : i32
    %dma_start3A_668 = tpu.memref_slice %arg5[%dma_start3A_666, %dma_start3A_667] : memref<129024x128xf32, #tpu.memory_space<hbm>> -> memref<129024x128xf32, #tpu.memory_space<hbm>>
    tpu.enqueue_indirect_dma source(%dma_start3A_665 : memref<16x128xf32, #tpu.memory_space<vmem>>) target(%dma_start3A_668 : memref<129024x128xf32, #tpu.memory_space<hbm>>) offsets(%add3A_660 : vector<16xi32>) semaphore(%arg11 : memref<!tpu.dma_semaphore, #tpu.memory_space<semaphore_mem>>)
    %get3A_669 = arith.index_cast %select_n3A_621 : i32 to index
    %get3A_670 = arith.constant 32 : index
    %get3A_671 = tpu.vector_load %arg6[%get3A_669, %get3A_670] {strides = array<i32>} : memref<7x128xi32, #tpu.memory_space<vmem>>, vector<16xi32>,
    %mul3A_672 = arith.constant 192 : i32
    %mul3A_673 = vector.broadcast %mul3A_672 : i32 to vector<16xi32>
    %mul3A_674 = arith.muli %get3A_671, %mul3A_673 : vector<16xi32>
    %add3A_675 = vector.broadcast %select_n3A_637 : i32 to vector<16xi32>
    %add3A_676 = arith.addi %mul3A_674, %add3A_675 : vector<16xi32>
    %dma_start3A_677 = arith.constant 0 : i32
    %dma_start3A_678 = arith.constant 32 : i32
    %dma_start3A_679 = arith.constant 0 : i32
    %dma_start3A_680 = tpu.memref_slice %arg9[%dma_start3A_677, %dma_start3A_678, %dma_start3A_679] : memref<2x104x128xf32, #tpu.memory_space<vmem>> -> memref<1x16x128xf32, #tpu.memory_space<vmem>>
    %dma_start3A_681 = tpu.memref_squeeze %dma_start3A_680 : memref<1x16x128xf32, #tpu.memory_space<vmem>> -> memref<16x128xf32, #tpu.memory_space<vmem>>
    %dma_start3A_682 = arith.constant 0 : i32
    %dma_start3A_683 = arith.constant 0 : i32
    %dma_start3A_684 = tpu.memref_slice %arg5[%dma_start3A_682, %dma_start3A_683] : memref<129024x128xf32, #tpu.memory_space<hbm>> -> memref<129024x128xf32, #tpu.memory_space<hbm>>
    tpu.enqueue_indirect_dma source(%dma_start3A_681 : memref<16x128xf32, #tpu.memory_space<vmem>>) target(%dma_start3A_684 : memref<129024x128xf32, #tpu.memory_space<hbm>>) offsets(%add3A_676 : vector<16xi32>) semaphore(%arg11 : memref<!tpu.dma_semaphore, #tpu.memory_space<semaphore_mem>>)
    %get3A_685 = arith.index_cast %select_n3A_621 : i32 to index
    %get3A_686 = arith.constant 48 : index
    %get3A_687 = tpu.vector_load %arg6[%get3A_685, %get3A_686] {strides = array<i32>} : memref<7x128xi32, #tpu.memory_space<vmem>>, vector<16xi32>,
    %mul3A_688 = arith.constant 192 : i32
    %mul3A_689 = vector.broadcast %mul3A_688 : i32 to vector<16xi32>
    %mul3A_690 = arith.muli %get3A_687, %mul3A_689 : vector<16xi32>
    %add3A_691 = vector.broadcast %select_n3A_637 : i32 to vector<16xi32>
    %add3A_692 = arith.addi %mul3A_690, %add3A_691 : vector<16xi32>
    %dma_start3A_693 = arith.constant 0 : i32
    %dma_start3A_694 = arith.constant 48 : i32
    %dma_start3A_695 = arith.constant 0 : i32
    %dma_start3A_696 = tpu.memref_slice %arg9[%dma_start3A_693, %dma_start3A_694, %dma_start3A_695] : memref<2x104x128xf32, #tpu.memory_space<vmem>> -> memref<1x16x128xf32, #tpu.memory_space<vmem>>
    %dma_start3A_697 = tpu.memref_squeeze %dma_start3A_696 : memref<1x16x128xf32, #tpu.memory_space<vmem>> -> memref<16x128xf32, #tpu.memory_space<vmem>>
    %dma_start3A_698 = arith.constant 0 : i32
    %dma_start3A_699 = arith.constant 0 : i32
    %dma_start3A_700 = tpu.memref_slice %arg5[%dma_start3A_698, %dma_start3A_699] : memref<129024x128xf32, #tpu.memory_space<hbm>> -> memref<129024x128xf32, #tpu.memory_space<hbm>>
    tpu.enqueue_indirect_dma source(%dma_start3A_697 : memref<16x128xf32, #tpu.memory_space<vmem>>) target(%dma_start3A_700 : memref<129024x128xf32, #tpu.memory_space<hbm>>) offsets(%add3A_692 : vector<16xi32>) semaphore(%arg11 : memref<!tpu.dma_semaphore, #tpu.memory_space<semaphore_mem>>)
    %get3A_701 = arith.index_cast %select_n3A_621 : i32 to index
    %get3A_702 = arith.constant 64 : index
    %get3A_703 = tpu.vector_load %arg6[%get3A_701, %get3A_702] {strides = array<i32>} : memref<7x128xi32, #tpu.memory_space<vmem>>, vector<16xi32>,
    %mul3A_704 = arith.constant 192 : i32
    %mul3A_705 = vector.broadcast %mul3A_704 : i32 to vector<16xi32>
    %mul3A_706 = arith.muli %get3A_703, %mul3A_705 : vector<16xi32>
    %add3A_707 = vector.broadcast %select_n3A_637 : i32 to vector<16xi32>
    %add3A_708 = arith.addi %mul3A_706, %add3A_707 : vector<16xi32>
    %dma_start3A_709 = arith.constant 0 : i32
    %dma_start3A_710 = arith.constant 64 : i32
    %dma_start3A_711 = arith.constant 0 : i32
    %dma_start3A_712 = tpu.memref_slice %arg9[%dma_start3A_709, %dma_start3A_710, %dma_start3A_711] : memref<2x104x128xf32, #tpu.memory_space<vmem>> -> memref<1x16x128xf32, #tpu.memory_space<vmem>>
    %dma_start3A_713 = tpu.memref_squeeze %dma_start3A_712 : memref<1x16x128xf32, #tpu.memory_space<vmem>> -> memref<16x128xf32, #tpu.memory_space<vmem>>
    %dma_start3A_714 = arith.constant 0 : i32
    %dma_start3A_715 = arith.constant 0 : i32
    %dma_start3A_716 = tpu.memref_slice %arg5[%dma_start3A_714, %dma_start3A_715] : memref<129024x128xf32, #tpu.memory_space<hbm>> -> memref<129024x128xf32, #tpu.memory_space<hbm>>
    tpu.enqueue_indirect_dma source(%dma_start3A_713 : memref<16x128xf32, #tpu.memory_space<vmem>>) target(%dma_start3A_716 : memref<129024x128xf32, #tpu.memory_space<hbm>>) offsets(%add3A_708 : vector<16xi32>) semaphore(%arg11 : memref<!tpu.dma_semaphore, #tpu.memory_space<semaphore_mem>>)
    %get3A_717 = arith.index_cast %select_n3A_621 : i32 to index
    %get3A_718 = arith.constant 80 : index
    %get3A_719 = tpu.vector_load %arg6[%get3A_717, %get3A_718] {strides = array<i32>} : memref<7x128xi32, #tpu.memory_space<vmem>>, vector<16xi32>,
    %mul3A_720 = arith.constant 192 : i32
    %mul3A_721 = vector.broadcast %mul3A_720 : i32 to vector<16xi32>
    %mul3A_722 = arith.muli %get3A_719, %mul3A_721 : vector<16xi32>
    %add3A_723 = vector.broadcast %select_n3A_637 : i32 to vector<16xi32>
    %add3A_724 = arith.addi %mul3A_722, %add3A_723 : vector<16xi32>
    %dma_start3A_725 = arith.constant 0 : i32
    %dma_start3A_726 = arith.constant 80 : i32
    %dma_start3A_727 = arith.constant 0 : i32
    %dma_start3A_728 = tpu.memref_slice %arg9[%dma_start3A_725, %dma_start3A_726, %dma_start3A_727] : memref<2x104x128xf32, #tpu.memory_space<vmem>> -> memref<1x16x128xf32, #tpu.memory_space<vmem>>
    %dma_start3A_729 = tpu.memref_squeeze %dma_start3A_728 : memref<1x16x128xf32, #tpu.memory_space<vmem>> -> memref<16x128xf32, #tpu.memory_space<vmem>>
    %dma_start3A_730 = arith.constant 0 : i32
    %dma_start3A_731 = arith.constant 0 : i32
    %dma_start3A_732 = tpu.memref_slice %arg5[%dma_start3A_730, %dma_start3A_731] : memref<129024x128xf32, #tpu.memory_space<hbm>> -> memref<129024x128xf32, #tpu.memory_space<hbm>>
    tpu.enqueue_indirect_dma source(%dma_start3A_729 : memref<16x128xf32, #tpu.memory_space<vmem>>) target(%dma_start3A_732 : memref<129024x128xf32, #tpu.memory_space<hbm>>) offsets(%add3A_724 : vector<16xi32>) semaphore(%arg11 : memref<!tpu.dma_semaphore, #tpu.memory_space<semaphore_mem>>)
    %jit3A_733 = arith.constant false
    %jit3A_734 = arith.constant -40 : i32
    %jit3A_735 = arith.constant 2 : i32
    %select_n3A_736 = arith.select %jit3A_733, %jit3A_734, %jit3A_735 : i32
    %mul3A_737 = arith.constant 42 : i32
    %mul3A_738 = arith.muli %add3A, %mul3A_737 : i32
    %add3A_739 = arith.addi %mul3A_738, %select_n3A_736 : i32
    %jit3A_740 = arith.constant 192 : i32
    %div3A_741 = arith.divsi %add3A_739, %jit3A_740 : i32
    %sign3A_742 = arith.constant 0 : i32
    %sign3A_743 = arith.cmpi sgt, %add3A_739, %sign3A_742 : i32
    %sign3A_744 = arith.extui %sign3A_743 : i1 to i32
    %sign3A_745 = arith.constant 0 : i32
    %sign3A_746 = arith.cmpi slt, %add3A_739, %sign3A_745 : i32
    %sign3A_747 = arith.extui %sign3A_746 : i1 to i32
    %sign3A_748 = arith.subi %sign3A_744, %sign3A_747 : i32
    %sign3A_749 = arith.constant 0 : i32
    %sign3A_750 = arith.cmpi sgt, %jit3A_740, %sign3A_749 : i32
    %sign3A_751 = arith.extui %sign3A_750 : i1 to i32
    %sign3A_752 = arith.constant 0 : i32
    %sign3A_753 = arith.cmpi slt, %jit3A_740, %sign3A_752 : i32
    %sign3A_754 = arith.extui %sign3A_753 : i1 to i32
    %sign3A_755 = arith.subi %sign3A_751, %sign3A_754 : i32
    %ne3A_756 = arith.cmpi ne, %sign3A_748, %sign3A_755 : i32
    %rem3A_757 = arith.remsi %add3A_739, %jit3A_740 : i32
    %ne3A_758 = arith.constant 0 : i32
    %ne3A_759 = arith.cmpi ne, %rem3A_757, %ne3A_758 : i32
    %and3A_760 = arith.andi %ne3A_756, %ne3A_759 : i1
    %sub3A_761 = arith.constant 1 : i32
    %sub3A_762 = arith.subi %div3A_741, %sub3A_761 : i32
    %select_n3A_763 = arith.select %and3A_760, %sub3A_762, %div3A_741 : i32
    %jit3A_764 = arith.constant 192 : i32
    %eq3A_765 = arith.constant 0 : i32
    %eq3A_766 = arith.cmpi eq, %jit3A_764, %eq3A_765 : i32
    %jit3A_767 = arith.constant 1 : i32
    %select_n3A_768 = arith.select %eq3A_766, %jit3A_767, %jit3A_764 : i32
    %rem3A_769 = arith.remsi %add3A_739, %select_n3A_768 : i32
    %ne3A_770 = arith.constant 0 : i32
    %ne3A_771 = arith.cmpi ne, %rem3A_769, %ne3A_770 : i32
    %lt3A_772 = arith.constant 0 : i32
    %lt3A_773 = arith.cmpi slt, %rem3A_769, %lt3A_772 : i32
    %lt3A_774 = arith.constant 0 : i32
    %lt3A_775 = arith.cmpi slt, %select_n3A_768, %lt3A_774 : i32
    %ne3A_776 = arith.xori %lt3A_773, %lt3A_775 : i1
    %and3A_777 = arith.andi %ne3A_776, %ne3A_771 : i1
    %add3A_778 = arith.addi %rem3A_769, %select_n3A_768 : i32
    %select_n3A_779 = arith.select %and3A_777, %add3A_778, %rem3A_769 : i32
    %add3A_780 = arith.constant 0 : i32
    %add3A_781 = arith.addi %select_n3A_763, %add3A_780 : i32
    %mul3A_782 = arith.constant 128 : i32
    %mul3A_783 = arith.muli %add3A_781, %mul3A_782 : i32
    %dma_start3A_784 = arith.constant 0 : i32
    %dma_start3A_785 = arith.constant 0 : i32
    %dma_start3A_786 = arith.constant 0 : i32
    %dma_start3A_787 = tpu.memref_slice %arg8[%dma_start3A_784, %dma_start3A_785, %dma_start3A_786] : memref<2x128x128xf32, #tpu.memory_space<vmem>> -> memref<1x128x128xf32, #tpu.memory_space<vmem>>
    %dma_start3A_788 = tpu.memref_squeeze %dma_start3A_787 : memref<1x128x128xf32, #tpu.memory_space<vmem>> -> memref<128x128xf32, #tpu.memory_space<vmem>>
    %dma_start3A_789 = arith.constant 0 : i32
    %dma_start3A_790 = tpu.memref_slice %arg2[%dma_start3A_789, %select_n3A_779, %mul3A_783] : memref<128x192x1024xf32, #tpu.memory_space<hbm>> -> memref<128x1x128xf32, #tpu.memory_space<hbm>>
    %dma_start3A_791 = tpu.memref_squeeze %dma_start3A_790 : memref<128x1x128xf32, #tpu.memory_space<hbm>> -> memref<128x128xf32, #tpu.memory_space<hbm>>
    %dma_start3A_792 = arith.constant 0 : i32
    %dma_start3A_793 = arith.constant 0 : i32
    %dma_start3A_794 = tpu.memref_slice %arg8[%dma_start3A_784, %dma_start3A_792, %dma_start3A_793] : memref<2x128x128xf32, #tpu.memory_space<vmem>> -> memref<1x128x128xf32, #tpu.memory_space<vmem>>
    %dma_start3A_795 = tpu.memref_squeeze %dma_start3A_794 : memref<1x128x128xf32, #tpu.memory_space<vmem>> -> memref<128x128xf32, #tpu.memory_space<vmem>>
    %dma_start3A_796 = arith.constant 0 : i32
    %dma_start3A_797 = tpu.memref_slice %arg2[%dma_start3A_796, %select_n3A_779, %mul3A_783] : memref<128x192x1024xf32, #tpu.memory_space<hbm>> -> memref<128x1x128xf32, #tpu.memory_space<hbm>>
    %dma_start3A_798 = tpu.memref_squeeze %dma_start3A_797 : memref<128x1x128xf32, #tpu.memory_space<hbm>> -> memref<128x128xf32, #tpu.memory_space<hbm>>
    tpu.enqueue_dma source(%dma_start3A_798 : memref<128x128xf32, #tpu.memory_space<hbm>>) target(%dma_start3A_795 : memref<128x128xf32, #tpu.memory_space<vmem>>) target_semaphore(%arg10 : memref<!tpu.dma_semaphore, #tpu.memory_space<semaphore_mem>>)
    %dma_wait3A_799 = arith.constant 0 : i32
    %dma_wait3A_800 = arith.constant 1 : i32
    %dma_wait3A_801 = arith.constant 0 : i32
    %dma_wait3A_802 = arith.constant 0 : i32
    %dma_wait3A_803 = tpu.memref_slice %arg8[%dma_wait3A_800, %dma_wait3A_801, %dma_wait3A_802] : memref<2x128x128xf32, #tpu.memory_space<vmem>> -> memref<1x128x128xf32, #tpu.memory_space<vmem>>
    %dma_wait3A_804 = tpu.memref_squeeze %dma_wait3A_803 : memref<1x128x128xf32, #tpu.memory_space<vmem>> -> memref<128x128xf32, #tpu.memory_space<vmem>>
    %dma_wait3A_805 = arith.constant 0 : i32
    %dma_wait3A_806 = arith.constant 0 : i32
    %dma_wait3A_807 = tpu.memref_slice %arg2[%dma_wait3A_805, %dma_wait3A_799, %dma_wait3A_806] : memref<128x192x1024xf32, #tpu.memory_space<hbm>> -> memref<128x1x128xf32, #tpu.memory_space<hbm>>
    %dma_wait3A_808 = tpu.memref_squeeze %dma_wait3A_807 : memref<128x1x128xf32, #tpu.memory_space<hbm>> -> memref<128x128xf32, #tpu.memory_space<hbm>>
    %dma_wait3A_809 = arith.constant 0 : i32
    %dma_wait3A_810 = arith.constant 0 : i32
    %dma_wait3A_811 = tpu.memref_slice %arg8[%dma_wait3A_800, %dma_wait3A_809, %dma_wait3A_810] : memref<2x128x128xf32, #tpu.memory_space<vmem>> -> memref<1x128x128xf32, #tpu.memory_space<vmem>>
    %dma_wait3A_812 = tpu.memref_squeeze %dma_wait3A_811 : memref<1x128x128xf32, #tpu.memory_space<vmem>> -> memref<128x128xf32, #tpu.memory_space<vmem>>
    %dma_wait3A_813 = arith.constant 0 : i32
    %dma_wait3A_814 = arith.constant 0 : i32
    %dma_wait3A_815 = tpu.memref_slice %arg2[%dma_wait3A_813, %dma_wait3A_799, %dma_wait3A_814] : memref<128x192x1024xf32, #tpu.memory_space<hbm>> -> memref<128x1x128xf32, #tpu.memory_space<hbm>>
    %dma_wait3A_816 = tpu.memref_squeeze %dma_wait3A_815 : memref<128x1x128xf32, #tpu.memory_space<hbm>> -> memref<128x128xf32, #tpu.memory_space<hbm>>
    tpu.wait_dma2 semaphore(%arg10 : memref<!tpu.dma_semaphore, #tpu.memory_space<semaphore_mem>>) src(%dma_wait3A_816 : memref<128x128xf32, #tpu.memory_space<hbm>>) dst(%dma_wait3A_812 : memref<128x128xf32, #tpu.memory_space<vmem>>)
    %jit3A_817 = arith.constant false
    %jit3A_818 = arith.constant -41 : i32
    %jit3A_819 = arith.constant 1 : i32
    %select_n3A_820 = arith.select %jit3A_817, %jit3A_818, %jit3A_819 : i32
    %mul3A_821 = arith.constant 42 : i32
    %mul3A_822 = arith.muli %add3A, %mul3A_821 : i32
    %add3A_823 = arith.addi %mul3A_822, %select_n3A_820 : i32
    %jit3A_824 = arith.constant 192 : i32
    %div3A_825 = arith.divsi %add3A_823, %jit3A_824 : i32
    %sign3A_826 = arith.constant 0 : i32
    %sign3A_827 = arith.cmpi sgt, %add3A_823, %sign3A_826 : i32
    %sign3A_828 = arith.extui %sign3A_827 : i1 to i32
    %sign3A_829 = arith.constant 0 : i32
    %sign3A_830 = arith.cmpi slt, %add3A_823, %sign3A_829 : i32
    %sign3A_831 = arith.extui %sign3A_830 : i1 to i32
    %sign3A_832 = arith.subi %sign3A_828, %sign3A_831 : i32
    %sign3A_833 = arith.constant 0 : i32
    %sign3A_834 = arith.cmpi sgt, %jit3A_824, %sign3A_833 : i32
    %sign3A_835 = arith.extui %sign3A_834 : i1 to i32
    %sign3A_836 = arith.constant 0 : i32
    %sign3A_837 = arith.cmpi slt, %jit3A_824, %sign3A_836 : i32
    %sign3A_838 = arith.extui %sign3A_837 : i1 to i32
    %sign3A_839 = arith.subi %sign3A_835, %sign3A_838 : i32
    %ne3A_840 = arith.cmpi ne, %sign3A_832, %sign3A_839 : i32
    %rem3A_841 = arith.remsi %add3A_823, %jit3A_824 : i32
    %ne3A_842 = arith.constant 0 : i32
    %ne3A_843 = arith.cmpi ne, %rem3A_841, %ne3A_842 : i32
    %and3A_844 = arith.andi %ne3A_840, %ne3A_843 : i1
    %sub3A_845 = arith.constant 1 : i32
    %sub3A_846 = arith.subi %div3A_825, %sub3A_845 : i32
    %select_n3A_847 = arith.select %and3A_844, %sub3A_846, %div3A_825 : i32
    %jit3A_848 = arith.constant 192 : i32
    %eq3A_849 = arith.constant 0 : i32
    %eq3A_850 = arith.cmpi eq, %jit3A_848, %eq3A_849 : i32
    %jit3A_851 = arith.constant 1 : i32
    %select_n3A_852 = arith.select %eq3A_850, %jit3A_851, %jit3A_848 : i32
    %rem3A_853 = arith.remsi %add3A_823, %select_n3A_852 : i32
    %ne3A_854 = arith.constant 0 : i32
    %ne3A_855 = arith.cmpi ne, %rem3A_853, %ne3A_854 : i32
    %lt3A_856 = arith.constant 0 : i32
    %lt3A_857 = arith.cmpi slt, %rem3A_853, %lt3A_856 : i32
    %lt3A_858 = arith.constant 0 : i32
    %lt3A_859 = arith.cmpi slt, %select_n3A_852, %lt3A_858 : i32
    %ne3A_860 = arith.xori %lt3A_857, %lt3A_859 : i1
    %and3A_861 = arith.andi %ne3A_860, %ne3A_855 : i1
    %add3A_862 = arith.addi %rem3A_853, %select_n3A_852 : i32
    %select_n3A_863 = arith.select %and3A_861, %add3A_862, %rem3A_853 : i32
    %scan3A_864 = arith.constant 0 : i32
    %scan3A_865 = arith.constant 0 : i32
    %scan3A_866 = arith.constant 8 : i32
    %scan3A_867 = arith.addi %scan3A_865, %scan3A_866 : i32
    %scan3A_868 = arith.constant 1 : i32
    scf.for %scan3A_1151 = %scan3A_865 to %scan3A_867 step %scan3A_868  : i32 {
      %mul3A_1152 = arith.constant 16 : i32
      %mul3A_1153 = arith.muli %scan3A_1151, %mul3A_1152 : i32
      %add3A_1154 = vector.broadcast %mul3A_1153 : i32 to vector<16xi32>
      %add3A_1155 = arith.addi %add3A_1154, %iota3A : vector<16xi32>
      %mul3A_1156 = arith.constant 16 : i32
      %mul3A_1157 = arith.muli %scan3A_1151, %mul3A_1156 : i32
      %get3A_1158 = arith.index_cast %select_n3A_847 : i32 to index
      %get3A_1159 = arith.index_cast %mul3A_1157 : i32 to index
      %get3A_1160 = tpu.vector_load %arg7[%get3A_1158, %get3A_1159] {strides = array<i32>} : memref<7x128xi32, #tpu.memory_space<vmem>>, vector<16xi32>,
      %scan3A_1161 = arith.constant 0 : i32
      %scan3A_1162 = arith.constant 8 : i32
      %scan3A_1163 = arith.addi %scan3A_1161, %scan3A_1162 : i32
      %scan3A_1164 = arith.constant 1 : i32
      scf.for %scan3A_1166 = %scan3A_1161 to %scan3A_1163 step %scan3A_1164  : i32 {
        %mul3A_1167 = arith.constant 16 : i32
        %mul3A_1168 = arith.muli %scan3A_1166, %mul3A_1167 : i32
        %add3A_1169 = vector.broadcast %mul3A_1168 : i32 to vector<16xi32>
        %add3A_1170 = arith.addi %add3A_1169, %select_n3A_18 : vector<16xi32>
        %gather3A = arith.constant 1 : i32
        %gather3A_1171 = arith.constant 0 : i32
        %gather3A_1172 = arith.constant 0 : i32
        %gather3A_1173 = tpu.memref_slice %arg8[%gather3A, %gather3A_1171, %gather3A_1172] : memref<2x128x128xf32, #tpu.memory_space<vmem>> -> memref<1x128x128xf32, #tpu.memory_space<vmem>>
        %gather3A_1174 = tpu.memref_squeeze %gather3A_1173 : memref<1x128x128xf32, #tpu.memory_space<vmem>> -> memref<128x128xf32, #tpu.memory_space<vmem>>
        %gather3A_1175 = tpu.vector_load_idx %gather3A_1174[%add3A_1170, %add3A_1155] : memref<128x128xf32, #tpu.memory_space<vmem>>[vector<16xi32>, vector<16xi32>], vector<16xf32>,
        %scatter3A = arith.constant 1 : i32
        %scatter3A_1176 = arith.constant 0 : i32
        %scatter3A_1177 = arith.constant 0 : i32
        %scatter3A_1178 = tpu.memref_slice %arg9[%scatter3A, %scatter3A_1176, %scatter3A_1177] : memref<2x104x128xf32, #tpu.memory_space<vmem>> -> memref<1x104x128xf32, #tpu.memory_space<vmem>>
        %scatter3A_1179 = tpu.memref_squeeze %scatter3A_1178 : memref<1x104x128xf32, #tpu.memory_space<vmem>> -> memref<104x128xf32, #tpu.memory_space<vmem>>
        tpu.vector_store_idx %scatter3A_1179[%get3A_1160, %add3A_1170], %gather3A_1175 : memref<104x128xf32, #tpu.memory_space<vmem>>[vector<16xi32>, vector<16xi32>], vector<16xf32>,
        %add3A_1180 = vector.broadcast %mul3A_1168 : i32 to vector<16xi32>
        %add3A_1181 = arith.addi %add3A_1180, %select_n3A_43 : vector<16xi32>
        %gather3A_1182 = arith.constant 1 : i32
        %gather3A_1183 = arith.constant 0 : i32
        %gather3A_1184 = arith.constant 0 : i32
        %gather3A_1185 = tpu.memref_slice %arg8[%gather3A_1182, %gather3A_1183, %gather3A_1184] : memref<2x128x128xf32, #tpu.memory_space<vmem>> -> memref<1x128x128xf32, #tpu.memory_space<vmem>>
        %gather3A_1186 = tpu.memref_squeeze %gather3A_1185 : memref<1x128x128xf32, #tpu.memory_space<vmem>> -> memref<128x128xf32, #tpu.memory_space<vmem>>
        %gather3A_1187 = tpu.vector_load_idx %gather3A_1186[%add3A_1181, %add3A_1155] : memref<128x128xf32, #tpu.memory_space<vmem>>[vector<16xi32>, vector<16xi32>], vector<16xf32>,
        %scatter3A_1188 = arith.constant 1 : i32
        %scatter3A_1189 = arith.constant 0 : i32
        %scatter3A_1190 = arith.constant 0 : i32
        %scatter3A_1191 = tpu.memref_slice %arg9[%scatter3A_1188, %scatter3A_1189, %scatter3A_1190] : memref<2x104x128xf32, #tpu.memory_space<vmem>> -> memref<1x104x128xf32, #tpu.memory_space<vmem>>
        %scatter3A_1192 = tpu.memref_squeeze %scatter3A_1191 : memref<1x104x128xf32, #tpu.memory_space<vmem>> -> memref<104x128xf32, #tpu.memory_space<vmem>>
        tpu.vector_store_idx %scatter3A_1192[%get3A_1160, %add3A_1181], %gather3A_1187 : memref<104x128xf32, #tpu.memory_space<vmem>>[vector<16xi32>, vector<16xi32>], vector<16xf32>,
        %add3A_1193 = vector.broadcast %mul3A_1168 : i32 to vector<16xi32>
        %add3A_1194 = arith.addi %add3A_1193, %select_n3A_68 : vector<16xi32>
        %gather3A_1195 = arith.constant 1 : i32
        %gather3A_1196 = arith.constant 0 : i32
        %gather3A_1197 = arith.constant 0 : i32
        %gather3A_1198 = tpu.memref_slice %arg8[%gather3A_1195, %gather3A_1196, %gather3A_1197] : memref<2x128x128xf32, #tpu.memory_space<vmem>> -> memref<1x128x128xf32, #tpu.memory_space<vmem>>
        %gather3A_1199 = tpu.memref_squeeze %gather3A_1198 : memref<1x128x128xf32, #tpu.memory_space<vmem>> -> memref<128x128xf32, #tpu.memory_space<vmem>>
        %gather3A_1200 = tpu.vector_load_idx %gather3A_1199[%add3A_1194, %add3A_1155] : memref<128x128xf32, #tpu.memory_space<vmem>>[vector<16xi32>, vector<16xi32>], vector<16xf32>,
        %scatter3A_1201 = arith.constant 1 : i32
        %scatter3A_1202 = arith.constant 0 : i32
        %scatter3A_1203 = arith.constant 0 : i32
        %scatter3A_1204 = tpu.memref_slice %arg9[%scatter3A_1201, %scatter3A_1202, %scatter3A_1203] : memref<2x104x128xf32, #tpu.memory_space<vmem>> -> memref<1x104x128xf32, #tpu.memory_space<vmem>>
        %scatter3A_1205 = tpu.memref_squeeze %scatter3A_1204 : memref<1x104x128xf32, #tpu.memory_space<vmem>> -> memref<104x128xf32, #tpu.memory_space<vmem>>
        tpu.vector_store_idx %scatter3A_1205[%get3A_1160, %add3A_1194], %gather3A_1200 : memref<104x128xf32, #tpu.memory_space<vmem>>[vector<16xi32>, vector<16xi32>], vector<16xf32>,
        %add3A_1206 = vector.broadcast %mul3A_1168 : i32 to vector<16xi32>
        %add3A_1207 = arith.addi %add3A_1206, %select_n3A_93 : vector<16xi32>
        %gather3A_1208 = arith.constant 1 : i32
        %gather3A_1209 = arith.constant 0 : i32
        %gather3A_1210 = arith.constant 0 : i32
        %gather3A_1211 = tpu.memref_slice %arg8[%gather3A_1208, %gather3A_1209, %gather3A_1210] : memref<2x128x128xf32, #tpu.memory_space<vmem>> -> memref<1x128x128xf32, #tpu.memory_space<vmem>>
        %gather3A_1212 = tpu.memref_squeeze %gather3A_1211 : memref<1x128x128xf32, #tpu.memory_space<vmem>> -> memref<128x128xf32, #tpu.memory_space<vmem>>
        %gather3A_1213 = tpu.vector_load_idx %gather3A_1212[%add3A_1207, %add3A_1155] : memref<128x128xf32, #tpu.memory_space<vmem>>[vector<16xi32>, vector<16xi32>], vector<16xf32>,
        %scatter3A_1214 = arith.constant 1 : i32
        %scatter3A_1215 = arith.constant 0 : i32
        %scatter3A_1216 = arith.constant 0 : i32
        %scatter3A_1217 = tpu.memref_slice %arg9[%scatter3A_1214, %scatter3A_1215, %scatter3A_1216] : memref<2x104x128xf32, #tpu.memory_space<vmem>> -> memref<1x104x128xf32, #tpu.memory_space<vmem>>
        %scatter3A_1218 = tpu.memref_squeeze %scatter3A_1217 : memref<1x104x128xf32, #tpu.memory_space<vmem>> -> memref<104x128xf32, #tpu.memory_space<vmem>>
        tpu.vector_store_idx %scatter3A_1218[%get3A_1160, %add3A_1207], %gather3A_1213 : memref<104x128xf32, #tpu.memory_space<vmem>>[vector<16xi32>, vector<16xi32>], vector<16xf32>,
        %add3A_1219 = vector.broadcast %mul3A_1168 : i32 to vector<16xi32>
        %add3A_1220 = arith.addi %add3A_1219, %select_n3A_118 : vector<16xi32>
        %gather3A_1221 = arith.constant 1 : i32
        %gather3A_1222 = arith.constant 0 : i32
        %gather3A_1223 = arith.constant 0 : i32
        %gather3A_1224 = tpu.memref_slice %arg8[%gather3A_1221, %gather3A_1222, %gather3A_1223] : memref<2x128x128xf32, #tpu.memory_space<vmem>> -> memref<1x128x128xf32, #tpu.memory_space<vmem>>
        %gather3A_1225 = tpu.memref_squeeze %gather3A_1224 : memref<1x128x128xf32, #tpu.memory_space<vmem>> -> memref<128x128xf32, #tpu.memory_space<vmem>>
        %gather3A_1226 = tpu.vector_load_idx %gather3A_1225[%add3A_1220, %add3A_1155] : memref<128x128xf32, #tpu.memory_space<vmem>>[vector<16xi32>, vector<16xi32>], vector<16xf32>,
        %scatter3A_1227 = arith.constant 1 : i32
        %scatter3A_1228 = arith.constant 0 : i32
        %scatter3A_1229 = arith.constant 0 : i32
        %scatter3A_1230 = tpu.memref_slice %arg9[%scatter3A_1227, %scatter3A_1228, %scatter3A_1229] : memref<2x104x128xf32, #tpu.memory_space<vmem>> -> memref<1x104x128xf32, #tpu.memory_space<vmem>>
        %scatter3A_1231 = tpu.memref_squeeze %scatter3A_1230 : memref<1x104x128xf32, #tpu.memory_space<vmem>> -> memref<104x128xf32, #tpu.memory_space<vmem>>
        tpu.vector_store_idx %scatter3A_1231[%get3A_1160, %add3A_1220], %gather3A_1226 : memref<104x128xf32, #tpu.memory_space<vmem>>[vector<16xi32>, vector<16xi32>], vector<16xf32>,
        %add3A_1232 = vector.broadcast %mul3A_1168 : i32 to vector<16xi32>
        %add3A_1233 = arith.addi %add3A_1232, %select_n3A_143 : vector<16xi32>
        %gather3A_1234 = arith.constant 1 : i32
        %gather3A_1235 = arith.constant 0 : i32
        %gather3A_1236 = arith.constant 0 : i32
        %gather3A_1237 = tpu.memref_slice %arg8[%gather3A_1234, %gather3A_1235, %gather3A_1236] : memref<2x128x128xf32, #tpu.memory_space<vmem>> -> memref<1x128x128xf32, #tpu.memory_space<vmem>>
        %gather3A_1238 = tpu.memref_squeeze %gather3A_1237 : memref<1x128x128xf32, #tpu.memory_space<vmem>> -> memref<128x128xf32, #tpu.memory_space<vmem>>
        %gather3A_1239 = tpu.vector_load_idx %gather3A_1238[%add3A_1233, %add3A_1155] : memref<128x128xf32, #tpu.memory_space<vmem>>[vector<16xi32>, vector<16xi32>], vector<16xf32>,
        %scatter3A_1240 = arith.constant 1 : i32
        %scatter3A_1241 = arith.constant 0 : i32
        %scatter3A_1242 = arith.constant 0 : i32
        %scatter3A_1243 = tpu.memref_slice %arg9[%scatter3A_1240, %scatter3A_1241, %scatter3A_1242] : memref<2x104x128xf32, #tpu.memory_space<vmem>> -> memref<1x104x128xf32, #tpu.memory_space<vmem>>
        %scatter3A_1244 = tpu.memref_squeeze %scatter3A_1243 : memref<1x104x128xf32, #tpu.memory_space<vmem>> -> memref<104x128xf32, #tpu.memory_space<vmem>>
        tpu.vector_store_idx %scatter3A_1244[%get3A_1160, %add3A_1233], %gather3A_1239 : memref<104x128xf32, #tpu.memory_space<vmem>>[vector<16xi32>, vector<16xi32>], vector<16xf32>,
        %add3A_1245 = vector.broadcast %mul3A_1168 : i32 to vector<16xi32>
        %add3A_1246 = arith.addi %add3A_1245, %select_n3A_168 : vector<16xi32>
        %gather3A_1247 = arith.constant 1 : i32
        %gather3A_1248 = arith.constant 0 : i32
        %gather3A_1249 = arith.constant 0 : i32
        %gather3A_1250 = tpu.memref_slice %arg8[%gather3A_1247, %gather3A_1248, %gather3A_1249] : memref<2x128x128xf32, #tpu.memory_space<vmem>> -> memref<1x128x128xf32, #tpu.memory_space<vmem>>
        %gather3A_1251 = tpu.memref_squeeze %gather3A_1250 : memref<1x128x128xf32, #tpu.memory_space<vmem>> -> memref<128x128xf32, #tpu.memory_space<vmem>>
        %gather3A_1252 = tpu.vector_load_idx %gather3A_1251[%add3A_1246, %add3A_1155] : memref<128x128xf32, #tpu.memory_space<vmem>>[vector<16xi32>, vector<16xi32>], vector<16xf32>,
        %scatter3A_1253 = arith.constant 1 : i32
        %scatter3A_1254 = arith.constant 0 : i32
        %scatter3A_1255 = arith.constant 0 : i32
        %scatter3A_1256 = tpu.memref_slice %arg9[%scatter3A_1253, %scatter3A_1254, %scatter3A_1255] : memref<2x104x128xf32, #tpu.memory_space<vmem>> -> memref<1x104x128xf32, #tpu.memory_space<vmem>>
        %scatter3A_1257 = tpu.memref_squeeze %scatter3A_1256 : memref<1x104x128xf32, #tpu.memory_space<vmem>> -> memref<104x128xf32, #tpu.memory_space<vmem>>
        tpu.vector_store_idx %scatter3A_1257[%get3A_1160, %add3A_1246], %gather3A_1252 : memref<104x128xf32, #tpu.memory_space<vmem>>[vector<16xi32>, vector<16xi32>], vector<16xf32>,
        %add3A_1258 = vector.broadcast %mul3A_1168 : i32 to vector<16xi32>
        %add3A_1259 = arith.addi %add3A_1258, %select_n3A_193 : vector<16xi32>
        %gather3A_1260 = arith.constant 1 : i32
        %gather3A_1261 = arith.constant 0 : i32
        %gather3A_1262 = arith.constant 0 : i32
        %gather3A_1263 = tpu.memref_slice %arg8[%gather3A_1260, %gather3A_1261, %gather3A_1262] : memref<2x128x128xf32, #tpu.memory_space<vmem>> -> memref<1x128x128xf32, #tpu.memory_space<vmem>>
        %gather3A_1264 = tpu.memref_squeeze %gather3A_1263 : memref<1x128x128xf32, #tpu.memory_space<vmem>> -> memref<128x128xf32, #tpu.memory_space<vmem>>
        %gather3A_1265 = tpu.vector_load_idx %gather3A_1264[%add3A_1259, %add3A_1155] : memref<128x128xf32, #tpu.memory_space<vmem>>[vector<16xi32>, vector<16xi32>], vector<16xf32>,
        %scatter3A_1266 = arith.constant 1 : i32
        %scatter3A_1267 = arith.constant 0 : i32
        %scatter3A_1268 = arith.constant 0 : i32
        %scatter3A_1269 = tpu.memref_slice %arg9[%scatter3A_1266, %scatter3A_1267, %scatter3A_1268] : memref<2x104x128xf32, #tpu.memory_space<vmem>> -> memref<1x104x128xf32, #tpu.memory_space<vmem>>
        %scatter3A_1270 = tpu.memref_squeeze %scatter3A_1269 : memref<1x104x128xf32, #tpu.memory_space<vmem>> -> memref<104x128xf32, #tpu.memory_space<vmem>>
        tpu.vector_store_idx %scatter3A_1270[%get3A_1160, %add3A_1259], %gather3A_1265 : memref<104x128xf32, #tpu.memory_space<vmem>>[vector<16xi32>, vector<16xi32>], vector<16xf32>,
        %add3A_1271 = vector.broadcast %mul3A_1168 : i32 to vector<16xi32>
        %add3A_1272 = arith.addi %add3A_1271, %select_n3A_218 : vector<16xi32>
        %gather3A_1273 = arith.constant 1 : i32
        %gather3A_1274 = arith.constant 0 : i32
        %gather3A_1275 = arith.constant 0 : i32
        %gather3A_1276 = tpu.memref_slice %arg8[%gather3A_1273, %gather3A_1274, %gather3A_1275] : memref<2x128x128xf32, #tpu.memory_space<vmem>> -> memref<1x128x128xf32, #tpu.memory_space<vmem>>
        %gather3A_1277 = tpu.memref_squeeze %gather3A_1276 : memref<1x128x128xf32, #tpu.memory_space<vmem>> -> memref<128x128xf32, #tpu.memory_space<vmem>>
        %gather3A_1278 = tpu.vector_load_idx %gather3A_1277[%add3A_1272, %add3A_1155] : memref<128x128xf32, #tpu.memory_space<vmem>>[vector<16xi32>, vector<16xi32>], vector<16xf32>,
        %scatter3A_1279 = arith.constant 1 : i32
        %scatter3A_1280 = arith.constant 0 : i32
        %scatter3A_1281 = arith.constant 0 : i32
        %scatter3A_1282 = tpu.memref_slice %arg9[%scatter3A_1279, %scatter3A_1280, %scatter3A_1281] : memref<2x104x128xf32, #tpu.memory_space<vmem>> -> memref<1x104x128xf32, #tpu.memory_space<vmem>>
        %scatter3A_1283 = tpu.memref_squeeze %scatter3A_1282 : memref<1x104x128xf32, #tpu.memory_space<vmem>> -> memref<104x128xf32, #tpu.memory_space<vmem>>
        tpu.vector_store_idx %scatter3A_1283[%get3A_1160, %add3A_1272], %gather3A_1278 : memref<104x128xf32, #tpu.memory_space<vmem>>[vector<16xi32>, vector<16xi32>], vector<16xf32>,
        %add3A_1284 = vector.broadcast %mul3A_1168 : i32 to vector<16xi32>
        %add3A_1285 = arith.addi %add3A_1284, %select_n3A_243 : vector<16xi32>
        %gather3A_1286 = arith.constant 1 : i32
        %gather3A_1287 = arith.constant 0 : i32
        %gather3A_1288 = arith.constant 0 : i32
        %gather3A_1289 = tpu.memref_slice %arg8[%gather3A_1286, %gather3A_1287, %gather3A_1288] : memref<2x128x128xf32, #tpu.memory_space<vmem>> -> memref<1x128x128xf32, #tpu.memory_space<vmem>>
        %gather3A_1290 = tpu.memref_squeeze %gather3A_1289 : memref<1x128x128xf32, #tpu.memory_space<vmem>> -> memref<128x128xf32, #tpu.memory_space<vmem>>
        %gather3A_1291 = tpu.vector_load_idx %gather3A_1290[%add3A_1285, %add3A_1155] : memref<128x128xf32, #tpu.memory_space<vmem>>[vector<16xi32>, vector<16xi32>], vector<16xf32>,
        %scatter3A_1292 = arith.constant 1 : i32
        %scatter3A_1293 = arith.constant 0 : i32
        %scatter3A_1294 = arith.constant 0 : i32
        %scatter3A_1295 = tpu.memref_slice %arg9[%scatter3A_1292, %scatter3A_1293, %scatter3A_1294] : memref<2x104x128xf32, #tpu.memory_space<vmem>> -> memref<1x104x128xf32, #tpu.memory_space<vmem>>
        %scatter3A_1296 = tpu.memref_squeeze %scatter3A_1295 : memref<1x104x128xf32, #tpu.memory_space<vmem>> -> memref<104x128xf32, #tpu.memory_space<vmem>>
        tpu.vector_store_idx %scatter3A_1296[%get3A_1160, %add3A_1285], %gather3A_1291 : memref<104x128xf32, #tpu.memory_space<vmem>>[vector<16xi32>, vector<16xi32>], vector<16xf32>,
        %add3A_1297 = vector.broadcast %mul3A_1168 : i32 to vector<16xi32>
        %add3A_1298 = arith.addi %add3A_1297, %select_n3A_268 : vector<16xi32>
        %gather3A_1299 = arith.constant 1 : i32
        %gather3A_1300 = arith.constant 0 : i32
        %gather3A_1301 = arith.constant 0 : i32
        %gather3A_1302 = tpu.memref_slice %arg8[%gather3A_1299, %gather3A_1300, %gather3A_1301] : memref<2x128x128xf32, #tpu.memory_space<vmem>> -> memref<1x128x128xf32, #tpu.memory_space<vmem>>
        %gather3A_1303 = tpu.memref_squeeze %gather3A_1302 : memref<1x128x128xf32, #tpu.memory_space<vmem>> -> memref<128x128xf32, #tpu.memory_space<vmem>>
        %gather3A_1304 = tpu.vector_load_idx %gather3A_1303[%add3A_1298, %add3A_1155] : memref<128x128xf32, #tpu.memory_space<vmem>>[vector<16xi32>, vector<16xi32>], vector<16xf32>,
        %scatter3A_1305 = arith.constant 1 : i32
        %scatter3A_1306 = arith.constant 0 : i32
        %scatter3A_1307 = arith.constant 0 : i32
        %scatter3A_1308 = tpu.memref_slice %arg9[%scatter3A_1305, %scatter3A_1306, %scatter3A_1307] : memref<2x104x128xf32, #tpu.memory_space<vmem>> -> memref<1x104x128xf32, #tpu.memory_space<vmem>>
        %scatter3A_1309 = tpu.memref_squeeze %scatter3A_1308 : memref<1x104x128xf32, #tpu.memory_space<vmem>> -> memref<104x128xf32, #tpu.memory_space<vmem>>
        tpu.vector_store_idx %scatter3A_1309[%get3A_1160, %add3A_1298], %gather3A_1304 : memref<104x128xf32, #tpu.memory_space<vmem>>[vector<16xi32>, vector<16xi32>], vector<16xf32>,
        %add3A_1310 = vector.broadcast %mul3A_1168 : i32 to vector<16xi32>
        %add3A_1311 = arith.addi %add3A_1310, %select_n3A_293 : vector<16xi32>
        %gather3A_1312 = arith.constant 1 : i32
        %gather3A_1313 = arith.constant 0 : i32
        %gather3A_1314 = arith.constant 0 : i32
        %gather3A_1315 = tpu.memref_slice %arg8[%gather3A_1312, %gather3A_1313, %gather3A_1314] : memref<2x128x128xf32, #tpu.memory_space<vmem>> -> memref<1x128x128xf32, #tpu.memory_space<vmem>>
        %gather3A_1316 = tpu.memref_squeeze %gather3A_1315 : memref<1x128x128xf32, #tpu.memory_space<vmem>> -> memref<128x128xf32, #tpu.memory_space<vmem>>
        %gather3A_1317 = tpu.vector_load_idx %gather3A_1316[%add3A_1311, %add3A_1155] : memref<128x128xf32, #tpu.memory_space<vmem>>[vector<16xi32>, vector<16xi32>], vector<16xf32>,
        %scatter3A_1318 = arith.constant 1 : i32
        %scatter3A_1319 = arith.constant 0 : i32
        %scatter3A_1320 = arith.constant 0 : i32
        %scatter3A_1321 = tpu.memref_slice %arg9[%scatter3A_1318, %scatter3A_1319, %scatter3A_1320] : memref<2x104x128xf32, #tpu.memory_space<vmem>> -> memref<1x104x128xf32, #tpu.memory_space<vmem>>
        %scatter3A_1322 = tpu.memref_squeeze %scatter3A_1321 : memref<1x104x128xf32, #tpu.memory_space<vmem>> -> memref<104x128xf32, #tpu.memory_space<vmem>>
        tpu.vector_store_idx %scatter3A_1322[%get3A_1160, %add3A_1311], %gather3A_1317 : memref<104x128xf32, #tpu.memory_space<vmem>>[vector<16xi32>, vector<16xi32>], vector<16xf32>,
        %add3A_1323 = vector.broadcast %mul3A_1168 : i32 to vector<16xi32>
        %add3A_1324 = arith.addi %add3A_1323, %select_n3A_318 : vector<16xi32>
        %gather3A_1325 = arith.constant 1 : i32
        %gather3A_1326 = arith.constant 0 : i32
        %gather3A_1327 = arith.constant 0 : i32
        %gather3A_1328 = tpu.memref_slice %arg8[%gather3A_1325, %gather3A_1326, %gather3A_1327] : memref<2x128x128xf32, #tpu.memory_space<vmem>> -> memref<1x128x128xf32, #tpu.memory_space<vmem>>
        %gather3A_1329 = tpu.memref_squeeze %gather3A_1328 : memref<1x128x128xf32, #tpu.memory_space<vmem>> -> memref<128x128xf32, #tpu.memory_space<vmem>>
        %gather3A_1330 = tpu.vector_load_idx %gather3A_1329[%add3A_1324, %add3A_1155] : memref<128x128xf32, #tpu.memory_space<vmem>>[vector<16xi32>, vector<16xi32>], vector<16xf32>,
        %scatter3A_1331 = arith.constant 1 : i32
        %scatter3A_1332 = arith.constant 0 : i32
        %scatter3A_1333 = arith.constant 0 : i32
        %scatter3A_1334 = tpu.memref_slice %arg9[%scatter3A_1331, %scatter3A_1332, %scatter3A_1333] : memref<2x104x128xf32, #tpu.memory_space<vmem>> -> memref<1x104x128xf32, #tpu.memory_space<vmem>>
        %scatter3A_1335 = tpu.memref_squeeze %scatter3A_1334 : memref<1x104x128xf32, #tpu.memory_space<vmem>> -> memref<104x128xf32, #tpu.memory_space<vmem>>
        tpu.vector_store_idx %scatter3A_1335[%get3A_1160, %add3A_1324], %gather3A_1330 : memref<104x128xf32, #tpu.memory_space<vmem>>[vector<16xi32>, vector<16xi32>], vector<16xf32>,
        %add3A_1336 = vector.broadcast %mul3A_1168 : i32 to vector<16xi32>
        %add3A_1337 = arith.addi %add3A_1336, %select_n3A_343 : vector<16xi32>
        %gather3A_1338 = arith.constant 1 : i32
        %gather3A_1339 = arith.constant 0 : i32
        %gather3A_1340 = arith.constant 0 : i32
        %gather3A_1341 = tpu.memref_slice %arg8[%gather3A_1338, %gather3A_1339, %gather3A_1340] : memref<2x128x128xf32, #tpu.memory_space<vmem>> -> memref<1x128x128xf32, #tpu.memory_space<vmem>>
        %gather3A_1342 = tpu.memref_squeeze %gather3A_1341 : memref<1x128x128xf32, #tpu.memory_space<vmem>> -> memref<128x128xf32, #tpu.memory_space<vmem>>
        %gather3A_1343 = tpu.vector_load_idx %gather3A_1342[%add3A_1337, %add3A_1155] : memref<128x128xf32, #tpu.memory_space<vmem>>[vector<16xi32>, vector<16xi32>], vector<16xf32>,
        %scatter3A_1344 = arith.constant 1 : i32
        %scatter3A_1345 = arith.constant 0 : i32
        %scatter3A_1346 = arith.constant 0 : i32
        %scatter3A_1347 = tpu.memref_slice %arg9[%scatter3A_1344, %scatter3A_1345, %scatter3A_1346] : memref<2x104x128xf32, #tpu.memory_space<vmem>> -> memref<1x104x128xf32, #tpu.memory_space<vmem>>
        %scatter3A_1348 = tpu.memref_squeeze %scatter3A_1347 : memref<1x104x128xf32, #tpu.memory_space<vmem>> -> memref<104x128xf32, #tpu.memory_space<vmem>>
        tpu.vector_store_idx %scatter3A_1348[%get3A_1160, %add3A_1337], %gather3A_1343 : memref<104x128xf32, #tpu.memory_space<vmem>>[vector<16xi32>, vector<16xi32>], vector<16xf32>,
        %add3A_1349 = vector.broadcast %mul3A_1168 : i32 to vector<16xi32>
        %add3A_1350 = arith.addi %add3A_1349, %select_n3A_368 : vector<16xi32>
        %gather3A_1351 = arith.constant 1 : i32
        %gather3A_1352 = arith.constant 0 : i32
        %gather3A_1353 = arith.constant 0 : i32
        %gather3A_1354 = tpu.memref_slice %arg8[%gather3A_1351, %gather3A_1352, %gather3A_1353] : memref<2x128x128xf32, #tpu.memory_space<vmem>> -> memref<1x128x128xf32, #tpu.memory_space<vmem>>
        %gather3A_1355 = tpu.memref_squeeze %gather3A_1354 : memref<1x128x128xf32, #tpu.memory_space<vmem>> -> memref<128x128xf32, #tpu.memory_space<vmem>>
        %gather3A_1356 = tpu.vector_load_idx %gather3A_1355[%add3A_1350, %add3A_1155] : memref<128x128xf32, #tpu.memory_space<vmem>>[vector<16xi32>, vector<16xi32>], vector<16xf32>,
        %scatter3A_1357 = arith.constant 1 : i32
        %scatter3A_1358 = arith.constant 0 : i32
        %scatter3A_1359 = arith.constant 0 : i32
        %scatter3A_1360 = tpu.memref_slice %arg9[%scatter3A_1357, %scatter3A_1358, %scatter3A_1359] : memref<2x104x128xf32, #tpu.memory_space<vmem>> -> memref<1x104x128xf32, #tpu.memory_space<vmem>>
        %scatter3A_1361 = tpu.memref_squeeze %scatter3A_1360 : memref<1x104x128xf32, #tpu.memory_space<vmem>> -> memref<104x128xf32, #tpu.memory_space<vmem>>
        tpu.vector_store_idx %scatter3A_1361[%get3A_1160, %add3A_1350], %gather3A_1356 : memref<104x128xf32, #tpu.memory_space<vmem>>[vector<16xi32>, vector<16xi32>], vector<16xf32>,
        %add3A_1362 = vector.broadcast %mul3A_1168 : i32 to vector<16xi32>
        %add3A_1363 = arith.addi %add3A_1362, %select_n3A_393 : vector<16xi32>
        %gather3A_1364 = arith.constant 1 : i32
        %gather3A_1365 = arith.constant 0 : i32
        %gather3A_1366 = arith.constant 0 : i32
        %gather3A_1367 = tpu.memref_slice %arg8[%gather3A_1364, %gather3A_1365, %gather3A_1366] : memref<2x128x128xf32, #tpu.memory_space<vmem>> -> memref<1x128x128xf32, #tpu.memory_space<vmem>>
        %gather3A_1368 = tpu.memref_squeeze %gather3A_1367 : memref<1x128x128xf32, #tpu.memory_space<vmem>> -> memref<128x128xf32, #tpu.memory_space<vmem>>
        %gather3A_1369 = tpu.vector_load_idx %gather3A_1368[%add3A_1363, %add3A_1155] : memref<128x128xf32, #tpu.memory_space<vmem>>[vector<16xi32>, vector<16xi32>], vector<16xf32>,
        %scatter3A_1370 = arith.constant 1 : i32
        %scatter3A_1371 = arith.constant 0 : i32
        %scatter3A_1372 = arith.constant 0 : i32
        %scatter3A_1373 = tpu.memref_slice %arg9[%scatter3A_1370, %scatter3A_1371, %scatter3A_1372] : memref<2x104x128xf32, #tpu.memory_space<vmem>> -> memref<1x104x128xf32, #tpu.memory_space<vmem>>
        %scatter3A_1374 = tpu.memref_squeeze %scatter3A_1373 : memref<1x104x128xf32, #tpu.memory_space<vmem>> -> memref<104x128xf32, #tpu.memory_space<vmem>>
        tpu.vector_store_idx %scatter3A_1374[%get3A_1160, %add3A_1363], %gather3A_1369 : memref<104x128xf32, #tpu.memory_space<vmem>>[vector<16xi32>, vector<16xi32>], vector<16xf32>,
      }
      %scan3A_1165 = arith.constant 8 : i32
    }
    %scan3A_869 = arith.constant 8 : i32
    %jit3A_870 = arith.constant false
    %jit3A_871 = arith.constant -41 : i32
    %jit3A_872 = arith.constant 1 : i32
    %select_n3A_873 = arith.select %jit3A_870, %jit3A_871, %jit3A_872 : i32
    %mul3A_874 = arith.constant 42 : i32
    %mul3A_875 = arith.muli %add3A, %mul3A_874 : i32
    %add3A_876 = arith.addi %mul3A_875, %select_n3A_873 : i32
    %jit3A_877 = arith.constant 192 : i32
    %div3A_878 = arith.divsi %add3A_876, %jit3A_877 : i32
    %sign3A_879 = arith.constant 0 : i32
    %sign3A_880 = arith.cmpi sgt, %add3A_876, %sign3A_879 : i32
    %sign3A_881 = arith.extui %sign3A_880 : i1 to i32
    %sign3A_882 = arith.constant 0 : i32
    %sign3A_883 = arith.cmpi slt, %add3A_876, %sign3A_882 : i32
    %sign3A_884 = arith.extui %sign3A_883 : i1 to i32
    %sign3A_885 = arith.subi %sign3A_881, %sign3A_884 : i32
    %sign3A_886 = arith.constant 0 : i32
    %sign3A_887 = arith.cmpi sgt, %jit3A_877, %sign3A_886 : i32
    %sign3A_888 = arith.extui %sign3A_887 : i1 to i32
    %sign3A_889 = arith.constant 0 : i32
    %sign3A_890 = arith.cmpi slt, %jit3A_877, %sign3A_889 : i32
    %sign3A_891 = arith.extui %sign3A_890 : i1 to i32
    %sign3A_892 = arith.subi %sign3A_888, %sign3A_891 : i32
    %ne3A_893 = arith.cmpi ne, %sign3A_885, %sign3A_892 : i32
    %rem3A_894 = arith.remsi %add3A_876, %jit3A_877 : i32
    %ne3A_895 = arith.constant 0 : i32
    %ne3A_896 = arith.cmpi ne, %rem3A_894, %ne3A_895 : i32
    %and3A_897 = arith.andi %ne3A_893, %ne3A_896 : i1
    %sub3A_898 = arith.constant 1 : i32
    %sub3A_899 = arith.subi %div3A_878, %sub3A_898 : i32
    %select_n3A_900 = arith.select %and3A_897, %sub3A_899, %div3A_878 : i32
    %jit3A_901 = arith.constant 192 : i32
    %eq3A_902 = arith.constant 0 : i32
    %eq3A_903 = arith.cmpi eq, %jit3A_901, %eq3A_902 : i32
    %jit3A_904 = arith.constant 1 : i32
    %select_n3A_905 = arith.select %eq3A_903, %jit3A_904, %jit3A_901 : i32
    %rem3A_906 = arith.remsi %add3A_876, %select_n3A_905 : i32
    %ne3A_907 = arith.constant 0 : i32
    %ne3A_908 = arith.cmpi ne, %rem3A_906, %ne3A_907 : i32
    %lt3A_909 = arith.constant 0 : i32
    %lt3A_910 = arith.cmpi slt, %rem3A_906, %lt3A_909 : i32
    %lt3A_911 = arith.constant 0 : i32
    %lt3A_912 = arith.cmpi slt, %select_n3A_905, %lt3A_911 : i32
    %ne3A_913 = arith.xori %lt3A_910, %lt3A_912 : i1
    %and3A_914 = arith.andi %ne3A_913, %ne3A_908 : i1
    %add3A_915 = arith.addi %rem3A_906, %select_n3A_905 : i32
    %select_n3A_916 = arith.select %and3A_914, %add3A_915, %rem3A_906 : i32
    %get3A_917 = arith.index_cast %select_n3A_900 : i32 to index
    %get3A_918 = arith.constant 0 : index
    %get3A_919 = tpu.vector_load %arg6[%get3A_917, %get3A_918] {strides = array<i32>} : memref<7x128xi32, #tpu.memory_space<vmem>>, vector<16xi32>,
    %mul3A_920 = arith.constant 192 : i32
    %mul3A_921 = vector.broadcast %mul3A_920 : i32 to vector<16xi32>
    %mul3A_922 = arith.muli %get3A_919, %mul3A_921 : vector<16xi32>
    %add3A_923 = vector.broadcast %select_n3A_916 : i32 to vector<16xi32>
    %add3A_924 = arith.addi %mul3A_922, %add3A_923 : vector<16xi32>
    %dma_start3A_925 = arith.constant 1 : i32
    %dma_start3A_926 = arith.constant 0 : i32
    %dma_start3A_927 = arith.constant 0 : i32
    %dma_start3A_928 = tpu.memref_slice %arg9[%dma_start3A_925, %dma_start3A_926, %dma_start3A_927] : memref<2x104x128xf32, #tpu.memory_space<vmem>> -> memref<1x16x128xf32, #tpu.memory_space<vmem>>
    %dma_start3A_929 = tpu.memref_squeeze %dma_start3A_928 : memref<1x16x128xf32, #tpu.memory_space<vmem>> -> memref<16x128xf32, #tpu.memory_space<vmem>>
    %dma_start3A_930 = arith.constant 0 : i32
    %dma_start3A_931 = arith.constant 0 : i32
    %dma_start3A_932 = tpu.memref_slice %arg5[%dma_start3A_930, %dma_start3A_931] : memref<129024x128xf32, #tpu.memory_space<hbm>> -> memref<129024x128xf32, #tpu.memory_space<hbm>>
    tpu.enqueue_indirect_dma source(%dma_start3A_929 : memref<16x128xf32, #tpu.memory_space<vmem>>) target(%dma_start3A_932 : memref<129024x128xf32, #tpu.memory_space<hbm>>) offsets(%add3A_924 : vector<16xi32>) semaphore(%arg11 : memref<!tpu.dma_semaphore, #tpu.memory_space<semaphore_mem>>)
    %get3A_933 = arith.index_cast %select_n3A_900 : i32 to index
    %get3A_934 = arith.constant 16 : index
    %get3A_935 = tpu.vector_load %arg6[%get3A_933, %get3A_934] {strides = array<i32>} : memref<7x128xi32, #tpu.memory_space<vmem>>, vector<16xi32>,
    %mul3A_936 = arith.constant 192 : i32
    %mul3A_937 = vector.broadcast %mul3A_936 : i32 to vector<16xi32>
    %mul3A_938 = arith.muli %get3A_935, %mul3A_937 : vector<16xi32>
    %add3A_939 = vector.broadcast %select_n3A_916 : i32 to vector<16xi32>
    %add3A_940 = arith.addi %mul3A_938, %add3A_939 : vector<16xi32>
    %dma_start3A_941 = arith.constant 1 : i32
    %dma_start3A_942 = arith.constant 16 : i32
    %dma_start3A_943 = arith.constant 0 : i32
    %dma_start3A_944 = tpu.memref_slice %arg9[%dma_start3A_941, %dma_start3A_942, %dma_start3A_943] : memref<2x104x128xf32, #tpu.memory_space<vmem>> -> memref<1x16x128xf32, #tpu.memory_space<vmem>>
    %dma_start3A_945 = tpu.memref_squeeze %dma_start3A_944 : memref<1x16x128xf32, #tpu.memory_space<vmem>> -> memref<16x128xf32, #tpu.memory_space<vmem>>
    %dma_start3A_946 = arith.constant 0 : i32
    %dma_start3A_947 = arith.constant 0 : i32
    %dma_start3A_948 = tpu.memref_slice %arg5[%dma_start3A_946, %dma_start3A_947] : memref<129024x128xf32, #tpu.memory_space<hbm>> -> memref<129024x128xf32, #tpu.memory_space<hbm>>
    tpu.enqueue_indirect_dma source(%dma_start3A_945 : memref<16x128xf32, #tpu.memory_space<vmem>>) target(%dma_start3A_948 : memref<129024x128xf32, #tpu.memory_space<hbm>>) offsets(%add3A_940 : vector<16xi32>) semaphore(%arg11 : memref<!tpu.dma_semaphore, #tpu.memory_space<semaphore_mem>>)
    %get3A_949 = arith.index_cast %select_n3A_900 : i32 to index
    %get3A_950 = arith.constant 32 : index
    %get3A_951 = tpu.vector_load %arg6[%get3A_949, %get3A_950] {strides = array<i32>} : memref<7x128xi32, #tpu.memory_space<vmem>>, vector<16xi32>,
    %mul3A_952 = arith.constant 192 : i32
    %mul3A_953 = vector.broadcast %mul3A_952 : i32 to vector<16xi32>
    %mul3A_954 = arith.muli %get3A_951, %mul3A_953 : vector<16xi32>
    %add3A_955 = vector.broadcast %select_n3A_916 : i32 to vector<16xi32>
    %add3A_956 = arith.addi %mul3A_954, %add3A_955 : vector<16xi32>
    %dma_start3A_957 = arith.constant 1 : i32
    %dma_start3A_958 = arith.constant 32 : i32
    %dma_start3A_959 = arith.constant 0 : i32
    %dma_start3A_960 = tpu.memref_slice %arg9[%dma_start3A_957, %dma_start3A_958, %dma_start3A_959] : memref<2x104x128xf32, #tpu.memory_space<vmem>> -> memref<1x16x128xf32, #tpu.memory_space<vmem>>
    %dma_start3A_961 = tpu.memref_squeeze %dma_start3A_960 : memref<1x16x128xf32, #tpu.memory_space<vmem>> -> memref<16x128xf32, #tpu.memory_space<vmem>>
    %dma_start3A_962 = arith.constant 0 : i32
    %dma_start3A_963 = arith.constant 0 : i32
    %dma_start3A_964 = tpu.memref_slice %arg5[%dma_start3A_962, %dma_start3A_963] : memref<129024x128xf32, #tpu.memory_space<hbm>> -> memref<129024x128xf32, #tpu.memory_space<hbm>>
    tpu.enqueue_indirect_dma source(%dma_start3A_961 : memref<16x128xf32, #tpu.memory_space<vmem>>) target(%dma_start3A_964 : memref<129024x128xf32, #tpu.memory_space<hbm>>) offsets(%add3A_956 : vector<16xi32>) semaphore(%arg11 : memref<!tpu.dma_semaphore, #tpu.memory_space<semaphore_mem>>)
    %get3A_965 = arith.index_cast %select_n3A_900 : i32 to index
    %get3A_966 = arith.constant 48 : index
    %get3A_967 = tpu.vector_load %arg6[%get3A_965, %get3A_966] {strides = array<i32>} : memref<7x128xi32, #tpu.memory_space<vmem>>, vector<16xi32>,
    %mul3A_968 = arith.constant 192 : i32
    %mul3A_969 = vector.broadcast %mul3A_968 : i32 to vector<16xi32>
    %mul3A_970 = arith.muli %get3A_967, %mul3A_969 : vector<16xi32>
    %add3A_971 = vector.broadcast %select_n3A_916 : i32 to vector<16xi32>
    %add3A_972 = arith.addi %mul3A_970, %add3A_971 : vector<16xi32>
    %dma_start3A_973 = arith.constant 1 : i32
    %dma_start3A_974 = arith.constant 48 : i32
    %dma_start3A_975 = arith.constant 0 : i32
    %dma_start3A_976 = tpu.memref_slice %arg9[%dma_start3A_973, %dma_start3A_974, %dma_start3A_975] : memref<2x104x128xf32, #tpu.memory_space<vmem>> -> memref<1x16x128xf32, #tpu.memory_space<vmem>>
    %dma_start3A_977 = tpu.memref_squeeze %dma_start3A_976 : memref<1x16x128xf32, #tpu.memory_space<vmem>> -> memref<16x128xf32, #tpu.memory_space<vmem>>
    %dma_start3A_978 = arith.constant 0 : i32
    %dma_start3A_979 = arith.constant 0 : i32
    %dma_start3A_980 = tpu.memref_slice %arg5[%dma_start3A_978, %dma_start3A_979] : memref<129024x128xf32, #tpu.memory_space<hbm>> -> memref<129024x128xf32, #tpu.memory_space<hbm>>
    tpu.enqueue_indirect_dma source(%dma_start3A_977 : memref<16x128xf32, #tpu.memory_space<vmem>>) target(%dma_start3A_980 : memref<129024x128xf32, #tpu.memory_space<hbm>>) offsets(%add3A_972 : vector<16xi32>) semaphore(%arg11 : memref<!tpu.dma_semaphore, #tpu.memory_space<semaphore_mem>>)
    %get3A_981 = arith.index_cast %select_n3A_900 : i32 to index
    %get3A_982 = arith.constant 64 : index
    %get3A_983 = tpu.vector_load %arg6[%get3A_981, %get3A_982] {strides = array<i32>} : memref<7x128xi32, #tpu.memory_space<vmem>>, vector<16xi32>,
    %mul3A_984 = arith.constant 192 : i32
    %mul3A_985 = vector.broadcast %mul3A_984 : i32 to vector<16xi32>
    %mul3A_986 = arith.muli %get3A_983, %mul3A_985 : vector<16xi32>
    %add3A_987 = vector.broadcast %select_n3A_916 : i32 to vector<16xi32>
    %add3A_988 = arith.addi %mul3A_986, %add3A_987 : vector<16xi32>
    %dma_start3A_989 = arith.constant 1 : i32
    %dma_start3A_990 = arith.constant 64 : i32
    %dma_start3A_991 = arith.constant 0 : i32
    %dma_start3A_992 = tpu.memref_slice %arg9[%dma_start3A_989, %dma_start3A_990, %dma_start3A_991] : memref<2x104x128xf32, #tpu.memory_space<vmem>> -> memref<1x16x128xf32, #tpu.memory_space<vmem>>
    %dma_start3A_993 = tpu.memref_squeeze %dma_start3A_992 : memref<1x16x128xf32, #tpu.memory_space<vmem>> -> memref<16x128xf32, #tpu.memory_space<vmem>>
    %dma_start3A_994 = arith.constant 0 : i32
    %dma_start3A_995 = arith.constant 0 : i32
    %dma_start3A_996 = tpu.memref_slice %arg5[%dma_start3A_994, %dma_start3A_995] : memref<129024x128xf32, #tpu.memory_space<hbm>> -> memref<129024x128xf32, #tpu.memory_space<hbm>>
    tpu.enqueue_indirect_dma source(%dma_start3A_993 : memref<16x128xf32, #tpu.memory_space<vmem>>) target(%dma_start3A_996 : memref<129024x128xf32, #tpu.memory_space<hbm>>) offsets(%add3A_988 : vector<16xi32>) semaphore(%arg11 : memref<!tpu.dma_semaphore, #tpu.memory_space<semaphore_mem>>)
    %get3A_997 = arith.index_cast %select_n3A_900 : i32 to index
    %get3A_998 = arith.constant 80 : index
    %get3A_999 = tpu.vector_load %arg6[%get3A_997, %get3A_998] {strides = array<i32>} : memref<7x128xi32, #tpu.memory_space<vmem>>, vector<16xi32>,
    %mul3A_1000 = arith.constant 192 : i32
    %mul3A_1001 = vector.broadcast %mul3A_1000 : i32 to vector<16xi32>
    %mul3A_1002 = arith.muli %get3A_999, %mul3A_1001 : vector<16xi32>
    %add3A_1003 = vector.broadcast %select_n3A_916 : i32 to vector<16xi32>
    %add3A_1004 = arith.addi %mul3A_1002, %add3A_1003 : vector<16xi32>
    %dma_start3A_1005 = arith.constant 1 : i32
    %dma_start3A_1006 = arith.constant 80 : i32
    %dma_start3A_1007 = arith.constant 0 : i32
    %dma_start3A_1008 = tpu.memref_slice %arg9[%dma_start3A_1005, %dma_start3A_1006, %dma_start3A_1007] : memref<2x104x128xf32, #tpu.memory_space<vmem>> -> memref<1x16x128xf32, #tpu.memory_space<vmem>>
    %dma_start3A_1009 = tpu.memref_squeeze %dma_start3A_1008 : memref<1x16x128xf32, #tpu.memory_space<vmem>> -> memref<16x128xf32, #tpu.memory_space<vmem>>
    %dma_start3A_1010 = arith.constant 0 : i32
    %dma_start3A_1011 = arith.constant 0 : i32
    %dma_start3A_1012 = tpu.memref_slice %arg5[%dma_start3A_1010, %dma_start3A_1011] : memref<129024x128xf32, #tpu.memory_space<hbm>> -> memref<129024x128xf32, #tpu.memory_space<hbm>>
    tpu.enqueue_indirect_dma source(%dma_start3A_1009 : memref<16x128xf32, #tpu.memory_space<vmem>>) target(%dma_start3A_1012 : memref<129024x128xf32, #tpu.memory_space<hbm>>) offsets(%add3A_1004 : vector<16xi32>) semaphore(%arg11 : memref<!tpu.dma_semaphore, #tpu.memory_space<semaphore_mem>>)
    %jit3A_1013 = arith.constant false
    %jit3A_1014 = arith.constant -39 : i32
    %jit3A_1015 = arith.constant 3 : i32
    %select_n3A_1016 = arith.select %jit3A_1013, %jit3A_1014, %jit3A_1015 : i32
    %mul3A_1017 = arith.constant 42 : i32
    %mul3A_1018 = arith.muli %add3A, %mul3A_1017 : i32
    %add3A_1019 = arith.addi %mul3A_1018, %select_n3A_1016 : i32
    %jit3A_1020 = arith.constant 192 : i32
    %div3A_1021 = arith.divsi %add3A_1019, %jit3A_1020 : i32
    %sign3A_1022 = arith.constant 0 : i32
    %sign3A_1023 = arith.cmpi sgt, %add3A_1019, %sign3A_1022 : i32
    %sign3A_1024 = arith.extui %sign3A_1023 : i1 to i32
    %sign3A_1025 = arith.constant 0 : i32
    %sign3A_1026 = arith.cmpi slt, %add3A_1019, %sign3A_1025 : i32
    %sign3A_1027 = arith.extui %sign3A_1026 : i1 to i32
    %sign3A_1028 = arith.subi %sign3A_1024, %sign3A_1027 : i32
    %sign3A_1029 = arith.constant 0 : i32
    %sign3A_1030 = arith.cmpi sgt, %jit3A_1020, %sign3A_1029 : i32
    %sign3A_1031 = arith.extui %sign3A_1030 : i1 to i32
    %sign3A_1032 = arith.constant 0 : i32
    %sign3A_1033 = arith.cmpi slt, %jit3A_1020, %sign3A_1032 : i32
    %sign3A_1034 = arith.extui %sign3A_1033 : i1 to i32
    %sign3A_1035 = arith.subi %sign3A_1031, %sign3A_1034 : i32
    %ne3A_1036 = arith.cmpi ne, %sign3A_1028, %sign3A_1035 : i32
    %rem3A_1037 = arith.remsi %add3A_1019, %jit3A_1020 : i32
    %ne3A_1038 = arith.constant 0 : i32
    %ne3A_1039 = arith.cmpi ne, %rem3A_1037, %ne3A_1038 : i32
    %and3A_1040 = arith.andi %ne3A_1036, %ne3A_1039 : i1
    %sub3A_1041 = arith.constant 1 : i32
    %sub3A_1042 = arith.subi %div3A_1021, %sub3A_1041 : i32
    %select_n3A_1043 = arith.select %and3A_1040, %sub3A_1042, %div3A_1021 : i32
    %jit3A_1044 = arith.constant 192 : i32
    %eq3A_1045 = arith.constant 0 : i32
    %eq3A_1046 = arith.cmpi eq, %jit3A_1044, %eq3A_1045 : i32
    %jit3A_1047 = arith.constant 1 : i32
    %select_n3A_1048 = arith.select %eq3A_1046, %jit3A_1047, %jit3A_1044 : i32
    %rem3A_1049 = arith.remsi %add3A_1019, %select_n3A_1048 : i32
    %ne3A_1050 = arith.constant 0 : i32
    %ne3A_1051 = arith.cmpi ne, %rem3A_1049, %ne3A_1050 : i32
    %lt3A_1052 = arith.constant 0 : i32
    %lt3A_1053 = arith.cmpi slt, %rem3A_1049, %lt3A_1052 : i32
    %lt3A_1054 = arith.constant 0 : i32
    %lt3A_1055 = arith.cmpi slt, %select_n3A_1048, %lt3A_1054 : i32
    %ne3A_1056 = arith.xori %lt3A_1053, %lt3A_1055 : i1
    %and3A_1057 = arith.andi %ne3A_1056, %ne3A_1051 : i1
    %add3A_1058 = arith.addi %rem3A_1049, %select_n3A_1048 : i32
    %select_n3A_1059 = arith.select %and3A_1057, %add3A_1058, %rem3A_1049 : i32
    %add3A_1060 = arith.constant 0 : i32
    %add3A_1061 = arith.addi %select_n3A_1043, %add3A_1060 : i32
    %mul3A_1062 = arith.constant 128 : i32
    %mul3A_1063 = arith.muli %add3A_1061, %mul3A_1062 : i32
    %dma_start3A_1064 = arith.constant 1 : i32
    %dma_start3A_1065 = arith.constant 0 : i32
    %dma_start3A_1066 = arith.constant 0 : i32
    %dma_start3A_1067 = tpu.memref_slice %arg8[%dma_start3A_1064, %dma_start3A_1065, %dma_start3A_1066] : memref<2x128x128xf32, #tpu.memory_space<vmem>> -> memref<1x128x128xf32, #tpu.memory_space<vmem>>
    %dma_start3A_1068 = tpu.memref_squeeze %dma_start3A_1067 : memref<1x128x128xf32, #tpu.memory_space<vmem>> -> memref<128x128xf32, #tpu.memory_space<vmem>>
    %dma_start3A_1069 = arith.constant 0 : i32
    %dma_start3A_1070 = tpu.memref_slice %arg2[%dma_start3A_1069, %select_n3A_1059, %mul3A_1063] : memref<128x192x1024xf32, #tpu.memory_space<hbm>> -> memref<128x1x128xf32, #tpu.memory_space<hbm>>
    %dma_start3A_1071 = tpu.memref_squeeze %dma_start3A_1070 : memref<128x1x128xf32, #tpu.memory_space<hbm>> -> memref<128x128xf32, #tpu.memory_space<hbm>>
    %dma_start3A_1072 = arith.constant 0 : i32
    %dma_start3A_1073 = arith.constant 0 : i32
    %dma_start3A_1074 = tpu.memref_slice %arg8[%dma_start3A_1064, %dma_start3A_1072, %dma_start3A_1073] : memref<2x128x128xf32, #tpu.memory_space<vmem>> -> memref<1x128x128xf32, #tpu.memory_space<vmem>>
    %dma_start3A_1075 = tpu.memref_squeeze %dma_start3A_1074 : memref<1x128x128xf32, #tpu.memory_space<vmem>> -> memref<128x128xf32, #tpu.memory_space<vmem>>
    %dma_start3A_1076 = arith.constant 0 : i32
    %dma_start3A_1077 = tpu.memref_slice %arg2[%dma_start3A_1076, %select_n3A_1059, %mul3A_1063] : memref<128x192x1024xf32, #tpu.memory_space<hbm>> -> memref<128x1x128xf32, #tpu.memory_space<hbm>>
    %dma_start3A_1078 = tpu.memref_squeeze %dma_start3A_1077 : memref<128x1x128xf32, #tpu.memory_space<hbm>> -> memref<128x128xf32, #tpu.memory_space<hbm>>
    tpu.enqueue_dma source(%dma_start3A_1078 : memref<128x128xf32, #tpu.memory_space<hbm>>) target(%dma_start3A_1075 : memref<128x128xf32, #tpu.memory_space<vmem>>) target_semaphore(%arg10 : memref<!tpu.dma_semaphore, #tpu.memory_space<semaphore_mem>>)
    %scan3A_1079 = arith.constant 0 : i32
    %scan3A_1080 = arith.constant 1 : i32
    %scan3A_1081 = arith.constant 20 : i32
    %scan3A_1082 = arith.addi %scan3A_1080, %scan3A_1081 : i32
    %scan3A_1083 = arith.constant 1 : i32
    scf.for %scan3A_1151 = %scan3A_1080 to %scan3A_1082 step %scan3A_1083  : i32 {
      %mul3A_1152 = arith.constant 2 : i32
      %mul3A_1153 = arith.muli %mul3A_1152, %scan3A_1151 : i32
      %dma_wait3A_1154 = arith.constant 0 : i32
      %dma_wait3A_1155 = arith.constant 0 : i32
      %dma_wait3A_1156 = arith.constant 0 : i32
      %dma_wait3A_1157 = arith.constant 0 : i32
      %dma_wait3A_1158 = tpu.memref_slice %arg8[%dma_wait3A_1155, %dma_wait3A_1156, %dma_wait3A_1157] : memref<2x128x128xf32, #tpu.memory_space<vmem>> -> memref<1x128x128xf32, #tpu.memory_space<vmem>>
      %dma_wait3A_1159 = tpu.memref_squeeze %dma_wait3A_1158 : memref<1x128x128xf32, #tpu.memory_space<vmem>> -> memref<128x128xf32, #tpu.memory_space<vmem>>
      %dma_wait3A_1160 = arith.constant 0 : i32
      %dma_wait3A_1161 = arith.constant 0 : i32
      %dma_wait3A_1162 = tpu.memref_slice %arg2[%dma_wait3A_1160, %dma_wait3A_1154, %dma_wait3A_1161] : memref<128x192x1024xf32, #tpu.memory_space<hbm>> -> memref<128x1x128xf32, #tpu.memory_space<hbm>>
      %dma_wait3A_1163 = tpu.memref_squeeze %dma_wait3A_1162 : memref<128x1x128xf32, #tpu.memory_space<hbm>> -> memref<128x128xf32, #tpu.memory_space<hbm>>
      %dma_wait3A_1164 = arith.constant 0 : i32
      %dma_wait3A_1165 = arith.constant 0 : i32
      %dma_wait3A_1166 = tpu.memref_slice %arg8[%dma_wait3A_1155, %dma_wait3A_1164, %dma_wait3A_1165] : memref<2x128x128xf32, #tpu.memory_space<vmem>> -> memref<1x128x128xf32, #tpu.memory_space<vmem>>
      %dma_wait3A_1167 = tpu.memref_squeeze %dma_wait3A_1166 : memref<1x128x128xf32, #tpu.memory_space<vmem>> -> memref<128x128xf32, #tpu.memory_space<vmem>>
      %dma_wait3A_1168 = arith.constant 0 : i32
      %dma_wait3A_1169 = arith.constant 0 : i32
      %dma_wait3A_1170 = tpu.memref_slice %arg2[%dma_wait3A_1168, %dma_wait3A_1154, %dma_wait3A_1169] : memref<128x192x1024xf32, #tpu.memory_space<hbm>> -> memref<128x1x128xf32, #tpu.memory_space<hbm>>
      %dma_wait3A_1171 = tpu.memref_squeeze %dma_wait3A_1170 : memref<128x1x128xf32, #tpu.memory_space<hbm>> -> memref<128x128xf32, #tpu.memory_space<hbm>>
      tpu.wait_dma2 semaphore(%arg10 : memref<!tpu.dma_semaphore, #tpu.memory_space<semaphore_mem>>) src(%dma_wait3A_1171 : memref<128x128xf32, #tpu.memory_space<hbm>>) dst(%dma_wait3A_1167 : memref<128x128xf32, #tpu.memory_space<vmem>>)
      %dma_wait3A_1172 = arith.constant 0 : i32
      %dma_wait3A_1173 = arith.constant 0 : i32
      %dma_wait3A_1174 = arith.constant 0 : i32
      %dma_wait3A_1175 = tpu.memref_slice %arg9[%dma_wait3A_1172, %dma_wait3A_1173, %dma_wait3A_1174] : memref<2x104x128xf32, #tpu.memory_space<vmem>> -> memref<1x96x128xf32, #tpu.memory_space<vmem>>
      %dma_wait3A_1176 = tpu.memref_squeeze %dma_wait3A_1175 : memref<1x96x128xf32, #tpu.memory_space<vmem>> -> memref<96x128xf32, #tpu.memory_space<vmem>>
      %dma_wait3A_1177 = arith.constant 0 : i32
      %dma_wait3A_1178 = arith.constant 0 : i32
      %dma_wait3A_1179 = tpu.memref_slice %arg5[%dma_wait3A_1177, %dma_wait3A_1178] : memref<129024x128xf32, #tpu.memory_space<hbm>> -> memref<96x128xf32, #tpu.memory_space<hbm>>
      %dma_wait3A_1180 = arith.constant 0 : i32
      %dma_wait3A_1181 = arith.constant 0 : i32
      %dma_wait3A_1182 = tpu.memref_slice %arg9[%dma_wait3A_1172, %dma_wait3A_1180, %dma_wait3A_1181] : memref<2x104x128xf32, #tpu.memory_space<vmem>> -> memref<1x96x128xf32, #tpu.memory_space<vmem>>
      %dma_wait3A_1183 = tpu.memref_squeeze %dma_wait3A_1182 : memref<1x96x128xf32, #tpu.memory_space<vmem>> -> memref<96x128xf32, #tpu.memory_space<vmem>>
      %dma_wait3A_1184 = arith.constant 0 : i32
      %dma_wait3A_1185 = arith.constant 0 : i32
      %dma_wait3A_1186 = tpu.memref_slice %arg5[%dma_wait3A_1184, %dma_wait3A_1185] : memref<129024x128xf32, #tpu.memory_space<hbm>> -> memref<96x128xf32, #tpu.memory_space<hbm>>
      tpu.wait_dma2 semaphore(%arg11 : memref<!tpu.dma_semaphore, #tpu.memory_space<semaphore_mem>>) src(%dma_wait3A_1186 : memref<96x128xf32, #tpu.memory_space<hbm>>) dst(%dma_wait3A_1183 : memref<96x128xf32, #tpu.memory_space<vmem>>)
      %ge3A = arith.constant 42 : i32
      %ge3A_1187 = arith.cmpi sge, %mul3A_1153, %ge3A : i32
      %sub3A_1188 = arith.constant 42 : i32
      %sub3A_1189 = arith.subi %mul3A_1153, %sub3A_1188 : i32
      %select_n3A_1190 = arith.select %ge3A_1187, %sub3A_1189, %mul3A_1153 : i32
      %mul3A_1191 = arith.constant 42 : i32
      %mul3A_1192 = arith.muli %add3A, %mul3A_1191 : i32
      %add3A_1193 = arith.addi %mul3A_1192, %select_n3A_1190 : i32
      %jit3A_1194 = arith.constant 192 : i32
      %div3A_1195 = arith.divsi %add3A_1193, %jit3A_1194 : i32
      %sign3A_1196 = arith.constant 0 : i32
      %sign3A_1197 = arith.cmpi sgt, %add3A_1193, %sign3A_1196 : i32
      %sign3A_1198 = arith.extui %sign3A_1197 : i1 to i32
      %sign3A_1199 = arith.constant 0 : i32
      %sign3A_1200 = arith.cmpi slt, %add3A_1193, %sign3A_1199 : i32
      %sign3A_1201 = arith.extui %sign3A_1200 : i1 to i32
      %sign3A_1202 = arith.subi %sign3A_1198, %sign3A_1201 : i32
      %sign3A_1203 = arith.constant 0 : i32
      %sign3A_1204 = arith.cmpi sgt, %jit3A_1194, %sign3A_1203 : i32
      %sign3A_1205 = arith.extui %sign3A_1204 : i1 to i32
      %sign3A_1206 = arith.constant 0 : i32
      %sign3A_1207 = arith.cmpi slt, %jit3A_1194, %sign3A_1206 : i32
      %sign3A_1208 = arith.extui %sign3A_1207 : i1 to i32
      %sign3A_1209 = arith.subi %sign3A_1205, %sign3A_1208 : i32
      %ne3A_1210 = arith.cmpi ne, %sign3A_1202, %sign3A_1209 : i32
      %rem3A_1211 = arith.remsi %add3A_1193, %jit3A_1194 : i32
      %ne3A_1212 = arith.constant 0 : i32
      %ne3A_1213 = arith.cmpi ne, %rem3A_1211, %ne3A_1212 : i32
      %and3A_1214 = arith.andi %ne3A_1210, %ne3A_1213 : i1
      %sub3A_1215 = arith.constant 1 : i32
      %sub3A_1216 = arith.subi %div3A_1195, %sub3A_1215 : i32
      %select_n3A_1217 = arith.select %and3A_1214, %sub3A_1216, %div3A_1195 : i32
      %jit3A_1218 = arith.constant 192 : i32
      %eq3A_1219 = arith.constant 0 : i32
      %eq3A_1220 = arith.cmpi eq, %jit3A_1218, %eq3A_1219 : i32
      %jit3A_1221 = arith.constant 1 : i32
      %select_n3A_1222 = arith.select %eq3A_1220, %jit3A_1221, %jit3A_1218 : i32
      %rem3A_1223 = arith.remsi %add3A_1193, %select_n3A_1222 : i32
      %ne3A_1224 = arith.constant 0 : i32
      %ne3A_1225 = arith.cmpi ne, %rem3A_1223, %ne3A_1224 : i32
      %lt3A_1226 = arith.constant 0 : i32
      %lt3A_1227 = arith.cmpi slt, %rem3A_1223, %lt3A_1226 : i32
      %lt3A_1228 = arith.constant 0 : i32
      %lt3A_1229 = arith.cmpi slt, %select_n3A_1222, %lt3A_1228 : i32
      %ne3A_1230 = arith.xori %lt3A_1227, %lt3A_1229 : i1
      %and3A_1231 = arith.andi %ne3A_1230, %ne3A_1225 : i1
      %add3A_1232 = arith.addi %rem3A_1223, %select_n3A_1222 : i32
      %select_n3A_1233 = arith.select %and3A_1231, %add3A_1232, %rem3A_1223 : i32
      %scan3A_1234 = arith.constant 0 : i32
      %scan3A_1235 = arith.constant 0 : i32
      %scan3A_1236 = arith.constant 8 : i32
      %scan3A_1237 = arith.addi %scan3A_1235, %scan3A_1236 : i32
      %scan3A_1238 = arith.constant 1 : i32
      scf.for %scan3A_1757 = %scan3A_1235 to %scan3A_1237 step %scan3A_1238  : i32 {
        %mul3A_1758 = arith.constant 16 : i32
        %mul3A_1759 = arith.muli %scan3A_1757, %mul3A_1758 : i32
        %add3A_1760 = vector.broadcast %mul3A_1759 : i32 to vector<16xi32>
        %add3A_1761 = arith.addi %add3A_1760, %iota3A : vector<16xi32>
        %mul3A_1762 = arith.constant 16 : i32
        %mul3A_1763 = arith.muli %scan3A_1757, %mul3A_1762 : i32
        %get3A_1764 = arith.index_cast %select_n3A_1217 : i32 to index
        %get3A_1765 = arith.index_cast %mul3A_1763 : i32 to index
        %get3A_1766 = tpu.vector_load %arg7[%get3A_1764, %get3A_1765] {strides = array<i32>} : memref<7x128xi32, #tpu.memory_space<vmem>>, vector<16xi32>,
        %scan3A_1767 = arith.constant 0 : i32
        %scan3A_1768 = arith.constant 8 : i32
        %scan3A_1769 = arith.addi %scan3A_1767, %scan3A_1768 : i32
        %scan3A_1770 = arith.constant 1 : i32
        scf.for %scan3A_1772 = %scan3A_1767 to %scan3A_1769 step %scan3A_1770  : i32 {
          %mul3A_1773 = arith.constant 16 : i32
          %mul3A_1774 = arith.muli %scan3A_1772, %mul3A_1773 : i32
          %add3A_1775 = vector.broadcast %mul3A_1774 : i32 to vector<16xi32>
          %add3A_1776 = arith.addi %add3A_1775, %select_n3A_18 : vector<16xi32>
          %gather3A = arith.constant 0 : i32
          %gather3A_1777 = arith.constant 0 : i32
          %gather3A_1778 = arith.constant 0 : i32
          %gather3A_1779 = tpu.memref_slice %arg8[%gather3A, %gather3A_1777, %gather3A_1778] : memref<2x128x128xf32, #tpu.memory_space<vmem>> -> memref<1x128x128xf32, #tpu.memory_space<vmem>>
          %gather3A_1780 = tpu.memref_squeeze %gather3A_1779 : memref<1x128x128xf32, #tpu.memory_space<vmem>> -> memref<128x128xf32, #tpu.memory_space<vmem>>
          %gather3A_1781 = tpu.vector_load_idx %gather3A_1780[%add3A_1776, %add3A_1761] : memref<128x128xf32, #tpu.memory_space<vmem>>[vector<16xi32>, vector<16xi32>], vector<16xf32>,
          %scatter3A = arith.constant 0 : i32
          %scatter3A_1782 = arith.constant 0 : i32
          %scatter3A_1783 = arith.constant 0 : i32
          %scatter3A_1784 = tpu.memref_slice %arg9[%scatter3A, %scatter3A_1782, %scatter3A_1783] : memref<2x104x128xf32, #tpu.memory_space<vmem>> -> memref<1x104x128xf32, #tpu.memory_space<vmem>>
          %scatter3A_1785 = tpu.memref_squeeze %scatter3A_1784 : memref<1x104x128xf32, #tpu.memory_space<vmem>> -> memref<104x128xf32, #tpu.memory_space<vmem>>
          tpu.vector_store_idx %scatter3A_1785[%get3A_1766, %add3A_1776], %gather3A_1781 : memref<104x128xf32, #tpu.memory_space<vmem>>[vector<16xi32>, vector<16xi32>], vector<16xf32>,
          %add3A_1786 = vector.broadcast %mul3A_1774 : i32 to vector<16xi32>
          %add3A_1787 = arith.addi %add3A_1786, %select_n3A_43 : vector<16xi32>
          %gather3A_1788 = arith.constant 0 : i32
          %gather3A_1789 = arith.constant 0 : i32
          %gather3A_1790 = arith.constant 0 : i32
          %gather3A_1791 = tpu.memref_slice %arg8[%gather3A_1788, %gather3A_1789, %gather3A_1790] : memref<2x128x128xf32, #tpu.memory_space<vmem>> -> memref<1x128x128xf32, #tpu.memory_space<vmem>>
          %gather3A_1792 = tpu.memref_squeeze %gather3A_1791 : memref<1x128x128xf32, #tpu.memory_space<vmem>> -> memref<128x128xf32, #tpu.memory_space<vmem>>
          %gather3A_1793 = tpu.vector_load_idx %gather3A_1792[%add3A_1787, %add3A_1761] : memref<128x128xf32, #tpu.memory_space<vmem>>[vector<16xi32>, vector<16xi32>], vector<16xf32>,
          %scatter3A_1794 = arith.constant 0 : i32
          %scatter3A_1795 = arith.constant 0 : i32
          %scatter3A_1796 = arith.constant 0 : i32
          %scatter3A_1797 = tpu.memref_slice %arg9[%scatter3A_1794, %scatter3A_1795, %scatter3A_1796] : memref<2x104x128xf32, #tpu.memory_space<vmem>> -> memref<1x104x128xf32, #tpu.memory_space<vmem>>
          %scatter3A_1798 = tpu.memref_squeeze %scatter3A_1797 : memref<1x104x128xf32, #tpu.memory_space<vmem>> -> memref<104x128xf32, #tpu.memory_space<vmem>>
          tpu.vector_store_idx %scatter3A_1798[%get3A_1766, %add3A_1787], %gather3A_1793 : memref<104x128xf32, #tpu.memory_space<vmem>>[vector<16xi32>, vector<16xi32>], vector<16xf32>,
          %add3A_1799 = vector.broadcast %mul3A_1774 : i32 to vector<16xi32>
          %add3A_1800 = arith.addi %add3A_1799, %select_n3A_68 : vector<16xi32>
          %gather3A_1801 = arith.constant 0 : i32
          %gather3A_1802 = arith.constant 0 : i32
          %gather3A_1803 = arith.constant 0 : i32
          %gather3A_1804 = tpu.memref_slice %arg8[%gather3A_1801, %gather3A_1802, %gather3A_1803] : memref<2x128x128xf32, #tpu.memory_space<vmem>> -> memref<1x128x128xf32, #tpu.memory_space<vmem>>
          %gather3A_1805 = tpu.memref_squeeze %gather3A_1804 : memref<1x128x128xf32, #tpu.memory_space<vmem>> -> memref<128x128xf32, #tpu.memory_space<vmem>>
          %gather3A_1806 = tpu.vector_load_idx %gather3A_1805[%add3A_1800, %add3A_1761] : memref<128x128xf32, #tpu.memory_space<vmem>>[vector<16xi32>, vector<16xi32>], vector<16xf32>,
          %scatter3A_1807 = arith.constant 0 : i32
          %scatter3A_1808 = arith.constant 0 : i32
          %scatter3A_1809 = arith.constant 0 : i32
          %scatter3A_1810 = tpu.memref_slice %arg9[%scatter3A_1807, %scatter3A_1808, %scatter3A_1809] : memref<2x104x128xf32, #tpu.memory_space<vmem>> -> memref<1x104x128xf32, #tpu.memory_space<vmem>>
          %scatter3A_1811 = tpu.memref_squeeze %scatter3A_1810 : memref<1x104x128xf32, #tpu.memory_space<vmem>> -> memref<104x128xf32, #tpu.memory_space<vmem>>
          tpu.vector_store_idx %scatter3A_1811[%get3A_1766, %add3A_1800], %gather3A_1806 : memref<104x128xf32, #tpu.memory_space<vmem>>[vector<16xi32>, vector<16xi32>], vector<16xf32>,
          %add3A_1812 = vector.broadcast %mul3A_1774 : i32 to vector<16xi32>
          %add3A_1813 = arith.addi %add3A_1812, %select_n3A_93 : vector<16xi32>
          %gather3A_1814 = arith.constant 0 : i32
          %gather3A_1815 = arith.constant 0 : i32
          %gather3A_1816 = arith.constant 0 : i32
          %gather3A_1817 = tpu.memref_slice %arg8[%gather3A_1814, %gather3A_1815, %gather3A_1816] : memref<2x128x128xf32, #tpu.memory_space<vmem>> -> memref<1x128x128xf32, #tpu.memory_space<vmem>>
          %gather3A_1818 = tpu.memref_squeeze %gather3A_1817 : memref<1x128x128xf32, #tpu.memory_space<vmem>> -> memref<128x128xf32, #tpu.memory_space<vmem>>
          %gather3A_1819 = tpu.vector_load_idx %gather3A_1818[%add3A_1813, %add3A_1761] : memref<128x128xf32, #tpu.memory_space<vmem>>[vector<16xi32>, vector<16xi32>], vector<16xf32>,
          %scatter3A_1820 = arith.constant 0 : i32
          %scatter3A_1821 = arith.constant 0 : i32
          %scatter3A_1822 = arith.constant 0 : i32
          %scatter3A_1823 = tpu.memref_slice %arg9[%scatter3A_1820, %scatter3A_1821, %scatter3A_1822] : memref<2x104x128xf32, #tpu.memory_space<vmem>> -> memref<1x104x128xf32, #tpu.memory_space<vmem>>
          %scatter3A_1824 = tpu.memref_squeeze %scatter3A_1823 : memref<1x104x128xf32, #tpu.memory_space<vmem>> -> memref<104x128xf32, #tpu.memory_space<vmem>>
          tpu.vector_store_idx %scatter3A_1824[%get3A_1766, %add3A_1813], %gather3A_1819 : memref<104x128xf32, #tpu.memory_space<vmem>>[vector<16xi32>, vector<16xi32>], vector<16xf32>,
          %add3A_1825 = vector.broadcast %mul3A_1774 : i32 to vector<16xi32>
          %add3A_1826 = arith.addi %add3A_1825, %select_n3A_118 : vector<16xi32>
          %gather3A_1827 = arith.constant 0 : i32
          %gather3A_1828 = arith.constant 0 : i32
          %gather3A_1829 = arith.constant 0 : i32
          %gather3A_1830 = tpu.memref_slice %arg8[%gather3A_1827, %gather3A_1828, %gather3A_1829] : memref<2x128x128xf32, #tpu.memory_space<vmem>> -> memref<1x128x128xf32, #tpu.memory_space<vmem>>
          %gather3A_1831 = tpu.memref_squeeze %gather3A_1830 : memref<1x128x128xf32, #tpu.memory_space<vmem>> -> memref<128x128xf32, #tpu.memory_space<vmem>>
          %gather3A_1832 = tpu.vector_load_idx %gather3A_1831[%add3A_1826, %add3A_1761] : memref<128x128xf32, #tpu.memory_space<vmem>>[vector<16xi32>, vector<16xi32>], vector<16xf32>,
          %scatter3A_1833 = arith.constant 0 : i32
          %scatter3A_1834 = arith.constant 0 : i32
          %scatter3A_1835 = arith.constant 0 : i32
          %scatter3A_1836 = tpu.memref_slice %arg9[%scatter3A_1833, %scatter3A_1834, %scatter3A_1835] : memref<2x104x128xf32, #tpu.memory_space<vmem>> -> memref<1x104x128xf32, #tpu.memory_space<vmem>>
          %scatter3A_1837 = tpu.memref_squeeze %scatter3A_1836 : memref<1x104x128xf32, #tpu.memory_space<vmem>> -> memref<104x128xf32, #tpu.memory_space<vmem>>
          tpu.vector_store_idx %scatter3A_1837[%get3A_1766, %add3A_1826], %gather3A_1832 : memref<104x128xf32, #tpu.memory_space<vmem>>[vector<16xi32>, vector<16xi32>], vector<16xf32>,
          %add3A_1838 = vector.broadcast %mul3A_1774 : i32 to vector<16xi32>
          %add3A_1839 = arith.addi %add3A_1838, %select_n3A_143 : vector<16xi32>
          %gather3A_1840 = arith.constant 0 : i32
          %gather3A_1841 = arith.constant 0 : i32
          %gather3A_1842 = arith.constant 0 : i32
          %gather3A_1843 = tpu.memref_slice %arg8[%gather3A_1840, %gather3A_1841, %gather3A_1842] : memref<2x128x128xf32, #tpu.memory_space<vmem>> -> memref<1x128x128xf32, #tpu.memory_space<vmem>>
          %gather3A_1844 = tpu.memref_squeeze %gather3A_1843 : memref<1x128x128xf32, #tpu.memory_space<vmem>> -> memref<128x128xf32, #tpu.memory_space<vmem>>
          %gather3A_1845 = tpu.vector_load_idx %gather3A_1844[%add3A_1839, %add3A_1761] : memref<128x128xf32, #tpu.memory_space<vmem>>[vector<16xi32>, vector<16xi32>], vector<16xf32>,
          %scatter3A_1846 = arith.constant 0 : i32
          %scatter3A_1847 = arith.constant 0 : i32
          %scatter3A_1848 = arith.constant 0 : i32
          %scatter3A_1849 = tpu.memref_slice %arg9[%scatter3A_1846, %scatter3A_1847, %scatter3A_1848] : memref<2x104x128xf32, #tpu.memory_space<vmem>> -> memref<1x104x128xf32, #tpu.memory_space<vmem>>
          %scatter3A_1850 = tpu.memref_squeeze %scatter3A_1849 : memref<1x104x128xf32, #tpu.memory_space<vmem>> -> memref<104x128xf32, #tpu.memory_space<vmem>>
          tpu.vector_store_idx %scatter3A_1850[%get3A_1766, %add3A_1839], %gather3A_1845 : memref<104x128xf32, #tpu.memory_space<vmem>>[vector<16xi32>, vector<16xi32>], vector<16xf32>,
          %add3A_1851 = vector.broadcast %mul3A_1774 : i32 to vector<16xi32>
          %add3A_1852 = arith.addi %add3A_1851, %select_n3A_168 : vector<16xi32>
          %gather3A_1853 = arith.constant 0 : i32
          %gather3A_1854 = arith.constant 0 : i32
          %gather3A_1855 = arith.constant 0 : i32
          %gather3A_1856 = tpu.memref_slice %arg8[%gather3A_1853, %gather3A_1854, %gather3A_1855] : memref<2x128x128xf32, #tpu.memory_space<vmem>> -> memref<1x128x128xf32, #tpu.memory_space<vmem>>
          %gather3A_1857 = tpu.memref_squeeze %gather3A_1856 : memref<1x128x128xf32, #tpu.memory_space<vmem>> -> memref<128x128xf32, #tpu.memory_space<vmem>>
          %gather3A_1858 = tpu.vector_load_idx %gather3A_1857[%add3A_1852, %add3A_1761] : memref<128x128xf32, #tpu.memory_space<vmem>>[vector<16xi32>, vector<16xi32>], vector<16xf32>,
          %scatter3A_1859 = arith.constant 0 : i32
          %scatter3A_1860 = arith.constant 0 : i32
          %scatter3A_1861 = arith.constant 0 : i32
          %scatter3A_1862 = tpu.memref_slice %arg9[%scatter3A_1859, %scatter3A_1860, %scatter3A_1861] : memref<2x104x128xf32, #tpu.memory_space<vmem>> -> memref<1x104x128xf32, #tpu.memory_space<vmem>>
          %scatter3A_1863 = tpu.memref_squeeze %scatter3A_1862 : memref<1x104x128xf32, #tpu.memory_space<vmem>> -> memref<104x128xf32, #tpu.memory_space<vmem>>
          tpu.vector_store_idx %scatter3A_1863[%get3A_1766, %add3A_1852], %gather3A_1858 : memref<104x128xf32, #tpu.memory_space<vmem>>[vector<16xi32>, vector<16xi32>], vector<16xf32>,
          %add3A_1864 = vector.broadcast %mul3A_1774 : i32 to vector<16xi32>
          %add3A_1865 = arith.addi %add3A_1864, %select_n3A_193 : vector<16xi32>
          %gather3A_1866 = arith.constant 0 : i32
          %gather3A_1867 = arith.constant 0 : i32
          %gather3A_1868 = arith.constant 0 : i32
          %gather3A_1869 = tpu.memref_slice %arg8[%gather3A_1866, %gather3A_1867, %gather3A_1868] : memref<2x128x128xf32, #tpu.memory_space<vmem>> -> memref<1x128x128xf32, #tpu.memory_space<vmem>>
          %gather3A_1870 = tpu.memref_squeeze %gather3A_1869 : memref<1x128x128xf32, #tpu.memory_space<vmem>> -> memref<128x128xf32, #tpu.memory_space<vmem>>
          %gather3A_1871 = tpu.vector_load_idx %gather3A_1870[%add3A_1865, %add3A_1761] : memref<128x128xf32, #tpu.memory_space<vmem>>[vector<16xi32>, vector<16xi32>], vector<16xf32>,
          %scatter3A_1872 = arith.constant 0 : i32
          %scatter3A_1873 = arith.constant 0 : i32
          %scatter3A_1874 = arith.constant 0 : i32
          %scatter3A_1875 = tpu.memref_slice %arg9[%scatter3A_1872, %scatter3A_1873, %scatter3A_1874] : memref<2x104x128xf32, #tpu.memory_space<vmem>> -> memref<1x104x128xf32, #tpu.memory_space<vmem>>
          %scatter3A_1876 = tpu.memref_squeeze %scatter3A_1875 : memref<1x104x128xf32, #tpu.memory_space<vmem>> -> memref<104x128xf32, #tpu.memory_space<vmem>>
          tpu.vector_store_idx %scatter3A_1876[%get3A_1766, %add3A_1865], %gather3A_1871 : memref<104x128xf32, #tpu.memory_space<vmem>>[vector<16xi32>, vector<16xi32>], vector<16xf32>,
          %add3A_1877 = vector.broadcast %mul3A_1774 : i32 to vector<16xi32>
          %add3A_1878 = arith.addi %add3A_1877, %select_n3A_218 : vector<16xi32>
          %gather3A_1879 = arith.constant 0 : i32
          %gather3A_1880 = arith.constant 0 : i32
          %gather3A_1881 = arith.constant 0 : i32
          %gather3A_1882 = tpu.memref_slice %arg8[%gather3A_1879, %gather3A_1880, %gather3A_1881] : memref<2x128x128xf32, #tpu.memory_space<vmem>> -> memref<1x128x128xf32, #tpu.memory_space<vmem>>
          %gather3A_1883 = tpu.memref_squeeze %gather3A_1882 : memref<1x128x128xf32, #tpu.memory_space<vmem>> -> memref<128x128xf32, #tpu.memory_space<vmem>>
          %gather3A_1884 = tpu.vector_load_idx %gather3A_1883[%add3A_1878, %add3A_1761] : memref<128x128xf32, #tpu.memory_space<vmem>>[vector<16xi32>, vector<16xi32>], vector<16xf32>,
          %scatter3A_1885 = arith.constant 0 : i32
          %scatter3A_1886 = arith.constant 0 : i32
          %scatter3A_1887 = arith.constant 0 : i32
          %scatter3A_1888 = tpu.memref_slice %arg9[%scatter3A_1885, %scatter3A_1886, %scatter3A_1887] : memref<2x104x128xf32, #tpu.memory_space<vmem>> -> memref<1x104x128xf32, #tpu.memory_space<vmem>>
          %scatter3A_1889 = tpu.memref_squeeze %scatter3A_1888 : memref<1x104x128xf32, #tpu.memory_space<vmem>> -> memref<104x128xf32, #tpu.memory_space<vmem>>
          tpu.vector_store_idx %scatter3A_1889[%get3A_1766, %add3A_1878], %gather3A_1884 : memref<104x128xf32, #tpu.memory_space<vmem>>[vector<16xi32>, vector<16xi32>], vector<16xf32>,
          %add3A_1890 = vector.broadcast %mul3A_1774 : i32 to vector<16xi32>
          %add3A_1891 = arith.addi %add3A_1890, %select_n3A_243 : vector<16xi32>
          %gather3A_1892 = arith.constant 0 : i32
          %gather3A_1893 = arith.constant 0 : i32
          %gather3A_1894 = arith.constant 0 : i32
          %gather3A_1895 = tpu.memref_slice %arg8[%gather3A_1892, %gather3A_1893, %gather3A_1894] : memref<2x128x128xf32, #tpu.memory_space<vmem>> -> memref<1x128x128xf32, #tpu.memory_space<vmem>>
          %gather3A_1896 = tpu.memref_squeeze %gather3A_1895 : memref<1x128x128xf32, #tpu.memory_space<vmem>> -> memref<128x128xf32, #tpu.memory_space<vmem>>
          %gather3A_1897 = tpu.vector_load_idx %gather3A_1896[%add3A_1891, %add3A_1761] : memref<128x128xf32, #tpu.memory_space<vmem>>[vector<16xi32>, vector<16xi32>], vector<16xf32>,
          %scatter3A_1898 = arith.constant 0 : i32
          %scatter3A_1899 = arith.constant 0 : i32
          %scatter3A_1900 = arith.constant 0 : i32
          %scatter3A_1901 = tpu.memref_slice %arg9[%scatter3A_1898, %scatter3A_1899, %scatter3A_1900] : memref<2x104x128xf32, #tpu.memory_space<vmem>> -> memref<1x104x128xf32, #tpu.memory_space<vmem>>
          %scatter3A_1902 = tpu.memref_squeeze %scatter3A_1901 : memref<1x104x128xf32, #tpu.memory_space<vmem>> -> memref<104x128xf32, #tpu.memory_space<vmem>>
          tpu.vector_store_idx %scatter3A_1902[%get3A_1766, %add3A_1891], %gather3A_1897 : memref<104x128xf32, #tpu.memory_space<vmem>>[vector<16xi32>, vector<16xi32>], vector<16xf32>,
          %add3A_1903 = vector.broadcast %mul3A_1774 : i32 to vector<16xi32>
          %add3A_1904 = arith.addi %add3A_1903, %select_n3A_268 : vector<16xi32>
          %gather3A_1905 = arith.constant 0 : i32
          %gather3A_1906 = arith.constant 0 : i32
          %gather3A_1907 = arith.constant 0 : i32
          %gather3A_1908 = tpu.memref_slice %arg8[%gather3A_1905, %gather3A_1906, %gather3A_1907] : memref<2x128x128xf32, #tpu.memory_space<vmem>> -> memref<1x128x128xf32, #tpu.memory_space<vmem>>
          %gather3A_1909 = tpu.memref_squeeze %gather3A_1908 : memref<1x128x128xf32, #tpu.memory_space<vmem>> -> memref<128x128xf32, #tpu.memory_space<vmem>>
          %gather3A_1910 = tpu.vector_load_idx %gather3A_1909[%add3A_1904, %add3A_1761] : memref<128x128xf32, #tpu.memory_space<vmem>>[vector<16xi32>, vector<16xi32>], vector<16xf32>,
          %scatter3A_1911 = arith.constant 0 : i32
          %scatter3A_1912 = arith.constant 0 : i32
          %scatter3A_1913 = arith.constant 0 : i32
          %scatter3A_1914 = tpu.memref_slice %arg9[%scatter3A_1911, %scatter3A_1912, %scatter3A_1913] : memref<2x104x128xf32, #tpu.memory_space<vmem>> -> memref<1x104x128xf32, #tpu.memory_space<vmem>>
          %scatter3A_1915 = tpu.memref_squeeze %scatter3A_1914 : memref<1x104x128xf32, #tpu.memory_space<vmem>> -> memref<104x128xf32, #tpu.memory_space<vmem>>
          tpu.vector_store_idx %scatter3A_1915[%get3A_1766, %add3A_1904], %gather3A_1910 : memref<104x128xf32, #tpu.memory_space<vmem>>[vector<16xi32>, vector<16xi32>], vector<16xf32>,
          %add3A_1916 = vector.broadcast %mul3A_1774 : i32 to vector<16xi32>
          %add3A_1917 = arith.addi %add3A_1916, %select_n3A_293 : vector<16xi32>
          %gather3A_1918 = arith.constant 0 : i32
          %gather3A_1919 = arith.constant 0 : i32
          %gather3A_1920 = arith.constant 0 : i32
          %gather3A_1921 = tpu.memref_slice %arg8[%gather3A_1918, %gather3A_1919, %gather3A_1920] : memref<2x128x128xf32, #tpu.memory_space<vmem>> -> memref<1x128x128xf32, #tpu.memory_space<vmem>>
          %gather3A_1922 = tpu.memref_squeeze %gather3A_1921 : memref<1x128x128xf32, #tpu.memory_space<vmem>> -> memref<128x128xf32, #tpu.memory_space<vmem>>
          %gather3A_1923 = tpu.vector_load_idx %gather3A_1922[%add3A_1917, %add3A_1761] : memref<128x128xf32, #tpu.memory_space<vmem>>[vector<16xi32>, vector<16xi32>], vector<16xf32>,
          %scatter3A_1924 = arith.constant 0 : i32
          %scatter3A_1925 = arith.constant 0 : i32
          %scatter3A_1926 = arith.constant 0 : i32
          %scatter3A_1927 = tpu.memref_slice %arg9[%scatter3A_1924, %scatter3A_1925, %scatter3A_1926] : memref<2x104x128xf32, #tpu.memory_space<vmem>> -> memref<1x104x128xf32, #tpu.memory_space<vmem>>
          %scatter3A_1928 = tpu.memref_squeeze %scatter3A_1927 : memref<1x104x128xf32, #tpu.memory_space<vmem>> -> memref<104x128xf32, #tpu.memory_space<vmem>>
          tpu.vector_store_idx %scatter3A_1928[%get3A_1766, %add3A_1917], %gather3A_1923 : memref<104x128xf32, #tpu.memory_space<vmem>>[vector<16xi32>, vector<16xi32>], vector<16xf32>,
          %add3A_1929 = vector.broadcast %mul3A_1774 : i32 to vector<16xi32>
          %add3A_1930 = arith.addi %add3A_1929, %select_n3A_318 : vector<16xi32>
          %gather3A_1931 = arith.constant 0 : i32
          %gather3A_1932 = arith.constant 0 : i32
          %gather3A_1933 = arith.constant 0 : i32
          %gather3A_1934 = tpu.memref_slice %arg8[%gather3A_1931, %gather3A_1932, %gather3A_1933] : memref<2x128x128xf32, #tpu.memory_space<vmem>> -> memref<1x128x128xf32, #tpu.memory_space<vmem>>
          %gather3A_1935 = tpu.memref_squeeze %gather3A_1934 : memref<1x128x128xf32, #tpu.memory_space<vmem>> -> memref<128x128xf32, #tpu.memory_space<vmem>>
          %gather3A_1936 = tpu.vector_load_idx %gather3A_1935[%add3A_1930, %add3A_1761] : memref<128x128xf32, #tpu.memory_space<vmem>>[vector<16xi32>, vector<16xi32>], vector<16xf32>,
          %scatter3A_1937 = arith.constant 0 : i32
          %scatter3A_1938 = arith.constant 0 : i32
          %scatter3A_1939 = arith.constant 0 : i32
          %scatter3A_1940 = tpu.memref_slice %arg9[%scatter3A_1937, %scatter3A_1938, %scatter3A_1939] : memref<2x104x128xf32, #tpu.memory_space<vmem>> -> memref<1x104x128xf32, #tpu.memory_space<vmem>>
          %scatter3A_1941 = tpu.memref_squeeze %scatter3A_1940 : memref<1x104x128xf32, #tpu.memory_space<vmem>> -> memref<104x128xf32, #tpu.memory_space<vmem>>
          tpu.vector_store_idx %scatter3A_1941[%get3A_1766, %add3A_1930], %gather3A_1936 : memref<104x128xf32, #tpu.memory_space<vmem>>[vector<16xi32>, vector<16xi32>], vector<16xf32>,
          %add3A_1942 = vector.broadcast %mul3A_1774 : i32 to vector<16xi32>
          %add3A_1943 = arith.addi %add3A_1942, %select_n3A_343 : vector<16xi32>
          %gather3A_1944 = arith.constant 0 : i32
          %gather3A_1945 = arith.constant 0 : i32
          %gather3A_1946 = arith.constant 0 : i32
          %gather3A_1947 = tpu.memref_slice %arg8[%gather3A_1944, %gather3A_1945, %gather3A_1946] : memref<2x128x128xf32, #tpu.memory_space<vmem>> -> memref<1x128x128xf32, #tpu.memory_space<vmem>>
          %gather3A_1948 = tpu.memref_squeeze %gather3A_1947 : memref<1x128x128xf32, #tpu.memory_space<vmem>> -> memref<128x128xf32, #tpu.memory_space<vmem>>
          %gather3A_1949 = tpu.vector_load_idx %gather3A_1948[%add3A_1943, %add3A_1761] : memref<128x128xf32, #tpu.memory_space<vmem>>[vector<16xi32>, vector<16xi32>], vector<16xf32>,
          %scatter3A_1950 = arith.constant 0 : i32
          %scatter3A_1951 = arith.constant 0 : i32
          %scatter3A_1952 = arith.constant 0 : i32
          %scatter3A_1953 = tpu.memref_slice %arg9[%scatter3A_1950, %scatter3A_1951, %scatter3A_1952] : memref<2x104x128xf32, #tpu.memory_space<vmem>> -> memref<1x104x128xf32, #tpu.memory_space<vmem>>
          %scatter3A_1954 = tpu.memref_squeeze %scatter3A_1953 : memref<1x104x128xf32, #tpu.memory_space<vmem>> -> memref<104x128xf32, #tpu.memory_space<vmem>>
          tpu.vector_store_idx %scatter3A_1954[%get3A_1766, %add3A_1943], %gather3A_1949 : memref<104x128xf32, #tpu.memory_space<vmem>>[vector<16xi32>, vector<16xi32>], vector<16xf32>,
          %add3A_1955 = vector.broadcast %mul3A_1774 : i32 to vector<16xi32>
          %add3A_1956 = arith.addi %add3A_1955, %select_n3A_368 : vector<16xi32>
          %gather3A_1957 = arith.constant 0 : i32
          %gather3A_1958 = arith.constant 0 : i32
          %gather3A_1959 = arith.constant 0 : i32
          %gather3A_1960 = tpu.memref_slice %arg8[%gather3A_1957, %gather3A_1958, %gather3A_1959] : memref<2x128x128xf32, #tpu.memory_space<vmem>> -> memref<1x128x128xf32, #tpu.memory_space<vmem>>
          %gather3A_1961 = tpu.memref_squeeze %gather3A_1960 : memref<1x128x128xf32, #tpu.memory_space<vmem>> -> memref<128x128xf32, #tpu.memory_space<vmem>>
          %gather3A_1962 = tpu.vector_load_idx %gather3A_1961[%add3A_1956, %add3A_1761] : memref<128x128xf32, #tpu.memory_space<vmem>>[vector<16xi32>, vector<16xi32>], vector<16xf32>,
          %scatter3A_1963 = arith.constant 0 : i32
          %scatter3A_1964 = arith.constant 0 : i32
          %scatter3A_1965 = arith.constant 0 : i32
          %scatter3A_1966 = tpu.memref_slice %arg9[%scatter3A_1963, %scatter3A_1964, %scatter3A_1965] : memref<2x104x128xf32, #tpu.memory_space<vmem>> -> memref<1x104x128xf32, #tpu.memory_space<vmem>>
          %scatter3A_1967 = tpu.memref_squeeze %scatter3A_1966 : memref<1x104x128xf32, #tpu.memory_space<vmem>> -> memref<104x128xf32, #tpu.memory_space<vmem>>
          tpu.vector_store_idx %scatter3A_1967[%get3A_1766, %add3A_1956], %gather3A_1962 : memref<104x128xf32, #tpu.memory_space<vmem>>[vector<16xi32>, vector<16xi32>], vector<16xf32>,
          %add3A_1968 = vector.broadcast %mul3A_1774 : i32 to vector<16xi32>
          %add3A_1969 = arith.addi %add3A_1968, %select_n3A_393 : vector<16xi32>
          %gather3A_1970 = arith.constant 0 : i32
          %gather3A_1971 = arith.constant 0 : i32
          %gather3A_1972 = arith.constant 0 : i32
          %gather3A_1973 = tpu.memref_slice %arg8[%gather3A_1970, %gather3A_1971, %gather3A_1972] : memref<2x128x128xf32, #tpu.memory_space<vmem>> -> memref<1x128x128xf32, #tpu.memory_space<vmem>>
          %gather3A_1974 = tpu.memref_squeeze %gather3A_1973 : memref<1x128x128xf32, #tpu.memory_space<vmem>> -> memref<128x128xf32, #tpu.memory_space<vmem>>
          %gather3A_1975 = tpu.vector_load_idx %gather3A_1974[%add3A_1969, %add3A_1761] : memref<128x128xf32, #tpu.memory_space<vmem>>[vector<16xi32>, vector<16xi32>], vector<16xf32>,
          %scatter3A_1976 = arith.constant 0 : i32
          %scatter3A_1977 = arith.constant 0 : i32
          %scatter3A_1978 = arith.constant 0 : i32
          %scatter3A_1979 = tpu.memref_slice %arg9[%scatter3A_1976, %scatter3A_1977, %scatter3A_1978] : memref<2x104x128xf32, #tpu.memory_space<vmem>> -> memref<1x104x128xf32, #tpu.memory_space<vmem>>
          %scatter3A_1980 = tpu.memref_squeeze %scatter3A_1979 : memref<1x104x128xf32, #tpu.memory_space<vmem>> -> memref<104x128xf32, #tpu.memory_space<vmem>>
          tpu.vector_store_idx %scatter3A_1980[%get3A_1766, %add3A_1969], %gather3A_1975 : memref<104x128xf32, #tpu.memory_space<vmem>>[vector<16xi32>, vector<16xi32>], vector<16xf32>,
        }
        %scan3A_1771 = arith.constant 8 : i32
      }
      %scan3A_1239 = arith.constant 8 : i32
      %ge3A_1240 = arith.constant 42 : i32
      %ge3A_1241 = arith.cmpi sge, %mul3A_1153, %ge3A_1240 : i32
      %sub3A_1242 = arith.constant 42 : i32
      %sub3A_1243 = arith.subi %mul3A_1153, %sub3A_1242 : i32
      %select_n3A_1244 = arith.select %ge3A_1241, %sub3A_1243, %mul3A_1153 : i32
      %mul3A_1245 = arith.constant 42 : i32
      %mul3A_1246 = arith.muli %add3A, %mul3A_1245 : i32
      %add3A_1247 = arith.addi %mul3A_1246, %select_n3A_1244 : i32
      %jit3A_1248 = arith.constant 192 : i32
      %div3A_1249 = arith.divsi %add3A_1247, %jit3A_1248 : i32
      %sign3A_1250 = arith.constant 0 : i32
      %sign3A_1251 = arith.cmpi sgt, %add3A_1247, %sign3A_1250 : i32
      %sign3A_1252 = arith.extui %sign3A_1251 : i1 to i32
      %sign3A_1253 = arith.constant 0 : i32
      %sign3A_1254 = arith.cmpi slt, %add3A_1247, %sign3A_1253 : i32
      %sign3A_1255 = arith.extui %sign3A_1254 : i1 to i32
      %sign3A_1256 = arith.subi %sign3A_1252, %sign3A_1255 : i32
      %sign3A_1257 = arith.constant 0 : i32
      %sign3A_1258 = arith.cmpi sgt, %jit3A_1248, %sign3A_1257 : i32
      %sign3A_1259 = arith.extui %sign3A_1258 : i1 to i32
      %sign3A_1260 = arith.constant 0 : i32
      %sign3A_1261 = arith.cmpi slt, %jit3A_1248, %sign3A_1260 : i32
      %sign3A_1262 = arith.extui %sign3A_1261 : i1 to i32
      %sign3A_1263 = arith.subi %sign3A_1259, %sign3A_1262 : i32
      %ne3A_1264 = arith.cmpi ne, %sign3A_1256, %sign3A_1263 : i32
      %rem3A_1265 = arith.remsi %add3A_1247, %jit3A_1248 : i32
      %ne3A_1266 = arith.constant 0 : i32
      %ne3A_1267 = arith.cmpi ne, %rem3A_1265, %ne3A_1266 : i32
      %and3A_1268 = arith.andi %ne3A_1264, %ne3A_1267 : i1
      %sub3A_1269 = arith.constant 1 : i32
      %sub3A_1270 = arith.subi %div3A_1249, %sub3A_1269 : i32
      %select_n3A_1271 = arith.select %and3A_1268, %sub3A_1270, %div3A_1249 : i32
      %jit3A_1272 = arith.constant 192 : i32
      %eq3A_1273 = arith.constant 0 : i32
      %eq3A_1274 = arith.cmpi eq, %jit3A_1272, %eq3A_1273 : i32
      %jit3A_1275 = arith.constant 1 : i32
      %select_n3A_1276 = arith.select %eq3A_1274, %jit3A_1275, %jit3A_1272 : i32
      %rem3A_1277 = arith.remsi %add3A_1247, %select_n3A_1276 : i32
      %ne3A_1278 = arith.constant 0 : i32
      %ne3A_1279 = arith.cmpi ne, %rem3A_1277, %ne3A_1278 : i32
      %lt3A_1280 = arith.constant 0 : i32
      %lt3A_1281 = arith.cmpi slt, %rem3A_1277, %lt3A_1280 : i32
      %lt3A_1282 = arith.constant 0 : i32
      %lt3A_1283 = arith.cmpi slt, %select_n3A_1276, %lt3A_1282 : i32
      %ne3A_1284 = arith.xori %lt3A_1281, %lt3A_1283 : i1
      %and3A_1285 = arith.andi %ne3A_1284, %ne3A_1279 : i1
      %add3A_1286 = arith.addi %rem3A_1277, %select_n3A_1276 : i32
      %select_n3A_1287 = arith.select %and3A_1285, %add3A_1286, %rem3A_1277 : i32
      %get3A_1288 = arith.index_cast %select_n3A_1271 : i32 to index
      %get3A_1289 = arith.constant 0 : index
      %get3A_1290 = tpu.vector_load %arg6[%get3A_1288, %get3A_1289] {strides = array<i32>} : memref<7x128xi32, #tpu.memory_space<vmem>>, vector<16xi32>,
      %mul3A_1291 = arith.constant 192 : i32
      %mul3A_1292 = vector.broadcast %mul3A_1291 : i32 to vector<16xi32>
      %mul3A_1293 = arith.muli %get3A_1290, %mul3A_1292 : vector<16xi32>
      %add3A_1294 = vector.broadcast %select_n3A_1287 : i32 to vector<16xi32>
      %add3A_1295 = arith.addi %mul3A_1293, %add3A_1294 : vector<16xi32>
      %dma_start3A_1296 = arith.constant 0 : i32
      %dma_start3A_1297 = arith.constant 0 : i32
      %dma_start3A_1298 = arith.constant 0 : i32
      %dma_start3A_1299 = tpu.memref_slice %arg9[%dma_start3A_1296, %dma_start3A_1297, %dma_start3A_1298] : memref<2x104x128xf32, #tpu.memory_space<vmem>> -> memref<1x16x128xf32, #tpu.memory_space<vmem>>
      %dma_start3A_1300 = tpu.memref_squeeze %dma_start3A_1299 : memref<1x16x128xf32, #tpu.memory_space<vmem>> -> memref<16x128xf32, #tpu.memory_space<vmem>>
      %dma_start3A_1301 = arith.constant 0 : i32
      %dma_start3A_1302 = arith.constant 0 : i32
      %dma_start3A_1303 = tpu.memref_slice %arg5[%dma_start3A_1301, %dma_start3A_1302] : memref<129024x128xf32, #tpu.memory_space<hbm>> -> memref<129024x128xf32, #tpu.memory_space<hbm>>
      tpu.enqueue_indirect_dma source(%dma_start3A_1300 : memref<16x128xf32, #tpu.memory_space<vmem>>) target(%dma_start3A_1303 : memref<129024x128xf32, #tpu.memory_space<hbm>>) offsets(%add3A_1295 : vector<16xi32>) semaphore(%arg11 : memref<!tpu.dma_semaphore, #tpu.memory_space<semaphore_mem>>)
      %get3A_1304 = arith.index_cast %select_n3A_1271 : i32 to index
      %get3A_1305 = arith.constant 16 : index
      %get3A_1306 = tpu.vector_load %arg6[%get3A_1304, %get3A_1305] {strides = array<i32>} : memref<7x128xi32, #tpu.memory_space<vmem>>, vector<16xi32>,
      %mul3A_1307 = arith.constant 192 : i32
      %mul3A_1308 = vector.broadcast %mul3A_1307 : i32 to vector<16xi32>
      %mul3A_1309 = arith.muli %get3A_1306, %mul3A_1308 : vector<16xi32>
      %add3A_1310 = vector.broadcast %select_n3A_1287 : i32 to vector<16xi32>
      %add3A_1311 = arith.addi %mul3A_1309, %add3A_1310 : vector<16xi32>
      %dma_start3A_1312 = arith.constant 0 : i32
      %dma_start3A_1313 = arith.constant 16 : i32
      %dma_start3A_1314 = arith.constant 0 : i32
      %dma_start3A_1315 = tpu.memref_slice %arg9[%dma_start3A_1312, %dma_start3A_1313, %dma_start3A_1314] : memref<2x104x128xf32, #tpu.memory_space<vmem>> -> memref<1x16x128xf32, #tpu.memory_space<vmem>>
      %dma_start3A_1316 = tpu.memref_squeeze %dma_start3A_1315 : memref<1x16x128xf32, #tpu.memory_space<vmem>> -> memref<16x128xf32, #tpu.memory_space<vmem>>
      %dma_start3A_1317 = arith.constant 0 : i32
      %dma_start3A_1318 = arith.constant 0 : i32
      %dma_start3A_1319 = tpu.memref_slice %arg5[%dma_start3A_1317, %dma_start3A_1318] : memref<129024x128xf32, #tpu.memory_space<hbm>> -> memref<129024x128xf32, #tpu.memory_space<hbm>>
      tpu.enqueue_indirect_dma source(%dma_start3A_1316 : memref<16x128xf32, #tpu.memory_space<vmem>>) target(%dma_start3A_1319 : memref<129024x128xf32, #tpu.memory_space<hbm>>) offsets(%add3A_1311 : vector<16xi32>) semaphore(%arg11 : memref<!tpu.dma_semaphore, #tpu.memory_space<semaphore_mem>>)
      %get3A_1320 = arith.index_cast %select_n3A_1271 : i32 to index
      %get3A_1321 = arith.constant 32 : index
      %get3A_1322 = tpu.vector_load %arg6[%get3A_1320, %get3A_1321] {strides = array<i32>} : memref<7x128xi32, #tpu.memory_space<vmem>>, vector<16xi32>,
      %mul3A_1323 = arith.constant 192 : i32
      %mul3A_1324 = vector.broadcast %mul3A_1323 : i32 to vector<16xi32>
      %mul3A_1325 = arith.muli %get3A_1322, %mul3A_1324 : vector<16xi32>
      %add3A_1326 = vector.broadcast %select_n3A_1287 : i32 to vector<16xi32>
      %add3A_1327 = arith.addi %mul3A_1325, %add3A_1326 : vector<16xi32>
      %dma_start3A_1328 = arith.constant 0 : i32
      %dma_start3A_1329 = arith.constant 32 : i32
      %dma_start3A_1330 = arith.constant 0 : i32
      %dma_start3A_1331 = tpu.memref_slice %arg9[%dma_start3A_1328, %dma_start3A_1329, %dma_start3A_1330] : memref<2x104x128xf32, #tpu.memory_space<vmem>> -> memref<1x16x128xf32, #tpu.memory_space<vmem>>
      %dma_start3A_1332 = tpu.memref_squeeze %dma_start3A_1331 : memref<1x16x128xf32, #tpu.memory_space<vmem>> -> memref<16x128xf32, #tpu.memory_space<vmem>>
      %dma_start3A_1333 = arith.constant 0 : i32
      %dma_start3A_1334 = arith.constant 0 : i32
      %dma_start3A_1335 = tpu.memref_slice %arg5[%dma_start3A_1333, %dma_start3A_1334] : memref<129024x128xf32, #tpu.memory_space<hbm>> -> memref<129024x128xf32, #tpu.memory_space<hbm>>
      tpu.enqueue_indirect_dma source(%dma_start3A_1332 : memref<16x128xf32, #tpu.memory_space<vmem>>) target(%dma_start3A_1335 : memref<129024x128xf32, #tpu.memory_space<hbm>>) offsets(%add3A_1327 : vector<16xi32>) semaphore(%arg11 : memref<!tpu.dma_semaphore, #tpu.memory_space<semaphore_mem>>)
      %get3A_1336 = arith.index_cast %select_n3A_1271 : i32 to index
      %get3A_1337 = arith.constant 48 : index
      %get3A_1338 = tpu.vector_load %arg6[%get3A_1336, %get3A_1337] {strides = array<i32>} : memref<7x128xi32, #tpu.memory_space<vmem>>, vector<16xi32>,
      %mul3A_1339 = arith.constant 192 : i32
      %mul3A_1340 = vector.broadcast %mul3A_1339 : i32 to vector<16xi32>
      %mul3A_1341 = arith.muli %get3A_1338, %mul3A_1340 : vector<16xi32>
      %add3A_1342 = vector.broadcast %select_n3A_1287 : i32 to vector<16xi32>
      %add3A_1343 = arith.addi %mul3A_1341, %add3A_1342 : vector<16xi32>
      %dma_start3A_1344 = arith.constant 0 : i32
      %dma_start3A_1345 = arith.constant 48 : i32
      %dma_start3A_1346 = arith.constant 0 : i32
      %dma_start3A_1347 = tpu.memref_slice %arg9[%dma_start3A_1344, %dma_start3A_1345, %dma_start3A_1346] : memref<2x104x128xf32, #tpu.memory_space<vmem>> -> memref<1x16x128xf32, #tpu.memory_space<vmem>>
      %dma_start3A_1348 = tpu.memref_squeeze %dma_start3A_1347 : memref<1x16x128xf32, #tpu.memory_space<vmem>> -> memref<16x128xf32, #tpu.memory_space<vmem>>
      %dma_start3A_1349 = arith.constant 0 : i32
      %dma_start3A_1350 = arith.constant 0 : i32
      %dma_start3A_1351 = tpu.memref_slice %arg5[%dma_start3A_1349, %dma_start3A_1350] : memref<129024x128xf32, #tpu.memory_space<hbm>> -> memref<129024x128xf32, #tpu.memory_space<hbm>>
      tpu.enqueue_indirect_dma source(%dma_start3A_1348 : memref<16x128xf32, #tpu.memory_space<vmem>>) target(%dma_start3A_1351 : memref<129024x128xf32, #tpu.memory_space<hbm>>) offsets(%add3A_1343 : vector<16xi32>) semaphore(%arg11 : memref<!tpu.dma_semaphore, #tpu.memory_space<semaphore_mem>>)
      %get3A_1352 = arith.index_cast %select_n3A_1271 : i32 to index
      %get3A_1353 = arith.constant 64 : index
      %get3A_1354 = tpu.vector_load %arg6[%get3A_1352, %get3A_1353] {strides = array<i32>} : memref<7x128xi32, #tpu.memory_space<vmem>>, vector<16xi32>,
      %mul3A_1355 = arith.constant 192 : i32
      %mul3A_1356 = vector.broadcast %mul3A_1355 : i32 to vector<16xi32>
      %mul3A_1357 = arith.muli %get3A_1354, %mul3A_1356 : vector<16xi32>
      %add3A_1358 = vector.broadcast %select_n3A_1287 : i32 to vector<16xi32>
      %add3A_1359 = arith.addi %mul3A_1357, %add3A_1358 : vector<16xi32>
      %dma_start3A_1360 = arith.constant 0 : i32
      %dma_start3A_1361 = arith.constant 64 : i32
      %dma_start3A_1362 = arith.constant 0 : i32
      %dma_start3A_1363 = tpu.memref_slice %arg9[%dma_start3A_1360, %dma_start3A_1361, %dma_start3A_1362] : memref<2x104x128xf32, #tpu.memory_space<vmem>> -> memref<1x16x128xf32, #tpu.memory_space<vmem>>
      %dma_start3A_1364 = tpu.memref_squeeze %dma_start3A_1363 : memref<1x16x128xf32, #tpu.memory_space<vmem>> -> memref<16x128xf32, #tpu.memory_space<vmem>>
      %dma_start3A_1365 = arith.constant 0 : i32
      %dma_start3A_1366 = arith.constant 0 : i32
      %dma_start3A_1367 = tpu.memref_slice %arg5[%dma_start3A_1365, %dma_start3A_1366] : memref<129024x128xf32, #tpu.memory_space<hbm>> -> memref<129024x128xf32, #tpu.memory_space<hbm>>
      tpu.enqueue_indirect_dma source(%dma_start3A_1364 : memref<16x128xf32, #tpu.memory_space<vmem>>) target(%dma_start3A_1367 : memref<129024x128xf32, #tpu.memory_space<hbm>>) offsets(%add3A_1359 : vector<16xi32>) semaphore(%arg11 : memref<!tpu.dma_semaphore, #tpu.memory_space<semaphore_mem>>)
      %get3A_1368 = arith.index_cast %select_n3A_1271 : i32 to index
      %get3A_1369 = arith.constant 80 : index
      %get3A_1370 = tpu.vector_load %arg6[%get3A_1368, %get3A_1369] {strides = array<i32>} : memref<7x128xi32, #tpu.memory_space<vmem>>, vector<16xi32>,
      %mul3A_1371 = arith.constant 192 : i32
      %mul3A_1372 = vector.broadcast %mul3A_1371 : i32 to vector<16xi32>
      %mul3A_1373 = arith.muli %get3A_1370, %mul3A_1372 : vector<16xi32>
      %add3A_1374 = vector.broadcast %select_n3A_1287 : i32 to vector<16xi32>
      %add3A_1375 = arith.addi %mul3A_1373, %add3A_1374 : vector<16xi32>
      %dma_start3A_1376 = arith.constant 0 : i32
      %dma_start3A_1377 = arith.constant 80 : i32
      %dma_start3A_1378 = arith.constant 0 : i32
      %dma_start3A_1379 = tpu.memref_slice %arg9[%dma_start3A_1376, %dma_start3A_1377, %dma_start3A_1378] : memref<2x104x128xf32, #tpu.memory_space<vmem>> -> memref<1x16x128xf32, #tpu.memory_space<vmem>>
      %dma_start3A_1380 = tpu.memref_squeeze %dma_start3A_1379 : memref<1x16x128xf32, #tpu.memory_space<vmem>> -> memref<16x128xf32, #tpu.memory_space<vmem>>
      %dma_start3A_1381 = arith.constant 0 : i32
      %dma_start3A_1382 = arith.constant 0 : i32
      %dma_start3A_1383 = tpu.memref_slice %arg5[%dma_start3A_1381, %dma_start3A_1382] : memref<129024x128xf32, #tpu.memory_space<hbm>> -> memref<129024x128xf32, #tpu.memory_space<hbm>>
      tpu.enqueue_indirect_dma source(%dma_start3A_1380 : memref<16x128xf32, #tpu.memory_space<vmem>>) target(%dma_start3A_1383 : memref<129024x128xf32, #tpu.memory_space<hbm>>) offsets(%add3A_1375 : vector<16xi32>) semaphore(%arg11 : memref<!tpu.dma_semaphore, #tpu.memory_space<semaphore_mem>>)
      %add3A_1384 = arith.constant 2 : i32
      %add3A_1385 = arith.addi %mul3A_1153, %add3A_1384 : i32
      %ge3A_1386 = arith.constant 42 : i32
      %ge3A_1387 = arith.cmpi sge, %add3A_1385, %ge3A_1386 : i32
      %sub3A_1388 = arith.constant 42 : i32
      %sub3A_1389 = arith.subi %add3A_1385, %sub3A_1388 : i32
      %select_n3A_1390 = arith.select %ge3A_1387, %sub3A_1389, %add3A_1385 : i32
      %mul3A_1391 = arith.constant 42 : i32
      %mul3A_1392 = arith.muli %add3A, %mul3A_1391 : i32
      %add3A_1393 = arith.addi %mul3A_1392, %select_n3A_1390 : i32
      %jit3A_1394 = arith.constant 192 : i32
      %div3A_1395 = arith.divsi %add3A_1393, %jit3A_1394 : i32
      %sign3A_1396 = arith.constant 0 : i32
      %sign3A_1397 = arith.cmpi sgt, %add3A_1393, %sign3A_1396 : i32
      %sign3A_1398 = arith.extui %sign3A_1397 : i1 to i32
      %sign3A_1399 = arith.constant 0 : i32
      %sign3A_1400 = arith.cmpi slt, %add3A_1393, %sign3A_1399 : i32
      %sign3A_1401 = arith.extui %sign3A_1400 : i1 to i32
      %sign3A_1402 = arith.subi %sign3A_1398, %sign3A_1401 : i32
      %sign3A_1403 = arith.constant 0 : i32
      %sign3A_1404 = arith.cmpi sgt, %jit3A_1394, %sign3A_1403 : i32
      %sign3A_1405 = arith.extui %sign3A_1404 : i1 to i32
      %sign3A_1406 = arith.constant 0 : i32
      %sign3A_1407 = arith.cmpi slt, %jit3A_1394, %sign3A_1406 : i32
      %sign3A_1408 = arith.extui %sign3A_1407 : i1 to i32
      %sign3A_1409 = arith.subi %sign3A_1405, %sign3A_1408 : i32
      %ne3A_1410 = arith.cmpi ne, %sign3A_1402, %sign3A_1409 : i32
      %rem3A_1411 = arith.remsi %add3A_1393, %jit3A_1394 : i32
      %ne3A_1412 = arith.constant 0 : i32
      %ne3A_1413 = arith.cmpi ne, %rem3A_1411, %ne3A_1412 : i32
      %and3A_1414 = arith.andi %ne3A_1410, %ne3A_1413 : i1
      %sub3A_1415 = arith.constant 1 : i32
      %sub3A_1416 = arith.subi %div3A_1395, %sub3A_1415 : i32
      %select_n3A_1417 = arith.select %and3A_1414, %sub3A_1416, %div3A_1395 : i32
      %jit3A_1418 = arith.constant 192 : i32
      %eq3A_1419 = arith.constant 0 : i32
      %eq3A_1420 = arith.cmpi eq, %jit3A_1418, %eq3A_1419 : i32
      %jit3A_1421 = arith.constant 1 : i32
      %select_n3A_1422 = arith.select %eq3A_1420, %jit3A_1421, %jit3A_1418 : i32
      %rem3A_1423 = arith.remsi %add3A_1393, %select_n3A_1422 : i32
      %ne3A_1424 = arith.constant 0 : i32
      %ne3A_1425 = arith.cmpi ne, %rem3A_1423, %ne3A_1424 : i32
      %lt3A_1426 = arith.constant 0 : i32
      %lt3A_1427 = arith.cmpi slt, %rem3A_1423, %lt3A_1426 : i32
      %lt3A_1428 = arith.constant 0 : i32
      %lt3A_1429 = arith.cmpi slt, %select_n3A_1422, %lt3A_1428 : i32
      %ne3A_1430 = arith.xori %lt3A_1427, %lt3A_1429 : i1
      %and3A_1431 = arith.andi %ne3A_1430, %ne3A_1425 : i1
      %add3A_1432 = arith.addi %rem3A_1423, %select_n3A_1422 : i32
      %select_n3A_1433 = arith.select %and3A_1431, %add3A_1432, %rem3A_1423 : i32
      %add3A_1434 = arith.constant 0 : i32
      %add3A_1435 = arith.addi %select_n3A_1417, %add3A_1434 : i32
      %mul3A_1436 = arith.constant 128 : i32
      %mul3A_1437 = arith.muli %add3A_1435, %mul3A_1436 : i32
      %dma_start3A_1438 = arith.constant 0 : i32
      %dma_start3A_1439 = arith.constant 0 : i32
      %dma_start3A_1440 = arith.constant 0 : i32
      %dma_start3A_1441 = tpu.memref_slice %arg8[%dma_start3A_1438, %dma_start3A_1439, %dma_start3A_1440] : memref<2x128x128xf32, #tpu.memory_space<vmem>> -> memref<1x128x128xf32, #tpu.memory_space<vmem>>
      %dma_start3A_1442 = tpu.memref_squeeze %dma_start3A_1441 : memref<1x128x128xf32, #tpu.memory_space<vmem>> -> memref<128x128xf32, #tpu.memory_space<vmem>>
      %dma_start3A_1443 = arith.constant 0 : i32
      %dma_start3A_1444 = tpu.memref_slice %arg2[%dma_start3A_1443, %select_n3A_1433, %mul3A_1437] : memref<128x192x1024xf32, #tpu.memory_space<hbm>> -> memref<128x1x128xf32, #tpu.memory_space<hbm>>
      %dma_start3A_1445 = tpu.memref_squeeze %dma_start3A_1444 : memref<128x1x128xf32, #tpu.memory_space<hbm>> -> memref<128x128xf32, #tpu.memory_space<hbm>>
      %dma_start3A_1446 = arith.constant 0 : i32
      %dma_start3A_1447 = arith.constant 0 : i32
      %dma_start3A_1448 = tpu.memref_slice %arg8[%dma_start3A_1438, %dma_start3A_1446, %dma_start3A_1447] : memref<2x128x128xf32, #tpu.memory_space<vmem>> -> memref<1x128x128xf32, #tpu.memory_space<vmem>>
      %dma_start3A_1449 = tpu.memref_squeeze %dma_start3A_1448 : memref<1x128x128xf32, #tpu.memory_space<vmem>> -> memref<128x128xf32, #tpu.memory_space<vmem>>
      %dma_start3A_1450 = arith.constant 0 : i32
      %dma_start3A_1451 = tpu.memref_slice %arg2[%dma_start3A_1450, %select_n3A_1433, %mul3A_1437] : memref<128x192x1024xf32, #tpu.memory_space<hbm>> -> memref<128x1x128xf32, #tpu.memory_space<hbm>>
      %dma_start3A_1452 = tpu.memref_squeeze %dma_start3A_1451 : memref<128x1x128xf32, #tpu.memory_space<hbm>> -> memref<128x128xf32, #tpu.memory_space<hbm>>
      tpu.enqueue_dma source(%dma_start3A_1452 : memref<128x128xf32, #tpu.memory_space<hbm>>) target(%dma_start3A_1449 : memref<128x128xf32, #tpu.memory_space<vmem>>) target_semaphore(%arg10 : memref<!tpu.dma_semaphore, #tpu.memory_space<semaphore_mem>>)
      %mul3A_1453 = arith.constant 2 : i32
      %mul3A_1454 = arith.muli %mul3A_1453, %scan3A_1151 : i32
      %add3A_1455 = arith.constant 1 : i32
      %add3A_1456 = arith.addi %mul3A_1454, %add3A_1455 : i32
      %dma_wait3A_1457 = arith.constant 0 : i32
      %dma_wait3A_1458 = arith.constant 1 : i32
      %dma_wait3A_1459 = arith.constant 0 : i32
      %dma_wait3A_1460 = arith.constant 0 : i32
      %dma_wait3A_1461 = tpu.memref_slice %arg8[%dma_wait3A_1458, %dma_wait3A_1459, %dma_wait3A_1460] : memref<2x128x128xf32, #tpu.memory_space<vmem>> -> memref<1x128x128xf32, #tpu.memory_space<vmem>>
      %dma_wait3A_1462 = tpu.memref_squeeze %dma_wait3A_1461 : memref<1x128x128xf32, #tpu.memory_space<vmem>> -> memref<128x128xf32, #tpu.memory_space<vmem>>
      %dma_wait3A_1463 = arith.constant 0 : i32
      %dma_wait3A_1464 = arith.constant 0 : i32
      %dma_wait3A_1465 = tpu.memref_slice %arg2[%dma_wait3A_1463, %dma_wait3A_1457, %dma_wait3A_1464] : memref<128x192x1024xf32, #tpu.memory_space<hbm>> -> memref<128x1x128xf32, #tpu.memory_space<hbm>>
      %dma_wait3A_1466 = tpu.memref_squeeze %dma_wait3A_1465 : memref<128x1x128xf32, #tpu.memory_space<hbm>> -> memref<128x128xf32, #tpu.memory_space<hbm>>
      %dma_wait3A_1467 = arith.constant 0 : i32
      %dma_wait3A_1468 = arith.constant 0 : i32
      %dma_wait3A_1469 = tpu.memref_slice %arg8[%dma_wait3A_1458, %dma_wait3A_1467, %dma_wait3A_1468] : memref<2x128x128xf32, #tpu.memory_space<vmem>> -> memref<1x128x128xf32, #tpu.memory_space<vmem>>
      %dma_wait3A_1470 = tpu.memref_squeeze %dma_wait3A_1469 : memref<1x128x128xf32, #tpu.memory_space<vmem>> -> memref<128x128xf32, #tpu.memory_space<vmem>>
      %dma_wait3A_1471 = arith.constant 0 : i32
      %dma_wait3A_1472 = arith.constant 0 : i32
      %dma_wait3A_1473 = tpu.memref_slice %arg2[%dma_wait3A_1471, %dma_wait3A_1457, %dma_wait3A_1472] : memref<128x192x1024xf32, #tpu.memory_space<hbm>> -> memref<128x1x128xf32, #tpu.memory_space<hbm>>
      %dma_wait3A_1474 = tpu.memref_squeeze %dma_wait3A_1473 : memref<128x1x128xf32, #tpu.memory_space<hbm>> -> memref<128x128xf32, #tpu.memory_space<hbm>>
      tpu.wait_dma2 semaphore(%arg10 : memref<!tpu.dma_semaphore, #tpu.memory_space<semaphore_mem>>) src(%dma_wait3A_1474 : memref<128x128xf32, #tpu.memory_space<hbm>>) dst(%dma_wait3A_1470 : memref<128x128xf32, #tpu.memory_space<vmem>>)
      %dma_wait3A_1475 = arith.constant 1 : i32
      %dma_wait3A_1476 = arith.constant 0 : i32
      %dma_wait3A_1477 = arith.constant 0 : i32
      %dma_wait3A_1478 = tpu.memref_slice %arg9[%dma_wait3A_1475, %dma_wait3A_1476, %dma_wait3A_1477] : memref<2x104x128xf32, #tpu.memory_space<vmem>> -> memref<1x96x128xf32, #tpu.memory_space<vmem>>
      %dma_wait3A_1479 = tpu.memref_squeeze %dma_wait3A_1478 : memref<1x96x128xf32, #tpu.memory_space<vmem>> -> memref<96x128xf32, #tpu.memory_space<vmem>>
      %dma_wait3A_1480 = arith.constant 0 : i32
      %dma_wait3A_1481 = arith.constant 0 : i32
      %dma_wait3A_1482 = tpu.memref_slice %arg5[%dma_wait3A_1480, %dma_wait3A_1481] : memref<129024x128xf32, #tpu.memory_space<hbm>> -> memref<96x128xf32, #tpu.memory_space<hbm>>
      %dma_wait3A_1483 = arith.constant 0 : i32
      %dma_wait3A_1484 = arith.constant 0 : i32
      %dma_wait3A_1485 = tpu.memref_slice %arg9[%dma_wait3A_1475, %dma_wait3A_1483, %dma_wait3A_1484] : memref<2x104x128xf32, #tpu.memory_space<vmem>> -> memref<1x96x128xf32, #tpu.memory_space<vmem>>
      %dma_wait3A_1486 = tpu.memref_squeeze %dma_wait3A_1485 : memref<1x96x128xf32, #tpu.memory_space<vmem>> -> memref<96x128xf32, #tpu.memory_space<vmem>>
      %dma_wait3A_1487 = arith.constant 0 : i32
      %dma_wait3A_1488 = arith.constant 0 : i32
      %dma_wait3A_1489 = tpu.memref_slice %arg5[%dma_wait3A_1487, %dma_wait3A_1488] : memref<129024x128xf32, #tpu.memory_space<hbm>> -> memref<96x128xf32, #tpu.memory_space<hbm>>
      tpu.wait_dma2 semaphore(%arg11 : memref<!tpu.dma_semaphore, #tpu.memory_space<semaphore_mem>>) src(%dma_wait3A_1489 : memref<96x128xf32, #tpu.memory_space<hbm>>) dst(%dma_wait3A_1486 : memref<96x128xf32, #tpu.memory_space<vmem>>)
      %ge3A_1490 = arith.constant 42 : i32
      %ge3A_1491 = arith.cmpi sge, %add3A_1456, %ge3A_1490 : i32
      %sub3A_1492 = arith.constant 42 : i32
      %sub3A_1493 = arith.subi %add3A_1456, %sub3A_1492 : i32
      %select_n3A_1494 = arith.select %ge3A_1491, %sub3A_1493, %add3A_1456 : i32
      %mul3A_1495 = arith.constant 42 : i32
      %mul3A_1496 = arith.muli %add3A, %mul3A_1495 : i32
      %add3A_1497 = arith.addi %mul3A_1496, %select_n3A_1494 : i32
      %jit3A_1498 = arith.constant 192 : i32
      %div3A_1499 = arith.divsi %add3A_1497, %jit3A_1498 : i32
      %sign3A_1500 = arith.constant 0 : i32
      %sign3A_1501 = arith.cmpi sgt, %add3A_1497, %sign3A_1500 : i32
      %sign3A_1502 = arith.extui %sign3A_1501 : i1 to i32
      %sign3A_1503 = arith.constant 0 : i32
      %sign3A_1504 = arith.cmpi slt, %add3A_1497, %sign3A_1503 : i32
      %sign3A_1505 = arith.extui %sign3A_1504 : i1 to i32
      %sign3A_1506 = arith.subi %sign3A_1502, %sign3A_1505 : i32
      %sign3A_1507 = arith.constant 0 : i32
      %sign3A_1508 = arith.cmpi sgt, %jit3A_1498, %sign3A_1507 : i32
      %sign3A_1509 = arith.extui %sign3A_1508 : i1 to i32
      %sign3A_1510 = arith.constant 0 : i32
      %sign3A_1511 = arith.cmpi slt, %jit3A_1498, %sign3A_1510 : i32
      %sign3A_1512 = arith.extui %sign3A_1511 : i1 to i32
      %sign3A_1513 = arith.subi %sign3A_1509, %sign3A_1512 : i32
      %ne3A_1514 = arith.cmpi ne, %sign3A_1506, %sign3A_1513 : i32
      %rem3A_1515 = arith.remsi %add3A_1497, %jit3A_1498 : i32
      %ne3A_1516 = arith.constant 0 : i32
      %ne3A_1517 = arith.cmpi ne, %rem3A_1515, %ne3A_1516 : i32
      %and3A_1518 = arith.andi %ne3A_1514, %ne3A_1517 : i1
      %sub3A_1519 = arith.constant 1 : i32
      %sub3A_1520 = arith.subi %div3A_1499, %sub3A_1519 : i32
      %select_n3A_1521 = arith.select %and3A_1518, %sub3A_1520, %div3A_1499 : i32
      %jit3A_1522 = arith.constant 192 : i32
      %eq3A_1523 = arith.constant 0 : i32
      %eq3A_1524 = arith.cmpi eq, %jit3A_1522, %eq3A_1523 : i32
      %jit3A_1525 = arith.constant 1 : i32
      %select_n3A_1526 = arith.select %eq3A_1524, %jit3A_1525, %jit3A_1522 : i32
      %rem3A_1527 = arith.remsi %add3A_1497, %select_n3A_1526 : i32
      %ne3A_1528 = arith.constant 0 : i32
      %ne3A_1529 = arith.cmpi ne, %rem3A_1527, %ne3A_1528 : i32
      %lt3A_1530 = arith.constant 0 : i32
      %lt3A_1531 = arith.cmpi slt, %rem3A_1527, %lt3A_1530 : i32
      %lt3A_1532 = arith.constant 0 : i32
      %lt3A_1533 = arith.cmpi slt, %select_n3A_1526, %lt3A_1532 : i32
      %ne3A_1534 = arith.xori %lt3A_1531, %lt3A_1533 : i1
      %and3A_1535 = arith.andi %ne3A_1534, %ne3A_1529 : i1
      %add3A_1536 = arith.addi %rem3A_1527, %select_n3A_1526 : i32
      %select_n3A_1537 = arith.select %and3A_1535, %add3A_1536, %rem3A_1527 : i32
      %scan3A_1538 = arith.constant 0 : i32
      %scan3A_1539 = arith.constant 0 : i32
      %scan3A_1540 = arith.constant 8 : i32
      %scan3A_1541 = arith.addi %scan3A_1539, %scan3A_1540 : i32
      %scan3A_1542 = arith.constant 1 : i32
      scf.for %scan3A_1757 = %scan3A_1539 to %scan3A_1541 step %scan3A_1542  : i32 {
        %mul3A_1758 = arith.constant 16 : i32
        %mul3A_1759 = arith.muli %scan3A_1757, %mul3A_1758 : i32
        %add3A_1760 = vector.broadcast %mul3A_1759 : i32 to vector<16xi32>
        %add3A_1761 = arith.addi %add3A_1760, %iota3A : vector<16xi32>
        %mul3A_1762 = arith.constant 16 : i32
        %mul3A_1763 = arith.muli %scan3A_1757, %mul3A_1762 : i32
        %get3A_1764 = arith.index_cast %select_n3A_1521 : i32 to index
        %get3A_1765 = arith.index_cast %mul3A_1763 : i32 to index
        %get3A_1766 = tpu.vector_load %arg7[%get3A_1764, %get3A_1765] {strides = array<i32>} : memref<7x128xi32, #tpu.memory_space<vmem>>, vector<16xi32>,
        %scan3A_1767 = arith.constant 0 : i32
        %scan3A_1768 = arith.constant 8 : i32
        %scan3A_1769 = arith.addi %scan3A_1767, %scan3A_1768 : i32
        %scan3A_1770 = arith.constant 1 : i32
        scf.for %scan3A_1772 = %scan3A_1767 to %scan3A_1769 step %scan3A_1770  : i32 {
          %mul3A_1773 = arith.constant 16 : i32
          %mul3A_1774 = arith.muli %scan3A_1772, %mul3A_1773 : i32
          %add3A_1775 = vector.broadcast %mul3A_1774 : i32 to vector<16xi32>
          %add3A_1776 = arith.addi %add3A_1775, %select_n3A_18 : vector<16xi32>
          %gather3A = arith.constant 1 : i32
          %gather3A_1777 = arith.constant 0 : i32
          %gather3A_1778 = arith.constant 0 : i32
          %gather3A_1779 = tpu.memref_slice %arg8[%gather3A, %gather3A_1777, %gather3A_1778] : memref<2x128x128xf32, #tpu.memory_space<vmem>> -> memref<1x128x128xf32, #tpu.memory_space<vmem>>
          %gather3A_1780 = tpu.memref_squeeze %gather3A_1779 : memref<1x128x128xf32, #tpu.memory_space<vmem>> -> memref<128x128xf32, #tpu.memory_space<vmem>>
          %gather3A_1781 = tpu.vector_load_idx %gather3A_1780[%add3A_1776, %add3A_1761] : memref<128x128xf32, #tpu.memory_space<vmem>>[vector<16xi32>, vector<16xi32>], vector<16xf32>,
          %scatter3A = arith.constant 1 : i32
          %scatter3A_1782 = arith.constant 0 : i32
          %scatter3A_1783 = arith.constant 0 : i32
          %scatter3A_1784 = tpu.memref_slice %arg9[%scatter3A, %scatter3A_1782, %scatter3A_1783] : memref<2x104x128xf32, #tpu.memory_space<vmem>> -> memref<1x104x128xf32, #tpu.memory_space<vmem>>
          %scatter3A_1785 = tpu.memref_squeeze %scatter3A_1784 : memref<1x104x128xf32, #tpu.memory_space<vmem>> -> memref<104x128xf32, #tpu.memory_space<vmem>>
          tpu.vector_store_idx %scatter3A_1785[%get3A_1766, %add3A_1776], %gather3A_1781 : memref<104x128xf32, #tpu.memory_space<vmem>>[vector<16xi32>, vector<16xi32>], vector<16xf32>,
          %add3A_1786 = vector.broadcast %mul3A_1774 : i32 to vector<16xi32>
          %add3A_1787 = arith.addi %add3A_1786, %select_n3A_43 : vector<16xi32>
          %gather3A_1788 = arith.constant 1 : i32
          %gather3A_1789 = arith.constant 0 : i32
          %gather3A_1790 = arith.constant 0 : i32
          %gather3A_1791 = tpu.memref_slice %arg8[%gather3A_1788, %gather3A_1789, %gather3A_1790] : memref<2x128x128xf32, #tpu.memory_space<vmem>> -> memref<1x128x128xf32, #tpu.memory_space<vmem>>
          %gather3A_1792 = tpu.memref_squeeze %gather3A_1791 : memref<1x128x128xf32, #tpu.memory_space<vmem>> -> memref<128x128xf32, #tpu.memory_space<vmem>>
          %gather3A_1793 = tpu.vector_load_idx %gather3A_1792[%add3A_1787, %add3A_1761] : memref<128x128xf32, #tpu.memory_space<vmem>>[vector<16xi32>, vector<16xi32>], vector<16xf32>,
          %scatter3A_1794 = arith.constant 1 : i32
          %scatter3A_1795 = arith.constant 0 : i32
          %scatter3A_1796 = arith.constant 0 : i32
          %scatter3A_1797 = tpu.memref_slice %arg9[%scatter3A_1794, %scatter3A_1795, %scatter3A_1796] : memref<2x104x128xf32, #tpu.memory_space<vmem>> -> memref<1x104x128xf32, #tpu.memory_space<vmem>>
          %scatter3A_1798 = tpu.memref_squeeze %scatter3A_1797 : memref<1x104x128xf32, #tpu.memory_space<vmem>> -> memref<104x128xf32, #tpu.memory_space<vmem>>
          tpu.vector_store_idx %scatter3A_1798[%get3A_1766, %add3A_1787], %gather3A_1793 : memref<104x128xf32, #tpu.memory_space<vmem>>[vector<16xi32>, vector<16xi32>], vector<16xf32>,
          %add3A_1799 = vector.broadcast %mul3A_1774 : i32 to vector<16xi32>
          %add3A_1800 = arith.addi %add3A_1799, %select_n3A_68 : vector<16xi32>
          %gather3A_1801 = arith.constant 1 : i32
          %gather3A_1802 = arith.constant 0 : i32
          %gather3A_1803 = arith.constant 0 : i32
          %gather3A_1804 = tpu.memref_slice %arg8[%gather3A_1801, %gather3A_1802, %gather3A_1803] : memref<2x128x128xf32, #tpu.memory_space<vmem>> -> memref<1x128x128xf32, #tpu.memory_space<vmem>>
          %gather3A_1805 = tpu.memref_squeeze %gather3A_1804 : memref<1x128x128xf32, #tpu.memory_space<vmem>> -> memref<128x128xf32, #tpu.memory_space<vmem>>
          %gather3A_1806 = tpu.vector_load_idx %gather3A_1805[%add3A_1800, %add3A_1761] : memref<128x128xf32, #tpu.memory_space<vmem>>[vector<16xi32>, vector<16xi32>], vector<16xf32>,
          %scatter3A_1807 = arith.constant 1 : i32
          %scatter3A_1808 = arith.constant 0 : i32
          %scatter3A_1809 = arith.constant 0 : i32
          %scatter3A_1810 = tpu.memref_slice %arg9[%scatter3A_1807, %scatter3A_1808, %scatter3A_1809] : memref<2x104x128xf32, #tpu.memory_space<vmem>> -> memref<1x104x128xf32, #tpu.memory_space<vmem>>
          %scatter3A_1811 = tpu.memref_squeeze %scatter3A_1810 : memref<1x104x128xf32, #tpu.memory_space<vmem>> -> memref<104x128xf32, #tpu.memory_space<vmem>>
          tpu.vector_store_idx %scatter3A_1811[%get3A_1766, %add3A_1800], %gather3A_1806 : memref<104x128xf32, #tpu.memory_space<vmem>>[vector<16xi32>, vector<16xi32>], vector<16xf32>,
          %add3A_1812 = vector.broadcast %mul3A_1774 : i32 to vector<16xi32>
          %add3A_1813 = arith.addi %add3A_1812, %select_n3A_93 : vector<16xi32>
          %gather3A_1814 = arith.constant 1 : i32
          %gather3A_1815 = arith.constant 0 : i32
          %gather3A_1816 = arith.constant 0 : i32
          %gather3A_1817 = tpu.memref_slice %arg8[%gather3A_1814, %gather3A_1815, %gather3A_1816] : memref<2x128x128xf32, #tpu.memory_space<vmem>> -> memref<1x128x128xf32, #tpu.memory_space<vmem>>
          %gather3A_1818 = tpu.memref_squeeze %gather3A_1817 : memref<1x128x128xf32, #tpu.memory_space<vmem>> -> memref<128x128xf32, #tpu.memory_space<vmem>>
          %gather3A_1819 = tpu.vector_load_idx %gather3A_1818[%add3A_1813, %add3A_1761] : memref<128x128xf32, #tpu.memory_space<vmem>>[vector<16xi32>, vector<16xi32>], vector<16xf32>,
          %scatter3A_1820 = arith.constant 1 : i32
          %scatter3A_1821 = arith.constant 0 : i32
          %scatter3A_1822 = arith.constant 0 : i32
          %scatter3A_1823 = tpu.memref_slice %arg9[%scatter3A_1820, %scatter3A_1821, %scatter3A_1822] : memref<2x104x128xf32, #tpu.memory_space<vmem>> -> memref<1x104x128xf32, #tpu.memory_space<vmem>>
          %scatter3A_1824 = tpu.memref_squeeze %scatter3A_1823 : memref<1x104x128xf32, #tpu.memory_space<vmem>> -> memref<104x128xf32, #tpu.memory_space<vmem>>
          tpu.vector_store_idx %scatter3A_1824[%get3A_1766, %add3A_1813], %gather3A_1819 : memref<104x128xf32, #tpu.memory_space<vmem>>[vector<16xi32>, vector<16xi32>], vector<16xf32>,
          %add3A_1825 = vector.broadcast %mul3A_1774 : i32 to vector<16xi32>
          %add3A_1826 = arith.addi %add3A_1825, %select_n3A_118 : vector<16xi32>
          %gather3A_1827 = arith.constant 1 : i32
          %gather3A_1828 = arith.constant 0 : i32
          %gather3A_1829 = arith.constant 0 : i32
          %gather3A_1830 = tpu.memref_slice %arg8[%gather3A_1827, %gather3A_1828, %gather3A_1829] : memref<2x128x128xf32, #tpu.memory_space<vmem>> -> memref<1x128x128xf32, #tpu.memory_space<vmem>>
          %gather3A_1831 = tpu.memref_squeeze %gather3A_1830 : memref<1x128x128xf32, #tpu.memory_space<vmem>> -> memref<128x128xf32, #tpu.memory_space<vmem>>
          %gather3A_1832 = tpu.vector_load_idx %gather3A_1831[%add3A_1826, %add3A_1761] : memref<128x128xf32, #tpu.memory_space<vmem>>[vector<16xi32>, vector<16xi32>], vector<16xf32>,
          %scatter3A_1833 = arith.constant 1 : i32
          %scatter3A_1834 = arith.constant 0 : i32
          %scatter3A_1835 = arith.constant 0 : i32
          %scatter3A_1836 = tpu.memref_slice %arg9[%scatter3A_1833, %scatter3A_1834, %scatter3A_1835] : memref<2x104x128xf32, #tpu.memory_space<vmem>> -> memref<1x104x128xf32, #tpu.memory_space<vmem>>
          %scatter3A_1837 = tpu.memref_squeeze %scatter3A_1836 : memref<1x104x128xf32, #tpu.memory_space<vmem>> -> memref<104x128xf32, #tpu.memory_space<vmem>>
          tpu.vector_store_idx %scatter3A_1837[%get3A_1766, %add3A_1826], %gather3A_1832 : memref<104x128xf32, #tpu.memory_space<vmem>>[vector<16xi32>, vector<16xi32>], vector<16xf32>,
          %add3A_1838 = vector.broadcast %mul3A_1774 : i32 to vector<16xi32>
          %add3A_1839 = arith.addi %add3A_1838, %select_n3A_143 : vector<16xi32>
          %gather3A_1840 = arith.constant 1 : i32
          %gather3A_1841 = arith.constant 0 : i32
          %gather3A_1842 = arith.constant 0 : i32
          %gather3A_1843 = tpu.memref_slice %arg8[%gather3A_1840, %gather3A_1841, %gather3A_1842] : memref<2x128x128xf32, #tpu.memory_space<vmem>> -> memref<1x128x128xf32, #tpu.memory_space<vmem>>
          %gather3A_1844 = tpu.memref_squeeze %gather3A_1843 : memref<1x128x128xf32, #tpu.memory_space<vmem>> -> memref<128x128xf32, #tpu.memory_space<vmem>>
          %gather3A_1845 = tpu.vector_load_idx %gather3A_1844[%add3A_1839, %add3A_1761] : memref<128x128xf32, #tpu.memory_space<vmem>>[vector<16xi32>, vector<16xi32>], vector<16xf32>,
          %scatter3A_1846 = arith.constant 1 : i32
          %scatter3A_1847 = arith.constant 0 : i32
          %scatter3A_1848 = arith.constant 0 : i32
          %scatter3A_1849 = tpu.memref_slice %arg9[%scatter3A_1846, %scatter3A_1847, %scatter3A_1848] : memref<2x104x128xf32, #tpu.memory_space<vmem>> -> memref<1x104x128xf32, #tpu.memory_space<vmem>>
          %scatter3A_1850 = tpu.memref_squeeze %scatter3A_1849 : memref<1x104x128xf32, #tpu.memory_space<vmem>> -> memref<104x128xf32, #tpu.memory_space<vmem>>
          tpu.vector_store_idx %scatter3A_1850[%get3A_1766, %add3A_1839], %gather3A_1845 : memref<104x128xf32, #tpu.memory_space<vmem>>[vector<16xi32>, vector<16xi32>], vector<16xf32>,
          %add3A_1851 = vector.broadcast %mul3A_1774 : i32 to vector<16xi32>
          %add3A_1852 = arith.addi %add3A_1851, %select_n3A_168 : vector<16xi32>
          %gather3A_1853 = arith.constant 1 : i32
          %gather3A_1854 = arith.constant 0 : i32
          %gather3A_1855 = arith.constant 0 : i32
          %gather3A_1856 = tpu.memref_slice %arg8[%gather3A_1853, %gather3A_1854, %gather3A_1855] : memref<2x128x128xf32, #tpu.memory_space<vmem>> -> memref<1x128x128xf32, #tpu.memory_space<vmem>>
          %gather3A_1857 = tpu.memref_squeeze %gather3A_1856 : memref<1x128x128xf32, #tpu.memory_space<vmem>> -> memref<128x128xf32, #tpu.memory_space<vmem>>
          %gather3A_1858 = tpu.vector_load_idx %gather3A_1857[%add3A_1852, %add3A_1761] : memref<128x128xf32, #tpu.memory_space<vmem>>[vector<16xi32>, vector<16xi32>], vector<16xf32>,
          %scatter3A_1859 = arith.constant 1 : i32
          %scatter3A_1860 = arith.constant 0 : i32
          %scatter3A_1861 = arith.constant 0 : i32
          %scatter3A_1862 = tpu.memref_slice %arg9[%scatter3A_1859, %scatter3A_1860, %scatter3A_1861] : memref<2x104x128xf32, #tpu.memory_space<vmem>> -> memref<1x104x128xf32, #tpu.memory_space<vmem>>
          %scatter3A_1863 = tpu.memref_squeeze %scatter3A_1862 : memref<1x104x128xf32, #tpu.memory_space<vmem>> -> memref<104x128xf32, #tpu.memory_space<vmem>>
          tpu.vector_store_idx %scatter3A_1863[%get3A_1766, %add3A_1852], %gather3A_1858 : memref<104x128xf32, #tpu.memory_space<vmem>>[vector<16xi32>, vector<16xi32>], vector<16xf32>,
          %add3A_1864 = vector.broadcast %mul3A_1774 : i32 to vector<16xi32>
          %add3A_1865 = arith.addi %add3A_1864, %select_n3A_193 : vector<16xi32>
          %gather3A_1866 = arith.constant 1 : i32
          %gather3A_1867 = arith.constant 0 : i32
          %gather3A_1868 = arith.constant 0 : i32
          %gather3A_1869 = tpu.memref_slice %arg8[%gather3A_1866, %gather3A_1867, %gather3A_1868] : memref<2x128x128xf32, #tpu.memory_space<vmem>> -> memref<1x128x128xf32, #tpu.memory_space<vmem>>
          %gather3A_1870 = tpu.memref_squeeze %gather3A_1869 : memref<1x128x128xf32, #tpu.memory_space<vmem>> -> memref<128x128xf32, #tpu.memory_space<vmem>>
          %gather3A_1871 = tpu.vector_load_idx %gather3A_1870[%add3A_1865, %add3A_1761] : memref<128x128xf32, #tpu.memory_space<vmem>>[vector<16xi32>, vector<16xi32>], vector<16xf32>,
          %scatter3A_1872 = arith.constant 1 : i32
          %scatter3A_1873 = arith.constant 0 : i32
          %scatter3A_1874 = arith.constant 0 : i32
          %scatter3A_1875 = tpu.memref_slice %arg9[%scatter3A_1872, %scatter3A_1873, %scatter3A_1874] : memref<2x104x128xf32, #tpu.memory_space<vmem>> -> memref<1x104x128xf32, #tpu.memory_space<vmem>>
          %scatter3A_1876 = tpu.memref_squeeze %scatter3A_1875 : memref<1x104x128xf32, #tpu.memory_space<vmem>> -> memref<104x128xf32, #tpu.memory_space<vmem>>
          tpu.vector_store_idx %scatter3A_1876[%get3A_1766, %add3A_1865], %gather3A_1871 : memref<104x128xf32, #tpu.memory_space<vmem>>[vector<16xi32>, vector<16xi32>], vector<16xf32>,
          %add3A_1877 = vector.broadcast %mul3A_1774 : i32 to vector<16xi32>
          %add3A_1878 = arith.addi %add3A_1877, %select_n3A_218 : vector<16xi32>
          %gather3A_1879 = arith.constant 1 : i32
          %gather3A_1880 = arith.constant 0 : i32
          %gather3A_1881 = arith.constant 0 : i32
          %gather3A_1882 = tpu.memref_slice %arg8[%gather3A_1879, %gather3A_1880, %gather3A_1881] : memref<2x128x128xf32, #tpu.memory_space<vmem>> -> memref<1x128x128xf32, #tpu.memory_space<vmem>>
          %gather3A_1883 = tpu.memref_squeeze %gather3A_1882 : memref<1x128x128xf32, #tpu.memory_space<vmem>> -> memref<128x128xf32, #tpu.memory_space<vmem>>
          %gather3A_1884 = tpu.vector_load_idx %gather3A_1883[%add3A_1878, %add3A_1761] : memref<128x128xf32, #tpu.memory_space<vmem>>[vector<16xi32>, vector<16xi32>], vector<16xf32>,
          %scatter3A_1885 = arith.constant 1 : i32
          %scatter3A_1886 = arith.constant 0 : i32
          %scatter3A_1887 = arith.constant 0 : i32
          %scatter3A_1888 = tpu.memref_slice %arg9[%scatter3A_1885, %scatter3A_1886, %scatter3A_1887] : memref<2x104x128xf32, #tpu.memory_space<vmem>> -> memref<1x104x128xf32, #tpu.memory_space<vmem>>
          %scatter3A_1889 = tpu.memref_squeeze %scatter3A_1888 : memref<1x104x128xf32, #tpu.memory_space<vmem>> -> memref<104x128xf32, #tpu.memory_space<vmem>>
          tpu.vector_store_idx %scatter3A_1889[%get3A_1766, %add3A_1878], %gather3A_1884 : memref<104x128xf32, #tpu.memory_space<vmem>>[vector<16xi32>, vector<16xi32>], vector<16xf32>,
          %add3A_1890 = vector.broadcast %mul3A_1774 : i32 to vector<16xi32>
          %add3A_1891 = arith.addi %add3A_1890, %select_n3A_243 : vector<16xi32>
          %gather3A_1892 = arith.constant 1 : i32
          %gather3A_1893 = arith.constant 0 : i32
          %gather3A_1894 = arith.constant 0 : i32
          %gather3A_1895 = tpu.memref_slice %arg8[%gather3A_1892, %gather3A_1893, %gather3A_1894] : memref<2x128x128xf32, #tpu.memory_space<vmem>> -> memref<1x128x128xf32, #tpu.memory_space<vmem>>
          %gather3A_1896 = tpu.memref_squeeze %gather3A_1895 : memref<1x128x128xf32, #tpu.memory_space<vmem>> -> memref<128x128xf32, #tpu.memory_space<vmem>>
          %gather3A_1897 = tpu.vector_load_idx %gather3A_1896[%add3A_1891, %add3A_1761] : memref<128x128xf32, #tpu.memory_space<vmem>>[vector<16xi32>, vector<16xi32>], vector<16xf32>,
          %scatter3A_1898 = arith.constant 1 : i32
          %scatter3A_1899 = arith.constant 0 : i32
          %scatter3A_1900 = arith.constant 0 : i32
          %scatter3A_1901 = tpu.memref_slice %arg9[%scatter3A_1898, %scatter3A_1899, %scatter3A_1900] : memref<2x104x128xf32, #tpu.memory_space<vmem>> -> memref<1x104x128xf32, #tpu.memory_space<vmem>>
          %scatter3A_1902 = tpu.memref_squeeze %scatter3A_1901 : memref<1x104x128xf32, #tpu.memory_space<vmem>> -> memref<104x128xf32, #tpu.memory_space<vmem>>
          tpu.vector_store_idx %scatter3A_1902[%get3A_1766, %add3A_1891], %gather3A_1897 : memref<104x128xf32, #tpu.memory_space<vmem>>[vector<16xi32>, vector<16xi32>], vector<16xf32>,
          %add3A_1903 = vector.broadcast %mul3A_1774 : i32 to vector<16xi32>
          %add3A_1904 = arith.addi %add3A_1903, %select_n3A_268 : vector<16xi32>
          %gather3A_1905 = arith.constant 1 : i32
          %gather3A_1906 = arith.constant 0 : i32
          %gather3A_1907 = arith.constant 0 : i32
          %gather3A_1908 = tpu.memref_slice %arg8[%gather3A_1905, %gather3A_1906, %gather3A_1907] : memref<2x128x128xf32, #tpu.memory_space<vmem>> -> memref<1x128x128xf32, #tpu.memory_space<vmem>>
          %gather3A_1909 = tpu.memref_squeeze %gather3A_1908 : memref<1x128x128xf32, #tpu.memory_space<vmem>> -> memref<128x128xf32, #tpu.memory_space<vmem>>
          %gather3A_1910 = tpu.vector_load_idx %gather3A_1909[%add3A_1904, %add3A_1761] : memref<128x128xf32, #tpu.memory_space<vmem>>[vector<16xi32>, vector<16xi32>], vector<16xf32>,
          %scatter3A_1911 = arith.constant 1 : i32
          %scatter3A_1912 = arith.constant 0 : i32
          %scatter3A_1913 = arith.constant 0 : i32
          %scatter3A_1914 = tpu.memref_slice %arg9[%scatter3A_1911, %scatter3A_1912, %scatter3A_1913] : memref<2x104x128xf32, #tpu.memory_space<vmem>> -> memref<1x104x128xf32, #tpu.memory_space<vmem>>
          %scatter3A_1915 = tpu.memref_squeeze %scatter3A_1914 : memref<1x104x128xf32, #tpu.memory_space<vmem>> -> memref<104x128xf32, #tpu.memory_space<vmem>>
          tpu.vector_store_idx %scatter3A_1915[%get3A_1766, %add3A_1904], %gather3A_1910 : memref<104x128xf32, #tpu.memory_space<vmem>>[vector<16xi32>, vector<16xi32>], vector<16xf32>,
          %add3A_1916 = vector.broadcast %mul3A_1774 : i32 to vector<16xi32>
          %add3A_1917 = arith.addi %add3A_1916, %select_n3A_293 : vector<16xi32>
          %gather3A_1918 = arith.constant 1 : i32
          %gather3A_1919 = arith.constant 0 : i32
          %gather3A_1920 = arith.constant 0 : i32
          %gather3A_1921 = tpu.memref_slice %arg8[%gather3A_1918, %gather3A_1919, %gather3A_1920] : memref<2x128x128xf32, #tpu.memory_space<vmem>> -> memref<1x128x128xf32, #tpu.memory_space<vmem>>
          %gather3A_1922 = tpu.memref_squeeze %gather3A_1921 : memref<1x128x128xf32, #tpu.memory_space<vmem>> -> memref<128x128xf32, #tpu.memory_space<vmem>>
          %gather3A_1923 = tpu.vector_load_idx %gather3A_1922[%add3A_1917, %add3A_1761] : memref<128x128xf32, #tpu.memory_space<vmem>>[vector<16xi32>, vector<16xi32>], vector<16xf32>,
          %scatter3A_1924 = arith.constant 1 : i32
          %scatter3A_1925 = arith.constant 0 : i32
          %scatter3A_1926 = arith.constant 0 : i32
          %scatter3A_1927 = tpu.memref_slice %arg9[%scatter3A_1924, %scatter3A_1925, %scatter3A_1926] : memref<2x104x128xf32, #tpu.memory_space<vmem>> -> memref<1x104x128xf32, #tpu.memory_space<vmem>>
          %scatter3A_1928 = tpu.memref_squeeze %scatter3A_1927 : memref<1x104x128xf32, #tpu.memory_space<vmem>> -> memref<104x128xf32, #tpu.memory_space<vmem>>
          tpu.vector_store_idx %scatter3A_1928[%get3A_1766, %add3A_1917], %gather3A_1923 : memref<104x128xf32, #tpu.memory_space<vmem>>[vector<16xi32>, vector<16xi32>], vector<16xf32>,
          %add3A_1929 = vector.broadcast %mul3A_1774 : i32 to vector<16xi32>
          %add3A_1930 = arith.addi %add3A_1929, %select_n3A_318 : vector<16xi32>
          %gather3A_1931 = arith.constant 1 : i32
          %gather3A_1932 = arith.constant 0 : i32
          %gather3A_1933 = arith.constant 0 : i32
          %gather3A_1934 = tpu.memref_slice %arg8[%gather3A_1931, %gather3A_1932, %gather3A_1933] : memref<2x128x128xf32, #tpu.memory_space<vmem>> -> memref<1x128x128xf32, #tpu.memory_space<vmem>>
          %gather3A_1935 = tpu.memref_squeeze %gather3A_1934 : memref<1x128x128xf32, #tpu.memory_space<vmem>> -> memref<128x128xf32, #tpu.memory_space<vmem>>
          %gather3A_1936 = tpu.vector_load_idx %gather3A_1935[%add3A_1930, %add3A_1761] : memref<128x128xf32, #tpu.memory_space<vmem>>[vector<16xi32>, vector<16xi32>], vector<16xf32>,
          %scatter3A_1937 = arith.constant 1 : i32
          %scatter3A_1938 = arith.constant 0 : i32
          %scatter3A_1939 = arith.constant 0 : i32
          %scatter3A_1940 = tpu.memref_slice %arg9[%scatter3A_1937, %scatter3A_1938, %scatter3A_1939] : memref<2x104x128xf32, #tpu.memory_space<vmem>> -> memref<1x104x128xf32, #tpu.memory_space<vmem>>
          %scatter3A_1941 = tpu.memref_squeeze %scatter3A_1940 : memref<1x104x128xf32, #tpu.memory_space<vmem>> -> memref<104x128xf32, #tpu.memory_space<vmem>>
          tpu.vector_store_idx %scatter3A_1941[%get3A_1766, %add3A_1930], %gather3A_1936 : memref<104x128xf32, #tpu.memory_space<vmem>>[vector<16xi32>, vector<16xi32>], vector<16xf32>,
          %add3A_1942 = vector.broadcast %mul3A_1774 : i32 to vector<16xi32>
          %add3A_1943 = arith.addi %add3A_1942, %select_n3A_343 : vector<16xi32>
          %gather3A_1944 = arith.constant 1 : i32
          %gather3A_1945 = arith.constant 0 : i32
          %gather3A_1946 = arith.constant 0 : i32
          %gather3A_1947 = tpu.memref_slice %arg8[%gather3A_1944, %gather3A_1945, %gather3A_1946] : memref<2x128x128xf32, #tpu.memory_space<vmem>> -> memref<1x128x128xf32, #tpu.memory_space<vmem>>
          %gather3A_1948 = tpu.memref_squeeze %gather3A_1947 : memref<1x128x128xf32, #tpu.memory_space<vmem>> -> memref<128x128xf32, #tpu.memory_space<vmem>>
          %gather3A_1949 = tpu.vector_load_idx %gather3A_1948[%add3A_1943, %add3A_1761] : memref<128x128xf32, #tpu.memory_space<vmem>>[vector<16xi32>, vector<16xi32>], vector<16xf32>,
          %scatter3A_1950 = arith.constant 1 : i32
          %scatter3A_1951 = arith.constant 0 : i32
          %scatter3A_1952 = arith.constant 0 : i32
          %scatter3A_1953 = tpu.memref_slice %arg9[%scatter3A_1950, %scatter3A_1951, %scatter3A_1952] : memref<2x104x128xf32, #tpu.memory_space<vmem>> -> memref<1x104x128xf32, #tpu.memory_space<vmem>>
          %scatter3A_1954 = tpu.memref_squeeze %scatter3A_1953 : memref<1x104x128xf32, #tpu.memory_space<vmem>> -> memref<104x128xf32, #tpu.memory_space<vmem>>
          tpu.vector_store_idx %scatter3A_1954[%get3A_1766, %add3A_1943], %gather3A_1949 : memref<104x128xf32, #tpu.memory_space<vmem>>[vector<16xi32>, vector<16xi32>], vector<16xf32>,
          %add3A_1955 = vector.broadcast %mul3A_1774 : i32 to vector<16xi32>
          %add3A_1956 = arith.addi %add3A_1955, %select_n3A_368 : vector<16xi32>
          %gather3A_1957 = arith.constant 1 : i32
          %gather3A_1958 = arith.constant 0 : i32
          %gather3A_1959 = arith.constant 0 : i32
          %gather3A_1960 = tpu.memref_slice %arg8[%gather3A_1957, %gather3A_1958, %gather3A_1959] : memref<2x128x128xf32, #tpu.memory_space<vmem>> -> memref<1x128x128xf32, #tpu.memory_space<vmem>>
          %gather3A_1961 = tpu.memref_squeeze %gather3A_1960 : memref<1x128x128xf32, #tpu.memory_space<vmem>> -> memref<128x128xf32, #tpu.memory_space<vmem>>
          %gather3A_1962 = tpu.vector_load_idx %gather3A_1961[%add3A_1956, %add3A_1761] : memref<128x128xf32, #tpu.memory_space<vmem>>[vector<16xi32>, vector<16xi32>], vector<16xf32>,
          %scatter3A_1963 = arith.constant 1 : i32
          %scatter3A_1964 = arith.constant 0 : i32
          %scatter3A_1965 = arith.constant 0 : i32
          %scatter3A_1966 = tpu.memref_slice %arg9[%scatter3A_1963, %scatter3A_1964, %scatter3A_1965] : memref<2x104x128xf32, #tpu.memory_space<vmem>> -> memref<1x104x128xf32, #tpu.memory_space<vmem>>
          %scatter3A_1967 = tpu.memref_squeeze %scatter3A_1966 : memref<1x104x128xf32, #tpu.memory_space<vmem>> -> memref<104x128xf32, #tpu.memory_space<vmem>>
          tpu.vector_store_idx %scatter3A_1967[%get3A_1766, %add3A_1956], %gather3A_1962 : memref<104x128xf32, #tpu.memory_space<vmem>>[vector<16xi32>, vector<16xi32>], vector<16xf32>,
          %add3A_1968 = vector.broadcast %mul3A_1774 : i32 to vector<16xi32>
          %add3A_1969 = arith.addi %add3A_1968, %select_n3A_393 : vector<16xi32>
          %gather3A_1970 = arith.constant 1 : i32
          %gather3A_1971 = arith.constant 0 : i32
          %gather3A_1972 = arith.constant 0 : i32
          %gather3A_1973 = tpu.memref_slice %arg8[%gather3A_1970, %gather3A_1971, %gather3A_1972] : memref<2x128x128xf32, #tpu.memory_space<vmem>> -> memref<1x128x128xf32, #tpu.memory_space<vmem>>
          %gather3A_1974 = tpu.memref_squeeze %gather3A_1973 : memref<1x128x128xf32, #tpu.memory_space<vmem>> -> memref<128x128xf32, #tpu.memory_space<vmem>>
          %gather3A_1975 = tpu.vector_load_idx %gather3A_1974[%add3A_1969, %add3A_1761] : memref<128x128xf32, #tpu.memory_space<vmem>>[vector<16xi32>, vector<16xi32>], vector<16xf32>,
          %scatter3A_1976 = arith.constant 1 : i32
          %scatter3A_1977 = arith.constant 0 : i32
          %scatter3A_1978 = arith.constant 0 : i32
          %scatter3A_1979 = tpu.memref_slice %arg9[%scatter3A_1976, %scatter3A_1977, %scatter3A_1978] : memref<2x104x128xf32, #tpu.memory_space<vmem>> -> memref<1x104x128xf32, #tpu.memory_space<vmem>>
          %scatter3A_1980 = tpu.memref_squeeze %scatter3A_1979 : memref<1x104x128xf32, #tpu.memory_space<vmem>> -> memref<104x128xf32, #tpu.memory_space<vmem>>
          tpu.vector_store_idx %scatter3A_1980[%get3A_1766, %add3A_1969], %gather3A_1975 : memref<104x128xf32, #tpu.memory_space<vmem>>[vector<16xi32>, vector<16xi32>], vector<16xf32>,
        }
        %scan3A_1771 = arith.constant 8 : i32
      }
      %scan3A_1543 = arith.constant 8 : i32
      %ge3A_1544 = arith.constant 42 : i32
      %ge3A_1545 = arith.cmpi sge, %add3A_1456, %ge3A_1544 : i32
      %sub3A_1546 = arith.constant 42 : i32
      %sub3A_1547 = arith.subi %add3A_1456, %sub3A_1546 : i32
      %select_n3A_1548 = arith.select %ge3A_1545, %sub3A_1547, %add3A_1456 : i32
      %mul3A_1549 = arith.constant 42 : i32
      %mul3A_1550 = arith.muli %add3A, %mul3A_1549 : i32
      %add3A_1551 = arith.addi %mul3A_1550, %select_n3A_1548 : i32
      %jit3A_1552 = arith.constant 192 : i32
      %div3A_1553 = arith.divsi %add3A_1551, %jit3A_1552 : i32
      %sign3A_1554 = arith.constant 0 : i32
      %sign3A_1555 = arith.cmpi sgt, %add3A_1551, %sign3A_1554 : i32
      %sign3A_1556 = arith.extui %sign3A_1555 : i1 to i32
      %sign3A_1557 = arith.constant 0 : i32
      %sign3A_1558 = arith.cmpi slt, %add3A_1551, %sign3A_1557 : i32
      %sign3A_1559 = arith.extui %sign3A_1558 : i1 to i32
      %sign3A_1560 = arith.subi %sign3A_1556, %sign3A_1559 : i32
      %sign3A_1561 = arith.constant 0 : i32
      %sign3A_1562 = arith.cmpi sgt, %jit3A_1552, %sign3A_1561 : i32
      %sign3A_1563 = arith.extui %sign3A_1562 : i1 to i32
      %sign3A_1564 = arith.constant 0 : i32
      %sign3A_1565 = arith.cmpi slt, %jit3A_1552, %sign3A_1564 : i32
      %sign3A_1566 = arith.extui %sign3A_1565 : i1 to i32
      %sign3A_1567 = arith.subi %sign3A_1563, %sign3A_1566 : i32
      %ne3A_1568 = arith.cmpi ne, %sign3A_1560, %sign3A_1567 : i32
      %rem3A_1569 = arith.remsi %add3A_1551, %jit3A_1552 : i32
      %ne3A_1570 = arith.constant 0 : i32
      %ne3A_1571 = arith.cmpi ne, %rem3A_1569, %ne3A_1570 : i32
      %and3A_1572 = arith.andi %ne3A_1568, %ne3A_1571 : i1
      %sub3A_1573 = arith.constant 1 : i32
      %sub3A_1574 = arith.subi %div3A_1553, %sub3A_1573 : i32
      %select_n3A_1575 = arith.select %and3A_1572, %sub3A_1574, %div3A_1553 : i32
      %jit3A_1576 = arith.constant 192 : i32
      %eq3A_1577 = arith.constant 0 : i32
      %eq3A_1578 = arith.cmpi eq, %jit3A_1576, %eq3A_1577 : i32
      %jit3A_1579 = arith.constant 1 : i32
      %select_n3A_1580 = arith.select %eq3A_1578, %jit3A_1579, %jit3A_1576 : i32
      %rem3A_1581 = arith.remsi %add3A_1551, %select_n3A_1580 : i32
      %ne3A_1582 = arith.constant 0 : i32
      %ne3A_1583 = arith.cmpi ne, %rem3A_1581, %ne3A_1582 : i32
      %lt3A_1584 = arith.constant 0 : i32
      %lt3A_1585 = arith.cmpi slt, %rem3A_1581, %lt3A_1584 : i32
      %lt3A_1586 = arith.constant 0 : i32
      %lt3A_1587 = arith.cmpi slt, %select_n3A_1580, %lt3A_1586 : i32
      %ne3A_1588 = arith.xori %lt3A_1585, %lt3A_1587 : i1
      %and3A_1589 = arith.andi %ne3A_1588, %ne3A_1583 : i1
      %add3A_1590 = arith.addi %rem3A_1581, %select_n3A_1580 : i32
      %select_n3A_1591 = arith.select %and3A_1589, %add3A_1590, %rem3A_1581 : i32
      %get3A_1592 = arith.index_cast %select_n3A_1575 : i32 to index
      %get3A_1593 = arith.constant 0 : index
      %get3A_1594 = tpu.vector_load %arg6[%get3A_1592, %get3A_1593] {strides = array<i32>} : memref<7x128xi32, #tpu.memory_space<vmem>>, vector<16xi32>,
      %mul3A_1595 = arith.constant 192 : i32
      %mul3A_1596 = vector.broadcast %mul3A_1595 : i32 to vector<16xi32>
      %mul3A_1597 = arith.muli %get3A_1594, %mul3A_1596 : vector<16xi32>
      %add3A_1598 = vector.broadcast %select_n3A_1591 : i32 to vector<16xi32>
      %add3A_1599 = arith.addi %mul3A_1597, %add3A_1598 : vector<16xi32>
      %dma_start3A_1600 = arith.constant 1 : i32
      %dma_start3A_1601 = arith.constant 0 : i32
      %dma_start3A_1602 = arith.constant 0 : i32
      %dma_start3A_1603 = tpu.memref_slice %arg9[%dma_start3A_1600, %dma_start3A_1601, %dma_start3A_1602] : memref<2x104x128xf32, #tpu.memory_space<vmem>> -> memref<1x16x128xf32, #tpu.memory_space<vmem>>
      %dma_start3A_1604 = tpu.memref_squeeze %dma_start3A_1603 : memref<1x16x128xf32, #tpu.memory_space<vmem>> -> memref<16x128xf32, #tpu.memory_space<vmem>>
      %dma_start3A_1605 = arith.constant 0 : i32
      %dma_start3A_1606 = arith.constant 0 : i32
      %dma_start3A_1607 = tpu.memref_slice %arg5[%dma_start3A_1605, %dma_start3A_1606] : memref<129024x128xf32, #tpu.memory_space<hbm>> -> memref<129024x128xf32, #tpu.memory_space<hbm>>
      tpu.enqueue_indirect_dma source(%dma_start3A_1604 : memref<16x128xf32, #tpu.memory_space<vmem>>) target(%dma_start3A_1607 : memref<129024x128xf32, #tpu.memory_space<hbm>>) offsets(%add3A_1599 : vector<16xi32>) semaphore(%arg11 : memref<!tpu.dma_semaphore, #tpu.memory_space<semaphore_mem>>)
      %get3A_1608 = arith.index_cast %select_n3A_1575 : i32 to index
      %get3A_1609 = arith.constant 16 : index
      %get3A_1610 = tpu.vector_load %arg6[%get3A_1608, %get3A_1609] {strides = array<i32>} : memref<7x128xi32, #tpu.memory_space<vmem>>, vector<16xi32>,
      %mul3A_1611 = arith.constant 192 : i32
      %mul3A_1612 = vector.broadcast %mul3A_1611 : i32 to vector<16xi32>
      %mul3A_1613 = arith.muli %get3A_1610, %mul3A_1612 : vector<16xi32>
      %add3A_1614 = vector.broadcast %select_n3A_1591 : i32 to vector<16xi32>
      %add3A_1615 = arith.addi %mul3A_1613, %add3A_1614 : vector<16xi32>
      %dma_start3A_1616 = arith.constant 1 : i32
      %dma_start3A_1617 = arith.constant 16 : i32
      %dma_start3A_1618 = arith.constant 0 : i32
      %dma_start3A_1619 = tpu.memref_slice %arg9[%dma_start3A_1616, %dma_start3A_1617, %dma_start3A_1618] : memref<2x104x128xf32, #tpu.memory_space<vmem>> -> memref<1x16x128xf32, #tpu.memory_space<vmem>>
      %dma_start3A_1620 = tpu.memref_squeeze %dma_start3A_1619 : memref<1x16x128xf32, #tpu.memory_space<vmem>> -> memref<16x128xf32, #tpu.memory_space<vmem>>
      %dma_start3A_1621 = arith.constant 0 : i32
      %dma_start3A_1622 = arith.constant 0 : i32
      %dma_start3A_1623 = tpu.memref_slice %arg5[%dma_start3A_1621, %dma_start3A_1622] : memref<129024x128xf32, #tpu.memory_space<hbm>> -> memref<129024x128xf32, #tpu.memory_space<hbm>>
      tpu.enqueue_indirect_dma source(%dma_start3A_1620 : memref<16x128xf32, #tpu.memory_space<vmem>>) target(%dma_start3A_1623 : memref<129024x128xf32, #tpu.memory_space<hbm>>) offsets(%add3A_1615 : vector<16xi32>) semaphore(%arg11 : memref<!tpu.dma_semaphore, #tpu.memory_space<semaphore_mem>>)
      %get3A_1624 = arith.index_cast %select_n3A_1575 : i32 to index
      %get3A_1625 = arith.constant 32 : index
      %get3A_1626 = tpu.vector_load %arg6[%get3A_1624, %get3A_1625] {strides = array<i32>} : memref<7x128xi32, #tpu.memory_space<vmem>>, vector<16xi32>,
      %mul3A_1627 = arith.constant 192 : i32
      %mul3A_1628 = vector.broadcast %mul3A_1627 : i32 to vector<16xi32>
      %mul3A_1629 = arith.muli %get3A_1626, %mul3A_1628 : vector<16xi32>
      %add3A_1630 = vector.broadcast %select_n3A_1591 : i32 to vector<16xi32>
      %add3A_1631 = arith.addi %mul3A_1629, %add3A_1630 : vector<16xi32>
      %dma_start3A_1632 = arith.constant 1 : i32
      %dma_start3A_1633 = arith.constant 32 : i32
      %dma_start3A_1634 = arith.constant 0 : i32
      %dma_start3A_1635 = tpu.memref_slice %arg9[%dma_start3A_1632, %dma_start3A_1633, %dma_start3A_1634] : memref<2x104x128xf32, #tpu.memory_space<vmem>> -> memref<1x16x128xf32, #tpu.memory_space<vmem>>
      %dma_start3A_1636 = tpu.memref_squeeze %dma_start3A_1635 : memref<1x16x128xf32, #tpu.memory_space<vmem>> -> memref<16x128xf32, #tpu.memory_space<vmem>>
      %dma_start3A_1637 = arith.constant 0 : i32
      %dma_start3A_1638 = arith.constant 0 : i32
      %dma_start3A_1639 = tpu.memref_slice %arg5[%dma_start3A_1637, %dma_start3A_1638] : memref<129024x128xf32, #tpu.memory_space<hbm>> -> memref<129024x128xf32, #tpu.memory_space<hbm>>
      tpu.enqueue_indirect_dma source(%dma_start3A_1636 : memref<16x128xf32, #tpu.memory_space<vmem>>) target(%dma_start3A_1639 : memref<129024x128xf32, #tpu.memory_space<hbm>>) offsets(%add3A_1631 : vector<16xi32>) semaphore(%arg11 : memref<!tpu.dma_semaphore, #tpu.memory_space<semaphore_mem>>)
      %get3A_1640 = arith.index_cast %select_n3A_1575 : i32 to index
      %get3A_1641 = arith.constant 48 : index
      %get3A_1642 = tpu.vector_load %arg6[%get3A_1640, %get3A_1641] {strides = array<i32>} : memref<7x128xi32, #tpu.memory_space<vmem>>, vector<16xi32>,
      %mul3A_1643 = arith.constant 192 : i32
      %mul3A_1644 = vector.broadcast %mul3A_1643 : i32 to vector<16xi32>
      %mul3A_1645 = arith.muli %get3A_1642, %mul3A_1644 : vector<16xi32>
      %add3A_1646 = vector.broadcast %select_n3A_1591 : i32 to vector<16xi32>
      %add3A_1647 = arith.addi %mul3A_1645, %add3A_1646 : vector<16xi32>
      %dma_start3A_1648 = arith.constant 1 : i32
      %dma_start3A_1649 = arith.constant 48 : i32
      %dma_start3A_1650 = arith.constant 0 : i32
      %dma_start3A_1651 = tpu.memref_slice %arg9[%dma_start3A_1648, %dma_start3A_1649, %dma_start3A_1650] : memref<2x104x128xf32, #tpu.memory_space<vmem>> -> memref<1x16x128xf32, #tpu.memory_space<vmem>>
      %dma_start3A_1652 = tpu.memref_squeeze %dma_start3A_1651 : memref<1x16x128xf32, #tpu.memory_space<vmem>> -> memref<16x128xf32, #tpu.memory_space<vmem>>
      %dma_start3A_1653 = arith.constant 0 : i32
      %dma_start3A_1654 = arith.constant 0 : i32
      %dma_start3A_1655 = tpu.memref_slice %arg5[%dma_start3A_1653, %dma_start3A_1654] : memref<129024x128xf32, #tpu.memory_space<hbm>> -> memref<129024x128xf32, #tpu.memory_space<hbm>>
      tpu.enqueue_indirect_dma source(%dma_start3A_1652 : memref<16x128xf32, #tpu.memory_space<vmem>>) target(%dma_start3A_1655 : memref<129024x128xf32, #tpu.memory_space<hbm>>) offsets(%add3A_1647 : vector<16xi32>) semaphore(%arg11 : memref<!tpu.dma_semaphore, #tpu.memory_space<semaphore_mem>>)
      %get3A_1656 = arith.index_cast %select_n3A_1575 : i32 to index
      %get3A_1657 = arith.constant 64 : index
      %get3A_1658 = tpu.vector_load %arg6[%get3A_1656, %get3A_1657] {strides = array<i32>} : memref<7x128xi32, #tpu.memory_space<vmem>>, vector<16xi32>,
      %mul3A_1659 = arith.constant 192 : i32
      %mul3A_1660 = vector.broadcast %mul3A_1659 : i32 to vector<16xi32>
      %mul3A_1661 = arith.muli %get3A_1658, %mul3A_1660 : vector<16xi32>
      %add3A_1662 = vector.broadcast %select_n3A_1591 : i32 to vector<16xi32>
      %add3A_1663 = arith.addi %mul3A_1661, %add3A_1662 : vector<16xi32>
      %dma_start3A_1664 = arith.constant 1 : i32
      %dma_start3A_1665 = arith.constant 64 : i32
      %dma_start3A_1666 = arith.constant 0 : i32
      %dma_start3A_1667 = tpu.memref_slice %arg9[%dma_start3A_1664, %dma_start3A_1665, %dma_start3A_1666] : memref<2x104x128xf32, #tpu.memory_space<vmem>> -> memref<1x16x128xf32, #tpu.memory_space<vmem>>
      %dma_start3A_1668 = tpu.memref_squeeze %dma_start3A_1667 : memref<1x16x128xf32, #tpu.memory_space<vmem>> -> memref<16x128xf32, #tpu.memory_space<vmem>>
      %dma_start3A_1669 = arith.constant 0 : i32
      %dma_start3A_1670 = arith.constant 0 : i32
      %dma_start3A_1671 = tpu.memref_slice %arg5[%dma_start3A_1669, %dma_start3A_1670] : memref<129024x128xf32, #tpu.memory_space<hbm>> -> memref<129024x128xf32, #tpu.memory_space<hbm>>
      tpu.enqueue_indirect_dma source(%dma_start3A_1668 : memref<16x128xf32, #tpu.memory_space<vmem>>) target(%dma_start3A_1671 : memref<129024x128xf32, #tpu.memory_space<hbm>>) offsets(%add3A_1663 : vector<16xi32>) semaphore(%arg11 : memref<!tpu.dma_semaphore, #tpu.memory_space<semaphore_mem>>)
      %get3A_1672 = arith.index_cast %select_n3A_1575 : i32 to index
      %get3A_1673 = arith.constant 80 : index
      %get3A_1674 = tpu.vector_load %arg6[%get3A_1672, %get3A_1673] {strides = array<i32>} : memref<7x128xi32, #tpu.memory_space<vmem>>, vector<16xi32>,
      %mul3A_1675 = arith.constant 192 : i32
      %mul3A_1676 = vector.broadcast %mul3A_1675 : i32 to vector<16xi32>
      %mul3A_1677 = arith.muli %get3A_1674, %mul3A_1676 : vector<16xi32>
      %add3A_1678 = vector.broadcast %select_n3A_1591 : i32 to vector<16xi32>
      %add3A_1679 = arith.addi %mul3A_1677, %add3A_1678 : vector<16xi32>
      %dma_start3A_1680 = arith.constant 1 : i32
      %dma_start3A_1681 = arith.constant 80 : i32
      %dma_start3A_1682 = arith.constant 0 : i32
      %dma_start3A_1683 = tpu.memref_slice %arg9[%dma_start3A_1680, %dma_start3A_1681, %dma_start3A_1682] : memref<2x104x128xf32, #tpu.memory_space<vmem>> -> memref<1x16x128xf32, #tpu.memory_space<vmem>>
      %dma_start3A_1684 = tpu.memref_squeeze %dma_start3A_1683 : memref<1x16x128xf32, #tpu.memory_space<vmem>> -> memref<16x128xf32, #tpu.memory_space<vmem>>
      %dma_start3A_1685 = arith.constant 0 : i32
      %dma_start3A_1686 = arith.constant 0 : i32
      %dma_start3A_1687 = tpu.memref_slice %arg5[%dma_start3A_1685, %dma_start3A_1686] : memref<129024x128xf32, #tpu.memory_space<hbm>> -> memref<129024x128xf32, #tpu.memory_space<hbm>>
      tpu.enqueue_indirect_dma source(%dma_start3A_1684 : memref<16x128xf32, #tpu.memory_space<vmem>>) target(%dma_start3A_1687 : memref<129024x128xf32, #tpu.memory_space<hbm>>) offsets(%add3A_1679 : vector<16xi32>) semaphore(%arg11 : memref<!tpu.dma_semaphore, #tpu.memory_space<semaphore_mem>>)
      %add3A_1688 = arith.constant 2 : i32
      %add3A_1689 = arith.addi %add3A_1456, %add3A_1688 : i32
      %ge3A_1690 = arith.constant 42 : i32
      %ge3A_1691 = arith.cmpi sge, %add3A_1689, %ge3A_1690 : i32
      %sub3A_1692 = arith.constant 42 : i32
      %sub3A_1693 = arith.subi %add3A_1689, %sub3A_1692 : i32
      %select_n3A_1694 = arith.select %ge3A_1691, %sub3A_1693, %add3A_1689 : i32
      %mul3A_1695 = arith.constant 42 : i32
      %mul3A_1696 = arith.muli %add3A, %mul3A_1695 : i32
      %add3A_1697 = arith.addi %mul3A_1696, %select_n3A_1694 : i32
      %jit3A_1698 = arith.constant 192 : i32
      %div3A_1699 = arith.divsi %add3A_1697, %jit3A_1698 : i32
      %sign3A_1700 = arith.constant 0 : i32
      %sign3A_1701 = arith.cmpi sgt, %add3A_1697, %sign3A_1700 : i32
      %sign3A_1702 = arith.extui %sign3A_1701 : i1 to i32
      %sign3A_1703 = arith.constant 0 : i32
      %sign3A_1704 = arith.cmpi slt, %add3A_1697, %sign3A_1703 : i32
      %sign3A_1705 = arith.extui %sign3A_1704 : i1 to i32
      %sign3A_1706 = arith.subi %sign3A_1702, %sign3A_1705 : i32
      %sign3A_1707 = arith.constant 0 : i32
      %sign3A_1708 = arith.cmpi sgt, %jit3A_1698, %sign3A_1707 : i32
      %sign3A_1709 = arith.extui %sign3A_1708 : i1 to i32
      %sign3A_1710 = arith.constant 0 : i32
      %sign3A_1711 = arith.cmpi slt, %jit3A_1698, %sign3A_1710 : i32
      %sign3A_1712 = arith.extui %sign3A_1711 : i1 to i32
      %sign3A_1713 = arith.subi %sign3A_1709, %sign3A_1712 : i32
      %ne3A_1714 = arith.cmpi ne, %sign3A_1706, %sign3A_1713 : i32
      %rem3A_1715 = arith.remsi %add3A_1697, %jit3A_1698 : i32
      %ne3A_1716 = arith.constant 0 : i32
      %ne3A_1717 = arith.cmpi ne, %rem3A_1715, %ne3A_1716 : i32
      %and3A_1718 = arith.andi %ne3A_1714, %ne3A_1717 : i1
      %sub3A_1719 = arith.constant 1 : i32
      %sub3A_1720 = arith.subi %div3A_1699, %sub3A_1719 : i32
      %select_n3A_1721 = arith.select %and3A_1718, %sub3A_1720, %div3A_1699 : i32
      %jit3A_1722 = arith.constant 192 : i32
      %eq3A_1723 = arith.constant 0 : i32
      %eq3A_1724 = arith.cmpi eq, %jit3A_1722, %eq3A_1723 : i32
      %jit3A_1725 = arith.constant 1 : i32
      %select_n3A_1726 = arith.select %eq3A_1724, %jit3A_1725, %jit3A_1722 : i32
      %rem3A_1727 = arith.remsi %add3A_1697, %select_n3A_1726 : i32
      %ne3A_1728 = arith.constant 0 : i32
      %ne3A_1729 = arith.cmpi ne, %rem3A_1727, %ne3A_1728 : i32
      %lt3A_1730 = arith.constant 0 : i32
      %lt3A_1731 = arith.cmpi slt, %rem3A_1727, %lt3A_1730 : i32
      %lt3A_1732 = arith.constant 0 : i32
      %lt3A_1733 = arith.cmpi slt, %select_n3A_1726, %lt3A_1732 : i32
      %ne3A_1734 = arith.xori %lt3A_1731, %lt3A_1733 : i1
      %and3A_1735 = arith.andi %ne3A_1734, %ne3A_1729 : i1
      %add3A_1736 = arith.addi %rem3A_1727, %select_n3A_1726 : i32
      %select_n3A_1737 = arith.select %and3A_1735, %add3A_1736, %rem3A_1727 : i32
      %add3A_1738 = arith.constant 0 : i32
      %add3A_1739 = arith.addi %select_n3A_1721, %add3A_1738 : i32
      %mul3A_1740 = arith.constant 128 : i32
      %mul3A_1741 = arith.muli %add3A_1739, %mul3A_1740 : i32
      %dma_start3A_1742 = arith.constant 1 : i32
      %dma_start3A_1743 = arith.constant 0 : i32
      %dma_start3A_1744 = arith.constant 0 : i32
      %dma_start3A_1745 = tpu.memref_slice %arg8[%dma_start3A_1742, %dma_start3A_1743, %dma_start3A_1744] : memref<2x128x128xf32, #tpu.memory_space<vmem>> -> memref<1x128x128xf32, #tpu.memory_space<vmem>>
      %dma_start3A_1746 = tpu.memref_squeeze %dma_start3A_1745 : memref<1x128x128xf32, #tpu.memory_space<vmem>> -> memref<128x128xf32, #tpu.memory_space<vmem>>
      %dma_start3A_1747 = arith.constant 0 : i32
      %dma_start3A_1748 = tpu.memref_slice %arg2[%dma_start3A_1747, %select_n3A_1737, %mul3A_1741] : memref<128x192x1024xf32, #tpu.memory_space<hbm>> -> memref<128x1x128xf32, #tpu.memory_space<hbm>>
      %dma_start3A_1749 = tpu.memref_squeeze %dma_start3A_1748 : memref<128x1x128xf32, #tpu.memory_space<hbm>> -> memref<128x128xf32, #tpu.memory_space<hbm>>
      %dma_start3A_1750 = arith.constant 0 : i32
      %dma_start3A_1751 = arith.constant 0 : i32
      %dma_start3A_1752 = tpu.memref_slice %arg8[%dma_start3A_1742, %dma_start3A_1750, %dma_start3A_1751] : memref<2x128x128xf32, #tpu.memory_space<vmem>> -> memref<1x128x128xf32, #tpu.memory_space<vmem>>
      %dma_start3A_1753 = tpu.memref_squeeze %dma_start3A_1752 : memref<1x128x128xf32, #tpu.memory_space<vmem>> -> memref<128x128xf32, #tpu.memory_space<vmem>>
      %dma_start3A_1754 = arith.constant 0 : i32
      %dma_start3A_1755 = tpu.memref_slice %arg2[%dma_start3A_1754, %select_n3A_1737, %mul3A_1741] : memref<128x192x1024xf32, #tpu.memory_space<hbm>> -> memref<128x1x128xf32, #tpu.memory_space<hbm>>
      %dma_start3A_1756 = tpu.memref_squeeze %dma_start3A_1755 : memref<128x1x128xf32, #tpu.memory_space<hbm>> -> memref<128x128xf32, #tpu.memory_space<hbm>>
      tpu.enqueue_dma source(%dma_start3A_1756 : memref<128x128xf32, #tpu.memory_space<hbm>>) target(%dma_start3A_1753 : memref<128x128xf32, #tpu.memory_space<vmem>>) target_semaphore(%arg10 : memref<!tpu.dma_semaphore, #tpu.memory_space<semaphore_mem>>)
    }
    %scan3A_1084 = arith.constant 20 : i32
    %dma_wait3A_1085 = arith.constant 0 : i32
    %dma_wait3A_1086 = arith.constant 0 : i32
    %dma_wait3A_1087 = arith.constant 0 : i32
    %dma_wait3A_1088 = arith.constant 0 : i32
    %dma_wait3A_1089 = tpu.memref_slice %arg8[%dma_wait3A_1086, %dma_wait3A_1087, %dma_wait3A_1088] : memref<2x128x128xf32, #tpu.memory_space<vmem>> -> memref<1x128x128xf32, #tpu.memory_space<vmem>>
    %dma_wait3A_1090 = tpu.memref_squeeze %dma_wait3A_1089 : memref<1x128x128xf32, #tpu.memory_space<vmem>> -> memref<128x128xf32, #tpu.memory_space<vmem>>
    %dma_wait3A_1091 = arith.constant 0 : i32
    %dma_wait3A_1092 = arith.constant 0 : i32
    %dma_wait3A_1093 = tpu.memref_slice %arg2[%dma_wait3A_1091, %dma_wait3A_1085, %dma_wait3A_1092] : memref<128x192x1024xf32, #tpu.memory_space<hbm>> -> memref<128x1x128xf32, #tpu.memory_space<hbm>>
    %dma_wait3A_1094 = tpu.memref_squeeze %dma_wait3A_1093 : memref<128x1x128xf32, #tpu.memory_space<hbm>> -> memref<128x128xf32, #tpu.memory_space<hbm>>
    %dma_wait3A_1095 = arith.constant 0 : i32
    %dma_wait3A_1096 = arith.constant 0 : i32
    %dma_wait3A_1097 = tpu.memref_slice %arg8[%dma_wait3A_1086, %dma_wait3A_1095, %dma_wait3A_1096] : memref<2x128x128xf32, #tpu.memory_space<vmem>> -> memref<1x128x128xf32, #tpu.memory_space<vmem>>
    %dma_wait3A_1098 = tpu.memref_squeeze %dma_wait3A_1097 : memref<1x128x128xf32, #tpu.memory_space<vmem>> -> memref<128x128xf32, #tpu.memory_space<vmem>>
    %dma_wait3A_1099 = arith.constant 0 : i32
    %dma_wait3A_1100 = arith.constant 0 : i32
    %dma_wait3A_1101 = tpu.memref_slice %arg2[%dma_wait3A_1099, %dma_wait3A_1085, %dma_wait3A_1100] : memref<128x192x1024xf32, #tpu.memory_space<hbm>> -> memref<128x1x128xf32, #tpu.memory_space<hbm>>
    %dma_wait3A_1102 = tpu.memref_squeeze %dma_wait3A_1101 : memref<128x1x128xf32, #tpu.memory_space<hbm>> -> memref<128x128xf32, #tpu.memory_space<hbm>>
    tpu.wait_dma2 semaphore(%arg10 : memref<!tpu.dma_semaphore, #tpu.memory_space<semaphore_mem>>) src(%dma_wait3A_1102 : memref<128x128xf32, #tpu.memory_space<hbm>>) dst(%dma_wait3A_1098 : memref<128x128xf32, #tpu.memory_space<vmem>>)
    %dma_wait3A_1103 = arith.constant 0 : i32
    %dma_wait3A_1104 = arith.constant 1 : i32
    %dma_wait3A_1105 = arith.constant 0 : i32
    %dma_wait3A_1106 = arith.constant 0 : i32
    %dma_wait3A_1107 = tpu.memref_slice %arg8[%dma_wait3A_1104, %dma_wait3A_1105, %dma_wait3A_1106] : memref<2x128x128xf32, #tpu.memory_space<vmem>> -> memref<1x128x128xf32, #tpu.memory_space<vmem>>
    %dma_wait3A_1108 = tpu.memref_squeeze %dma_wait3A_1107 : memref<1x128x128xf32, #tpu.memory_space<vmem>> -> memref<128x128xf32, #tpu.memory_space<vmem>>
    %dma_wait3A_1109 = arith.constant 0 : i32
    %dma_wait3A_1110 = arith.constant 0 : i32
    %dma_wait3A_1111 = tpu.memref_slice %arg2[%dma_wait3A_1109, %dma_wait3A_1103, %dma_wait3A_1110] : memref<128x192x1024xf32, #tpu.memory_space<hbm>> -> memref<128x1x128xf32, #tpu.memory_space<hbm>>
    %dma_wait3A_1112 = tpu.memref_squeeze %dma_wait3A_1111 : memref<128x1x128xf32, #tpu.memory_space<hbm>> -> memref<128x128xf32, #tpu.memory_space<hbm>>
    %dma_wait3A_1113 = arith.constant 0 : i32
    %dma_wait3A_1114 = arith.constant 0 : i32
    %dma_wait3A_1115 = tpu.memref_slice %arg8[%dma_wait3A_1104, %dma_wait3A_1113, %dma_wait3A_1114] : memref<2x128x128xf32, #tpu.memory_space<vmem>> -> memref<1x128x128xf32, #tpu.memory_space<vmem>>
    %dma_wait3A_1116 = tpu.memref_squeeze %dma_wait3A_1115 : memref<1x128x128xf32, #tpu.memory_space<vmem>> -> memref<128x128xf32, #tpu.memory_space<vmem>>
    %dma_wait3A_1117 = arith.constant 0 : i32
    %dma_wait3A_1118 = arith.constant 0 : i32
    %dma_wait3A_1119 = tpu.memref_slice %arg2[%dma_wait3A_1117, %dma_wait3A_1103, %dma_wait3A_1118] : memref<128x192x1024xf32, #tpu.memory_space<hbm>> -> memref<128x1x128xf32, #tpu.memory_space<hbm>>
    %dma_wait3A_1120 = tpu.memref_squeeze %dma_wait3A_1119 : memref<128x1x128xf32, #tpu.memory_space<hbm>> -> memref<128x128xf32, #tpu.memory_space<hbm>>
    tpu.wait_dma2 semaphore(%arg10 : memref<!tpu.dma_semaphore, #tpu.memory_space<semaphore_mem>>) src(%dma_wait3A_1120 : memref<128x128xf32, #tpu.memory_space<hbm>>) dst(%dma_wait3A_1116 : memref<128x128xf32, #tpu.memory_space<vmem>>)
    %dma_wait3A_1121 = arith.constant 0 : i32
    %dma_wait3A_1122 = arith.constant 0 : i32
    %dma_wait3A_1123 = arith.constant 0 : i32
    %dma_wait3A_1124 = tpu.memref_slice %arg9[%dma_wait3A_1121, %dma_wait3A_1122, %dma_wait3A_1123] : memref<2x104x128xf32, #tpu.memory_space<vmem>> -> memref<1x96x128xf32, #tpu.memory_space<vmem>>
    %dma_wait3A_1125 = tpu.memref_squeeze %dma_wait3A_1124 : memref<1x96x128xf32, #tpu.memory_space<vmem>> -> memref<96x128xf32, #tpu.memory_space<vmem>>
    %dma_wait3A_1126 = arith.constant 0 : i32
    %dma_wait3A_1127 = arith.constant 0 : i32
    %dma_wait3A_1128 = tpu.memref_slice %arg5[%dma_wait3A_1126, %dma_wait3A_1127] : memref<129024x128xf32, #tpu.memory_space<hbm>> -> memref<96x128xf32, #tpu.memory_space<hbm>>
    %dma_wait3A_1129 = arith.constant 0 : i32
    %dma_wait3A_1130 = arith.constant 0 : i32
    %dma_wait3A_1131 = tpu.memref_slice %arg9[%dma_wait3A_1121, %dma_wait3A_1129, %dma_wait3A_1130] : memref<2x104x128xf32, #tpu.memory_space<vmem>> -> memref<1x96x128xf32, #tpu.memory_space<vmem>>
    %dma_wait3A_1132 = tpu.memref_squeeze %dma_wait3A_1131 : memref<1x96x128xf32, #tpu.memory_space<vmem>> -> memref<96x128xf32, #tpu.memory_space<vmem>>
    %dma_wait3A_1133 = arith.constant 0 : i32
    %dma_wait3A_1134 = arith.constant 0 : i32
    %dma_wait3A_1135 = tpu.memref_slice %arg5[%dma_wait3A_1133, %dma_wait3A_1134] : memref<129024x128xf32, #tpu.memory_space<hbm>> -> memref<96x128xf32, #tpu.memory_space<hbm>>
    tpu.wait_dma2 semaphore(%arg11 : memref<!tpu.dma_semaphore, #tpu.memory_space<semaphore_mem>>) src(%dma_wait3A_1135 : memref<96x128xf32, #tpu.memory_space<hbm>>) dst(%dma_wait3A_1132 : memref<96x128xf32, #tpu.memory_space<vmem>>)
    %dma_wait3A_1136 = arith.constant 1 : i32
    %dma_wait3A_1137 = arith.constant 0 : i32
    %dma_wait3A_1138 = arith.constant 0 : i32
    %dma_wait3A_1139 = tpu.memref_slice %arg9[%dma_wait3A_1136, %dma_wait3A_1137, %dma_wait3A_1138] : memref<2x104x128xf32, #tpu.memory_space<vmem>> -> memref<1x96x128xf32, #tpu.memory_space<vmem>>
    %dma_wait3A_1140 = tpu.memref_squeeze %dma_wait3A_1139 : memref<1x96x128xf32, #tpu.memory_space<vmem>> -> memref<96x128xf32, #tpu.memory_space<vmem>>
    %dma_wait3A_1141 = arith.constant 0 : i32
    %dma_wait3A_1142 = arith.constant 0 : i32
    %dma_wait3A_1143 = tpu.memref_slice %arg5[%dma_wait3A_1141, %dma_wait3A_1142] : memref<129024x128xf32, #tpu.memory_space<hbm>> -> memref<96x128xf32, #tpu.memory_space<hbm>>
    %dma_wait3A_1144 = arith.constant 0 : i32
    %dma_wait3A_1145 = arith.constant 0 : i32
    %dma_wait3A_1146 = tpu.memref_slice %arg9[%dma_wait3A_1136, %dma_wait3A_1144, %dma_wait3A_1145] : memref<2x104x128xf32, #tpu.memory_space<vmem>> -> memref<1x96x128xf32, #tpu.memory_space<vmem>>
    %dma_wait3A_1147 = tpu.memref_squeeze %dma_wait3A_1146 : memref<1x96x128xf32, #tpu.memory_space<vmem>> -> memref<96x128xf32, #tpu.memory_space<vmem>>
    %dma_wait3A_1148 = arith.constant 0 : i32
    %dma_wait3A_1149 = arith.constant 0 : i32
    %dma_wait3A_1150 = tpu.memref_slice %arg5[%dma_wait3A_1148, %dma_wait3A_1149] : memref<129024x128xf32, #tpu.memory_space<hbm>> -> memref<96x128xf32, #tpu.memory_space<hbm>>
    tpu.wait_dma2 semaphore(%arg11 : memref<!tpu.dma_semaphore, #tpu.memory_space<semaphore_mem>>) src(%dma_wait3A_1150 : memref<96x128xf32, #tpu.memory_space<hbm>>) dst(%dma_wait3A_1147 : memref<96x128xf32, #tpu.memory_space<vmem>>)
    return
  }
}

</mosaic_0001>

<sc_bundles>
// kernel: kernel.3.cloned.1.call-start
scs
__scs_entry_jumppad:
0x0: {  	(pc) =	sbr.rel $0x88, $3  }
0x1: {  	(tag) =	ssettag $0x0;
	lr =	simm.s32 $0x1  }
0x2: {  	[smem:$0x3FA0] =	sst lr;
	_ =	strace $0xD0000000  }
0x3: {  	_ = 	snop  }
0x4: {  	_ = 	snop  }
0x5: {  	_ = 	snop  }
0x6: {  	_ = 	snop  }
0x7: {  	_ = 	snop  }
__scs_overlays_trampoline_lowered:
0x8: {  	[smem:$0x3FAF] =	sst s0  }
0x9: {  	[smem:$0x3FB0] =	sst s1  }
0xa: {  	[smem:$0x3FB1] =	sst s2  }
0xb: {  	[smem:$0x3FB2] =	sst s3  }
0xc: {  	[smem:$0x3FB3] =	sst s4  }
0xd: {  	[smem:$0x3FB4] =	sst s5  }
0xe: {  	[smem:$0x3FB5] =	sst s6  }
0xf: {  	[smem:$0x3FB6] =	sst s7  }
0x10: {  	[smem:$0x3FB7] =	sst s8  }
0x11: {  	[smem:$0x3FB8] =	sst s9;
	s0 =	simm.s32 @!p0 $0x0  }
0x12: {  	s1 =	sld [smem:$0x3F9E];
	s0 =	simm.s32 @p0 $0x1  }
0x13: {  	[smem:$0x3FB9] =	sst s0;
	s0 =	simm.s32 @!p1 $0x0  }
0x14: {  	s2 =	sld [smem:$0x3F9D];
	s0 =	simm.s32 @p1 $0x1  }
0x15: {  	[smem:$0x3FBA] =	sst s0;
	s0 =	simm.s32 @!p2 $0x0  }
0x16: {  	s3 =	sld [smem:$0x3FDB];
	s0 =	simm.s32 @p2 $0x1  }
0x17: {  	s4 =	simm.s32 $0x1BF5;
	[smem:$0x3FBC] =	sst s0  }
0x18: {  	s0 =	sld [smem:$0x3F9F];
	_ =	swait.ge [sflag:s4], $0x0  }
0x19: {  	s7 =	sld [smem:$0x3FA0]  }
0x1a: {  	s8 =	sadd.s32 $0xFFFFE003, lr  }
0x1b: {  	s9 =	sadd.s32 $0xFFFFFEF7, lr;
	s5 =	simm.s32 $0xFFFFFFFF;
	p2 =	slt.u32 s8, $0xFFFFF086  }
0x1c: {  	p1 =	slt.u32 s9, $0xF7A;
	s5 =	simm.s32 @!p2 $0x0  }
0x1d: {  	s5 =	simm.s32 @p1 $0x1;
	p0 =	seq.s32 s7, s2  }
0x1e: {  	s7 =	smul.u32 @!p0 $0xF7A, s2;
	p2 =	seq.s32 @!p0 s5, $0x0  }
0x1f: {  	s9 =	smul.u32 $0xF7A, s1;
	s8 =	simm.s32 @!p0 $0x1BF5;
	p2 =	por !p2, p0  }
0x20: {  	[sflag:s8] =	ssyncset.s32 @!p0 $0xFFFFF086;
	s6 =	sadd.s32 @!p0 s3, s7;
	s7 =	simm.s32 @!p0 $0x108  }
0x21: {  	s3 =	sadd.s32 s3, s9;
	s6 =	sadd.s32 @!p0 $0x88, s6;
	s7 =	simm.s32 @p2 $0x1082  }
0x22: {  	[simem:s7], [sflag:s8] =	dma.local @!p0 [hbm:s6], $0xF7A  }
0x23: {  	s9 =	sor.u32 $0xD0000000, s2;
	s6 =	simm.s32 $0x108;
	_ =	swait.ge @!p0 [sflag:s8], $0x0  }
0x24: {  	s3 =	sadd.s32 $0x88, s3;
	s6 =	simm.s32 @!p1 $0x1082;
	[sflag:s4] =	ssyncset.s32 $0xFFFFF086  }
0x25: {  	[simem:s6], [sflag:s4] =	dma.local [hbm:s3], $0xF7A  }
0x26: {  	[smem:$0x3FA0] =	sst s1;
	(tag) =	ssettag s2;
	_ =	strace s9  }
0x27: {  	s1 =	sld [smem:$0x3FB0]  }
0x28: {  	s2 =	sld [smem:$0x3FB1]  }
0x29: {  	s4 =	sld [smem:$0x3FB3]  }
0x2a: {  	p0 =	seq.s32 s5, $0x0;
	s5 =	sld [smem:$0x3FB4]  }
0x2b: {  	s6 =	sld [smem:$0x3FB5]  }
0x2c: {  	s7 =	sld [smem:$0x3FB6]  }
0x2d: {  	s3 =	simm.s32 $0x108;
	s8 =	sld [smem:$0x3FB7]  }
0x2e: {  	s3 =	simm.s32 @!p0 $0x1082;
	s9 =	sld [smem:$0x3FB8]  }
0x2f: {  	lr =	sadd.s32 s0, s3;
	s0 =	sld [smem:$0x3FAF]  }
0x30: {  	s3 =	sld [smem:$0x3FB2]  }
0x31: {  	[smem:$0x3FBB] =	sst s10  }
0x32: {  	s10 =	sld [smem:$0x3FB9];
	_ =	sdelay $0x3  }
0x33: {  	p0 =	seq.s32 s10, $0x1;
	s10 =	sld [smem:$0x3FBB];
	_ =	sdelay $0x3  }
0x34: {  	[smem:$0x3FBB] =	sst s10  }
0x35: {  	s10 =	sld [smem:$0x3FBA];
	_ =	sdelay $0x3  }
0x36: {  	p1 =	seq.s32 s10, $0x1;
	s10 =	sld [smem:$0x3FBB];
	_ =	sdelay $0x3  }
0x37: {  	[smem:$0x3FBB] =	sst s10  }
0x38: {  	s10 =	sld [smem:$0x3FBC]  }
0x39: {  	_ = 	snop;
	(pc) =	sbr.ind lr, $3  }
0x3a: {  	_ = 	snop  }
0x3b: {  	_ = 	snop  }
0x3c: {  	p2 =	seq.s32 s10, $0x1;
	s10 =	sld [smem:$0x3FBB]  }
0x3d: {  	_ =	shalt  }
0x3e: {  	_ =	shalt  }
0x3f: {  	_ =	shalt  }
0x40: {  	_ =	shalt  }
0x41: {  	_ =	shalt  }
0x42: {  	_ =	shalt  }
0x43: {  	_ =	shalt  }
0x44: {  	_ =	shalt  }
0x45: {  	_ =	shalt  }
0x46: {  	_ =	shalt  }
0x47: {  	_ =	shalt  }
0x48: {  	_ =	shalt  }
0x49: {  	_ =	shalt  }
0x4a: {  	_ =	shalt  }
0x4b: {  	_ =	shalt  }
0x4c: {  	_ =	shalt  }
0x4d: {  	_ =	shalt  }
0x4e: {  	_ =	shalt  }
0x4f: {  	_ =	shalt  }
0x50: {  	_ =	shalt  }
0x51: {  	_ =	shalt  }
0x52: {  	_ =	shalt  }
0x53: {  	_ =	shalt  }
0x54: {  	_ =	shalt  }
0x55: {  	_ =	shalt  }
0x56: {  	_ =	shalt  }
0x57: {  	_ =	shalt  }
0x58: {  	_ =	shalt  }
0x59: {  	_ =	shalt  }
0x5a: {  	_ =	shalt  }
0x5b: {  	_ =	shalt  }
0x5c: {  	_ =	shalt  }
0x5d: {  	_ =	shalt  }
0x5e: {  	_ =	shalt  }
0x5f: {  	_ =	shalt  }
0x60: {  	_ =	shalt  }
0x61: {  	_ =	shalt  }
0x62: {  	_ =	shalt  }
0x63: {  	_ =	shalt  }
0x64: {  	_ =	shalt  }
0x65: {  	_ =	shalt  }
0x66: {  	_ =	shalt  }
0x67: {  	_ =	shalt  }
0x68: {  	_ =	shalt  }
0x69: {  	_ =	shalt  }
0x6a: {  	_ =	shalt  }
0x6b: {  	_ =	shalt  }
0x6c: {  	_ =	shalt  }
0x6d: {  	_ =	shalt  }
0x6e: {  	_ =	shalt  }
0x6f: {  	_ =	shalt  }
0x70: {  	_ =	shalt  }
0x71: {  	_ =	shalt  }
0x72: {  	_ =	shalt  }
0x73: {  	_ =	shalt  }
0x74: {  	_ =	shalt  }
0x75: {  	_ =	shalt  }
0x76: {  	_ =	shalt  }
0x77: {  	_ =	shalt  }
0x78: {  	_ =	shalt  }
0x79: {  	_ =	shalt  }
0x7a: {  	_ =	shalt  }
0x7b: {  	_ =	shalt  }
0x7c: {  	_ =	shalt  }
0x7d: {  	_ =	shalt  }
0x7e: {  	_ =	shalt  }
0x7f: {  	_ =	shalt  }
0x80: {  	_ =	shalt  }
0x81: {  	_ =	shalt  }
0x82: {  	_ =	shalt  }
0x83: {  	_ =	shalt  }
0x84: {  	_ =	shalt  }
0x85: {  	_ =	shalt  }
0x86: {  	_ =	shalt  }
0x87: {  	_ =	shalt  }
.Lfunc_end0:
.L_simem_size_0:
called_computation_lowered:
.L_overlay_start_0:
0x88: {  	s2 =	sld [smem:$0x3FD9]  }
0x89: {  	s3 =	sld [smem:$0x3FFE];
	_ =	sdelay $0x1  }
0x8a: {  	s1 =	srdreg.scid  }
0x8b: {  	s0 =	sand.u32 $0x1, s1  }
0x8c: {  	s17 =	sshll.u32 s0, $0xA;
	s2 =	sadd.s32 s3, s2  }
0x8d: {  	s2 =	sadd.s32 s2, s17  }
0x8e: {  	[smem:$0x3FC7] =	sst s2  }
0x8f: {  	_ = 	snop  }
0x90: {  	s2 =	sld [smem:$0x3FC9]  }
0x91: {  	s18 =	sld [smem:$0x3FD0];
	(tm) =	ssettm $0x1  }
0x92: {  	s4 =	sld [smem:$0x3FFB];
	_ =	sdelay $0x3  }
0x93: {  	_ =	strace s4  }
0x94: {  	s4 =	sld [smem:$0x3FFC];
	_ =	sdelay $0x3  }
0x95: {  	_ =	strace s4  }
0x96: {  	s4 =	sld [smem:$0x3FFD];
	_ =	sdelay $0x3  }
0x97: {  	_ =	strace s4  }
0x98: {  	_ =	strace $0x8FFFFFFF  }
0x99: {  	s19 =	sld [smem:$0x3FDB];
	_ =	sdelay $0x1  }
0x9a: {  	s5 =	simm.s32 $_scs_section_size  }
0x9b: {  	s6 =	simm.s32 $_size__tile_overlayer_lowered;
	s7 =	simm.s32 $_tile_overlayer_lowered  }
0x9c: {  	s22 =	simm.s32 $0x1BFF;
	s21 =	sshll.u32 s7, $0x1;
	s4 =	sadd.s32 s5, s19  }
0x9d: {  	s8 =	simm.s32 $0x0;
	s20 =	sshll.u32 s6, $0x1;
	s6 =	sadd.s32 s21, s4  }
0x9e: {  	[timem:s8], [sflag:s22] =	dma.local [hbm:s6], s20  }
0x9f: {  	_ =	swait.ge [sflag:s22], s20  }
0xa0: {  	s5 =	ssub.s32 $0x0, s20;
	[sflag:s22] =	ssyncset.done $0x0  }
0xa1: {  	[sflag:s22] =	ssyncadd.s32 s5;
	_ =	sdelay $0x1  }
0xa2: {  	s23 =	simm.s32 $0x1B8B  }
0xa3: {  	_ =	swait.ge [sflag:s23], $0x1  }
0xa4: {  	[sflag:s23] =	ssyncset.done $0x0  }
0xa5: {  	s25 =	simm.s32 $0x1B8E;
	s24 =	sld [smem:$0x3FFE];
	[sflag:s23] =	ssyncadd.s32 $0xFFFFFFFF  }
0xa6: {  	s26 =	simm.s32 $execute0_lowered;
	[smem:$0x3FD2] =	sst s25  }
0xa7: {  	s6 =	sshll.u32 s26, $0x1;
	_ =	strace $0x80000046;
	[dreg:$0x1] =	wrdreg $0xFFFFFFFF  }
0xa8: {  	s28 =	simm.s32 $_size_execute0_lowered;
	s4 =	sadd.s32 s4, s6;
	[dreg:$0x0] =	wrdreg $0x0  }
0xa9: {  	s6 =	sshll.u32 s28, $0x1;
	[dreg:$0x2] =	wrdreg s4  }
0xaa: {  	[dreg:$0x3] =	wrdreg s6  }
0xab: {  	[dreg:$0x4] =	wrdreg $0xC0  }
0xac: {  	_ =	task [dreg:s8], $0x5FFFF  }
0xad: {  	[dreg:$0x1] =	wrdreg $0xFFFFFFFF  }
0xae: {  	[dreg:$0x0] =	wrdreg $0x60  }
0xaf: {  	[dreg:$0x2] =	wrdreg s2  }
0xb0: {  	[dreg:$0x3] =	wrdreg s24  }
0xb1: {  	[dreg:$0x4] =	wrdreg s18  }
0xb2: {  	[dreg:$0x5] =	wrdreg $0x9  }
0xb3: {  	_ =	task.clear_ibuf [dreg:s8], $0x6FFFF;
	_ =	strace $0x90000046  }
0xb4: {  	s29 =	simm.s32 $0x9;
	_ =	strace $0x80000048  }
0xb5: {  	_ =	swait.ge [sflag:s29], $0x1  }
0xb6: {  	[sflag:s29] =	ssyncadd.s32 $0xFFFFFFFF  }
0xb7: {  	_ =	strace $0x90000048  }
0xb8: {  	_ =	sfence  }
0xb9: {  	s30 =	sld [smem:$0x0];
	_ =	sdelay $0x2  }
0xba: {  	s31 =	sshll.u32 s1, $0xD;
	s1 =	sshrl.u32 s1, $0x2  }
0xbb: {  	s3 =	sand.u32 $0x4000, s31;
	s1 =	sadd.s32 s1, s30  }
0xbc: {  	s0 =	sor.u32 s3, s0;
	s1 =	sshll.u32 s1, $0x11  }
0xbd: {  	s0 =	sor.u32 s1, s0  }
0xbe: {  	s0 =	sadd.s32 $0x8F2B, s0  }
0xbf: {  	[sflag:s0] =	ssyncadd.remote.s32 $0x1  }
0xc0: {  	_ =	sfence.sel $0xFFFF  }
0xc1: {  	[dreg:$0x0] =	wrdreg $0xFFFFFFFF;
	(pc) =	sbr.abs _section_cstart, $3  }
0xc2: {  	[dreg:$0x1] =	wrdreg $0xFFFFFFFF  }
0xc3: {  	_ =	task.clear_ibuf [dreg:s8], $0x2FFFF;
	_ =	strace $0x9FFFFFFF  }
0xc4: {  	(tm) =	ssettm $0x7FFFFFFF  }
0xc5: {  	_ =	shalt  }
tec
execute0_lowered:
.L_overlay_start_1:
0x0: {  	(tag) =	ssettag $0x1  }
0x1: {  	v0 =	vimm.s32 $0xFEDCBA9;
	v1 =	vimm.s32 $0x87654321;
	v2 =	vimm.s32 $0x10FEDCBA  }
0x2: {  	v3 =	vimm.s32 $0x98765432;
	v4 =	vimm.s32 $0x210FEDCB;
	v5 =	vimm.s32 $0xA9876543  }
0x3: {  	v6 =	vimm.s32 $0x3210FEDC;
	v7 =	vimm.s32 $0xBA987654;
	v8 =	vimm.s32 $0xCBA98765  }
0x4: {  	v16 =	vimm.s32 $0x543210FE;
	v17 =	vimm.s32 $0xDCBA9876;
	v25 =	vimm.s32 $0x76543210  }
0x5: {  	vm14 =	vcmask $0x300;
	vm13 =	vcmask $0x704;
	vm12 =	vcmask $0xB08  }
0x6: {  	vm11 =	vcmask $0xF0C;
	vm10 =	vcmask $0x1310;
	vm9 =	vcmask $0x1714  }
0x7: {  	vm7 =	vcmask $0x1B18;
	vm2 =	vcmask $0x1F1C;
	vm0 =	vcmask $0x2320  }
0x8: {  	vm1 =	vcmask $0x2724;
	vm3 =	vcmask $0x2B28;
	vm6 =	vcmask $0x2F2C  }
0x9: {  	vm4 =	vcmask $0x3330;
	vm5 =	vcmask $0x3734;
	vm8 =	vcmask $0x3B38  }
0xa: {  	v27 =	vimm.s32 $0x280;
	v28 =	vimm.s32 $0x200;
	v29 =	vimm.s32 $0x180  }
0xb: {  	v30 =	vimm.s32 $0x100;
	v31 =	vimm.s32 $0x80;
	v32 =	vimm.s32 $0x0  }
0xc: {  	v0 =	vunpack.c.l.s4.s8 v0;
	v1 =	vunpack.c.l.s4.s8 v1;
	v2 =	vunpack.c.l.s4.s8 v2  }
0xd: {  	v3 =	vunpack.c.l.s4.s8 v3;
	v4 =	vunpack.c.l.s4.s8 v4;
	v5 =	vunpack.c.l.s4.s8 v5  }
0xe: {  	v6 =	vunpack.c.l.s4.s8 v6;
	v8 =	vunpack.c.l.s4.s8 v8;
	v16 =	vunpack.c.l.s4.s8 v16  }
0xf: {  	v27 =	vsel vm14, $0x300, v27;
	v28 =	vsel vm14, $0x280, v28;
	v29 =	vsel vm14, $0x200, v29  }
0x10: {  	v30 =	vsel vm14, $0x180, v30;
	v31 =	vsel vm14, $0x100, v31;
	v32 =	vsel vm14, $0x80, v32  }
0x11: {  	v27 =	vsel vm13, $0x380, v27;
	v28 =	vsel vm13, $0x300, v28;
	v29 =	vsel vm13, $0x280, v29  }
0x12: {  	v30 =	vsel vm13, $0x200, v30;
	v31 =	vsel vm13, $0x180, v31;
	v32 =	vsel vm13, $0x100, v32  }
0x13: {  	v9 =	vunpack.c.0.s8.s32 v0;
	v10 =	vunpack.c.0.s8.s32 v1;
	v11 =	vunpack.c.0.s8.s32 v2  }
0x14: {  	v12 =	vunpack.c.0.s8.s32 v3;
	v13 =	vunpack.c.0.s8.s32 v4;
	v14 =	vunpack.c.0.s8.s32 v5  }
0x15: {  	v2 =	vlaneseq.u32;
	v15 =	vunpack.c.0.s8.s32 v6;
	v6 =	vunpack.c.l.s4.s8 v7  }
0x16: {  	v7 =	vimm.s32 $0x43210FED;
	v16 =	vunpack.c.0.s8.s32 v16;
	v27 =	vsel vm12, $0x400, v27  }
0x17: {  	v28 =	vsel vm12, $0x380, v28;
	v29 =	vsel vm12, $0x300, v29;
	v30 =	vsel vm12, $0x280, v30  }
0x18: {  	v31 =	vsel vm12, $0x200, v31;
	v32 =	vsel vm12, $0x180, v32;
	v7 =	vunpack.c.l.s4.s8 v7  }
0x19: {  	v27 =	vsel vm11, $0x480, v27;
	v28 =	vsel vm11, $0x400, v28;
	v29 =	vsel vm11, $0x380, v29  }
0x1a: {  	v30 =	vsel vm11, $0x300, v30;
	v31 =	vsel vm11, $0x280, v31;
	v3 =	vcombine.low v10, v9  }
0x1b: {  	v32 =	vsel vm11, $0x200, v32;
	v4 =	vcombine.low v12, v11;
	v5 =	vcombine.low v14, v13  }
0x1c: {  	v18 =	vunpack.c.0.s8.s32 v6;
	v6 =	vunpack.c.l.s4.s8 v17;
	v17 =	vunpack.c.0.s8.s32 v8  }
0x1d: {  	v12 =	vcombine.low v11, v12;
	v13 =	vcombine.low v13, v14;
	v14 =	vimm.s32 $0x700  }
0x1e: {  	v27 =	vsel vm10, $0x500, v27;
	v28 =	vsel vm10, $0x480, v28;
	v29 =	vsel vm10, $0x400, v29  }
0x1f: {  	v30 =	vsel vm10, $0x380, v30;
	v31 =	vsel vm10, $0x300, v31;
	v32 =	vsel vm10, $0x280, v32  }
0x20: {  	v19 =	vunpack.c.0.s8.s32 v7;
	v7 =	vimm.s32 $0x6543210F;
	v14 =	vsel vm14, $0x780, v14  }
0x21: {  	v27 =	vsel vm9, $0x580, v27;
	v28 =	vsel vm9, $0x500, v28;
	v29 =	vsel vm9, $0x480, v29  }
0x22: {  	v30 =	vsel vm9, $0x400, v30;
	v31 =	vsel vm9, $0x380, v31;
	v32 =	vsel vm9, $0x300, v32  }
0x23: {  	v3 =	vand.u32 $0xF, v3;
	v4 =	vand.u32 $0xF, v4;
	v5 =	vand.u32 $0xF, v5  }
0x24: {  	v20 =	vunpack.c.0.s8.s32 v6;
	v6 =	vunpack.c.l.s4.s8 v7;
	v7 =	vimm.s32 $0xEDCBA987  }
0x25: {  	v8 =	vcombine.low v18, v15;
	v12 =	vand.u32 $0xF, v12;
	v13 =	vand.u32 $0xF, v13  }
0x26: {  	s0 =	srdreg.scid;
	s1 =	stileid.u32;
	v15 =	vcombine.low v15, v18;
	v18 =	vsel vm13, $0x0, v14;
	v27 =	vsel vm7, $0x600, v27  }
0x27: {  	s6 =	sand.u32 $0x1, s0;
	s15 =	sshll.u32 s1, $0x1;
	v28 =	vsel vm7, $0x580, v28;
	v29 =	vsel vm7, $0x500, v29;
	v30 =	vsel vm7, $0x480, v30  }
0x28: {  	s7 =	sor.u32 s6, s15;
	v31 =	vsel vm7, $0x400, v31;
	v32 =	vsel vm7, $0x380, v32;
	v21 =	vcombine.low v17, v19  }
0x29: {  	s0 =	smul.u32 $0x700E, s7;
	v7 =	vunpack.c.l.s4.s8 v7;
	v17 =	vcombine.low v19, v17;
	v18 =	vsel vm12, $0x80, v18  }
0x2a: {  	v27 =	vsel vm2, $0x680, v27;
	v28 =	vsel vm2, $0x600, v28;
	v29 =	vsel vm2, $0x580, v29  }
0x2b: {  	s1 =	smul.u32 $0x2A, s7;
	s0 =	sshrl.u32 s0, $0x11;
	v30 =	vsel vm2, $0x500, v30;
	v31 =	vsel vm2, $0x480, v31;
	v32 =	vsel vm2, $0x400, v32  }
0x2c: {  	s4 =	smul.u32 $0xC0, s0;
	v22 =	vcombine.low v20, v16;
	v23 =	vunpack.c.0.s8.s32 v6;
	v6 =	vimm.s32 $0xFEDCBA98  }
0x2d: {  	v14 =	vand.u32 $0xF, v15;
	v16 =	vcombine.low v16, v20;
	v20 =	vimm.s32 $0x600  }
0x2e: {  	s8 =	ssub.s32 s1, s4;
	v27 =	vsel vm0, $0x700, v27;
	v28 =	vsel vm0, $0x680, v28;
	v29 =	vsel vm0, $0x600, v29  }
0x2f: {  	s16 =	sand.u32 $0xFFFE, s8;
	v30 =	vsel vm0, $0x580, v30;
	v31 =	vsel vm0, $0x500, v31;
	v32 =	vsel vm0, $0x480, v32  }
0x30: {  	v0 =	vmov s16;
	v24 =	vunpack.c.0.s8.s32 v7;
	v26 =	vunpack.c.l.s4.s8 v6  }
0x31: {  	v6 =	vand.u32 $0xF, v8;
	v7 =	vand.u32 $0xF, v21;
	v21 =	vunpack.c.l.s4.s8 v25  }
0x32: {  	v15 =	vand.u32 $0xF, v17;
	v17 =	vsel vm11, $0x100, v18;
	v20 =	vsel vm14, $0x680, v20  }
0x33: {  	v27 =	vsel vm1, $0x780, v27;
	v28 =	vsel vm1, $0x700, v28;
	v29 =	vsel vm1, $0x680, v29  }
0x34: {  	s2 =	sor.u32 $0x1, s1;
	v30 =	vsel vm1, $0x600, v30;
	v31 =	vsel vm1, $0x580, v31;
	v32 =	vsel vm1, $0x500, v32  }
0x35: {  	s3 =	smul.u32 $0x2AB, s2;
	v8 =	vand.u32 $0xF, v22;
	v17 =	vsel vm10, $0x180, v17;
	v16 =	vand.u32 $0xF, v16  }
0x36: {  	v20 =	vsel vm13, $0x700, v20;
	v27 =	vsel vm3, $0x0, v27;
	v28 =	vsel vm3, $0x780, v28  }
0x37: {  	s3 =	sshrl.u32 s3, $0x11;
	v29 =	vsel vm3, $0x700, v29;
	v30 =	vsel vm3, $0x680, v30;
	v31 =	vsel vm3, $0x600, v31  }
0x38: {  	s3 =	smul.u32 $0xC0, s3;
	v22 =	vcombine.low v24, v23;
	v25 =	vunpack.c.0.s8.s32 v26;
	v21 =	vunpack.c.0.s8.s32 v21  }
0x39: {  	v26 =	vcombine.low v9, v10;
	v18 =	vcombine.low v23, v24;
	v17 =	vsel vm9, $0x200, v17  }
0x3a: {  	s3 =	ssub.s32 s2, s3;
	v20 =	vsel vm12, $0x780, v20;
	v23 =	vimm.s32 $0x480;
	v24 =	vimm.s32 $0x400  }
0x3b: {  	s17 =	sand.u32 $0xFFFF, s3;
	v27 =	vsel vm6, $0x80, v27;
	v28 =	vsel vm6, $0x0, v28;
	v29 =	vsel vm6, $0x780, v29  }
0x3c: {  	v30 =	vsel vm6, $0x700, v30;
	v1 =	vmov s17;
	v19 =	vsel vm7, $0x280, v17  }
0x3d: {  	v20 =	vsel vm11, $0x0, v20;
	v23 =	vsel vm14, $0x500, v23;
	v24 =	vsel vm14, $0x480, v24  }
0x3e: {  	v27 =	vsel vm4, $0x100, v27;
	v28 =	vsel vm4, $0x80, v28;
	v29 =	vsel vm4, $0x0, v29  }
0x3f: {  	v33 =	vsel vm4, $0x780, v30;
	v30 =	vsel vm6, $0x680, v31;
	v31 =	vsel vm3, $0x580, v32  }
0x40: {  	v9 =	vand.u32 $0xF, v22;
	v10 =	vand.u32 $0xF, v25;
	v11 =	vand.u32 $0xF, v26  }
0x41: {  	v17 =	vand.u32 $0xF, v18;
	v18 =	vsel vm2, $0x300, v19;
	v19 =	vimm.s32 $0x680  }
0x42: {  	v20 =	vsel vm10, $0x80, v20;
	v22 =	vimm.s32 $0x500;
	v23 =	vsel vm13, $0x580, v23  }
0x43: {  	s13 =	sshll.u32 s0, $0x7;
	v25 =	vimm.s32 $0x380;
	v24 =	vsel vm13, $0x500, v24;
	v26 =	vimm.s32 $0x300  }
0x44: {  	s15 =	sor.u32 $0x400, s13;
	v27 =	vsel vm5, $0x180, v27;
	v28 =	vsel vm5, $0x100, v28;
	v29 =	vsel vm5, $0x80, v29  }
0x45: {  	v62 =	vsel vm4, $0x700, v30;
	v31 =	vsel vm6, $0x600, v31;
	v30 =	vmov s15  }
0x46: {  	v33 =	vsel vm5, $0x0, v33;
	v10 =	vcombine.low v10, v21;
	v19 =	vsel vm14, $0x700, v19  }
0x47: {  	v18 =	vsel vm0, $0x380, v18;
	v20 =	vsel vm9, $0x100, v20;
	v21 =	vimm.s32 $0x580  }
0x48: {  	v22 =	vsel vm14, $0x580, v22;
	v23 =	vsel vm12, $0x600, v23;
	v25 =	vsel vm14, $0x400, v25  }
0x49: {  	v24 =	vsel vm12, $0x580, v24;
	v26 =	vsel vm14, $0x380, v26;
	v27 =	vsel vm8, $0x200, v27  }
0x4a: {  	v28 =	vsel vm8, $0x180, v28;
	v29 =	vsel vm8, $0x100, v29;
	v32 =	vsel vm5, $0x780, v62  }
0x4b: {  	v34 =	vsel vm4, $0x680, v31;
	v31 =	vsel vm8, $0x80, v33;
	v19 =	vsel vm13, $0x780, v19  }
0x4c: {  	v18 =	vsel vm1, $0x400, v18;
	v20 =	vsel vm7, $0x180, v20;
	v21 =	vsel vm14, $0x600, v21  }
0x4d: {  	v22 =	vsel vm13, $0x600, v22;
	v23 =	vsel vm11, $0x680, v23;
	v25 =	vsel vm13, $0x480, v25  }
0x4e: {  	v24 =	vsel vm11, $0x600, v24;
	v26 =	vsel vm13, $0x400, v26;
	v32 =	vsel vm8, $0x0, v32  }
0x4f: {  	v63 =	vsel vm5, $0x700, v34;
	v34 =	vmul.u32 $0x80, v2;
	v19 =	vsel vm12, $0x0, v19  }
0x50: {  	v18 =	vsel vm3, $0x480, v18;
	v20 =	vsel vm2, $0x200, v20;
	v21 =	vsel vm13, $0x680, v21  }
0x51: {  	v22 =	vsel vm12, $0x680, v22;
	v23 =	vsel vm10, $0x700, v23;
	v25 =	vsel vm12, $0x500, v25  }
0x52: {  	v24 =	vsel vm10, $0x680, v24;
	v26 =	vsel vm12, $0x480, v26;
	v33 =	vsel vm8, $0x780, v63  }
0x53: {  	v19 =	vsel vm11, $0x80, v19;
	v18 =	vsel vm6, $0x500, v18;
	v20 =	vsel vm0, $0x280, v20  }
0x54: {  	v21 =	vsel vm12, $0x700, v21;
	v22 =	vsel vm11, $0x700, v22;
	v23 =	vsel vm9, $0x780, v23  }
0x55: {  	v25 =	vsel vm11, $0x580, v25;
	v24 =	vsel vm9, $0x700, v24;
	v26 =	vsel vm11, $0x500, v26  }
0x56: {  	v19 =	vsel vm10, $0x100, v19;
	v18 =	vsel vm4, $0x580, v18;
	v20 =	vsel vm1, $0x300, v20  }
0x57: {  	v21 =	vsel vm11, $0x780, v21;
	v22 =	vsel vm10, $0x780, v22;
	v23 =	vsel vm7, $0x0, v23  }
0x58: {  	s9 =	rddreg [dreg:$0x1];
	s5 =	simm.s32 $0x0;
	s28 =	simm.s32 $0xBC00;
	v25 =	vsel vm10, $0x600, v25;
	v24 =	vsel vm7, $0x780, v24;
	v26 =	vsel vm10, $0x580, v26  }
0x59: {  	s29 =	simm.s32 $0xC400;
	s30 =	simm.s32 $0xCC00;
	s7 =	smul.u32 $0x1C00E, s7;
	v19 =	vsel vm9, $0x180, v19;
	v18 =	vsel vm5, $0x600, v18;
	v20 =	vsel vm3, $0x380, v20  }
0x5a: {  	s31 =	simm.s32 $0xD400;
	[smem:$0x7FF] =	sst s5;
	s10 =	sadd.s32 $0x600, s9;
	v21 =	vsel vm10, $0x0, v21;
	v22 =	vsel vm9, $0x0, v22;
	v23 =	vsel vm2, $0x80, v23  }
0x5b: {  	s6 =	ssub.s32 $0x2, s6;
	s7 =	sadd.s32 $0x1556, s7;
	s11 =	sadd.s32 $0x3, s1;
	v25 =	vsel vm9, $0x680, v25;
	v24 =	vsel vm2, $0x0, v24;
	v26 =	vsel vm9, $0x600, v26  }
0x5c: {  	s18 =	sshrl.u32 s6, $0x1;
	s7 =	sshrl.u32 s7, $0x13;
	s12 =	smul.u32 $0xAAB, s11;
	v19 =	vsel vm7, $0x200, v19;
	v20 =	vsel vm6, $0x400, v20;
	v18 =	vsel vm8, $0x680, v18  }
0x5d: {  	s9 =	sadd.s32 $0x400, s9;
	s6 =	ssub.s32 s6, s18;
	s20 =	smul.u32 $0xC0, s7;
	v21 =	vsel vm9, $0x80, v21;
	v22 =	vsel vm7, $0x80, v22;
	v23 =	vsel vm0, $0x100, v23  }
0x5e: {  	s18 =	simm.s32 $0x800;
	s4 =	rddreg [dreg:$0x2];
	s23 =	sshrl.u32 s12, $0x13;
	v25 =	vsel vm7, $0x700, v25;
	v24 =	vsel vm0, $0x80, v24;
	v26 =	vsel vm7, $0x680, v26  }
0x5f: {  	s19 =	sand.u32 $0xF8, s8;
	s8 =	sshll.u32 s8, $0x4;
	s22 =	ssub.s32 s1, s20;
	v19 =	vsel vm2, $0x280, v19;
	v20 =	vsel vm4, $0x480, v20;
	v21 =	vsel vm7, $0x100, v21  }
0x60: {  	s24 =	smul.u32 $0xC0, s23;
	s20 =	simm.s32 $0x1;
	s2 =	rddreg [dreg:$0x0];
	v22 =	vsel vm2, $0x100, v22;
	v23 =	vsel vm1, $0x180, v23;
	v25 =	vsel vm2, $0x780, v25  }
0x61: {  	s8 =	sand.u32 $0x60, s8;
	_ =	strace $0x80000047;
	[dreg:$0x4] =	wrdreg s10;
	v24 =	vsel vm1, $0x100, v24;
	v26 =	vsel vm2, $0x700, v26;
	v19 =	vsel vm0, $0x300, v19  }
0x62: {  	s16 =	simm.s32 $0x80;
	[dreg:$0x5] =	wrdreg s9;
	s9 =	sor.u32 s0, s19;
	v20 =	vsel vm5, $0x500, v20;
	v21 =	vsel vm2, $0x180, v21;
	v22 =	vsel vm0, $0x180, v22  }
0x63: {  	s10 =	ssub.s32 s11, s24;
	s19 =	simm.s32 $0x4800;
	s24 =	simm.s32 $0xA000;
	v23 =	vsel vm3, $0x200, v23;
	v25 =	vsel vm0, $0x0, v25;
	v24 =	vsel vm3, $0x180, v24  }
0x64: {  	[dreg:$0x6] =	wrdreg s13;
	s9 =	sshll.u32 s9, $0x7;
	s8 =	sadd.s32 s2, s8;
	v26 =	vsel vm0, $0x780, v26;
	v19 =	vsel vm1, $0x380, v19;
	v20 =	vsel vm8, $0x580, v20  }
0x65: {  	s21 =	sand.u32 $0xF8, s3;
	s3 =	sshll.u32 s3, $0x4;
	s11 =	sand.u32 $0xF8, s10;
	v21 =	vsel vm0, $0x200, v21;
	v22 =	vsel vm1, $0x200, v22;
	v23 =	vsel vm6, $0x280, v23  }
0x66: {  	s14 =	sshll.u32 s10, $0x4;
	s8 =	sadd.s32 s9, s8;
	s0 =	sor.u32 s0, s21;
	v25 =	vsel vm1, $0x80, v25;
	v24 =	vsel vm6, $0x200, v24;
	v26 =	vsel vm1, $0x0, v26  }
0x67: {  	s3 =	sand.u32 $0x70, s3;
	s17 =	simm.s32 $0x30000;
	s21 =	simm.s32 $0x8800;
	vm0 =	vmmov $0xffff;
	v19 =	vsel vm3, $0x400, v19;
	v21 =	vsel vm1, $0x280, v21  }
0x68: {  	[dreg:$0x7] =	wrdreg s8;
	s8 =	sadd.s32 $0x2, s22;
	s0 =	sshll.u32 s0, $0x7;
	v22 =	vsel vm3, $0x280, v22;
	v23 =	vsel vm4, $0x300, v23;
	v25 =	vsel vm3, $0x100, v25  }
0x69: {  	s3 =	sadd.s32 s2, s3;
	s22 =	simm.s32 $0x9000;
	s15 =	simm.s32 $0x2;
	v24 =	vsel vm4, $0x280, v24;
	v26 =	vsel vm3, $0x80, v26;
	v19 =	vsel vm6, $0x480, v19  }
0x6a: {  	s25 =	sand.u32 $0xF8, s8;
	s0 =	sadd.s32 s0, s3;
	s12 =	sshll.u32 s8, $0x4;
	v21 =	vsel vm3, $0x300, v21;
	v22 =	vsel vm6, $0x300, v22;
	v23 =	vsel vm5, $0x380, v23  }
0x6b: {  	s3 =	sadd.s32 s23, s11;
	s8 =	sand.u32 $0x70, s14;
	s23 =	simm.s32 $0x9800;
	v25 =	vsel vm6, $0x180, v25;
	v24 =	vsel vm5, $0x300, v24;
	v26 =	vsel vm6, $0x100, v26  }
0x6c: {  	s7 =	sadd.s32 s7, s25;
	[dreg:$0x8] =	wrdreg s0;
	s3 =	sshll.u32 s3, $0x7;
	v19 =	vsel vm4, $0x500, v19;
	v21 =	vsel vm6, $0x380, v21;
	v22 =	vsel vm4, $0x380, v22  }
0x6d: {  	s26 =	sshll.u32 s7, $0x7;
	s7 =	sand.u32 $0x60, s12;
	s3 =	sor.u32 s8, s3;
	v23 =	vsel vm8, $0x400, v23;
	v25 =	vsel vm4, $0x200, v25;
	v24 =	vsel vm8, $0x380, v24  }
0x6e: {  	s0 =	sor.u32 s7, s26;
	s25 =	sadd.s32 s2, s3;
	s26 =	smax.u32 s6, $0x1;
	v26 =	vsel vm4, $0x180, v26;
	v19 =	vsel vm5, $0x580, v19;
	v21 =	vsel vm4, $0x400, v21  }
0x6f: {  	s3 =	simm.s32 $0xDC00;
	s7 =	simm.s32 $0x0;
	[dreg:$0xa] =	wrdreg s25;
	v22 =	vsel vm5, $0x400, v22;
	v25 =	vsel vm5, $0x280, v25;
	v26 =	vsel vm5, $0x200, v26  }
0x70: {  	s0 =	sadd.s32 s2, s0;
	[dreg:$0xb] =	wrdreg s26;
	s25 =	simm.s32 $0xA800;
	v19 =	vsel vm8, $0x600, v19;
	v21 =	vsel vm5, $0x480, v21;
	v22 =	vsel vm8, $0x480, v22  }
0x71: {  	s26 =	simm.s32 $0xB000;
	[dreg:$0x9] =	wrdreg s0;
	s0 =	simm.s32 $0xE400;
	v25 =	vsel vm8, $0x300, v25;
	v26 =	vsel vm8, $0x280, v26;
	v21 =	vsel vm8, $0x500, v21  }
.LBB2_1:
0x72: {  	[dreg:$0xc] =	wrdreg s7  }
0x73: {  	s6 =	rddreg [dreg:$0x4];
	s10 =	simm.s32 $0x3  }
0x74: {  	[tilespmem:s5], [sflag:$0x3] =	stream.linear.gather [hbm4b:s6+s5], $0x380, $0x38;
	[tilespmem:$0xF000] =	vst v63  }
0x75: {  	_ =	swait.ge [sflag:s10], $0x380  }
0x76: {  	[sflag:s10] =	ssyncset.done $0x0  }
0x77: {  	s8 =	simm.s32 $0x400;
	s11 =	rddreg [dreg:$0x5];
	[sflag:s10] =	ssyncadd.s32 $0xFFFFFC80  }
0x78: {  	[tilespmem:s8], [sflag:$0x3] =	stream.linear.gather [hbm4b:s11+s5], $0x380, $0x38;
	[tilespmem:$0xF000] =	vst v63  }
0x79: {  	_ =	swait.ge [sflag:s10], $0x380  }
0x7a: {  	[sflag:s10] =	ssyncset.done $0x0  }
0x7b: {  	s12 =	rddreg [dreg:$0x7];
	[sflag:s10] =	ssyncadd.s32 $0xFFFFFC80  }
0x7c: {  	[tilespmem:s18], [sflag:$0x1] =	stream.strided.gather [hbm4b:s12+s16], $0x4000, s17, s16, $0x38;
	[tilespmem:$0xF000] =	vst v63  }
0x7d: {  	s14 =	rddreg [dreg:$0x8]  }
0x7e: {  	[tilespmem:s19], [sflag:$0x1] =	stream.strided.gather [hbm4b:s14+s16], $0x4000, s17, s16, $0x38;
	[tilespmem:$0xF000] =	vst v63  }
0x7f: {  	_ =	swait.ge [sflag:s20], $0x4000  }
0x80: {  	[sflag:s20] =	ssyncset.done $0x0  }
0x81: {  	s7 =	simm.s32 $0x0;
	[sflag:s20] =	ssyncadd.s32 $0xFFFFC000  }
.LBB2_2:
0x82: {  	_ =	sdelay $0x1  }
0x83: {  	s9 =	simm.s32 $0x0  }
0x84: {  	s6 =	sshll.u32 s7, $0x4;
	v35 =	vmov s9  }
0x85: {  	v36 =	vld.idx.msk [tilespmem:v30+s6+$0x0 ss:$0x1], $0xffff;
	v51 =	vshll.u32 v35, $0x7  }
0x86: {  	v35 =	vor.u32 s6, v2;
	v37 =	vor.u32 v34, v51  }
0x87: {  	v37 =	vadd.s32 v35, v37;
	_ =	sdelay $0x2  }
0x88: {  	v52 =	vshll.u32 v36, $0x7  }
0x89: {  	v36 =	vor.u32 v2, v52  }
0x8a: {  	v44 =	vor.u32 v33, v51;
	v39 =	vor.u32 s9, v36;
	v38 =	vld.idx.msk [tilespmem:v37+s18+$0x0], $0xffff  }
0x8b: {  	v40 =	vadd.s32 v35, v44;
	_ =	sdelay $0x3  }
0x8c: {  	v37 =	vor.u32 v3, v52;
	[tilespmem:v39+s21+$0x0] =	vst.idx.msk $0xffff, v38  }
0x8d: {  	v46 =	vor.u32 v32, v51;
	v45 =	vor.u32 s9, v37;
	v39 =	vld.idx.msk [tilespmem:v40+s18+$0x0], $0xffff  }
0x8e: {  	v41 =	vadd.s32 v35, v46;
	_ =	sdelay $0x3  }
0x8f: {  	v38 =	vor.u32 v4, v52;
	[tilespmem:v45+s21+$0x0] =	vst.idx.msk $0xffff, v39  }
0x90: {  	v48 =	vor.u32 v31, v51;
	v47 =	vor.u32 s9, v38;
	v40 =	vld.idx.msk [tilespmem:v41+s18+$0x0], $0xffff  }
0x91: {  	v42 =	vadd.s32 v35, v48;
	_ =	sdelay $0x3  }
0x92: {  	v39 =	vor.u32 v5, v52;
	[tilespmem:v47+s21+$0x0] =	vst.idx.msk $0xffff, v40  }
0x93: {  	v50 =	vor.u32 v29, v51;
	v49 =	vor.u32 s9, v39;
	v41 =	vld.idx.msk [tilespmem:v42+s18+$0x0], $0xffff  }
0x94: {  	v43 =	vadd.s32 v35, v50;
	_ =	sdelay $0x3  }
0x95: {  	v40 =	vor.u32 v6, v52;
	[tilespmem:v49+s21+$0x0] =	vst.idx.msk $0xffff, v41  }
0x96: {  	v54 =	vor.u32 v28, v51;
	v53 =	vor.u32 s9, v40;
	v42 =	vld.idx.msk [tilespmem:v43+s18+$0x0], $0xffff  }
0x97: {  	v44 =	vadd.s32 v35, v54;
	_ =	sdelay $0x3  }
0x98: {  	v41 =	vor.u32 v7, v52;
	[tilespmem:v53+s21+$0x0] =	vst.idx.msk $0xffff, v42  }
0x99: {  	v56 =	vor.u32 v27, v51;
	v55 =	vor.u32 s9, v41;
	v43 =	vld.idx.msk [tilespmem:v44+s18+$0x0], $0xffff  }
0x9a: {  	v45 =	vadd.s32 v35, v56;
	_ =	sdelay $0x3  }
0x9b: {  	v42 =	vor.u32 v8, v52;
	[tilespmem:v55+s21+$0x0] =	vst.idx.msk $0xffff, v43  }
0x9c: {  	v58 =	vor.u32 v26, v51;
	v57 =	vor.u32 s9, v42;
	v44 =	vld.idx.msk [tilespmem:v45+s18+$0x0], $0xffff  }
0x9d: {  	v46 =	vadd.s32 v35, v58;
	_ =	sdelay $0x3  }
0x9e: {  	v43 =	vor.u32 v9, v52;
	[tilespmem:v57+s21+$0x0] =	vst.idx.msk $0xffff, v44  }
0x9f: {  	v60 =	vor.u32 v25, v51;
	v59 =	vor.u32 s9, v43;
	v45 =	vld.idx.msk [tilespmem:v46+s18+$0x0], $0xffff  }
0xa0: {  	v47 =	vadd.s32 v35, v60;
	_ =	sdelay $0x3  }
0xa1: {  	v44 =	vor.u32 v10, v52;
	[tilespmem:v59+s21+$0x0] =	vst.idx.msk $0xffff, v45  }
0xa2: {  	v62 =	vor.u32 v24, v51;
	v61 =	vor.u32 s9, v44;
	v46 =	vld.idx.msk [tilespmem:v47+s18+$0x0], $0xffff  }
0xa3: {  	v48 =	vadd.s32 v35, v62;
	_ =	sdelay $0x3  }
0xa4: {  	v45 =	vor.u32 v11, v52;
	[tilespmem:v61+s21+$0x0] =	vst.idx.msk $0xffff, v46  }
0xa5: {  	v53 =	vor.u32 v23, v51;
	v63 =	vor.u32 s9, v45;
	v47 =	vld.idx.msk [tilespmem:v48+s18+$0x0], $0xffff  }
0xa6: {  	v49 =	vadd.s32 v35, v53;
	_ =	sdelay $0x3  }
0xa7: {  	v46 =	vor.u32 v12, v52;
	[tilespmem:v63+s21+$0x0] =	vst.idx.msk $0xffff, v47  }
0xa8: {  	v55 =	vor.u32 v22, v51;
	v54 =	vor.u32 s9, v46;
	v48 =	vld.idx.msk [tilespmem:v49+s18+$0x0], $0xffff  }
0xa9: {  	v50 =	vadd.s32 v35, v55;
	_ =	sdelay $0x3  }
0xaa: {  	v47 =	vor.u32 v13, v52;
	[tilespmem:v54+s21+$0x0] =	vst.idx.msk $0xffff, v48  }
0xab: {  	v57 =	vor.u32 v21, v51;
	v56 =	vor.u32 s9, v47;
	v49 =	vld.idx.msk [tilespmem:v50+s18+$0x0], $0xffff  }
0xac: {  	v53 =	vadd.s32 v35, v57;
	_ =	sdelay $0x3  }
0xad: {  	v48 =	vor.u32 v14, v52;
	[tilespmem:v56+s21+$0x0] =	vst.idx.msk $0xffff, v49  }
0xae: {  	v59 =	vor.u32 v20, v51;
	v58 =	vor.u32 s9, v48;
	v50 =	vld.idx.msk [tilespmem:v53+s18+$0x0], $0xffff  }
0xaf: {  	v54 =	vadd.s32 v35, v59;
	_ =	sdelay $0x3  }
0xb0: {  	v49 =	vor.u32 v15, v52;
	[tilespmem:v58+s21+$0x0] =	vst.idx.msk $0xffff, v50  }
0xb1: {  	v61 =	vor.u32 v19, v51;
	v60 =	vor.u32 s9, v49;
	v53 =	vld.idx.msk [tilespmem:v54+s18+$0x0], $0xffff  }
0xb2: {  	v55 =	vadd.s32 v35, v61;
	_ =	sdelay $0x3  }
0xb3: {  	v50 =	vor.u32 v16, v52;
	[tilespmem:v60+s21+$0x0] =	vst.idx.msk $0xffff, v53  }
0xb4: {  	v63 =	vor.u32 v18, v51;
	v62 =	vor.u32 s9, v50;
	v54 =	vld.idx.msk [tilespmem:v55+s18+$0x0], $0xffff  }
0xb5: {  	v53 =	vadd.s32 v35, v63;
	_ =	sdelay $0x2  }
0xb6: {  	s10 =	simm.s32 $0x10  }
0xb7: {  	s6 =	simm.s32 $0x20;
	v51 =	vor.u32 v17, v52;
	v52 =	vmov s10;
	[tilespmem:v62+s21+$0x0] =	vst.idx.msk $0xffff, v54  }
.LBB2_3:
0xb8: {  	p0 =	sne.s32 s6, $0x70;
	v52 =	vshll.u32 v52, $0x7;
	v53 =	vld.idx.msk [tilespmem:v53+s18+$0x0], $0xffff  }
0xb9: {  	v55 =	vor.u32 s9, v51;
	s9 =	smov.u32 s10;
	s10 =	smov.u32 s6;
	v54 =	vor.u32 v34, v52  }
0xba: {  	v54 =	vadd.s32 v35, v54;
	_ =	sdelay $0x3  }
0xbb: {  	[tilespmem:v55+s21+$0x0] =	vst.idx.msk $0xffff, v53  }
0xbc: {  	v53 =	vld.idx.msk [tilespmem:v54+s18+$0x0], $0xffff  }
0xbd: {  	v55 =	vor.u32 v33, v52;
	v54 =	vor.u32 s9, v36  }
0xbe: {  	v55 =	vadd.s32 v35, v55;
	_ =	sdelay $0x3  }
0xbf: {  	[tilespmem:v54+s21+$0x0] =	vst.idx.msk $0xffff, v53  }
0xc0: {  	v53 =	vld.idx.msk [tilespmem:v55+s18+$0x0], $0xffff  }
0xc1: {  	v54 =	vor.u32 s9, v37;
	v55 =	vor.u32 v32, v52  }
0xc2: {  	v55 =	vadd.s32 v35, v55;
	_ =	sdelay $0x3  }
0xc3: {  	[tilespmem:v54+s21+$0x0] =	vst.idx.msk $0xffff, v53  }
0xc4: {  	v53 =	vld.idx.msk [tilespmem:v55+s18+$0x0], $0xffff  }
0xc5: {  	v54 =	vor.u32 s9, v38;
	v55 =	vor.u32 v31, v52  }
0xc6: {  	v55 =	vadd.s32 v35, v55;
	_ =	sdelay $0x3  }
0xc7: {  	[tilespmem:v54+s21+$0x0] =	vst.idx.msk $0xffff, v53  }
0xc8: {  	v53 =	vld.idx.msk [tilespmem:v55+s18+$0x0], $0xffff  }
0xc9: {  	v54 =	vor.u32 s9, v39;
	v55 =	vor.u32 v29, v52  }
0xca: {  	v55 =	vadd.s32 v35, v55;
	_ =	sdelay $0x3  }
0xcb: {  	[tilespmem:v54+s21+$0x0] =	vst.idx.msk $0xffff, v53  }
0xcc: {  	v53 =	vld.idx.msk [tilespmem:v55+s18+$0x0], $0xffff  }
0xcd: {  	v54 =	vor.u32 s9, v40;
	v55 =	vor.u32 v28, v52  }
0xce: {  	v55 =	vadd.s32 v35, v55;
	_ =	sdelay $0x3  }
0xcf: {  	[tilespmem:v54+s21+$0x0] =	vst.idx.msk $0xffff, v53  }
0xd0: {  	v53 =	vld.idx.msk [tilespmem:v55+s18+$0x0], $0xffff  }
0xd1: {  	v54 =	vor.u32 s9, v41;
	v55 =	vor.u32 v27, v52  }
0xd2: {  	v55 =	vadd.s32 v35, v55;
	_ =	sdelay $0x3  }
0xd3: {  	[tilespmem:v54+s21+$0x0] =	vst.idx.msk $0xffff, v53  }
0xd4: {  	v53 =	vld.idx.msk [tilespmem:v55+s18+$0x0], $0xffff  }
0xd5: {  	v54 =	vor.u32 s9, v42;
	v55 =	vor.u32 v26, v52  }
0xd6: {  	v55 =	vadd.s32 v35, v55;
	_ =	sdelay $0x3  }
0xd7: {  	[tilespmem:v54+s21+$0x0] =	vst.idx.msk $0xffff, v53  }
0xd8: {  	v53 =	vld.idx.msk [tilespmem:v55+s18+$0x0], $0xffff  }
0xd9: {  	v54 =	vor.u32 s9, v43;
	v55 =	vor.u32 v25, v52  }
0xda: {  	v55 =	vadd.s32 v35, v55;
	_ =	sdelay $0x3  }
0xdb: {  	[tilespmem:v54+s21+$0x0] =	vst.idx.msk $0xffff, v53  }
0xdc: {  	v53 =	vld.idx.msk [tilespmem:v55+s18+$0x0], $0xffff  }
0xdd: {  	v54 =	vor.u32 s9, v44;
	v55 =	vor.u32 v24, v52  }
0xde: {  	v55 =	vadd.s32 v35, v55;
	_ =	sdelay $0x3  }
0xdf: {  	[tilespmem:v54+s21+$0x0] =	vst.idx.msk $0xffff, v53  }
0xe0: {  	v53 =	vld.idx.msk [tilespmem:v55+s18+$0x0], $0xffff  }
0xe1: {  	v54 =	vor.u32 s9, v45;
	v55 =	vor.u32 v23, v52  }
0xe2: {  	v55 =	vadd.s32 v35, v55;
	_ =	sdelay $0x3  }
0xe3: {  	[tilespmem:v54+s21+$0x0] =	vst.idx.msk $0xffff, v53  }
0xe4: {  	v53 =	vld.idx.msk [tilespmem:v55+s18+$0x0], $0xffff  }
0xe5: {  	v54 =	vor.u32 s9, v46;
	v55 =	vor.u32 v22, v52  }
0xe6: {  	v55 =	vadd.s32 v35, v55;
	_ =	sdelay $0x3  }
0xe7: {  	[tilespmem:v54+s21+$0x0] =	vst.idx.msk $0xffff, v53  }
0xe8: {  	v53 =	vld.idx.msk [tilespmem:v55+s18+$0x0], $0xffff  }
0xe9: {  	v54 =	vor.u32 s9, v47;
	v55 =	vor.u32 v21, v52  }
0xea: {  	v55 =	vadd.s32 v35, v55;
	_ =	sdelay $0x3  }
0xeb: {  	[tilespmem:v54+s21+$0x0] =	vst.idx.msk $0xffff, v53  }
0xec: {  	v53 =	vld.idx.msk [tilespmem:v55+s18+$0x0], $0xffff  }
0xed: {  	v54 =	vor.u32 s9, v48;
	v55 =	vor.u32 v20, v52  }
0xee: {  	v55 =	vadd.s32 v35, v55;
	_ =	sdelay $0x3  }
0xef: {  	[tilespmem:v54+s21+$0x0] =	vst.idx.msk $0xffff, v53  }
0xf0: {  	v53 =	vld.idx.msk [tilespmem:v55+s18+$0x0], $0xffff  }
0xf1: {  	v54 =	vor.u32 s9, v49;
	v55 =	vor.u32 v19, v52  }
0xf2: {  	v55 =	vadd.s32 v35, v55;
	_ =	sdelay $0x3  }
0xf3: {  	[tilespmem:v54+s21+$0x0] =	vst.idx.msk $0xffff, v53  }
0xf4: {  	v54 =	vld.idx.msk [tilespmem:v55+s18+$0x0], $0xffff  }
0xf5: {  	v52 =	vor.u32 v18, v52;
	v55 =	vor.u32 s9, v50  }
.Ltmp0:
0xf6: {  	v53 =	vadd.s32 v35, v52;
	(pc) =	sbr.rel @p0 .LBB2_3-.Ltmp0, $2  }
0xf7: {  	_ =	sdelay $0x2  }
0xf8: {  	s6 =	sadd.s32 $0x10, s6;
	v52 =	vmov s10;
	[tilespmem:v55+s21+$0x0] =	vst.idx.msk $0xffff, v54  }
0xf9: {  	_ =	sdelay $0x2  }
0xfa: {  	v52 =	vshll.u32 v52, $0x7  }
0xfb: {  	v53 =	vld.idx.msk [tilespmem:v53+s18+$0x0], $0xffff;
	v55 =	vor.u32 s9, v51;
	v54 =	vor.u32 v34, v52  }
0xfc: {  	v54 =	vadd.s32 v35, v54;
	_ =	sdelay $0x3  }
0xfd: {  	[tilespmem:v55+s21+$0x0] =	vst.idx.msk $0xffff, v53  }
0xfe: {  	v36 =	vor.u32 s10, v36;
	v62 =	vor.u32 v33, v52;
	v53 =	vld.idx.msk [tilespmem:v54+s18+$0x0], $0xffff  }
0xff: {  	v54 =	vadd.s32 v35, v62;
	_ =	sdelay $0x3  }
0x100: {  	[tilespmem:v36+s21+$0x0] =	vst.idx.msk $0xffff, v53  }
0x101: {  	v37 =	vor.u32 s10, v37;
	v63 =	vor.u32 v32, v52;
	v36 =	vld.idx.msk [tilespmem:v54+s18+$0x0], $0xffff  }
0x102: {  	v53 =	vadd.s32 v35, v63;
	_ =	sdelay $0x3  }
0x103: {  	[tilespmem:v37+s21+$0x0] =	vst.idx.msk $0xffff, v36  }
0x104: {  	v55 =	vor.u32 v31, v52;
	v54 =	vor.u32 s10, v38;
	v36 =	vld.idx.msk [tilespmem:v53+s18+$0x0], $0xffff  }
0x105: {  	v38 =	vadd.s32 v35, v55;
	_ =	sdelay $0x3  }
0x106: {  	[tilespmem:v54+s21+$0x0] =	vst.idx.msk $0xffff, v36  }
0x107: {  	v56 =	vor.u32 s10, v39;
	v57 =	vor.u32 v29, v52;
	v36 =	vld.idx.msk [tilespmem:v38+s18+$0x0], $0xffff  }
0x108: {  	v38 =	vadd.s32 v35, v57;
	_ =	sdelay $0x3  }
0x109: {  	[tilespmem:v56+s21+$0x0] =	vst.idx.msk $0xffff, v36  }
0x10a: {  	v58 =	vor.u32 s10, v40;
	v59 =	vor.u32 v28, v52;
	v36 =	vld.idx.msk [tilespmem:v38+s18+$0x0], $0xffff  }
0x10b: {  	v38 =	vadd.s32 v35, v59;
	_ =	sdelay $0x3  }
0x10c: {  	[tilespmem:v58+s21+$0x0] =	vst.idx.msk $0xffff, v36  }
0x10d: {  	v60 =	vor.u32 s10, v41;
	v61 =	vor.u32 v27, v52;
	v36 =	vld.idx.msk [tilespmem:v38+s18+$0x0], $0xffff  }
0x10e: {  	v38 =	vadd.s32 v35, v61;
	_ =	sdelay $0x3  }
0x10f: {  	[tilespmem:v60+s21+$0x0] =	vst.idx.msk $0xffff, v36  }
0x110: {  	v62 =	vor.u32 s10, v42;
	v63 =	vor.u32 v26, v52;
	v36 =	vld.idx.msk [tilespmem:v38+s18+$0x0], $0xffff  }
0x111: {  	v38 =	vadd.s32 v35, v63;
	_ =	sdelay $0x3  }
0x112: {  	[tilespmem:v62+s21+$0x0] =	vst.idx.msk $0xffff, v36  }
0x113: {  	v40 =	vor.u32 s10, v43;
	v41 =	vor.u32 v25, v52;
	v36 =	vld.idx.msk [tilespmem:v38+s18+$0x0], $0xffff  }
0x114: {  	v38 =	vadd.s32 v35, v41;
	_ =	sdelay $0x3  }
0x115: {  	[tilespmem:v40+s21+$0x0] =	vst.idx.msk $0xffff, v36  }
0x116: {  	v43 =	vor.u32 v24, v52;
	v42 =	vor.u32 s10, v44;
	v36 =	vld.idx.msk [tilespmem:v38+s18+$0x0], $0xffff  }
0x117: {  	v38 =	vadd.s32 v35, v43;
	_ =	sdelay $0x3  }
0x118: {  	[tilespmem:v42+s21+$0x0] =	vst.idx.msk $0xffff, v36  }
0x119: {  	v44 =	vor.u32 s10, v45;
	v45 =	vor.u32 v23, v52;
	v36 =	vld.idx.msk [tilespmem:v38+s18+$0x0], $0xffff  }
0x11a: {  	v38 =	vadd.s32 v35, v45;
	_ =	sdelay $0x3  }
0x11b: {  	[tilespmem:v44+s21+$0x0] =	vst.idx.msk $0xffff, v36  }
0x11c: {  	v46 =	vor.u32 s10, v46;
	v53 =	vor.u32 v22, v52;
	v36 =	vld.idx.msk [tilespmem:v38+s18+$0x0], $0xffff  }
0x11d: {  	v38 =	vadd.s32 v35, v53;
	_ =	sdelay $0x3  }
0x11e: {  	[tilespmem:v46+s21+$0x0] =	vst.idx.msk $0xffff, v36  }
0x11f: {  	v55 =	vor.u32 v21, v52;
	v54 =	vor.u32 s10, v47;
	v36 =	vld.idx.msk [tilespmem:v38+s18+$0x0], $0xffff  }
0x120: {  	v38 =	vadd.s32 v35, v55;
	_ =	sdelay $0x3  }
0x121: {  	[tilespmem:v54+s21+$0x0] =	vst.idx.msk $0xffff, v36  }
0x122: {  	v57 =	vor.u32 v20, v52;
	v56 =	vor.u32 s10, v48;
	v36 =	vld.idx.msk [tilespmem:v38+s18+$0x0], $0xffff  }
0x123: {  	v38 =	vadd.s32 v35, v57;
	_ =	sdelay $0x3  }
0x124: {  	[tilespmem:v56+s21+$0x0] =	vst.idx.msk $0xffff, v36  }
0x125: {  	v59 =	vor.u32 v19, v52;
	v58 =	vor.u32 s10, v49;
	v36 =	vld.idx.msk [tilespmem:v38+s18+$0x0], $0xffff  }
0x126: {  	v38 =	vadd.s32 v35, v59;
	_ =	sdelay $0x3  }
0x127: {  	[tilespmem:v58+s21+$0x0] =	vst.idx.msk $0xffff, v36  }
0x128: {  	v61 =	vor.u32 v18, v52;
	v60 =	vor.u32 s10, v50;
	v36 =	vld.idx.msk [tilespmem:v38+s18+$0x0], $0xffff  }
0x129: {  	v62 =	vadd.s32 v35, v61;
	_ =	sdelay $0x3  }
0x12a: {  	s7 =	sadd.s32 $0x1, s7;
	[tilespmem:v60+s21+$0x0] =	vst.idx.msk $0xffff, v36  }
0x12b: {  	p0 =	sne.s32 s7, $0x8;
	v63 =	vor.u32 s10, v51;
	v35 =	vld.idx.msk [tilespmem:v62+s18+$0x0], $0xffff  }
.Ltmp1:
0x12c: {  	_ = 	snop;
	(pc) =	sbr.rel @p0 .LBB2_2-.Ltmp1, $2  }
0x12d: {  	_ =	sdelay $0x2  }
0x12e: {  	[tilespmem:v63+s21+$0x0] =	vst.idx.msk $0xffff, v35  }
0x12f: {  	v35 =	vld [tilespmem:s13+$0x0];
	_ =	sdelay $0x4  }
0x130: {  	v35 =	vmul.u32 $0xC0, v35;
	_ =	sdelay $0x1  }
0x131: {  	v35 =	vadd.s32 v0, v35;
	_ =	sdelay $0x3  }
0x132: {  	s7 =	simm.s32 $0x0  }
0x133: {  	[hbm4b:s4+s7] =	stream.indirect_vreg.scatter [tilespmem:s21], [sflag:$0x2], $0x80, v35, vm0, $0xb8;
	[tilespmem:$0xF000] =	vst v63  }
0x134: {  	v35 =	vld [tilespmem:s13+$0x10];
	_ =	sdelay $0x4  }
0x135: {  	v35 =	vmul.u32 $0xC0, v35;
	_ =	sdelay $0x1  }
0x136: {  	v35 =	vadd.s32 v0, v35;
	_ =	sdelay $0x4  }
0x137: {  	[hbm4b:s4+s7] =	stream.indirect_vreg.scatter [tilespmem:s22], [sflag:$0x2], $0x80, v35, vm0, $0xb8;
	[tilespmem:$0xF000] =	vst v63  }
0x138: {  	v35 =	vld [tilespmem:s13+$0x20];
	_ =	sdelay $0x4  }
0x139: {  	v35 =	vmul.u32 $0xC0, v35;
	_ =	sdelay $0x1  }
0x13a: {  	v35 =	vadd.s32 v0, v35;
	_ =	sdelay $0x4  }
0x13b: {  	[hbm4b:s4+s7] =	stream.indirect_vreg.scatter [tilespmem:s23], [sflag:$0x2], $0x80, v35, vm0, $0xb8;
	[tilespmem:$0xF000] =	vst v63  }
0x13c: {  	v35 =	vld [tilespmem:s13+$0x30];
	_ =	sdelay $0x4  }
0x13d: {  	v35 =	vmul.u32 $0xC0, v35;
	_ =	sdelay $0x1  }
0x13e: {  	v35 =	vadd.s32 v0, v35;
	_ =	sdelay $0x4  }
0x13f: {  	[hbm4b:s4+s7] =	stream.indirect_vreg.scatter [tilespmem:s24], [sflag:$0x2], $0x80, v35, vm0, $0xb8;
	[tilespmem:$0xF000] =	vst v63  }
0x140: {  	v35 =	vld [tilespmem:s13+$0x40];
	_ =	sdelay $0x4  }
0x141: {  	v35 =	vmul.u32 $0xC0, v35;
	_ =	sdelay $0x1  }
0x142: {  	v35 =	vadd.s32 v0, v35;
	_ =	sdelay $0x4  }
0x143: {  	[hbm4b:s4+s7] =	stream.indirect_vreg.scatter [tilespmem:s25], [sflag:$0x2], $0x80, v35, vm0, $0xb8;
	[tilespmem:$0xF000] =	vst v63  }
0x144: {  	v35 =	vld [tilespmem:s13+$0x50];
	_ =	sdelay $0x4  }
0x145: {  	v35 =	vmul.u32 $0xC0, v35;
	_ =	sdelay $0x1  }
0x146: {  	v35 =	vadd.s32 v0, v35;
	_ =	sdelay $0x4  }
0x147: {  	[hbm4b:s4+s7] =	stream.indirect_vreg.scatter [tilespmem:s26], [sflag:$0x2], $0x80, v35, vm0, $0xb8;
	[tilespmem:$0xF000] =	vst v63  }
0x148: {  	s6 =	rddreg [dreg:$0x9]  }
0x149: {  	[tilespmem:s18], [sflag:$0x1] =	stream.strided.gather [hbm4b:s6+s16], $0x4000, s17, s16, $0x38;
	[tilespmem:$0xF000] =	vst v63  }
0x14a: {  	_ =	swait.ge [sflag:s20], $0x4000  }
0x14b: {  	[sflag:s20] =	ssyncset.done $0x0  }
0x14c: {  	s9 =	simm.s32 $0x0;
	[sflag:s20] =	ssyncadd.s32 $0xFFFFC000  }
.LBB2_6:
0x14d: {  	_ =	sdelay $0x2  }
0x14e: {  	s6 =	sshll.u32 s9, $0x4;
	v35 =	vmov s7  }
0x14f: {  	v36 =	vld.idx.msk [tilespmem:v30+s6+$0x0 ss:$0x1], $0xffff;
	v51 =	vshll.u32 v35, $0x7  }
0x150: {  	v35 =	vor.u32 s6, v2;
	v37 =	vor.u32 v34, v51  }
0x151: {  	v37 =	vadd.s32 v35, v37;
	_ =	sdelay $0x2  }
0x152: {  	v52 =	vshll.u32 v36, $0x7  }
0x153: {  	v36 =	vor.u32 v2, v52  }
0x154: {  	v44 =	vor.u32 v33, v51;
	v38 =	vld.idx.msk [tilespmem:v37+s19+$0x0], $0xffff;
	v39 =	vor.u32 s7, v36  }
0x155: {  	v40 =	vadd.s32 v35, v44;
	_ =	sdelay $0x3  }
0x156: {  	v37 =	vor.u32 v3, v52;
	[tilespmem:v39+s28+$0x0] =	vst.idx.msk $0xffff, v38  }
0x157: {  	v46 =	vor.u32 v32, v51;
	v45 =	vor.u32 s7, v37;
	v39 =	vld.idx.msk [tilespmem:v40+s19+$0x0], $0xffff  }
0x158: {  	v41 =	vadd.s32 v35, v46;
	_ =	sdelay $0x3  }
0x159: {  	v38 =	vor.u32 v4, v52;
	[tilespmem:v45+s28+$0x0] =	vst.idx.msk $0xffff, v39  }
0x15a: {  	v48 =	vor.u32 v31, v51;
	v47 =	vor.u32 s7, v38;
	v40 =	vld.idx.msk [tilespmem:v41+s19+$0x0], $0xffff  }
0x15b: {  	v42 =	vadd.s32 v35, v48;
	_ =	sdelay $0x3  }
0x15c: {  	v39 =	vor.u32 v5, v52;
	[tilespmem:v47+s28+$0x0] =	vst.idx.msk $0xffff, v40  }
0x15d: {  	v50 =	vor.u32 v29, v51;
	v49 =	vor.u32 s7, v39;
	v41 =	vld.idx.msk [tilespmem:v42+s19+$0x0], $0xffff  }
0x15e: {  	v43 =	vadd.s32 v35, v50;
	_ =	sdelay $0x3  }
0x15f: {  	v40 =	vor.u32 v6, v52;
	[tilespmem:v49+s28+$0x0] =	vst.idx.msk $0xffff, v41  }
0x160: {  	v54 =	vor.u32 v28, v51;
	v53 =	vor.u32 s7, v40;
	v42 =	vld.idx.msk [tilespmem:v43+s19+$0x0], $0xffff  }
0x161: {  	v44 =	vadd.s32 v35, v54;
	_ =	sdelay $0x3  }
0x162: {  	v41 =	vor.u32 v7, v52;
	[tilespmem:v53+s28+$0x0] =	vst.idx.msk $0xffff, v42  }
0x163: {  	v56 =	vor.u32 v27, v51;
	v55 =	vor.u32 s7, v41;
	v43 =	vld.idx.msk [tilespmem:v44+s19+$0x0], $0xffff  }
0x164: {  	v45 =	vadd.s32 v35, v56;
	_ =	sdelay $0x3  }
0x165: {  	v42 =	vor.u32 v8, v52;
	[tilespmem:v55+s28+$0x0] =	vst.idx.msk $0xffff, v43  }
0x166: {  	v58 =	vor.u32 v26, v51;
	v57 =	vor.u32 s7, v42;
	v44 =	vld.idx.msk [tilespmem:v45+s19+$0x0], $0xffff  }
0x167: {  	v46 =	vadd.s32 v35, v58;
	_ =	sdelay $0x3  }
0x168: {  	v43 =	vor.u32 v9, v52;
	[tilespmem:v57+s28+$0x0] =	vst.idx.msk $0xffff, v44  }
0x169: {  	v60 =	vor.u32 v25, v51;
	v59 =	vor.u32 s7, v43;
	v45 =	vld.idx.msk [tilespmem:v46+s19+$0x0], $0xffff  }
0x16a: {  	v47 =	vadd.s32 v35, v60;
	_ =	sdelay $0x3  }
0x16b: {  	v44 =	vor.u32 v10, v52;
	[tilespmem:v59+s28+$0x0] =	vst.idx.msk $0xffff, v45  }
0x16c: {  	v62 =	vor.u32 v24, v51;
	v61 =	vor.u32 s7, v44;
	v46 =	vld.idx.msk [tilespmem:v47+s19+$0x0], $0xffff  }
0x16d: {  	v48 =	vadd.s32 v35, v62;
	_ =	sdelay $0x3  }
0x16e: {  	v45 =	vor.u32 v11, v52;
	[tilespmem:v61+s28+$0x0] =	vst.idx.msk $0xffff, v46  }
0x16f: {  	v53 =	vor.u32 v23, v51;
	v63 =	vor.u32 s7, v45;
	v47 =	vld.idx.msk [tilespmem:v48+s19+$0x0], $0xffff  }
0x170: {  	v49 =	vadd.s32 v35, v53;
	_ =	sdelay $0x3  }
0x171: {  	v46 =	vor.u32 v12, v52;
	[tilespmem:v63+s28+$0x0] =	vst.idx.msk $0xffff, v47  }
0x172: {  	v55 =	vor.u32 v22, v51;
	v54 =	vor.u32 s7, v46;
	v48 =	vld.idx.msk [tilespmem:v49+s19+$0x0], $0xffff  }
0x173: {  	v50 =	vadd.s32 v35, v55;
	_ =	sdelay $0x3  }
0x174: {  	v47 =	vor.u32 v13, v52;
	[tilespmem:v54+s28+$0x0] =	vst.idx.msk $0xffff, v48  }
0x175: {  	v57 =	vor.u32 v21, v51;
	v56 =	vor.u32 s7, v47;
	v49 =	vld.idx.msk [tilespmem:v50+s19+$0x0], $0xffff  }
0x176: {  	v53 =	vadd.s32 v35, v57;
	_ =	sdelay $0x3  }
0x177: {  	v48 =	vor.u32 v14, v52;
	[tilespmem:v56+s28+$0x0] =	vst.idx.msk $0xffff, v49  }
0x178: {  	v59 =	vor.u32 v20, v51;
	v58 =	vor.u32 s7, v48;
	v50 =	vld.idx.msk [tilespmem:v53+s19+$0x0], $0xffff  }
0x179: {  	v54 =	vadd.s32 v35, v59;
	_ =	sdelay $0x3  }
0x17a: {  	v49 =	vor.u32 v15, v52;
	[tilespmem:v58+s28+$0x0] =	vst.idx.msk $0xffff, v50  }
0x17b: {  	v61 =	vor.u32 v19, v51;
	v60 =	vor.u32 s7, v49;
	v53 =	vld.idx.msk [tilespmem:v54+s19+$0x0], $0xffff  }
0x17c: {  	v55 =	vadd.s32 v35, v61;
	_ =	sdelay $0x3  }
0x17d: {  	v50 =	vor.u32 v16, v52;
	[tilespmem:v60+s28+$0x0] =	vst.idx.msk $0xffff, v53  }
0x17e: {  	v63 =	vor.u32 v18, v51;
	v62 =	vor.u32 s7, v50;
	v54 =	vld.idx.msk [tilespmem:v55+s19+$0x0], $0xffff  }
0x17f: {  	v53 =	vadd.s32 v35, v63;
	_ =	sdelay $0x2  }
0x180: {  	s10 =	simm.s32 $0x10  }
0x181: {  	s11 =	simm.s32 $0x0;
	s6 =	simm.s32 $0x20;
	v51 =	vor.u32 v17, v52;
	v52 =	vmov s10;
	[tilespmem:v62+s28+$0x0] =	vst.idx.msk $0xffff, v54  }
.LBB2_7:
0x182: {  	p0 =	sne.s32 s6, $0x70;
	v52 =	vshll.u32 v52, $0x7;
	v53 =	vld.idx.msk [tilespmem:v53+s19+$0x0], $0xffff  }
0x183: {  	v55 =	vor.u32 s11, v51;
	s11 =	smov.u32 s10;
	s10 =	smov.u32 s6;
	v54 =	vor.u32 v34, v52  }
0x184: {  	v54 =	vadd.s32 v35, v54;
	_ =	sdelay $0x3  }
0x185: {  	[tilespmem:v55+s28+$0x0] =	vst.idx.msk $0xffff, v53  }
0x186: {  	v53 =	vld.idx.msk [tilespmem:v54+s19+$0x0], $0xffff  }
0x187: {  	v55 =	vor.u32 v33, v52;
	v54 =	vor.u32 s11, v36  }
0x188: {  	v55 =	vadd.s32 v35, v55;
	_ =	sdelay $0x3  }
0x189: {  	[tilespmem:v54+s28+$0x0] =	vst.idx.msk $0xffff, v53  }
0x18a: {  	v53 =	vld.idx.msk [tilespmem:v55+s19+$0x0], $0xffff  }
0x18b: {  	v54 =	vor.u32 s11, v37;
	v55 =	vor.u32 v32, v52  }
0x18c: {  	v55 =	vadd.s32 v35, v55;
	_ =	sdelay $0x3  }
0x18d: {  	[tilespmem:v54+s28+$0x0] =	vst.idx.msk $0xffff, v53  }
0x18e: {  	v53 =	vld.idx.msk [tilespmem:v55+s19+$0x0], $0xffff  }
0x18f: {  	v54 =	vor.u32 s11, v38;
	v55 =	vor.u32 v31, v52  }
0x190: {  	v55 =	vadd.s32 v35, v55;
	_ =	sdelay $0x3  }
0x191: {  	[tilespmem:v54+s28+$0x0] =	vst.idx.msk $0xffff, v53  }
0x192: {  	v53 =	vld.idx.msk [tilespmem:v55+s19+$0x0], $0xffff  }
0x193: {  	v54 =	vor.u32 s11, v39;
	v55 =	vor.u32 v29, v52  }
0x194: {  	v55 =	vadd.s32 v35, v55;
	_ =	sdelay $0x3  }
0x195: {  	[tilespmem:v54+s28+$0x0] =	vst.idx.msk $0xffff, v53  }
0x196: {  	v53 =	vld.idx.msk [tilespmem:v55+s19+$0x0], $0xffff  }
0x197: {  	v54 =	vor.u32 s11, v40;
	v55 =	vor.u32 v28, v52  }
0x198: {  	v55 =	vadd.s32 v35, v55;
	_ =	sdelay $0x3  }
0x199: {  	[tilespmem:v54+s28+$0x0] =	vst.idx.msk $0xffff, v53  }
0x19a: {  	v53 =	vld.idx.msk [tilespmem:v55+s19+$0x0], $0xffff  }
0x19b: {  	v54 =	vor.u32 s11, v41;
	v55 =	vor.u32 v27, v52  }
0x19c: {  	v55 =	vadd.s32 v35, v55;
	_ =	sdelay $0x3  }
0x19d: {  	[tilespmem:v54+s28+$0x0] =	vst.idx.msk $0xffff, v53  }
0x19e: {  	v53 =	vld.idx.msk [tilespmem:v55+s19+$0x0], $0xffff  }
0x19f: {  	v54 =	vor.u32 s11, v42;
	v55 =	vor.u32 v26, v52  }
0x1a0: {  	v55 =	vadd.s32 v35, v55;
	_ =	sdelay $0x3  }
0x1a1: {  	[tilespmem:v54+s28+$0x0] =	vst.idx.msk $0xffff, v53  }
0x1a2: {  	v53 =	vld.idx.msk [tilespmem:v55+s19+$0x0], $0xffff  }
0x1a3: {  	v54 =	vor.u32 s11, v43;
	v55 =	vor.u32 v25, v52  }
0x1a4: {  	v55 =	vadd.s32 v35, v55;
	_ =	sdelay $0x3  }
0x1a5: {  	[tilespmem:v54+s28+$0x0] =	vst.idx.msk $0xffff, v53  }
0x1a6: {  	v53 =	vld.idx.msk [tilespmem:v55+s19+$0x0], $0xffff  }
0x1a7: {  	v54 =	vor.u32 s11, v44;
	v55 =	vor.u32 v24, v52  }
0x1a8: {  	v55 =	vadd.s32 v35, v55;
	_ =	sdelay $0x3  }
0x1a9: {  	[tilespmem:v54+s28+$0x0] =	vst.idx.msk $0xffff, v53  }
0x1aa: {  	v53 =	vld.idx.msk [tilespmem:v55+s19+$0x0], $0xffff  }
0x1ab: {  	v54 =	vor.u32 s11, v45;
	v55 =	vor.u32 v23, v52  }
0x1ac: {  	v55 =	vadd.s32 v35, v55;
	_ =	sdelay $0x3  }
0x1ad: {  	[tilespmem:v54+s28+$0x0] =	vst.idx.msk $0xffff, v53  }
0x1ae: {  	v53 =	vld.idx.msk [tilespmem:v55+s19+$0x0], $0xffff  }
0x1af: {  	v54 =	vor.u32 s11, v46;
	v55 =	vor.u32 v22, v52  }
0x1b0: {  	v55 =	vadd.s32 v35, v55;
	_ =	sdelay $0x3  }
0x1b1: {  	[tilespmem:v54+s28+$0x0] =	vst.idx.msk $0xffff, v53  }
0x1b2: {  	v53 =	vld.idx.msk [tilespmem:v55+s19+$0x0], $0xffff  }
0x1b3: {  	v54 =	vor.u32 s11, v47;
	v55 =	vor.u32 v21, v52  }
0x1b4: {  	v55 =	vadd.s32 v35, v55;
	_ =	sdelay $0x3  }
0x1b5: {  	[tilespmem:v54+s28+$0x0] =	vst.idx.msk $0xffff, v53  }
0x1b6: {  	v53 =	vld.idx.msk [tilespmem:v55+s19+$0x0], $0xffff  }
0x1b7: {  	v54 =	vor.u32 s11, v48;
	v55 =	vor.u32 v20, v52  }
0x1b8: {  	v55 =	vadd.s32 v35, v55;
	_ =	sdelay $0x3  }
0x1b9: {  	[tilespmem:v54+s28+$0x0] =	vst.idx.msk $0xffff, v53  }
0x1ba: {  	v53 =	vld.idx.msk [tilespmem:v55+s19+$0x0], $0xffff  }
0x1bb: {  	v54 =	vor.u32 s11, v49;
	v55 =	vor.u32 v19, v52  }
0x1bc: {  	v55 =	vadd.s32 v35, v55;
	_ =	sdelay $0x3  }
0x1bd: {  	[tilespmem:v54+s28+$0x0] =	vst.idx.msk $0xffff, v53  }
0x1be: {  	v54 =	vld.idx.msk [tilespmem:v55+s19+$0x0], $0xffff  }
0x1bf: {  	v52 =	vor.u32 v18, v52;
	v55 =	vor.u32 s11, v50  }
.Ltmp2:
0x1c0: {  	v53 =	vadd.s32 v35, v52;
	(pc) =	sbr.rel @p0 .LBB2_7-.Ltmp2, $2  }
0x1c1: {  	_ =	sdelay $0x2  }
0x1c2: {  	s6 =	sadd.s32 $0x10, s6;
	v52 =	vmov s10;
	[tilespmem:v55+s28+$0x0] =	vst.idx.msk $0xffff, v54  }
0x1c3: {  	_ =	sdelay $0x2  }
0x1c4: {  	v52 =	vshll.u32 v52, $0x7  }
0x1c5: {  	v53 =	vld.idx.msk [tilespmem:v53+s19+$0x0], $0xffff;
	v55 =	vor.u32 s11, v51;
	v54 =	vor.u32 v34, v52  }
0x1c6: {  	v54 =	vadd.s32 v35, v54;
	_ =	sdelay $0x3  }
0x1c7: {  	[tilespmem:v55+s28+$0x0] =	vst.idx.msk $0xffff, v53  }
0x1c8: {  	v36 =	vor.u32 s10, v36;
	v62 =	vor.u32 v33, v52;
	v53 =	vld.idx.msk [tilespmem:v54+s19+$0x0], $0xffff  }
0x1c9: {  	v54 =	vadd.s32 v35, v62;
	_ =	sdelay $0x3  }
0x1ca: {  	[tilespmem:v36+s28+$0x0] =	vst.idx.msk $0xffff, v53  }
0x1cb: {  	v37 =	vor.u32 s10, v37;
	v63 =	vor.u32 v32, v52;
	v36 =	vld.idx.msk [tilespmem:v54+s19+$0x0], $0xffff  }
0x1cc: {  	v53 =	vadd.s32 v35, v63;
	_ =	sdelay $0x3  }
0x1cd: {  	[tilespmem:v37+s28+$0x0] =	vst.idx.msk $0xffff, v36  }
0x1ce: {  	v55 =	vor.u32 v31, v52;
	v54 =	vor.u32 s10, v38;
	v36 =	vld.idx.msk [tilespmem:v53+s19+$0x0], $0xffff  }
0x1cf: {  	v38 =	vadd.s32 v35, v55;
	_ =	sdelay $0x3  }
0x1d0: {  	[tilespmem:v54+s28+$0x0] =	vst.idx.msk $0xffff, v36  }
0x1d1: {  	v56 =	vor.u32 s10, v39;
	v57 =	vor.u32 v29, v52;
	v36 =	vld.idx.msk [tilespmem:v38+s19+$0x0], $0xffff  }
0x1d2: {  	v38 =	vadd.s32 v35, v57;
	_ =	sdelay $0x3  }
0x1d3: {  	[tilespmem:v56+s28+$0x0] =	vst.idx.msk $0xffff, v36  }
0x1d4: {  	v58 =	vor.u32 s10, v40;
	v59 =	vor.u32 v28, v52;
	v36 =	vld.idx.msk [tilespmem:v38+s19+$0x0], $0xffff  }
0x1d5: {  	v38 =	vadd.s32 v35, v59;
	_ =	sdelay $0x3  }
0x1d6: {  	[tilespmem:v58+s28+$0x0] =	vst.idx.msk $0xffff, v36  }
0x1d7: {  	v60 =	vor.u32 s10, v41;
	v61 =	vor.u32 v27, v52;
	v36 =	vld.idx.msk [tilespmem:v38+s19+$0x0], $0xffff  }
0x1d8: {  	v38 =	vadd.s32 v35, v61;
	_ =	sdelay $0x3  }
0x1d9: {  	[tilespmem:v60+s28+$0x0] =	vst.idx.msk $0xffff, v36  }
0x1da: {  	v62 =	vor.u32 s10, v42;
	v63 =	vor.u32 v26, v52;
	v36 =	vld.idx.msk [tilespmem:v38+s19+$0x0], $0xffff  }
0x1db: {  	v38 =	vadd.s32 v35, v63;
	_ =	sdelay $0x3  }
0x1dc: {  	[tilespmem:v62+s28+$0x0] =	vst.idx.msk $0xffff, v36  }
0x1dd: {  	v40 =	vor.u32 s10, v43;
	v41 =	vor.u32 v25, v52;
	v36 =	vld.idx.msk [tilespmem:v38+s19+$0x0], $0xffff  }
0x1de: {  	v38 =	vadd.s32 v35, v41;
	_ =	sdelay $0x3  }
0x1df: {  	[tilespmem:v40+s28+$0x0] =	vst.idx.msk $0xffff, v36  }
0x1e0: {  	v43 =	vor.u32 v24, v52;
	v42 =	vor.u32 s10, v44;
	v36 =	vld.idx.msk [tilespmem:v38+s19+$0x0], $0xffff  }
0x1e1: {  	v38 =	vadd.s32 v35, v43;
	_ =	sdelay $0x3  }
0x1e2: {  	[tilespmem:v42+s28+$0x0] =	vst.idx.msk $0xffff, v36  }
0x1e3: {  	v44 =	vor.u32 s10, v45;
	v45 =	vor.u32 v23, v52;
	v36 =	vld.idx.msk [tilespmem:v38+s19+$0x0], $0xffff  }
0x1e4: {  	v38 =	vadd.s32 v35, v45;
	_ =	sdelay $0x3  }
0x1e5: {  	[tilespmem:v44+s28+$0x0] =	vst.idx.msk $0xffff, v36  }
0x1e6: {  	v46 =	vor.u32 s10, v46;
	v53 =	vor.u32 v22, v52;
	v36 =	vld.idx.msk [tilespmem:v38+s19+$0x0], $0xffff  }
0x1e7: {  	v38 =	vadd.s32 v35, v53;
	_ =	sdelay $0x3  }
0x1e8: {  	[tilespmem:v46+s28+$0x0] =	vst.idx.msk $0xffff, v36  }
0x1e9: {  	v55 =	vor.u32 v21, v52;
	v54 =	vor.u32 s10, v47;
	v36 =	vld.idx.msk [tilespmem:v38+s19+$0x0], $0xffff  }
0x1ea: {  	v38 =	vadd.s32 v35, v55;
	_ =	sdelay $0x3  }
0x1eb: {  	[tilespmem:v54+s28+$0x0] =	vst.idx.msk $0xffff, v36  }
0x1ec: {  	v57 =	vor.u32 v20, v52;
	v56 =	vor.u32 s10, v48;
	v36 =	vld.idx.msk [tilespmem:v38+s19+$0x0], $0xffff  }
0x1ed: {  	v38 =	vadd.s32 v35, v57;
	_ =	sdelay $0x3  }
0x1ee: {  	[tilespmem:v56+s28+$0x0] =	vst.idx.msk $0xffff, v36  }
0x1ef: {  	v59 =	vor.u32 v19, v52;
	v58 =	vor.u32 s10, v49;
	v36 =	vld.idx.msk [tilespmem:v38+s19+$0x0], $0xffff  }
0x1f0: {  	v38 =	vadd.s32 v35, v59;
	_ =	sdelay $0x3  }
0x1f1: {  	[tilespmem:v58+s28+$0x0] =	vst.idx.msk $0xffff, v36  }
0x1f2: {  	v61 =	vor.u32 v18, v52;
	v60 =	vor.u32 s10, v50;
	v36 =	vld.idx.msk [tilespmem:v38+s19+$0x0], $0xffff  }
0x1f3: {  	v62 =	vadd.s32 v35, v61;
	_ =	sdelay $0x3  }
0x1f4: {  	s9 =	sadd.s32 $0x1, s9;
	[tilespmem:v60+s28+$0x0] =	vst.idx.msk $0xffff, v36  }
0x1f5: {  	p0 =	sne.s32 s9, $0x8;
	v63 =	vor.u32 s10, v51;
	v35 =	vld.idx.msk [tilespmem:v62+s19+$0x0], $0xffff  }
.Ltmp3:
0x1f6: {  	_ = 	snop;
	(pc) =	sbr.rel @p0 .LBB2_6-.Ltmp3, $2  }
0x1f7: {  	_ =	sdelay $0x2  }
0x1f8: {  	[tilespmem:v63+s28+$0x0] =	vst.idx.msk $0xffff, v35  }
0x1f9: {  	v35 =	vld [tilespmem:s13+$0x0];
	_ =	sdelay $0x4  }
0x1fa: {  	v35 =	vmul.u32 $0xC0, v35;
	_ =	sdelay $0x1  }
0x1fb: {  	v35 =	vadd.s32 v1, v35;
	_ =	sdelay $0x4  }
0x1fc: {  	[hbm4b:s4+s5] =	stream.indirect_vreg.scatter [tilespmem:s28], [sflag:$0x2], $0x80, v35, vm0, $0xb8;
	[tilespmem:$0xF000] =	vst v63  }
0x1fd: {  	v35 =	vld [tilespmem:s13+$0x10];
	_ =	sdelay $0x4  }
0x1fe: {  	v35 =	vmul.u32 $0xC0, v35;
	_ =	sdelay $0x1  }
0x1ff: {  	v35 =	vadd.s32 v1, v35;
	_ =	sdelay $0x4  }
0x200: {  	[hbm4b:s4+s5] =	stream.indirect_vreg.scatter [tilespmem:s29], [sflag:$0x2], $0x80, v35, vm0, $0xb8;
	[tilespmem:$0xF000] =	vst v63  }
0x201: {  	v35 =	vld [tilespmem:s13+$0x20];
	_ =	sdelay $0x4  }
0x202: {  	v35 =	vmul.u32 $0xC0, v35;
	_ =	sdelay $0x1  }
0x203: {  	v35 =	vadd.s32 v1, v35;
	_ =	sdelay $0x4  }
0x204: {  	[hbm4b:s4+s5] =	stream.indirect_vreg.scatter [tilespmem:s30], [sflag:$0x2], $0x80, v35, vm0, $0xb8;
	[tilespmem:$0xF000] =	vst v63  }
0x205: {  	v35 =	vld [tilespmem:s13+$0x30];
	_ =	sdelay $0x4  }
0x206: {  	v35 =	vmul.u32 $0xC0, v35;
	_ =	sdelay $0x1  }
0x207: {  	v35 =	vadd.s32 v1, v35;
	_ =	sdelay $0x4  }
0x208: {  	[hbm4b:s4+s5] =	stream.indirect_vreg.scatter [tilespmem:s31], [sflag:$0x2], $0x80, v35, vm0, $0xb8;
	[tilespmem:$0xF000] =	vst v63  }
0x209: {  	v35 =	vld [tilespmem:s13+$0x40];
	_ =	sdelay $0x4  }
0x20a: {  	v35 =	vmul.u32 $0xC0, v35;
	_ =	sdelay $0x1  }
0x20b: {  	v35 =	vadd.s32 v1, v35;
	_ =	sdelay $0x4  }
0x20c: {  	[hbm4b:s4+s5] =	stream.indirect_vreg.scatter [tilespmem:s3], [sflag:$0x2], $0x80, v35, vm0, $0xb8;
	[tilespmem:$0xF000] =	vst v63  }
0x20d: {  	v35 =	vld [tilespmem:s13+$0x50];
	_ =	sdelay $0x4  }
0x20e: {  	v35 =	vmul.u32 $0xC0, v35;
	_ =	sdelay $0x1  }
0x20f: {  	v35 =	vadd.s32 v1, v35;
	_ =	sdelay $0x4  }
0x210: {  	[hbm4b:s4+s5] =	stream.indirect_vreg.scatter [tilespmem:s0], [sflag:$0x2], $0x80, v35, vm0, $0xb8;
	[tilespmem:$0xF000] =	vst v63  }
0x211: {  	s6 =	rddreg [dreg:$0xa];
	s7 =	simm.s32 $0x1  }
0x212: {  	[tilespmem:s19], [sflag:$0x1] =	stream.strided.gather [hbm4b:s6+s16], $0x4000, s17, s16, $0x38;
	[tilespmem:$0xF000] =	vst v63  }
.LBB2_10:
0x213: {  	s9 =	sshll.u32 s7, $0x1  }
0x214: {  	s6 =	sadd.s32 s1, s9  }
0x215: {  	_ =	swait.ge [sflag:s20], $0x4000;
	s8 =	smulhi.u32 $0x2AAAAAAB, s6  }
0x216: {  	[sflag:s20] =	ssyncset.done $0x0  }
0x217: {  	[sflag:s20] =	ssyncadd.s32 $0xFFFFC000;
	s8 =	sshrl.u32 s8, $0x5  }
0x218: {  	_ =	swait.ge [sflag:s15], $0x3000;
	s10 =	sshll.u32 s8, $0x9  }
0x219: {  	[sflag:s15] =	ssyncset.done $0x0;
	s8 =	smul.u32 $0xC0, s8;
	s12 =	sshrl.u32 s10, $0x2  }
0x21a: {  	[sflag:s15] =	ssyncadd.s32 $0xFFFFD000;
	s13 =	sadd.s32 $0x400, s12  }
0x21b: {  	s10 =	simm.s32 $0x0;
	s11 =	ssub.s32 s6, s8;
	v35 =	vmov s13;
	s13 =	simm.s32 $0x0  }
.LBB2_11:
0x21c: {  	_ =	sdelay $0x2  }
0x21d: {  	s6 =	sshll.u32 s13, $0x4;
	v36 =	vmov s10  }
0x21e: {  	v37 =	vld.idx.msk [tilespmem:v35+s6+$0x0 ss:$0x1], $0xffff;
	v52 =	vshll.u32 v36, $0x7  }
0x21f: {  	v36 =	vor.u32 s6, v2;
	v38 =	vor.u32 v34, v52  }
0x220: {  	v38 =	vadd.s32 v36, v38;
	_ =	sdelay $0x2  }
0x221: {  	v53 =	vshll.u32 v37, $0x7  }
0x222: {  	v37 =	vor.u32 v2, v53  }
0x223: {  	v56 =	vor.u32 v33, v52;
	v39 =	vld.idx.msk [tilespmem:v38+s18+$0x0], $0xffff;
	v40 =	vor.u32 s10, v37  }
0x224: {  	v41 =	vadd.s32 v36, v56;
	_ =	sdelay $0x3  }
0x225: {  	v38 =	vor.u32 v3, v53;
	[tilespmem:v40+s21+$0x0] =	vst.idx.msk $0xffff, v39  }
0x226: {  	v58 =	vor.u32 v32, v52;
	v57 =	vor.u32 s10, v38;
	v40 =	vld.idx.msk [tilespmem:v41+s18+$0x0], $0xffff  }
0x227: {  	v42 =	vadd.s32 v36, v58;
	_ =	sdelay $0x3  }
0x228: {  	v39 =	vor.u32 v4, v53;
	[tilespmem:v57+s21+$0x0] =	vst.idx.msk $0xffff, v40  }
0x229: {  	v60 =	vor.u32 v31, v52;
	v59 =	vor.u32 s10, v39;
	v41 =	vld.idx.msk [tilespmem:v42+s18+$0x0], $0xffff  }
0x22a: {  	v43 =	vadd.s32 v36, v60;
	_ =	sdelay $0x3  }
0x22b: {  	v40 =	vor.u32 v5, v53;
	[tilespmem:v59+s21+$0x0] =	vst.idx.msk $0xffff, v41  }
0x22c: {  	v62 =	vor.u32 v29, v52;
	v61 =	vor.u32 s10, v40;
	v42 =	vld.idx.msk [tilespmem:v43+s18+$0x0], $0xffff  }
0x22d: {  	v44 =	vadd.s32 v36, v62;
	_ =	sdelay $0x3  }
0x22e: {  	v41 =	vor.u32 v6, v53;
	[tilespmem:v61+s21+$0x0] =	vst.idx.msk $0xffff, v42  }
0x22f: {  	v48 =	vor.u32 v28, v52;
	v63 =	vor.u32 s10, v41;
	v43 =	vld.idx.msk [tilespmem:v44+s18+$0x0], $0xffff  }
0x230: {  	v45 =	vadd.s32 v36, v48;
	_ =	sdelay $0x3  }
0x231: {  	v42 =	vor.u32 v7, v53;
	[tilespmem:v63+s21+$0x0] =	vst.idx.msk $0xffff, v43  }
0x232: {  	v50 =	vor.u32 v27, v52;
	v49 =	vor.u32 s10, v42;
	v44 =	vld.idx.msk [tilespmem:v45+s18+$0x0], $0xffff  }
0x233: {  	v46 =	vadd.s32 v36, v50;
	_ =	sdelay $0x3  }
0x234: {  	v43 =	vor.u32 v8, v53;
	[tilespmem:v49+s21+$0x0] =	vst.idx.msk $0xffff, v44  }
0x235: {  	v54 =	vor.u32 v26, v52;
	v51 =	vor.u32 s10, v43;
	v45 =	vld.idx.msk [tilespmem:v46+s18+$0x0], $0xffff  }
0x236: {  	v47 =	vadd.s32 v36, v54;
	_ =	sdelay $0x3  }
0x237: {  	v44 =	vor.u32 v9, v53;
	[tilespmem:v51+s21+$0x0] =	vst.idx.msk $0xffff, v45  }
0x238: {  	v56 =	vor.u32 v25, v52;
	v55 =	vor.u32 s10, v44;
	v46 =	vld.idx.msk [tilespmem:v47+s18+$0x0], $0xffff  }
0x239: {  	v48 =	vadd.s32 v36, v56;
	_ =	sdelay $0x3  }
0x23a: {  	v45 =	vor.u32 v10, v53;
	[tilespmem:v55+s21+$0x0] =	vst.idx.msk $0xffff, v46  }
0x23b: {  	v58 =	vor.u32 v24, v52;
	v57 =	vor.u32 s10, v45;
	v47 =	vld.idx.msk [tilespmem:v48+s18+$0x0], $0xffff  }
0x23c: {  	v49 =	vadd.s32 v36, v58;
	_ =	sdelay $0x3  }
0x23d: {  	v46 =	vor.u32 v11, v53;
	[tilespmem:v57+s21+$0x0] =	vst.idx.msk $0xffff, v47  }
0x23e: {  	v60 =	vor.u32 v23, v52;
	v59 =	vor.u32 s10, v46;
	v48 =	vld.idx.msk [tilespmem:v49+s18+$0x0], $0xffff  }
0x23f: {  	v50 =	vadd.s32 v36, v60;
	_ =	sdelay $0x3  }
0x240: {  	v47 =	vor.u32 v12, v53;
	[tilespmem:v59+s21+$0x0] =	vst.idx.msk $0xffff, v48  }
0x241: {  	v62 =	vor.u32 v22, v52;
	v61 =	vor.u32 s10, v47;
	v49 =	vld.idx.msk [tilespmem:v50+s18+$0x0], $0xffff  }
0x242: {  	v51 =	vadd.s32 v36, v62;
	_ =	sdelay $0x3  }
0x243: {  	v48 =	vor.u32 v13, v53;
	[tilespmem:v61+s21+$0x0] =	vst.idx.msk $0xffff, v49  }
0x244: {  	v57 =	vor.u32 v21, v52;
	v63 =	vor.u32 s10, v48;
	v50 =	vld.idx.msk [tilespmem:v51+s18+$0x0], $0xffff  }
0x245: {  	v54 =	vadd.s32 v36, v57;
	_ =	sdelay $0x3  }
0x246: {  	v49 =	vor.u32 v14, v53;
	[tilespmem:v63+s21+$0x0] =	vst.idx.msk $0xffff, v50  }
0x247: {  	v59 =	vor.u32 v20, v52;
	v58 =	vor.u32 s10, v49;
	v51 =	vld.idx.msk [tilespmem:v54+s18+$0x0], $0xffff  }
0x248: {  	v55 =	vadd.s32 v36, v59;
	_ =	sdelay $0x3  }
0x249: {  	v50 =	vor.u32 v15, v53;
	[tilespmem:v58+s21+$0x0] =	vst.idx.msk $0xffff, v51  }
0x24a: {  	v61 =	vor.u32 v19, v52;
	v60 =	vor.u32 s10, v50;
	v54 =	vld.idx.msk [tilespmem:v55+s18+$0x0], $0xffff  }
0x24b: {  	v56 =	vadd.s32 v36, v61;
	_ =	sdelay $0x3  }
0x24c: {  	v51 =	vor.u32 v16, v53;
	[tilespmem:v60+s21+$0x0] =	vst.idx.msk $0xffff, v54  }
0x24d: {  	v63 =	vor.u32 v18, v52;
	v62 =	vor.u32 s10, v51;
	v55 =	vld.idx.msk [tilespmem:v56+s18+$0x0], $0xffff  }
0x24e: {  	v54 =	vadd.s32 v36, v63;
	_ =	sdelay $0x2  }
0x24f: {  	s14 =	simm.s32 $0x10  }
0x250: {  	s8 =	simm.s32 $0x20;
	s6 =	simm.s32 $0x0;
	v52 =	vor.u32 v17, v53;
	v53 =	vmov s14;
	[tilespmem:v62+s21+$0x0] =	vst.idx.msk $0xffff, v55  }
.LBB2_12:
0x251: {  	p0 =	sne.s32 s8, $0x70;
	v53 =	vshll.u32 v53, $0x7;
	v54 =	vld.idx.msk [tilespmem:v54+s18+$0x0], $0xffff  }
0x252: {  	v56 =	vor.u32 s6, v52;
	s6 =	smov.u32 s14;
	s14 =	smov.u32 s8;
	v55 =	vor.u32 v34, v53  }
0x253: {  	v55 =	vadd.s32 v36, v55;
	_ =	sdelay $0x3  }
0x254: {  	[tilespmem:v56+s21+$0x0] =	vst.idx.msk $0xffff, v54  }
0x255: {  	v54 =	vld.idx.msk [tilespmem:v55+s18+$0x0], $0xffff  }
0x256: {  	v56 =	vor.u32 v33, v53;
	v55 =	vor.u32 s6, v37  }
0x257: {  	v56 =	vadd.s32 v36, v56;
	_ =	sdelay $0x3  }
0x258: {  	[tilespmem:v55+s21+$0x0] =	vst.idx.msk $0xffff, v54  }
0x259: {  	v54 =	vld.idx.msk [tilespmem:v56+s18+$0x0], $0xffff  }
0x25a: {  	v55 =	vor.u32 s6, v38;
	v56 =	vor.u32 v32, v53  }
0x25b: {  	v56 =	vadd.s32 v36, v56;
	_ =	sdelay $0x3  }
0x25c: {  	[tilespmem:v55+s21+$0x0] =	vst.idx.msk $0xffff, v54  }
0x25d: {  	v54 =	vld.idx.msk [tilespmem:v56+s18+$0x0], $0xffff  }
0x25e: {  	v55 =	vor.u32 s6, v39;
	v56 =	vor.u32 v31, v53  }
0x25f: {  	v56 =	vadd.s32 v36, v56;
	_ =	sdelay $0x3  }
0x260: {  	[tilespmem:v55+s21+$0x0] =	vst.idx.msk $0xffff, v54  }
0x261: {  	v54 =	vld.idx.msk [tilespmem:v56+s18+$0x0], $0xffff  }
0x262: {  	v55 =	vor.u32 s6, v40;
	v56 =	vor.u32 v29, v53  }
0x263: {  	v56 =	vadd.s32 v36, v56;
	_ =	sdelay $0x3  }
0x264: {  	[tilespmem:v55+s21+$0x0] =	vst.idx.msk $0xffff, v54  }
0x265: {  	v54 =	vld.idx.msk [tilespmem:v56+s18+$0x0], $0xffff  }
0x266: {  	v55 =	vor.u32 s6, v41;
	v56 =	vor.u32 v28, v53  }
0x267: {  	v56 =	vadd.s32 v36, v56;
	_ =	sdelay $0x3  }
0x268: {  	[tilespmem:v55+s21+$0x0] =	vst.idx.msk $0xffff, v54  }
0x269: {  	v54 =	vld.idx.msk [tilespmem:v56+s18+$0x0], $0xffff  }
0x26a: {  	v55 =	vor.u32 s6, v42;
	v56 =	vor.u32 v27, v53  }
0x26b: {  	v56 =	vadd.s32 v36, v56;
	_ =	sdelay $0x3  }
0x26c: {  	[tilespmem:v55+s21+$0x0] =	vst.idx.msk $0xffff, v54  }
0x26d: {  	v54 =	vld.idx.msk [tilespmem:v56+s18+$0x0], $0xffff  }
0x26e: {  	v55 =	vor.u32 s6, v43;
	v56 =	vor.u32 v26, v53  }
0x26f: {  	v56 =	vadd.s32 v36, v56;
	_ =	sdelay $0x3  }
0x270: {  	[tilespmem:v55+s21+$0x0] =	vst.idx.msk $0xffff, v54  }
0x271: {  	v54 =	vld.idx.msk [tilespmem:v56+s18+$0x0], $0xffff  }
0x272: {  	v55 =	vor.u32 s6, v44;
	v56 =	vor.u32 v25, v53  }
0x273: {  	v56 =	vadd.s32 v36, v56;
	_ =	sdelay $0x3  }
0x274: {  	[tilespmem:v55+s21+$0x0] =	vst.idx.msk $0xffff, v54  }
0x275: {  	v54 =	vld.idx.msk [tilespmem:v56+s18+$0x0], $0xffff  }
0x276: {  	v55 =	vor.u32 s6, v45;
	v56 =	vor.u32 v24, v53  }
0x277: {  	v56 =	vadd.s32 v36, v56;
	_ =	sdelay $0x3  }
0x278: {  	[tilespmem:v55+s21+$0x0] =	vst.idx.msk $0xffff, v54  }
0x279: {  	v54 =	vld.idx.msk [tilespmem:v56+s18+$0x0], $0xffff  }
0x27a: {  	v55 =	vor.u32 s6, v46;
	v56 =	vor.u32 v23, v53  }
0x27b: {  	v56 =	vadd.s32 v36, v56;
	_ =	sdelay $0x3  }
0x27c: {  	[tilespmem:v55+s21+$0x0] =	vst.idx.msk $0xffff, v54  }
0x27d: {  	v54 =	vld.idx.msk [tilespmem:v56+s18+$0x0], $0xffff  }
0x27e: {  	v55 =	vor.u32 s6, v47;
	v56 =	vor.u32 v22, v53  }
0x27f: {  	v56 =	vadd.s32 v36, v56;
	_ =	sdelay $0x3  }
0x280: {  	[tilespmem:v55+s21+$0x0] =	vst.idx.msk $0xffff, v54  }
0x281: {  	v54 =	vld.idx.msk [tilespmem:v56+s18+$0x0], $0xffff  }
0x282: {  	v55 =	vor.u32 s6, v48;
	v56 =	vor.u32 v21, v53  }
0x283: {  	v56 =	vadd.s32 v36, v56;
	_ =	sdelay $0x3  }
0x284: {  	[tilespmem:v55+s21+$0x0] =	vst.idx.msk $0xffff, v54  }
0x285: {  	v54 =	vld.idx.msk [tilespmem:v56+s18+$0x0], $0xffff  }
0x286: {  	v55 =	vor.u32 s6, v49;
	v56 =	vor.u32 v20, v53  }
0x287: {  	v56 =	vadd.s32 v36, v56;
	_ =	sdelay $0x3  }
0x288: {  	[tilespmem:v55+s21+$0x0] =	vst.idx.msk $0xffff, v54  }
0x289: {  	v54 =	vld.idx.msk [tilespmem:v56+s18+$0x0], $0xffff  }
0x28a: {  	v55 =	vor.u32 s6, v50;
	v56 =	vor.u32 v19, v53  }
0x28b: {  	v56 =	vadd.s32 v36, v56;
	_ =	sdelay $0x3  }
0x28c: {  	[tilespmem:v55+s21+$0x0] =	vst.idx.msk $0xffff, v54  }
0x28d: {  	v55 =	vld.idx.msk [tilespmem:v56+s18+$0x0], $0xffff  }
0x28e: {  	v53 =	vor.u32 v18, v53;
	v56 =	vor.u32 s6, v51  }
.Ltmp4:
0x28f: {  	v54 =	vadd.s32 v36, v53;
	(pc) =	sbr.rel @p0 .LBB2_12-.Ltmp4, $2  }
0x290: {  	_ =	sdelay $0x2  }
0x291: {  	s8 =	sadd.s32 $0x10, s8;
	v53 =	vmov s14;
	[tilespmem:v56+s21+$0x0] =	vst.idx.msk $0xffff, v55  }
0x292: {  	_ =	sdelay $0x2  }
0x293: {  	v53 =	vshll.u32 v53, $0x7  }
0x294: {  	v54 =	vld.idx.msk [tilespmem:v54+s18+$0x0], $0xffff;
	v56 =	vor.u32 s6, v52;
	v55 =	vor.u32 v34, v53  }
0x295: {  	v55 =	vadd.s32 v36, v55;
	_ =	sdelay $0x3  }
0x296: {  	[tilespmem:v56+s21+$0x0] =	vst.idx.msk $0xffff, v54  }
0x297: {  	v37 =	vor.u32 s14, v37;
	v60 =	vor.u32 v33, v53;
	v54 =	vld.idx.msk [tilespmem:v55+s18+$0x0], $0xffff  }
0x298: {  	v55 =	vadd.s32 v36, v60;
	_ =	sdelay $0x3  }
0x299: {  	[tilespmem:v37+s21+$0x0] =	vst.idx.msk $0xffff, v54  }
0x29a: {  	v38 =	vor.u32 s14, v38;
	v61 =	vor.u32 v32, v53;
	v37 =	vld.idx.msk [tilespmem:v55+s18+$0x0], $0xffff  }
0x29b: {  	v54 =	vadd.s32 v36, v61;
	_ =	sdelay $0x3  }
0x29c: {  	[tilespmem:v38+s21+$0x0] =	vst.idx.msk $0xffff, v37  }
0x29d: {  	v62 =	vor.u32 s14, v39;
	v63 =	vor.u32 v31, v53;
	v37 =	vld.idx.msk [tilespmem:v54+s18+$0x0], $0xffff  }
0x29e: {  	v39 =	vadd.s32 v36, v63;
	_ =	sdelay $0x3  }
0x29f: {  	[tilespmem:v62+s21+$0x0] =	vst.idx.msk $0xffff, v37  }
0x2a0: {  	v55 =	vor.u32 v29, v53;
	v54 =	vor.u32 s14, v40;
	v37 =	vld.idx.msk [tilespmem:v39+s18+$0x0], $0xffff  }
0x2a1: {  	v39 =	vadd.s32 v36, v55;
	_ =	sdelay $0x3  }
0x2a2: {  	[tilespmem:v54+s21+$0x0] =	vst.idx.msk $0xffff, v37  }
0x2a3: {  	v57 =	vor.u32 v28, v53;
	v56 =	vor.u32 s14, v41;
	v37 =	vld.idx.msk [tilespmem:v39+s18+$0x0], $0xffff  }
0x2a4: {  	v39 =	vadd.s32 v36, v57;
	_ =	sdelay $0x3  }
0x2a5: {  	[tilespmem:v56+s21+$0x0] =	vst.idx.msk $0xffff, v37  }
0x2a6: {  	v58 =	vor.u32 s14, v42;
	v59 =	vor.u32 v27, v53;
	v37 =	vld.idx.msk [tilespmem:v39+s18+$0x0], $0xffff  }
0x2a7: {  	v39 =	vadd.s32 v36, v59;
	_ =	sdelay $0x3  }
0x2a8: {  	[tilespmem:v58+s21+$0x0] =	vst.idx.msk $0xffff, v37  }
0x2a9: {  	v60 =	vor.u32 s14, v43;
	v61 =	vor.u32 v26, v53;
	v37 =	vld.idx.msk [tilespmem:v39+s18+$0x0], $0xffff  }
0x2aa: {  	v39 =	vadd.s32 v36, v61;
	_ =	sdelay $0x3  }
0x2ab: {  	[tilespmem:v60+s21+$0x0] =	vst.idx.msk $0xffff, v37  }
0x2ac: {  	v63 =	vor.u32 v25, v53;
	v62 =	vor.u32 s14, v44;
	v37 =	vld.idx.msk [tilespmem:v39+s18+$0x0], $0xffff  }
0x2ad: {  	v39 =	vadd.s32 v36, v63;
	_ =	sdelay $0x3  }
0x2ae: {  	[tilespmem:v62+s21+$0x0] =	vst.idx.msk $0xffff, v37  }
0x2af: {  	v42 =	vor.u32 s14, v45;
	v43 =	vor.u32 v24, v53;
	v37 =	vld.idx.msk [tilespmem:v39+s18+$0x0], $0xffff  }
0x2b0: {  	v39 =	vadd.s32 v36, v43;
	_ =	sdelay $0x3  }
0x2b1: {  	[tilespmem:v42+s21+$0x0] =	vst.idx.msk $0xffff, v37  }
0x2b2: {  	v45 =	vor.u32 v23, v53;
	v44 =	vor.u32 s14, v46;
	v37 =	vld.idx.msk [tilespmem:v39+s18+$0x0], $0xffff  }
0x2b3: {  	v39 =	vadd.s32 v36, v45;
	_ =	sdelay $0x3  }
0x2b4: {  	[tilespmem:v44+s21+$0x0] =	vst.idx.msk $0xffff, v37  }
0x2b5: {  	v46 =	vor.u32 s14, v47;
	v47 =	vor.u32 v22, v53;
	v37 =	vld.idx.msk [tilespmem:v39+s18+$0x0], $0xffff  }
0x2b6: {  	v39 =	vadd.s32 v36, v47;
	_ =	sdelay $0x3  }
0x2b7: {  	[tilespmem:v46+s21+$0x0] =	vst.idx.msk $0xffff, v37  }
0x2b8: {  	v55 =	vor.u32 v21, v53;
	v54 =	vor.u32 s14, v48;
	v37 =	vld.idx.msk [tilespmem:v39+s18+$0x0], $0xffff  }
0x2b9: {  	v39 =	vadd.s32 v36, v55;
	_ =	sdelay $0x3  }
0x2ba: {  	[tilespmem:v54+s21+$0x0] =	vst.idx.msk $0xffff, v37  }
0x2bb: {  	v57 =	vor.u32 v20, v53;
	v56 =	vor.u32 s14, v49;
	v37 =	vld.idx.msk [tilespmem:v39+s18+$0x0], $0xffff  }
0x2bc: {  	v39 =	vadd.s32 v36, v57;
	_ =	sdelay $0x3  }
0x2bd: {  	[tilespmem:v56+s21+$0x0] =	vst.idx.msk $0xffff, v37  }
0x2be: {  	v59 =	vor.u32 v19, v53;
	v58 =	vor.u32 s14, v50;
	v37 =	vld.idx.msk [tilespmem:v39+s18+$0x0], $0xffff  }
0x2bf: {  	v39 =	vadd.s32 v36, v59;
	_ =	sdelay $0x3  }
0x2c0: {  	[tilespmem:v58+s21+$0x0] =	vst.idx.msk $0xffff, v37  }
0x2c1: {  	v61 =	vor.u32 v18, v53;
	v60 =	vor.u32 s14, v51;
	v37 =	vld.idx.msk [tilespmem:v39+s18+$0x0], $0xffff  }
0x2c2: {  	v62 =	vadd.s32 v36, v61;
	_ =	sdelay $0x3  }
0x2c3: {  	s13 =	sadd.s32 $0x1, s13;
	[tilespmem:v60+s21+$0x0] =	vst.idx.msk $0xffff, v37  }
0x2c4: {  	p0 =	sne.s32 s13, $0x8;
	v63 =	vor.u32 s14, v52;
	v36 =	vld.idx.msk [tilespmem:v62+s18+$0x0], $0xffff  }
.Ltmp5:
0x2c5: {  	_ = 	snop;
	(pc) =	sbr.rel @p0 .LBB2_11-.Ltmp5, $2  }
0x2c6: {  	_ =	sdelay $0x2  }
0x2c7: {  	[tilespmem:v63+s21+$0x0] =	vst.idx.msk $0xffff, v36  }
0x2c8: {  	v35 =	vld [tilespmem:s12+$0x0];
	_ =	sdelay $0x4  }
0x2c9: {  	v35 =	vmul.u32 $0xC0, v35;
	_ =	sdelay $0x1  }
0x2ca: {  	v35 =	vadd.s32 s11, v35;
	_ =	sdelay $0x3  }
0x2cb: {  	s10 =	simm.s32 $0x0  }
0x2cc: {  	[hbm4b:s4+s10] =	stream.indirect_vreg.scatter [tilespmem:s21], [sflag:$0x2], $0x80, v35, vm0, $0xb8;
	[tilespmem:$0xF000] =	vst v63  }
0x2cd: {  	v35 =	vld [tilespmem:s12+$0x10];
	_ =	sdelay $0x4  }
0x2ce: {  	v35 =	vmul.u32 $0xC0, v35;
	_ =	sdelay $0x1  }
0x2cf: {  	v35 =	vadd.s32 s11, v35;
	_ =	sdelay $0x4  }
0x2d0: {  	[hbm4b:s4+s10] =	stream.indirect_vreg.scatter [tilespmem:s22], [sflag:$0x2], $0x80, v35, vm0, $0xb8;
	[tilespmem:$0xF000] =	vst v63  }
0x2d1: {  	v35 =	vld [tilespmem:s12+$0x20];
	_ =	sdelay $0x4  }
0x2d2: {  	v35 =	vmul.u32 $0xC0, v35;
	_ =	sdelay $0x1  }
0x2d3: {  	v35 =	vadd.s32 s11, v35;
	_ =	sdelay $0x4  }
0x2d4: {  	[hbm4b:s4+s10] =	stream.indirect_vreg.scatter [tilespmem:s23], [sflag:$0x2], $0x80, v35, vm0, $0xb8;
	[tilespmem:$0xF000] =	vst v63  }
0x2d5: {  	v35 =	vld [tilespmem:s12+$0x30];
	_ =	sdelay $0x4  }
0x2d6: {  	v35 =	vmul.u32 $0xC0, v35;
	_ =	sdelay $0x1  }
0x2d7: {  	v35 =	vadd.s32 s11, v35;
	_ =	sdelay $0x4  }
0x2d8: {  	[hbm4b:s4+s10] =	stream.indirect_vreg.scatter [tilespmem:s24], [sflag:$0x2], $0x80, v35, vm0, $0xb8;
	[tilespmem:$0xF000] =	vst v63  }
0x2d9: {  	v35 =	vld [tilespmem:s12+$0x40];
	_ =	sdelay $0x4  }
0x2da: {  	v35 =	vmul.u32 $0xC0, v35;
	_ =	sdelay $0x1  }
0x2db: {  	v35 =	vadd.s32 s11, v35;
	_ =	sdelay $0x2  }
0x2dc: {  	p0 =	seq.s32 s7, $0x14;
	s6 =	sadd.s32 $0x2, s9  }
0x2dd: {  	s6 =	simm.s32 @p0 $0x0  }
0x2de: {  	[hbm4b:s4+s10] =	stream.indirect_vreg.scatter [tilespmem:s25], [sflag:$0x2], $0x80, v35, vm0, $0xb8;
	[tilespmem:$0xF000] =	vst v63  }
0x2df: {  	s6 =	sadd.s32 s1, s6;
	v35 =	vld [tilespmem:s12+$0x50]  }
0x2e0: {  	s8 =	smulhi.u32 $0x2AAAAAAB, s6;
	_ =	sdelay $0x1  }
0x2e1: {  	s8 =	sshrl.u32 s8, $0x5  }
0x2e2: {  	s14 =	smul.u32 $0xC0, s8  }
0x2e3: {  	v35 =	vmul.u32 $0xC0, v35  }
0x2e4: {  	s6 =	ssub.s32 s6, s14  }
0x2e5: {  	v35 =	vadd.s32 s11, v35;
	s11 =	sand.u32 $0xF8, s6  }
0x2e6: {  	s6 =	sshll.u32 s6, $0x7;
	s8 =	sadd.s32 s8, s11  }
0x2e7: {  	s6 =	sand.u32 $0x380, s6;
	s8 =	sshll.u32 s8, $0xA  }
0x2e8: {  	s6 =	sor.u32 s6, s8  }
0x2e9: {  	s6 =	sshrl.u32 s6, $0x3  }
0x2ea: {  	[hbm4b:s4+s10] =	stream.indirect_vreg.scatter [tilespmem:s26], [sflag:$0x2], $0x80, v35, vm0, $0xb8;
	[tilespmem:$0xF000] =	vst v63  }
0x2eb: {  	s12 =	sadd.s32 s9, s1;
	s6 =	sadd.s32 s2, s6  }
0x2ec: {  	[tilespmem:s18], [sflag:$0x1] =	stream.strided.gather [hbm4b:s6+s16], $0x4000, s17, s16, $0x38;
	[tilespmem:$0xF000] =	vst v63  }
0x2ed: {  	s6 =	sadd.s32 $0x1, s12  }
0x2ee: {  	s13 =	smulhi.u32 $0x2AAAAAAB, s6  }
0x2ef: {  	_ =	swait.ge [sflag:s20], $0x4000  }
0x2f0: {  	[sflag:s20] =	ssyncset.done $0x0;
	s8 =	sshrl.u32 s13, $0x5  }
0x2f1: {  	[sflag:s20] =	ssyncadd.s32 $0xFFFFC000;
	s14 =	sshll.u32 s8, $0x9  }
0x2f2: {  	_ =	swait.ge [sflag:s15], $0x3000;
	s8 =	smul.u32 $0xC0, s8;
	s12 =	sshrl.u32 s14, $0x2  }
0x2f3: {  	[sflag:s15] =	ssyncset.done $0x0;
	s13 =	sadd.s32 $0x400, s12  }
0x2f4: {  	s11 =	ssub.s32 s6, s8;
	[sflag:s15] =	ssyncadd.s32 $0xFFFFD000;
	v35 =	vmov s13;
	s13 =	simm.s32 $0x0  }
.LBB2_15:
0x2f5: {  	_ =	sdelay $0x2  }
0x2f6: {  	s6 =	sshll.u32 s13, $0x4;
	v36 =	vmov s10  }
0x2f7: {  	v37 =	vld.idx.msk [tilespmem:v35+s6+$0x0 ss:$0x1], $0xffff;
	v52 =	vshll.u32 v36, $0x7  }
0x2f8: {  	v36 =	vor.u32 s6, v2;
	v38 =	vor.u32 v34, v52  }
0x2f9: {  	v38 =	vadd.s32 v36, v38;
	_ =	sdelay $0x2  }
0x2fa: {  	v53 =	vshll.u32 v37, $0x7  }
0x2fb: {  	v37 =	vor.u32 v2, v53  }
0x2fc: {  	v56 =	vor.u32 v33, v52;
	v39 =	vld.idx.msk [tilespmem:v38+s19+$0x0], $0xffff;
	v40 =	vor.u32 s10, v37  }
0x2fd: {  	v41 =	vadd.s32 v36, v56;
	_ =	sdelay $0x3  }
0x2fe: {  	v38 =	vor.u32 v3, v53;
	[tilespmem:v40+s28+$0x0] =	vst.idx.msk $0xffff, v39  }
0x2ff: {  	v58 =	vor.u32 v32, v52;
	v57 =	vor.u32 s10, v38;
	v40 =	vld.idx.msk [tilespmem:v41+s19+$0x0], $0xffff  }
0x300: {  	v42 =	vadd.s32 v36, v58;
	_ =	sdelay $0x3  }
0x301: {  	v39 =	vor.u32 v4, v53;
	[tilespmem:v57+s28+$0x0] =	vst.idx.msk $0xffff, v40  }
0x302: {  	v60 =	vor.u32 v31, v52;
	v59 =	vor.u32 s10, v39;
	v41 =	vld.idx.msk [tilespmem:v42+s19+$0x0], $0xffff  }
0x303: {  	v43 =	vadd.s32 v36, v60;
	_ =	sdelay $0x3  }
0x304: {  	v40 =	vor.u32 v5, v53;
	[tilespmem:v59+s28+$0x0] =	vst.idx.msk $0xffff, v41  }
0x305: {  	v62 =	vor.u32 v29, v52;
	v61 =	vor.u32 s10, v40;
	v42 =	vld.idx.msk [tilespmem:v43+s19+$0x0], $0xffff  }
0x306: {  	v44 =	vadd.s32 v36, v62;
	_ =	sdelay $0x3  }
0x307: {  	v41 =	vor.u32 v6, v53;
	[tilespmem:v61+s28+$0x0] =	vst.idx.msk $0xffff, v42  }
0x308: {  	v48 =	vor.u32 v28, v52;
	v63 =	vor.u32 s10, v41;
	v43 =	vld.idx.msk [tilespmem:v44+s19+$0x0], $0xffff  }
0x309: {  	v45 =	vadd.s32 v36, v48;
	_ =	sdelay $0x3  }
0x30a: {  	v42 =	vor.u32 v7, v53;
	[tilespmem:v63+s28+$0x0] =	vst.idx.msk $0xffff, v43  }
0x30b: {  	v50 =	vor.u32 v27, v52;
	v49 =	vor.u32 s10, v42;
	v44 =	vld.idx.msk [tilespmem:v45+s19+$0x0], $0xffff  }
0x30c: {  	v46 =	vadd.s32 v36, v50;
	_ =	sdelay $0x3  }
0x30d: {  	v43 =	vor.u32 v8, v53;
	[tilespmem:v49+s28+$0x0] =	vst.idx.msk $0xffff, v44  }
0x30e: {  	v54 =	vor.u32 v26, v52;
	v51 =	vor.u32 s10, v43;
	v45 =	vld.idx.msk [tilespmem:v46+s19+$0x0], $0xffff  }
0x30f: {  	v47 =	vadd.s32 v36, v54;
	_ =	sdelay $0x3  }
0x310: {  	v44 =	vor.u32 v9, v53;
	[tilespmem:v51+s28+$0x0] =	vst.idx.msk $0xffff, v45  }
0x311: {  	v56 =	vor.u32 v25, v52;
	v55 =	vor.u32 s10, v44;
	v46 =	vld.idx.msk [tilespmem:v47+s19+$0x0], $0xffff  }
0x312: {  	v48 =	vadd.s32 v36, v56;
	_ =	sdelay $0x3  }
0x313: {  	v45 =	vor.u32 v10, v53;
	[tilespmem:v55+s28+$0x0] =	vst.idx.msk $0xffff, v46  }
0x314: {  	v58 =	vor.u32 v24, v52;
	v57 =	vor.u32 s10, v45;
	v47 =	vld.idx.msk [tilespmem:v48+s19+$0x0], $0xffff  }
0x315: {  	v49 =	vadd.s32 v36, v58;
	_ =	sdelay $0x3  }
0x316: {  	v46 =	vor.u32 v11, v53;
	[tilespmem:v57+s28+$0x0] =	vst.idx.msk $0xffff, v47  }
0x317: {  	v60 =	vor.u32 v23, v52;
	v59 =	vor.u32 s10, v46;
	v48 =	vld.idx.msk [tilespmem:v49+s19+$0x0], $0xffff  }
0x318: {  	v50 =	vadd.s32 v36, v60;
	_ =	sdelay $0x3  }
0x319: {  	v47 =	vor.u32 v12, v53;
	[tilespmem:v59+s28+$0x0] =	vst.idx.msk $0xffff, v48  }
0x31a: {  	v62 =	vor.u32 v22, v52;
	v61 =	vor.u32 s10, v47;
	v49 =	vld.idx.msk [tilespmem:v50+s19+$0x0], $0xffff  }
0x31b: {  	v51 =	vadd.s32 v36, v62;
	_ =	sdelay $0x3  }
0x31c: {  	v48 =	vor.u32 v13, v53;
	[tilespmem:v61+s28+$0x0] =	vst.idx.msk $0xffff, v49  }
0x31d: {  	v57 =	vor.u32 v21, v52;
	v63 =	vor.u32 s10, v48;
	v50 =	vld.idx.msk [tilespmem:v51+s19+$0x0], $0xffff  }
0x31e: {  	v54 =	vadd.s32 v36, v57;
	_ =	sdelay $0x3  }
0x31f: {  	v49 =	vor.u32 v14, v53;
	[tilespmem:v63+s28+$0x0] =	vst.idx.msk $0xffff, v50  }
0x320: {  	v59 =	vor.u32 v20, v52;
	v58 =	vor.u32 s10, v49;
	v51 =	vld.idx.msk [tilespmem:v54+s19+$0x0], $0xffff  }
0x321: {  	v55 =	vadd.s32 v36, v59;
	_ =	sdelay $0x3  }
0x322: {  	v50 =	vor.u32 v15, v53;
	[tilespmem:v58+s28+$0x0] =	vst.idx.msk $0xffff, v51  }
0x323: {  	v61 =	vor.u32 v19, v52;
	v60 =	vor.u32 s10, v50;
	v54 =	vld.idx.msk [tilespmem:v55+s19+$0x0], $0xffff  }
0x324: {  	v56 =	vadd.s32 v36, v61;
	_ =	sdelay $0x3  }
0x325: {  	v51 =	vor.u32 v16, v53;
	[tilespmem:v60+s28+$0x0] =	vst.idx.msk $0xffff, v54  }
0x326: {  	v63 =	vor.u32 v18, v52;
	v62 =	vor.u32 s10, v51;
	v55 =	vld.idx.msk [tilespmem:v56+s19+$0x0], $0xffff  }
0x327: {  	v54 =	vadd.s32 v36, v63;
	_ =	sdelay $0x2  }
0x328: {  	s14 =	simm.s32 $0x10  }
0x329: {  	s8 =	simm.s32 $0x20;
	s6 =	simm.s32 $0x0;
	v52 =	vor.u32 v17, v53;
	v53 =	vmov s14;
	[tilespmem:v62+s28+$0x0] =	vst.idx.msk $0xffff, v55  }
.LBB2_16:
0x32a: {  	p1 =	sne.s32 s8, $0x70;
	v53 =	vshll.u32 v53, $0x7;
	v54 =	vld.idx.msk [tilespmem:v54+s19+$0x0], $0xffff  }
0x32b: {  	v56 =	vor.u32 s6, v52;
	s6 =	smov.u32 s14;
	s14 =	smov.u32 s8;
	v55 =	vor.u32 v34, v53  }
0x32c: {  	v55 =	vadd.s32 v36, v55;
	_ =	sdelay $0x3  }
0x32d: {  	[tilespmem:v56+s28+$0x0] =	vst.idx.msk $0xffff, v54  }
0x32e: {  	v54 =	vld.idx.msk [tilespmem:v55+s19+$0x0], $0xffff  }
0x32f: {  	v56 =	vor.u32 v33, v53;
	v55 =	vor.u32 s6, v37  }
0x330: {  	v56 =	vadd.s32 v36, v56;
	_ =	sdelay $0x3  }
0x331: {  	[tilespmem:v55+s28+$0x0] =	vst.idx.msk $0xffff, v54  }
0x332: {  	v54 =	vld.idx.msk [tilespmem:v56+s19+$0x0], $0xffff  }
0x333: {  	v55 =	vor.u32 s6, v38;
	v56 =	vor.u32 v32, v53  }
0x334: {  	v56 =	vadd.s32 v36, v56;
	_ =	sdelay $0x3  }
0x335: {  	[tilespmem:v55+s28+$0x0] =	vst.idx.msk $0xffff, v54  }
0x336: {  	v54 =	vld.idx.msk [tilespmem:v56+s19+$0x0], $0xffff  }
0x337: {  	v55 =	vor.u32 s6, v39;
	v56 =	vor.u32 v31, v53  }
0x338: {  	v56 =	vadd.s32 v36, v56;
	_ =	sdelay $0x3  }
0x339: {  	[tilespmem:v55+s28+$0x0] =	vst.idx.msk $0xffff, v54  }
0x33a: {  	v54 =	vld.idx.msk [tilespmem:v56+s19+$0x0], $0xffff  }
0x33b: {  	v55 =	vor.u32 s6, v40;
	v56 =	vor.u32 v29, v53  }
0x33c: {  	v56 =	vadd.s32 v36, v56;
	_ =	sdelay $0x3  }
0x33d: {  	[tilespmem:v55+s28+$0x0] =	vst.idx.msk $0xffff, v54  }
0x33e: {  	v54 =	vld.idx.msk [tilespmem:v56+s19+$0x0], $0xffff  }
0x33f: {  	v55 =	vor.u32 s6, v41;
	v56 =	vor.u32 v28, v53  }
0x340: {  	v56 =	vadd.s32 v36, v56;
	_ =	sdelay $0x3  }
0x341: {  	[tilespmem:v55+s28+$0x0] =	vst.idx.msk $0xffff, v54  }
0x342: {  	v54 =	vld.idx.msk [tilespmem:v56+s19+$0x0], $0xffff  }
0x343: {  	v55 =	vor.u32 s6, v42;
	v56 =	vor.u32 v27, v53  }
0x344: {  	v56 =	vadd.s32 v36, v56;
	_ =	sdelay $0x3  }
0x345: {  	[tilespmem:v55+s28+$0x0] =	vst.idx.msk $0xffff, v54  }
0x346: {  	v54 =	vld.idx.msk [tilespmem:v56+s19+$0x0], $0xffff  }
0x347: {  	v55 =	vor.u32 s6, v43;
	v56 =	vor.u32 v26, v53  }
0x348: {  	v56 =	vadd.s32 v36, v56;
	_ =	sdelay $0x3  }
0x349: {  	[tilespmem:v55+s28+$0x0] =	vst.idx.msk $0xffff, v54  }
0x34a: {  	v54 =	vld.idx.msk [tilespmem:v56+s19+$0x0], $0xffff  }
0x34b: {  	v55 =	vor.u32 s6, v44;
	v56 =	vor.u32 v25, v53  }
0x34c: {  	v56 =	vadd.s32 v36, v56;
	_ =	sdelay $0x3  }
0x34d: {  	[tilespmem:v55+s28+$0x0] =	vst.idx.msk $0xffff, v54  }
0x34e: {  	v54 =	vld.idx.msk [tilespmem:v56+s19+$0x0], $0xffff  }
0x34f: {  	v55 =	vor.u32 s6, v45;
	v56 =	vor.u32 v24, v53  }
0x350: {  	v56 =	vadd.s32 v36, v56;
	_ =	sdelay $0x3  }
0x351: {  	[tilespmem:v55+s28+$0x0] =	vst.idx.msk $0xffff, v54  }
0x352: {  	v54 =	vld.idx.msk [tilespmem:v56+s19+$0x0], $0xffff  }
0x353: {  	v55 =	vor.u32 s6, v46;
	v56 =	vor.u32 v23, v53  }
0x354: {  	v56 =	vadd.s32 v36, v56;
	_ =	sdelay $0x3  }
0x355: {  	[tilespmem:v55+s28+$0x0] =	vst.idx.msk $0xffff, v54  }
0x356: {  	v54 =	vld.idx.msk [tilespmem:v56+s19+$0x0], $0xffff  }
0x357: {  	v55 =	vor.u32 s6, v47;
	v56 =	vor.u32 v22, v53  }
0x358: {  	v56 =	vadd.s32 v36, v56;
	_ =	sdelay $0x3  }
0x359: {  	[tilespmem:v55+s28+$0x0] =	vst.idx.msk $0xffff, v54  }
0x35a: {  	v54 =	vld.idx.msk [tilespmem:v56+s19+$0x0], $0xffff  }
0x35b: {  	v55 =	vor.u32 s6, v48;
	v56 =	vor.u32 v21, v53  }
0x35c: {  	v56 =	vadd.s32 v36, v56;
	_ =	sdelay $0x3  }
0x35d: {  	[tilespmem:v55+s28+$0x0] =	vst.idx.msk $0xffff, v54  }
0x35e: {  	v54 =	vld.idx.msk [tilespmem:v56+s19+$0x0], $0xffff  }
0x35f: {  	v55 =	vor.u32 s6, v49;
	v56 =	vor.u32 v20, v53  }
0x360: {  	v56 =	vadd.s32 v36, v56;
	_ =	sdelay $0x3  }
0x361: {  	[tilespmem:v55+s28+$0x0] =	vst.idx.msk $0xffff, v54  }
0x362: {  	v54 =	vld.idx.msk [tilespmem:v56+s19+$0x0], $0xffff  }
0x363: {  	v55 =	vor.u32 s6, v50;
	v56 =	vor.u32 v19, v53  }
0x364: {  	v56 =	vadd.s32 v36, v56;
	_ =	sdelay $0x3  }
0x365: {  	[tilespmem:v55+s28+$0x0] =	vst.idx.msk $0xffff, v54  }
0x366: {  	v55 =	vld.idx.msk [tilespmem:v56+s19+$0x0], $0xffff  }
0x367: {  	v53 =	vor.u32 v18, v53;
	v56 =	vor.u32 s6, v51  }
.Ltmp6:
0x368: {  	v54 =	vadd.s32 v36, v53;
	(pc) =	sbr.rel @p1 .LBB2_16-.Ltmp6, $2  }
0x369: {  	_ =	sdelay $0x2  }
0x36a: {  	s8 =	sadd.s32 $0x10, s8;
	v53 =	vmov s14;
	[tilespmem:v56+s28+$0x0] =	vst.idx.msk $0xffff, v55  }
0x36b: {  	_ =	sdelay $0x2  }
0x36c: {  	v53 =	vshll.u32 v53, $0x7  }
0x36d: {  	v54 =	vld.idx.msk [tilespmem:v54+s19+$0x0], $0xffff;
	v56 =	vor.u32 s6, v52;
	v55 =	vor.u32 v34, v53  }
0x36e: {  	v55 =	vadd.s32 v36, v55;
	_ =	sdelay $0x3  }
0x36f: {  	[tilespmem:v56+s28+$0x0] =	vst.idx.msk $0xffff, v54  }
0x370: {  	v37 =	vor.u32 s14, v37;
	v60 =	vor.u32 v33, v53;
	v54 =	vld.idx.msk [tilespmem:v55+s19+$0x0], $0xffff  }
0x371: {  	v55 =	vadd.s32 v36, v60;
	_ =	sdelay $0x3  }
0x372: {  	[tilespmem:v37+s28+$0x0] =	vst.idx.msk $0xffff, v54  }
0x373: {  	v38 =	vor.u32 s14, v38;
	v61 =	vor.u32 v32, v53;
	v37 =	vld.idx.msk [tilespmem:v55+s19+$0x0], $0xffff  }
0x374: {  	v54 =	vadd.s32 v36, v61;
	_ =	sdelay $0x3  }
0x375: {  	[tilespmem:v38+s28+$0x0] =	vst.idx.msk $0xffff, v37  }
0x376: {  	v62 =	vor.u32 s14, v39;
	v63 =	vor.u32 v31, v53;
	v37 =	vld.idx.msk [tilespmem:v54+s19+$0x0], $0xffff  }
0x377: {  	v39 =	vadd.s32 v36, v63;
	_ =	sdelay $0x3  }
0x378: {  	[tilespmem:v62+s28+$0x0] =	vst.idx.msk $0xffff, v37  }
0x379: {  	v55 =	vor.u32 v29, v53;
	v54 =	vor.u32 s14, v40;
	v37 =	vld.idx.msk [tilespmem:v39+s19+$0x0], $0xffff  }
0x37a: {  	v39 =	vadd.s32 v36, v55;
	_ =	sdelay $0x3  }
0x37b: {  	[tilespmem:v54+s28+$0x0] =	vst.idx.msk $0xffff, v37  }
0x37c: {  	v57 =	vor.u32 v28, v53;
	v56 =	vor.u32 s14, v41;
	v37 =	vld.idx.msk [tilespmem:v39+s19+$0x0], $0xffff  }
0x37d: {  	v39 =	vadd.s32 v36, v57;
	_ =	sdelay $0x3  }
0x37e: {  	[tilespmem:v56+s28+$0x0] =	vst.idx.msk $0xffff, v37  }
0x37f: {  	v58 =	vor.u32 s14, v42;
	v59 =	vor.u32 v27, v53;
	v37 =	vld.idx.msk [tilespmem:v39+s19+$0x0], $0xffff  }
0x380: {  	v39 =	vadd.s32 v36, v59;
	_ =	sdelay $0x3  }
0x381: {  	[tilespmem:v58+s28+$0x0] =	vst.idx.msk $0xffff, v37  }
0x382: {  	v60 =	vor.u32 s14, v43;
	v61 =	vor.u32 v26, v53;
	v37 =	vld.idx.msk [tilespmem:v39+s19+$0x0], $0xffff  }
0x383: {  	v39 =	vadd.s32 v36, v61;
	_ =	sdelay $0x3  }
0x384: {  	[tilespmem:v60+s28+$0x0] =	vst.idx.msk $0xffff, v37  }
0x385: {  	v63 =	vor.u32 v25, v53;
	v62 =	vor.u32 s14, v44;
	v37 =	vld.idx.msk [tilespmem:v39+s19+$0x0], $0xffff  }
0x386: {  	v39 =	vadd.s32 v36, v63;
	_ =	sdelay $0x3  }
0x387: {  	[tilespmem:v62+s28+$0x0] =	vst.idx.msk $0xffff, v37  }
0x388: {  	v42 =	vor.u32 s14, v45;
	v43 =	vor.u32 v24, v53;
	v37 =	vld.idx.msk [tilespmem:v39+s19+$0x0], $0xffff  }
0x389: {  	v39 =	vadd.s32 v36, v43;
	_ =	sdelay $0x3  }
0x38a: {  	[tilespmem:v42+s28+$0x0] =	vst.idx.msk $0xffff, v37  }
0x38b: {  	v45 =	vor.u32 v23, v53;
	v44 =	vor.u32 s14, v46;
	v37 =	vld.idx.msk [tilespmem:v39+s19+$0x0], $0xffff  }
0x38c: {  	v39 =	vadd.s32 v36, v45;
	_ =	sdelay $0x3  }
0x38d: {  	[tilespmem:v44+s28+$0x0] =	vst.idx.msk $0xffff, v37  }
0x38e: {  	v46 =	vor.u32 s14, v47;
	v47 =	vor.u32 v22, v53;
	v37 =	vld.idx.msk [tilespmem:v39+s19+$0x0], $0xffff  }
0x38f: {  	v39 =	vadd.s32 v36, v47;
	_ =	sdelay $0x3  }
0x390: {  	[tilespmem:v46+s28+$0x0] =	vst.idx.msk $0xffff, v37  }
0x391: {  	v55 =	vor.u32 v21, v53;
	v54 =	vor.u32 s14, v48;
	v37 =	vld.idx.msk [tilespmem:v39+s19+$0x0], $0xffff  }
0x392: {  	v39 =	vadd.s32 v36, v55;
	_ =	sdelay $0x3  }
0x393: {  	[tilespmem:v54+s28+$0x0] =	vst.idx.msk $0xffff, v37  }
0x394: {  	v57 =	vor.u32 v20, v53;
	v56 =	vor.u32 s14, v49;
	v37 =	vld.idx.msk [tilespmem:v39+s19+$0x0], $0xffff  }
0x395: {  	v39 =	vadd.s32 v36, v57;
	_ =	sdelay $0x3  }
0x396: {  	[tilespmem:v56+s28+$0x0] =	vst.idx.msk $0xffff, v37  }
0x397: {  	v59 =	vor.u32 v19, v53;
	v58 =	vor.u32 s14, v50;
	v37 =	vld.idx.msk [tilespmem:v39+s19+$0x0], $0xffff  }
0x398: {  	v39 =	vadd.s32 v36, v59;
	_ =	sdelay $0x3  }
0x399: {  	[tilespmem:v58+s28+$0x0] =	vst.idx.msk $0xffff, v37  }
0x39a: {  	v61 =	vor.u32 v18, v53;
	v60 =	vor.u32 s14, v51;
	v37 =	vld.idx.msk [tilespmem:v39+s19+$0x0], $0xffff  }
0x39b: {  	v62 =	vadd.s32 v36, v61;
	_ =	sdelay $0x3  }
0x39c: {  	s13 =	sadd.s32 $0x1, s13;
	[tilespmem:v60+s28+$0x0] =	vst.idx.msk $0xffff, v37  }
0x39d: {  	p1 =	sne.s32 s13, $0x8;
	v63 =	vor.u32 s14, v52;
	v36 =	vld.idx.msk [tilespmem:v62+s19+$0x0], $0xffff  }
.Ltmp7:
0x39e: {  	_ = 	snop;
	(pc) =	sbr.rel @p1 .LBB2_15-.Ltmp7, $2  }
0x39f: {  	_ =	sdelay $0x2  }
0x3a0: {  	[tilespmem:v63+s28+$0x0] =	vst.idx.msk $0xffff, v36  }
0x3a1: {  	v35 =	vld [tilespmem:s12+$0x0];
	_ =	sdelay $0x4  }
0x3a2: {  	v35 =	vmul.u32 $0xC0, v35;
	_ =	sdelay $0x1  }
0x3a3: {  	v35 =	vadd.s32 s11, v35;
	_ =	sdelay $0x4  }
0x3a4: {  	[hbm4b:s4+s5] =	stream.indirect_vreg.scatter [tilespmem:s28], [sflag:$0x2], $0x80, v35, vm0, $0xb8;
	[tilespmem:$0xF000] =	vst v63  }
0x3a5: {  	v35 =	vld [tilespmem:s12+$0x10];
	_ =	sdelay $0x4  }
0x3a6: {  	v35 =	vmul.u32 $0xC0, v35;
	_ =	sdelay $0x1  }
0x3a7: {  	v35 =	vadd.s32 s11, v35;
	_ =	sdelay $0x4  }
0x3a8: {  	[hbm4b:s4+s5] =	stream.indirect_vreg.scatter [tilespmem:s29], [sflag:$0x2], $0x80, v35, vm0, $0xb8;
	[tilespmem:$0xF000] =	vst v63  }
0x3a9: {  	v35 =	vld [tilespmem:s12+$0x20];
	_ =	sdelay $0x4  }
0x3aa: {  	v35 =	vmul.u32 $0xC0, v35;
	_ =	sdelay $0x1  }
0x3ab: {  	v35 =	vadd.s32 s11, v35;
	_ =	sdelay $0x4  }
0x3ac: {  	[hbm4b:s4+s5] =	stream.indirect_vreg.scatter [tilespmem:s30], [sflag:$0x2], $0x80, v35, vm0, $0xb8;
	[tilespmem:$0xF000] =	vst v63  }
0x3ad: {  	v35 =	vld [tilespmem:s12+$0x30];
	_ =	sdelay $0x4  }
0x3ae: {  	v35 =	vmul.u32 $0xC0, v35;
	_ =	sdelay $0x1  }
0x3af: {  	v35 =	vadd.s32 s11, v35;
	_ =	sdelay $0x4  }
0x3b0: {  	[hbm4b:s4+s5] =	stream.indirect_vreg.scatter [tilespmem:s31], [sflag:$0x2], $0x80, v35, vm0, $0xb8;
	[tilespmem:$0xF000] =	vst v63  }
0x3b1: {  	v35 =	vld [tilespmem:s12+$0x40];
	_ =	sdelay $0x4  }
0x3b2: {  	v35 =	vmul.u32 $0xC0, v35;
	_ =	sdelay $0x1  }
0x3b3: {  	v35 =	vadd.s32 s11, v35;
	_ =	sdelay $0x2  }
0x3b4: {  	s6 =	sadd.s32 $0x3, s9  }
0x3b5: {  	s6 =	simm.s32 @p0 $0x1  }
0x3b6: {  	[hbm4b:s4+s5] =	stream.indirect_vreg.scatter [tilespmem:s3], [sflag:$0x2], $0x80, v35, vm0, $0xb8;
	[tilespmem:$0xF000] =	vst v63  }
0x3b7: {  	s6 =	sadd.s32 s1, s6;
	v35 =	vld [tilespmem:s12+$0x50]  }
0x3b8: {  	s8 =	smulhi.u32 $0x2AAAAAAB, s6;
	_ =	sdelay $0x1  }
0x3b9: {  	s8 =	sshrl.u32 s8, $0x5  }
0x3ba: {  	s14 =	smul.u32 $0xC0, s8  }
0x3bb: {  	v35 =	vmul.u32 $0xC0, v35  }
0x3bc: {  	s6 =	ssub.s32 s6, s14  }
0x3bd: {  	s9 =	sand.u32 $0xF8, s6;
	v35 =	vadd.s32 s11, v35  }
0x3be: {  	s7 =	sadd.s32 $0x1, s7;
	s6 =	sshll.u32 s6, $0x7;
	s8 =	sadd.s32 s8, s9  }
0x3bf: {  	p0 =	sne.s32 s7, $0x15;
	s6 =	sand.u32 $0x380, s6;
	s8 =	sshll.u32 s8, $0xA  }
.Ltmp8:
0x3c0: {  	s6 =	sor.u32 s6, s8;
	(pc) =	sbr.rel @p0 .LBB2_10-.Ltmp8, $4  }
0x3c1: {  	s6 =	sshrl.u32 s6, $0x3  }
0x3c2: {  	[hbm4b:s4+s5] =	stream.indirect_vreg.scatter [tilespmem:s0], [sflag:$0x2], $0x80, v35, vm0, $0xb8;
	[tilespmem:$0xF000] =	vst v63  }
0x3c3: {  	s6 =	sadd.s32 s2, s6  }
0x3c4: {  	[tilespmem:s19], [sflag:$0x1] =	stream.strided.gather [hbm4b:s6+s16], $0x4000, s17, s16, $0x38;
	[tilespmem:$0xF000] =	vst v63  }
0x3c5: {  	_ =	swait.ge [sflag:s20], $0x4000  }
0x3c6: {  	[sflag:s20] =	ssyncset.done $0x0  }
0x3c7: {  	[sflag:s20] =	ssyncadd.s32 $0xFFFFC000  }
0x3c8: {  	_ =	swait.ge [sflag:s20], $0x4000  }
0x3c9: {  	[sflag:s20] =	ssyncset.done $0x0  }
0x3ca: {  	[sflag:s20] =	ssyncadd.s32 $0xFFFFC000  }
0x3cb: {  	_ =	swait.ge [sflag:s15], $0x3000  }
0x3cc: {  	[sflag:s15] =	ssyncset.done $0x0  }
0x3cd: {  	[sflag:s15] =	ssyncadd.s32 $0xFFFFD000  }
0x3ce: {  	_ =	swait.ge [sflag:s15], $0x3000  }
0x3cf: {  	s7 =	rddreg [dreg:$0xc]  }
0x3d0: {  	s6 =	rddreg [dreg:$0xb];
	s7 =	sadd.s32 $0x1, s7  }
0x3d1: {  	p0 =	sne.s32 s7, s6  }
.Ltmp9:
0x3d2: {  	_ = 	snop;
	(pc) =	sbr.rel @p0 .LBB2_1-.Ltmp9, $3  }
0x3d3: {  	_ =	sdelay $0x1  }
0x3d4: {  	[sflag:s15] =	ssyncset.done $0x0  }
0x3d5: {  	s13 =	rddreg [dreg:$0x6];
	[sflag:s15] =	ssyncadd.s32 $0xFFFFD000  }
0x3d6: {  	_ =	sfence.sel $0x180000  }
0x3d7: {  	[bflag:$0x0] =	sbarrier.arrive $0xFFFF  }
0x3d8: {  	_ =	strace $0x90000047  }
0x3d9: {  	s0 =	stileid.u32;
	[bflag:$0x2] =	sbarrier.arrive $0xFFFF  }
0x3da: {  	p0 =	sne.s32 s0, $0x0;
	s0 =	rddreg [dreg:$0x3]  }
0x3db: {  	s0 =	sadd.s32 @!p0 $0x100000, s0  }
0x3dc: {  	[sflag:s0] =	ssyncadd.tile.s32 @!p0 $0x1;
	_ =	shalt  }
.Lfunc_end2:
_tile_overlayer_lowered:
.L_overlay_start_2:
0x3dd: {  	(tag) =	ssettag $0x2  }
0x3de: {  	s0 =	rddreg [dreg:$0x0];
	s2 =	stileid.u32  }
0x3df: {  	s1 =	rddreg [dreg:$0x1];
	p0 =	sne.s32 s2, $0x0  }
0x3e0: {  	s3 =	rddreg [dreg:$0x2];
	[bflag:$0x3] =	sbarrier.arrive $0xFFFF;
	s2 =	simm.s32 @!p0 $0x1C03  }
0x3e1: {  	[timem:s3], [sflag:s2] =	dma.local @!p0 [hbm:s0], s1  }
0x3e2: {  	s0 =	simm.s32 @!p0 $0x3  }
0x3e3: {  	_ =	swait.ge @!p0 [sflag:s0], s1  }
0x3e4: {  	s1 =	ssub.s32 @!p0 $0x0, s1;
	[sflag:s0] =	ssyncset.done @!p0 $0x0  }
0x3e5: {  	[sflag:s0] =	ssyncadd.s32 @!p0 s1  }
0x3e6: {  	[bflag:$0x3] =	sbarrier.arrive $0xFFFF  }
0x3e7: {  	_ =	shalt  }

</sc_bundles>
